<compile_context>
chip_gen: v7x
topology: tpu7x:2x2x1
jax: 0.10.2.dev20260603
libtpu: 0.0.44.dev20260713+nightly
codegen_flags: <defaults>
</compile_context>

<pallas_src>
import jax
import jax.numpy as jnp
from jax import lax
from jax.experimental import pallas as pl
from jax.experimental.pallas import tpu as pltpu
from jax.experimental.pallas import tpu_sc as plsc

B, L = 16384, 200
NC, NS, LANES = 2, 16, 16
NW = NC * NS
ROWS_W = B // NW
ROWS_BLK = 64
NBLK = ROWS_W // ROWS_BLK
NCHUNK = 12
CTAIL = NCHUNK * LANES
VOCAB, EMB_DIM = 100, 10
VPAD = 112
EMB_WORDS = VPAD * EMB_DIM


def _sc_body(x_hbm, emb_hbm, wb_hbm, out_hbm,
             emb_v, wb_v, lut_v, x_v0, x_v1, o_v0, o_v1,
             sx0, sx1, so0, so1):
  wid = lax.axis_index("s") * NC + lax.axis_index("c")
  row0 = wid * ROWS_W
  xbuf, obuf = [x_v0, x_v1], [o_v0, o_v1]
  xsem, osem = [sx0, sx1], [so0, so1]

  def start_x(blk):
    return pltpu.async_copy(
        x_hbm.at[pl.ds(row0 + blk * ROWS_BLK, ROWS_BLK)],
        xbuf[blk % 2], xsem[blk % 2])

  xcopy = {0: start_x(0), 1: start_x(1)}
  ocopy = {}

  pltpu.sync_copy(emb_hbm, emb_v)
  pltpu.sync_copy(wb_hbm, wb_v)

  iota = lax.iota(jnp.int32, LANES)
  bias = wb_v[pl.ds(EMB_DIM * LANES, LANES)]
  wbc = [wb_v[pl.ds(d * LANES, LANES)] for d in range(EMB_DIM)]
  for c in range(VPAD // LANES):
    row = (c * LANES + iota) * EMB_DIM
    acc = bias
    for d in range(EMB_DIM):
      acc = acc + plsc.load_gather(emb_v, [row + d]) * wbc[d]
    lut_v[pl.ds(c * LANES, LANES)] = acc

  tail_r = iota // 8
  tail_c = CTAIL + (iota % 8)

  for blk in range(NBLK):
    xcopy[blk].wait()
    if blk >= 2:
      ocopy[blk - 2].wait()
    xv, ov = xbuf[blk % 2], obuf[blk % 2]

    @plsc.parallel_loop(0, ROWS_BLK, 1, unroll=2)
    def _(r):
      for cc in range(NCHUNK):
        idx = xv[r, pl.ds(cc * LANES, LANES)]
        ov[r, pl.ds(cc * LANES, LANES)] = plsc.load_gather(lut_v, [idx])

    @plsc.parallel_loop(0, ROWS_BLK // 2, 1, unroll=4)
    def _(t):
      rv = 2 * t + tail_r
      idx = plsc.load_gather(xv, [rv, tail_c])
      plsc.store_scatter(ov, [rv, tail_c], plsc.load_gather(lut_v, [idx]))

    if blk + 2 < NBLK:
      xcopy[blk + 2] = start_x(blk + 2)
    ocopy[blk] = pltpu.async_copy(
        ov, out_hbm.at[pl.ds(row0 + blk * ROWS_BLK, ROWS_BLK)],
        osem[blk % 2])

  ocopy[NBLK - 2].wait()
  ocopy[NBLK - 1].wait()


@jax.jit
def _lut_gather(x, emb_flat, wb):
  mesh = plsc.VectorSubcoreMesh(core_axis_name="c", subcore_axis_name="s",
                                num_cores=NC, num_subcores=NS)
  return pl.kernel(
      _sc_body,
      out_type=jax.ShapeDtypeStruct((B, L), jnp.float32),
      mesh=mesh,
      compiler_params=pltpu.CompilerParams(needs_layout_passes=False),
      scratch_types=[
          pltpu.VMEM((EMB_WORDS,), jnp.float32),
          pltpu.VMEM(((EMB_DIM + 1) * LANES,), jnp.float32),
          pltpu.VMEM((VPAD,), jnp.float32),
          pltpu.VMEM((ROWS_BLK, L), jnp.int32),
          pltpu.VMEM((ROWS_BLK, L), jnp.int32),
          pltpu.VMEM((ROWS_BLK, L), jnp.float32),
          pltpu.VMEM((ROWS_BLK, L), jnp.float32),
          pltpu.SemaphoreType.DMA,
          pltpu.SemaphoreType.DMA,
          pltpu.SemaphoreType.DMA,
          pltpu.SemaphoreType.DMA,
      ],
  )(x, emb_flat, wb)


def kernel(x, emb_table, lin_w, lin_b):
  emb_flat = jnp.pad(emb_table.reshape(-1), (0, EMB_WORDS - VOCAB * EMB_DIM))
  wb = jnp.repeat(jnp.concatenate([lin_w.reshape(-1), lin_b.reshape(-1)]),
                  LANES)
  out = _lut_gather(x.astype(jnp.int32), emb_flat, wb)
  return out[:, :, None]

# --- scband reference (transcript-rebuilt; emitter-appended) ---
"""Pipeline reference for scband-model-emb-16174846837267 (READ-ONLY COPY).

The authoritative reference and input builder live on the scoring server;
editing this copy changes nothing except your own understanding.
"""

import jax, jax.numpy as jnp
import numpy as np

VOCAB = 100
EMB_DIM = 10
OUT_DIM = 1

def setup_inputs(seed: int = 0) -> dict:
    key = jax.random.key(seed)
    k1, k2, k3, k4 = jax.random.split(key, 4)
    x = jax.random.randint(k1, (16384, 200), 0, VOCAB, dtype=jnp.int64) if jax.config.jax_enable_x64 else jax.random.randint(k1, (16384, 200), 0, VOCAB, dtype=jnp.int32)
    emb_table = jax.random.normal(k2, (VOCAB, EMB_DIM), dtype=jnp.float32)
    # torch Linear(10,1): weight [1,10], bias [1]
    bound = 1.0 / np.sqrt(EMB_DIM)
    lin_w = jax.random.uniform(k3, (OUT_DIM, EMB_DIM), minval=-bound, maxval=bound, dtype=jnp.float32)
    lin_b = jax.random.uniform(k4, (OUT_DIM,), minval=-bound, maxval=bound, dtype=jnp.float32)
    return {"x": x, "emb_table": emb_table, "lin_w": lin_w, "lin_b": lin_b}

def reference(x, emb_table, lin_w, lin_b):
    # emb lookup: gather rows
    e = jnp.take(emb_table, x, axis=0)  # [B, L, EMB_DIM]
    # torch Linear: y = e @ W^T + b
    out = jnp.einsum('bld,od->blo', e, lin_w) + lin_b
    return out

if __name__ == "__main__":
    import jax
    _d = setup_inputs()
    print(jax.jit(kernel)(*tuple(_d.values())))

</pallas_src>

<mosaic_0001>
#map = affine_map<(d0, d1) -> (0, 0)>
#map1 = affine_map<(d0, d1) -> (0)>
module attributes {stable_mosaic.version = 14 : i64} {
  func.func @_sc_body(%arg0: i32, %arg1: i32, %arg2: memref<16384x200xi32, #tpu.memory_space<hbm>>, %arg3: memref<1120xf32, #tpu.memory_space<hbm>>, %arg4: memref<176xf32, #tpu.memory_space<hbm>>, %arg5: memref<16384x200xf32, #tpu.memory_space<hbm>>, %arg6: memref<1120xf32, #tpu.memory_space<vmem>>, %arg7: memref<176xf32, #tpu.memory_space<vmem>>, %arg8: memref<112xf32, #tpu.memory_space<vmem>>, %arg9: memref<64x200xi32, #tpu.memory_space<vmem>>, %arg10: memref<64x200xi32, #tpu.memory_space<vmem>>, %arg11: memref<64x200xf32, #tpu.memory_space<vmem>>, %arg12: memref<64x200xf32, #tpu.memory_space<vmem>>, %arg13: memref<!tpu.dma_semaphore, #tpu.memory_space<semaphore_mem>>, %arg14: memref<!tpu.dma_semaphore, #tpu.memory_space<semaphore_mem>>, %arg15: memref<!tpu.dma_semaphore, #tpu.memory_space<semaphore_mem>>, %arg16: memref<!tpu.dma_semaphore, #tpu.memory_space<semaphore_mem>>) attributes {dimension_semantics = [#tpu.dimension_semantics<core_parallel>, #tpu.dimension_semantics<subcore_parallel>], iteration_bounds = array<i64: 2, 16>, scalar_prefetch = 0 : i64, scratch_operands = 11 : i64, tpu.core_type = #tpu.core_type<sc_vector_subcore>, window_params = [{transform_indices = #map}, {transform_indices = #map1}, {transform_indices = #map1}, {transform_indices = #map}]} {
    %mul3A = arith.constant 2 : i32
    %mul3A_0 = arith.muli %arg1, %mul3A : i32
    %add3A = arith.addi %mul3A_0, %arg0 : i32
    %mul3A_1 = arith.constant 512 : i32
    %mul3A_2 = arith.muli %add3A, %mul3A_1 : i32
    %add3A_3 = arith.constant 0 : i32
    %add3A_4 = arith.addi %mul3A_2, %add3A_3 : i32
    %dma_start3A = arith.constant 0 : i32
    %dma_start3A_5 = tpu.memref_slice %arg2[%add3A_4, %dma_start3A] : memref<16384x200xi32, #tpu.memory_space<hbm>> -> memref<64x200xi32, #tpu.memory_space<hbm>>
    %dma_start3A_6 = arith.constant 0 : i32
    %dma_start3A_7 = tpu.memref_slice %arg2[%add3A_4, %dma_start3A_6] : memref<16384x200xi32, #tpu.memory_space<hbm>> -> memref<64x200xi32, #tpu.memory_space<hbm>>
    tpu.enqueue_dma source(%dma_start3A_7 : memref<64x200xi32, #tpu.memory_space<hbm>>) target(%arg9 : memref<64x200xi32, #tpu.memory_space<vmem>>) target_semaphore(%arg13 : memref<!tpu.dma_semaphore, #tpu.memory_space<semaphore_mem>>)
    %add3A_8 = arith.constant 64 : i32
    %add3A_9 = arith.addi %mul3A_2, %add3A_8 : i32
    %dma_start3A_10 = arith.constant 0 : i32
    %dma_start3A_11 = tpu.memref_slice %arg2[%add3A_9, %dma_start3A_10] : memref<16384x200xi32, #tpu.memory_space<hbm>> -> memref<64x200xi32, #tpu.memory_space<hbm>>
    %dma_start3A_12 = arith.constant 0 : i32
    %dma_start3A_13 = tpu.memref_slice %arg2[%add3A_9, %dma_start3A_12] : memref<16384x200xi32, #tpu.memory_space<hbm>> -> memref<64x200xi32, #tpu.memory_space<hbm>>
    tpu.enqueue_dma source(%dma_start3A_13 : memref<64x200xi32, #tpu.memory_space<hbm>>) target(%arg10 : memref<64x200xi32, #tpu.memory_space<vmem>>) target_semaphore(%arg14 : memref<!tpu.dma_semaphore, #tpu.memory_space<semaphore_mem>>)
    "tpu.region"() ({
      %run_scoped3A = tpu.sem_alloc : memref<!tpu.dma_semaphore, #tpu.memory_space<semaphore_mem>>
      tpu.enqueue_dma source(%arg3 : memref<1120xf32, #tpu.memory_space<hbm>>) target(%arg6 : memref<1120xf32, #tpu.memory_space<vmem>>) target_semaphore(%run_scoped3A : memref<!tpu.dma_semaphore, #tpu.memory_space<semaphore_mem>>)
      tpu.wait_dma2 semaphore(%run_scoped3A : memref<!tpu.dma_semaphore, #tpu.memory_space<semaphore_mem>>) src(%arg3 : memref<1120xf32, #tpu.memory_space<hbm>>) dst(%arg6 : memref<1120xf32, #tpu.memory_space<vmem>>)
      tpu.yield
    }) : () -> ()
    "tpu.region"() ({
      %run_scoped3A = tpu.sem_alloc : memref<!tpu.dma_semaphore, #tpu.memory_space<semaphore_mem>>
      tpu.enqueue_dma source(%arg4 : memref<176xf32, #tpu.memory_space<hbm>>) target(%arg7 : memref<176xf32, #tpu.memory_space<vmem>>) target_semaphore(%run_scoped3A : memref<!tpu.dma_semaphore, #tpu.memory_space<semaphore_mem>>)
      tpu.wait_dma2 semaphore(%run_scoped3A : memref<!tpu.dma_semaphore, #tpu.memory_space<semaphore_mem>>) src(%arg4 : memref<176xf32, #tpu.memory_space<hbm>>) dst(%arg7 : memref<176xf32, #tpu.memory_space<vmem>>)
      tpu.yield
    }) : () -> ()
    %iota3A = tpu.iota {dimensions = array<i32: 0>} : vector<16xi32>
    %get3A = arith.constant 160 : index
    %get3A_14 = tpu.vector_load %arg7[%get3A] {strides = array<i32>} : memref<176xf32, #tpu.memory_space<vmem>>, vector<16xf32>,
    %get3A_15 = arith.constant 0 : index
    %get3A_16 = tpu.vector_load %arg7[%get3A_15] {strides = array<i32>} : memref<176xf32, #tpu.memory_space<vmem>>, vector<16xf32>,
    %get3A_17 = arith.constant 16 : index
    %get3A_18 = tpu.vector_load %arg7[%get3A_17] {strides = array<i32>} : memref<176xf32, #tpu.memory_space<vmem>>, vector<16xf32>,
    %get3A_19 = arith.constant 32 : index
    %get3A_20 = tpu.vector_load %arg7[%get3A_19] {strides = array<i32>} : memref<176xf32, #tpu.memory_space<vmem>>, vector<16xf32>,
    %get3A_21 = arith.constant 48 : index
    %get3A_22 = tpu.vector_load %arg7[%get3A_21] {strides = array<i32>} : memref<176xf32, #tpu.memory_space<vmem>>, vector<16xf32>,
    %get3A_23 = arith.constant 64 : index
    %get3A_24 = tpu.vector_load %arg7[%get3A_23] {strides = array<i32>} : memref<176xf32, #tpu.memory_space<vmem>>, vector<16xf32>,
    %get3A_25 = arith.constant 80 : index
    %get3A_26 = tpu.vector_load %arg7[%get3A_25] {strides = array<i32>} : memref<176xf32, #tpu.memory_space<vmem>>, vector<16xf32>,
    %get3A_27 = arith.constant 96 : index
    %get3A_28 = tpu.vector_load %arg7[%get3A_27] {strides = array<i32>} : memref<176xf32, #tpu.memory_space<vmem>>, vector<16xf32>,
    %get3A_29 = arith.constant 112 : index
    %get3A_30 = tpu.vector_load %arg7[%get3A_29] {strides = array<i32>} : memref<176xf32, #tpu.memory_space<vmem>>, vector<16xf32>,
    %get3A_31 = arith.constant 128 : index
    %get3A_32 = tpu.vector_load %arg7[%get3A_31] {strides = array<i32>} : memref<176xf32, #tpu.memory_space<vmem>>, vector<16xf32>,
    %get3A_33 = arith.constant 144 : index
    %get3A_34 = tpu.vector_load %arg7[%get3A_33] {strides = array<i32>} : memref<176xf32, #tpu.memory_space<vmem>>, vector<16xf32>,
    %add3A_35 = arith.constant 0 : i32
    %add3A_36 = vector.broadcast %add3A_35 : i32 to vector<16xi32>
    %add3A_37 = arith.addi %add3A_36, %iota3A : vector<16xi32>
    %mul3A_38 = arith.constant 10 : i32
    %mul3A_39 = vector.broadcast %mul3A_38 : i32 to vector<16xi32>
    %mul3A_40 = arith.muli %add3A_37, %mul3A_39 : vector<16xi32>
    %add3A_41 = arith.constant 0 : i32
    %add3A_42 = vector.broadcast %add3A_41 : i32 to vector<16xi32>
    %add3A_43 = arith.addi %mul3A_40, %add3A_42 : vector<16xi32>
    %gather3A = tpu.vector_load_idx %arg6[%add3A_43] : memref<1120xf32, #tpu.memory_space<vmem>>[vector<16xi32>], vector<16xf32>,
    %mul3A_44 = arith.mulf %gather3A, %get3A_16 : vector<16xf32>
    %add3A_45 = arith.addf %get3A_14, %mul3A_44 : vector<16xf32>
    %add3A_46 = arith.constant 1 : i32
    %add3A_47 = vector.broadcast %add3A_46 : i32 to vector<16xi32>
    %add3A_48 = arith.addi %mul3A_40, %add3A_47 : vector<16xi32>
    %gather3A_49 = tpu.vector_load_idx %arg6[%add3A_48] : memref<1120xf32, #tpu.memory_space<vmem>>[vector<16xi32>], vector<16xf32>,
    %mul3A_50 = arith.mulf %gather3A_49, %get3A_18 : vector<16xf32>
    %add3A_51 = arith.addf %add3A_45, %mul3A_50 : vector<16xf32>
    %add3A_52 = arith.constant 2 : i32
    %add3A_53 = vector.broadcast %add3A_52 : i32 to vector<16xi32>
    %add3A_54 = arith.addi %mul3A_40, %add3A_53 : vector<16xi32>
    %gather3A_55 = tpu.vector_load_idx %arg6[%add3A_54] : memref<1120xf32, #tpu.memory_space<vmem>>[vector<16xi32>], vector<16xf32>,
    %mul3A_56 = arith.mulf %gather3A_55, %get3A_20 : vector<16xf32>
    %add3A_57 = arith.addf %add3A_51, %mul3A_56 : vector<16xf32>
    %add3A_58 = arith.constant 3 : i32
    %add3A_59 = vector.broadcast %add3A_58 : i32 to vector<16xi32>
    %add3A_60 = arith.addi %mul3A_40, %add3A_59 : vector<16xi32>
    %gather3A_61 = tpu.vector_load_idx %arg6[%add3A_60] : memref<1120xf32, #tpu.memory_space<vmem>>[vector<16xi32>], vector<16xf32>,
    %mul3A_62 = arith.mulf %gather3A_61, %get3A_22 : vector<16xf32>
    %add3A_63 = arith.addf %add3A_57, %mul3A_62 : vector<16xf32>
    %add3A_64 = arith.constant 4 : i32
    %add3A_65 = vector.broadcast %add3A_64 : i32 to vector<16xi32>
    %add3A_66 = arith.addi %mul3A_40, %add3A_65 : vector<16xi32>
    %gather3A_67 = tpu.vector_load_idx %arg6[%add3A_66] : memref<1120xf32, #tpu.memory_space<vmem>>[vector<16xi32>], vector<16xf32>,
    %mul3A_68 = arith.mulf %gather3A_67, %get3A_24 : vector<16xf32>
    %add3A_69 = arith.addf %add3A_63, %mul3A_68 : vector<16xf32>
    %add3A_70 = arith.constant 5 : i32
    %add3A_71 = vector.broadcast %add3A_70 : i32 to vector<16xi32>
    %add3A_72 = arith.addi %mul3A_40, %add3A_71 : vector<16xi32>
    %gather3A_73 = tpu.vector_load_idx %arg6[%add3A_72] : memref<1120xf32, #tpu.memory_space<vmem>>[vector<16xi32>], vector<16xf32>,
    %mul3A_74 = arith.mulf %gather3A_73, %get3A_26 : vector<16xf32>
    %add3A_75 = arith.addf %add3A_69, %mul3A_74 : vector<16xf32>
    %add3A_76 = arith.constant 6 : i32
    %add3A_77 = vector.broadcast %add3A_76 : i32 to vector<16xi32>
    %add3A_78 = arith.addi %mul3A_40, %add3A_77 : vector<16xi32>
    %gather3A_79 = tpu.vector_load_idx %arg6[%add3A_78] : memref<1120xf32, #tpu.memory_space<vmem>>[vector<16xi32>], vector<16xf32>,
    %mul3A_80 = arith.mulf %gather3A_79, %get3A_28 : vector<16xf32>
    %add3A_81 = arith.addf %add3A_75, %mul3A_80 : vector<16xf32>
    %add3A_82 = arith.constant 7 : i32
    %add3A_83 = vector.broadcast %add3A_82 : i32 to vector<16xi32>
    %add3A_84 = arith.addi %mul3A_40, %add3A_83 : vector<16xi32>
    %gather3A_85 = tpu.vector_load_idx %arg6[%add3A_84] : memref<1120xf32, #tpu.memory_space<vmem>>[vector<16xi32>], vector<16xf32>,
    %mul3A_86 = arith.mulf %gather3A_85, %get3A_30 : vector<16xf32>
    %add3A_87 = arith.addf %add3A_81, %mul3A_86 : vector<16xf32>
    %add3A_88 = arith.constant 8 : i32
    %add3A_89 = vector.broadcast %add3A_88 : i32 to vector<16xi32>
    %add3A_90 = arith.addi %mul3A_40, %add3A_89 : vector<16xi32>
    %gather3A_91 = tpu.vector_load_idx %arg6[%add3A_90] : memref<1120xf32, #tpu.memory_space<vmem>>[vector<16xi32>], vector<16xf32>,
    %mul3A_92 = arith.mulf %gather3A_91, %get3A_32 : vector<16xf32>
    %add3A_93 = arith.addf %add3A_87, %mul3A_92 : vector<16xf32>
    %add3A_94 = arith.constant 9 : i32
    %add3A_95 = vector.broadcast %add3A_94 : i32 to vector<16xi32>
    %add3A_96 = arith.addi %mul3A_40, %add3A_95 : vector<16xi32>
    %gather3A_97 = tpu.vector_load_idx %arg6[%add3A_96] : memref<1120xf32, #tpu.memory_space<vmem>>[vector<16xi32>], vector<16xf32>,
    %mul3A_98 = arith.mulf %gather3A_97, %get3A_34 : vector<16xf32>
    %add3A_99 = arith.addf %add3A_93, %mul3A_98 : vector<16xf32>
    %swap3A = arith.constant 0 : index
    %swap3A_100 = tpu.vector_load %arg8[%swap3A] {strides = array<i32>} : memref<112xf32, #tpu.memory_space<vmem>>, vector<16xf32>,
    tpu.vector_store %arg8[%swap3A], %add3A_99 {strides = array<i32>} : memref<112xf32, #tpu.memory_space<vmem>>, vector<16xf32>,
    %add3A_101 = arith.constant 16 : i32
    %add3A_102 = vector.broadcast %add3A_101 : i32 to vector<16xi32>
    %add3A_103 = arith.addi %add3A_102, %iota3A : vector<16xi32>
    %mul3A_104 = arith.constant 10 : i32
    %mul3A_105 = vector.broadcast %mul3A_104 : i32 to vector<16xi32>
    %mul3A_106 = arith.muli %add3A_103, %mul3A_105 : vector<16xi32>
    %add3A_107 = arith.constant 0 : i32
    %add3A_108 = vector.broadcast %add3A_107 : i32 to vector<16xi32>
    %add3A_109 = arith.addi %mul3A_106, %add3A_108 : vector<16xi32>
    %gather3A_110 = tpu.vector_load_idx %arg6[%add3A_109] : memref<1120xf32, #tpu.memory_space<vmem>>[vector<16xi32>], vector<16xf32>,
    %mul3A_111 = arith.mulf %gather3A_110, %get3A_16 : vector<16xf32>
    %add3A_112 = arith.addf %get3A_14, %mul3A_111 : vector<16xf32>
    %add3A_113 = arith.constant 1 : i32
    %add3A_114 = vector.broadcast %add3A_113 : i32 to vector<16xi32>
    %add3A_115 = arith.addi %mul3A_106, %add3A_114 : vector<16xi32>
    %gather3A_116 = tpu.vector_load_idx %arg6[%add3A_115] : memref<1120xf32, #tpu.memory_space<vmem>>[vector<16xi32>], vector<16xf32>,
    %mul3A_117 = arith.mulf %gather3A_116, %get3A_18 : vector<16xf32>
    %add3A_118 = arith.addf %add3A_112, %mul3A_117 : vector<16xf32>
    %add3A_119 = arith.constant 2 : i32
    %add3A_120 = vector.broadcast %add3A_119 : i32 to vector<16xi32>
    %add3A_121 = arith.addi %mul3A_106, %add3A_120 : vector<16xi32>
    %gather3A_122 = tpu.vector_load_idx %arg6[%add3A_121] : memref<1120xf32, #tpu.memory_space<vmem>>[vector<16xi32>], vector<16xf32>,
    %mul3A_123 = arith.mulf %gather3A_122, %get3A_20 : vector<16xf32>
    %add3A_124 = arith.addf %add3A_118, %mul3A_123 : vector<16xf32>
    %add3A_125 = arith.constant 3 : i32
    %add3A_126 = vector.broadcast %add3A_125 : i32 to vector<16xi32>
    %add3A_127 = arith.addi %mul3A_106, %add3A_126 : vector<16xi32>
    %gather3A_128 = tpu.vector_load_idx %arg6[%add3A_127] : memref<1120xf32, #tpu.memory_space<vmem>>[vector<16xi32>], vector<16xf32>,
    %mul3A_129 = arith.mulf %gather3A_128, %get3A_22 : vector<16xf32>
    %add3A_130 = arith.addf %add3A_124, %mul3A_129 : vector<16xf32>
    %add3A_131 = arith.constant 4 : i32
    %add3A_132 = vector.broadcast %add3A_131 : i32 to vector<16xi32>
    %add3A_133 = arith.addi %mul3A_106, %add3A_132 : vector<16xi32>
    %gather3A_134 = tpu.vector_load_idx %arg6[%add3A_133] : memref<1120xf32, #tpu.memory_space<vmem>>[vector<16xi32>], vector<16xf32>,
    %mul3A_135 = arith.mulf %gather3A_134, %get3A_24 : vector<16xf32>
    %add3A_136 = arith.addf %add3A_130, %mul3A_135 : vector<16xf32>
    %add3A_137 = arith.constant 5 : i32
    %add3A_138 = vector.broadcast %add3A_137 : i32 to vector<16xi32>
    %add3A_139 = arith.addi %mul3A_106, %add3A_138 : vector<16xi32>
    %gather3A_140 = tpu.vector_load_idx %arg6[%add3A_139] : memref<1120xf32, #tpu.memory_space<vmem>>[vector<16xi32>], vector<16xf32>,
    %mul3A_141 = arith.mulf %gather3A_140, %get3A_26 : vector<16xf32>
    %add3A_142 = arith.addf %add3A_136, %mul3A_141 : vector<16xf32>
    %add3A_143 = arith.constant 6 : i32
    %add3A_144 = vector.broadcast %add3A_143 : i32 to vector<16xi32>
    %add3A_145 = arith.addi %mul3A_106, %add3A_144 : vector<16xi32>
    %gather3A_146 = tpu.vector_load_idx %arg6[%add3A_145] : memref<1120xf32, #tpu.memory_space<vmem>>[vector<16xi32>], vector<16xf32>,
    %mul3A_147 = arith.mulf %gather3A_146, %get3A_28 : vector<16xf32>
    %add3A_148 = arith.addf %add3A_142, %mul3A_147 : vector<16xf32>
    %add3A_149 = arith.constant 7 : i32
    %add3A_150 = vector.broadcast %add3A_149 : i32 to vector<16xi32>
    %add3A_151 = arith.addi %mul3A_106, %add3A_150 : vector<16xi32>
    %gather3A_152 = tpu.vector_load_idx %arg6[%add3A_151] : memref<1120xf32, #tpu.memory_space<vmem>>[vector<16xi32>], vector<16xf32>,
    %mul3A_153 = arith.mulf %gather3A_152, %get3A_30 : vector<16xf32>
    %add3A_154 = arith.addf %add3A_148, %mul3A_153 : vector<16xf32>
    %add3A_155 = arith.constant 8 : i32
    %add3A_156 = vector.broadcast %add3A_155 : i32 to vector<16xi32>
    %add3A_157 = arith.addi %mul3A_106, %add3A_156 : vector<16xi32>
    %gather3A_158 = tpu.vector_load_idx %arg6[%add3A_157] : memref<1120xf32, #tpu.memory_space<vmem>>[vector<16xi32>], vector<16xf32>,
    %mul3A_159 = arith.mulf %gather3A_158, %get3A_32 : vector<16xf32>
    %add3A_160 = arith.addf %add3A_154, %mul3A_159 : vector<16xf32>
    %add3A_161 = arith.constant 9 : i32
    %add3A_162 = vector.broadcast %add3A_161 : i32 to vector<16xi32>
    %add3A_163 = arith.addi %mul3A_106, %add3A_162 : vector<16xi32>
    %gather3A_164 = tpu.vector_load_idx %arg6[%add3A_163] : memref<1120xf32, #tpu.memory_space<vmem>>[vector<16xi32>], vector<16xf32>,
    %mul3A_165 = arith.mulf %gather3A_164, %get3A_34 : vector<16xf32>
    %add3A_166 = arith.addf %add3A_160, %mul3A_165 : vector<16xf32>
    %swap3A_167 = arith.constant 16 : index
    %swap3A_168 = tpu.vector_load %arg8[%swap3A_167] {strides = array<i32>} : memref<112xf32, #tpu.memory_space<vmem>>, vector<16xf32>,
    tpu.vector_store %arg8[%swap3A_167], %add3A_166 {strides = array<i32>} : memref<112xf32, #tpu.memory_space<vmem>>, vector<16xf32>,
    %add3A_169 = arith.constant 32 : i32
    %add3A_170 = vector.broadcast %add3A_169 : i32 to vector<16xi32>
    %add3A_171 = arith.addi %add3A_170, %iota3A : vector<16xi32>
    %mul3A_172 = arith.constant 10 : i32
    %mul3A_173 = vector.broadcast %mul3A_172 : i32 to vector<16xi32>
    %mul3A_174 = arith.muli %add3A_171, %mul3A_173 : vector<16xi32>
    %add3A_175 = arith.constant 0 : i32
    %add3A_176 = vector.broadcast %add3A_175 : i32 to vector<16xi32>
    %add3A_177 = arith.addi %mul3A_174, %add3A_176 : vector<16xi32>
    %gather3A_178 = tpu.vector_load_idx %arg6[%add3A_177] : memref<1120xf32, #tpu.memory_space<vmem>>[vector<16xi32>], vector<16xf32>,
    %mul3A_179 = arith.mulf %gather3A_178, %get3A_16 : vector<16xf32>
    %add3A_180 = arith.addf %get3A_14, %mul3A_179 : vector<16xf32>
    %add3A_181 = arith.constant 1 : i32
    %add3A_182 = vector.broadcast %add3A_181 : i32 to vector<16xi32>
    %add3A_183 = arith.addi %mul3A_174, %add3A_182 : vector<16xi32>
    %gather3A_184 = tpu.vector_load_idx %arg6[%add3A_183] : memref<1120xf32, #tpu.memory_space<vmem>>[vector<16xi32>], vector<16xf32>,
    %mul3A_185 = arith.mulf %gather3A_184, %get3A_18 : vector<16xf32>
    %add3A_186 = arith.addf %add3A_180, %mul3A_185 : vector<16xf32>
    %add3A_187 = arith.constant 2 : i32
    %add3A_188 = vector.broadcast %add3A_187 : i32 to vector<16xi32>
    %add3A_189 = arith.addi %mul3A_174, %add3A_188 : vector<16xi32>
    %gather3A_190 = tpu.vector_load_idx %arg6[%add3A_189] : memref<1120xf32, #tpu.memory_space<vmem>>[vector<16xi32>], vector<16xf32>,
    %mul3A_191 = arith.mulf %gather3A_190, %get3A_20 : vector<16xf32>
    %add3A_192 = arith.addf %add3A_186, %mul3A_191 : vector<16xf32>
    %add3A_193 = arith.constant 3 : i32
    %add3A_194 = vector.broadcast %add3A_193 : i32 to vector<16xi32>
    %add3A_195 = arith.addi %mul3A_174, %add3A_194 : vector<16xi32>
    %gather3A_196 = tpu.vector_load_idx %arg6[%add3A_195] : memref<1120xf32, #tpu.memory_space<vmem>>[vector<16xi32>], vector<16xf32>,
    %mul3A_197 = arith.mulf %gather3A_196, %get3A_22 : vector<16xf32>
    %add3A_198 = arith.addf %add3A_192, %mul3A_197 : vector<16xf32>
    %add3A_199 = arith.constant 4 : i32
    %add3A_200 = vector.broadcast %add3A_199 : i32 to vector<16xi32>
    %add3A_201 = arith.addi %mul3A_174, %add3A_200 : vector<16xi32>
    %gather3A_202 = tpu.vector_load_idx %arg6[%add3A_201] : memref<1120xf32, #tpu.memory_space<vmem>>[vector<16xi32>], vector<16xf32>,
    %mul3A_203 = arith.mulf %gather3A_202, %get3A_24 : vector<16xf32>
    %add3A_204 = arith.addf %add3A_198, %mul3A_203 : vector<16xf32>
    %add3A_205 = arith.constant 5 : i32
    %add3A_206 = vector.broadcast %add3A_205 : i32 to vector<16xi32>
    %add3A_207 = arith.addi %mul3A_174, %add3A_206 : vector<16xi32>
    %gather3A_208 = tpu.vector_load_idx %arg6[%add3A_207] : memref<1120xf32, #tpu.memory_space<vmem>>[vector<16xi32>], vector<16xf32>,
    %mul3A_209 = arith.mulf %gather3A_208, %get3A_26 : vector<16xf32>
    %add3A_210 = arith.addf %add3A_204, %mul3A_209 : vector<16xf32>
    %add3A_211 = arith.constant 6 : i32
    %add3A_212 = vector.broadcast %add3A_211 : i32 to vector<16xi32>
    %add3A_213 = arith.addi %mul3A_174, %add3A_212 : vector<16xi32>
    %gather3A_214 = tpu.vector_load_idx %arg6[%add3A_213] : memref<1120xf32, #tpu.memory_space<vmem>>[vector<16xi32>], vector<16xf32>,
    %mul3A_215 = arith.mulf %gather3A_214, %get3A_28 : vector<16xf32>
    %add3A_216 = arith.addf %add3A_210, %mul3A_215 : vector<16xf32>
    %add3A_217 = arith.constant 7 : i32
    %add3A_218 = vector.broadcast %add3A_217 : i32 to vector<16xi32>
    %add3A_219 = arith.addi %mul3A_174, %add3A_218 : vector<16xi32>
    %gather3A_220 = tpu.vector_load_idx %arg6[%add3A_219] : memref<1120xf32, #tpu.memory_space<vmem>>[vector<16xi32>], vector<16xf32>,
    %mul3A_221 = arith.mulf %gather3A_220, %get3A_30 : vector<16xf32>
    %add3A_222 = arith.addf %add3A_216, %mul3A_221 : vector<16xf32>
    %add3A_223 = arith.constant 8 : i32
    %add3A_224 = vector.broadcast %add3A_223 : i32 to vector<16xi32>
    %add3A_225 = arith.addi %mul3A_174, %add3A_224 : vector<16xi32>
    %gather3A_226 = tpu.vector_load_idx %arg6[%add3A_225] : memref<1120xf32, #tpu.memory_space<vmem>>[vector<16xi32>], vector<16xf32>,
    %mul3A_227 = arith.mulf %gather3A_226, %get3A_32 : vector<16xf32>
    %add3A_228 = arith.addf %add3A_222, %mul3A_227 : vector<16xf32>
    %add3A_229 = arith.constant 9 : i32
    %add3A_230 = vector.broadcast %add3A_229 : i32 to vector<16xi32>
    %add3A_231 = arith.addi %mul3A_174, %add3A_230 : vector<16xi32>
    %gather3A_232 = tpu.vector_load_idx %arg6[%add3A_231] : memref<1120xf32, #tpu.memory_space<vmem>>[vector<16xi32>], vector<16xf32>,
    %mul3A_233 = arith.mulf %gather3A_232, %get3A_34 : vector<16xf32>
    %add3A_234 = arith.addf %add3A_228, %mul3A_233 : vector<16xf32>
    %swap3A_235 = arith.constant 32 : index
    %swap3A_236 = tpu.vector_load %arg8[%swap3A_235] {strides = array<i32>} : memref<112xf32, #tpu.memory_space<vmem>>, vector<16xf32>,
    tpu.vector_store %arg8[%swap3A_235], %add3A_234 {strides = array<i32>} : memref<112xf32, #tpu.memory_space<vmem>>, vector<16xf32>,
    %add3A_237 = arith.constant 48 : i32
    %add3A_238 = vector.broadcast %add3A_237 : i32 to vector<16xi32>
    %add3A_239 = arith.addi %add3A_238, %iota3A : vector<16xi32>
    %mul3A_240 = arith.constant 10 : i32
    %mul3A_241 = vector.broadcast %mul3A_240 : i32 to vector<16xi32>
    %mul3A_242 = arith.muli %add3A_239, %mul3A_241 : vector<16xi32>
    %add3A_243 = arith.constant 0 : i32
    %add3A_244 = vector.broadcast %add3A_243 : i32 to vector<16xi32>
    %add3A_245 = arith.addi %mul3A_242, %add3A_244 : vector<16xi32>
    %gather3A_246 = tpu.vector_load_idx %arg6[%add3A_245] : memref<1120xf32, #tpu.memory_space<vmem>>[vector<16xi32>], vector<16xf32>,
    %mul3A_247 = arith.mulf %gather3A_246, %get3A_16 : vector<16xf32>
    %add3A_248 = arith.addf %get3A_14, %mul3A_247 : vector<16xf32>
    %add3A_249 = arith.constant 1 : i32
    %add3A_250 = vector.broadcast %add3A_249 : i32 to vector<16xi32>
    %add3A_251 = arith.addi %mul3A_242, %add3A_250 : vector<16xi32>
    %gather3A_252 = tpu.vector_load_idx %arg6[%add3A_251] : memref<1120xf32, #tpu.memory_space<vmem>>[vector<16xi32>], vector<16xf32>,
    %mul3A_253 = arith.mulf %gather3A_252, %get3A_18 : vector<16xf32>
    %add3A_254 = arith.addf %add3A_248, %mul3A_253 : vector<16xf32>
    %add3A_255 = arith.constant 2 : i32
    %add3A_256 = vector.broadcast %add3A_255 : i32 to vector<16xi32>
    %add3A_257 = arith.addi %mul3A_242, %add3A_256 : vector<16xi32>
    %gather3A_258 = tpu.vector_load_idx %arg6[%add3A_257] : memref<1120xf32, #tpu.memory_space<vmem>>[vector<16xi32>], vector<16xf32>,
    %mul3A_259 = arith.mulf %gather3A_258, %get3A_20 : vector<16xf32>
    %add3A_260 = arith.addf %add3A_254, %mul3A_259 : vector<16xf32>
    %add3A_261 = arith.constant 3 : i32
    %add3A_262 = vector.broadcast %add3A_261 : i32 to vector<16xi32>
    %add3A_263 = arith.addi %mul3A_242, %add3A_262 : vector<16xi32>
    %gather3A_264 = tpu.vector_load_idx %arg6[%add3A_263] : memref<1120xf32, #tpu.memory_space<vmem>>[vector<16xi32>], vector<16xf32>,
    %mul3A_265 = arith.mulf %gather3A_264, %get3A_22 : vector<16xf32>
    %add3A_266 = arith.addf %add3A_260, %mul3A_265 : vector<16xf32>
    %add3A_267 = arith.constant 4 : i32
    %add3A_268 = vector.broadcast %add3A_267 : i32 to vector<16xi32>
    %add3A_269 = arith.addi %mul3A_242, %add3A_268 : vector<16xi32>
    %gather3A_270 = tpu.vector_load_idx %arg6[%add3A_269] : memref<1120xf32, #tpu.memory_space<vmem>>[vector<16xi32>], vector<16xf32>,
    %mul3A_271 = arith.mulf %gather3A_270, %get3A_24 : vector<16xf32>
    %add3A_272 = arith.addf %add3A_266, %mul3A_271 : vector<16xf32>
    %add3A_273 = arith.constant 5 : i32
    %add3A_274 = vector.broadcast %add3A_273 : i32 to vector<16xi32>
    %add3A_275 = arith.addi %mul3A_242, %add3A_274 : vector<16xi32>
    %gather3A_276 = tpu.vector_load_idx %arg6[%add3A_275] : memref<1120xf32, #tpu.memory_space<vmem>>[vector<16xi32>], vector<16xf32>,
    %mul3A_277 = arith.mulf %gather3A_276, %get3A_26 : vector<16xf32>
    %add3A_278 = arith.addf %add3A_272, %mul3A_277 : vector<16xf32>
    %add3A_279 = arith.constant 6 : i32
    %add3A_280 = vector.broadcast %add3A_279 : i32 to vector<16xi32>
    %add3A_281 = arith.addi %mul3A_242, %add3A_280 : vector<16xi32>
    %gather3A_282 = tpu.vector_load_idx %arg6[%add3A_281] : memref<1120xf32, #tpu.memory_space<vmem>>[vector<16xi32>], vector<16xf32>,
    %mul3A_283 = arith.mulf %gather3A_282, %get3A_28 : vector<16xf32>
    %add3A_284 = arith.addf %add3A_278, %mul3A_283 : vector<16xf32>
    %add3A_285 = arith.constant 7 : i32
    %add3A_286 = vector.broadcast %add3A_285 : i32 to vector<16xi32>
    %add3A_287 = arith.addi %mul3A_242, %add3A_286 : vector<16xi32>
    %gather3A_288 = tpu.vector_load_idx %arg6[%add3A_287] : memref<1120xf32, #tpu.memory_space<vmem>>[vector<16xi32>], vector<16xf32>,
    %mul3A_289 = arith.mulf %gather3A_288, %get3A_30 : vector<16xf32>
    %add3A_290 = arith.addf %add3A_284, %mul3A_289 : vector<16xf32>
    %add3A_291 = arith.constant 8 : i32
    %add3A_292 = vector.broadcast %add3A_291 : i32 to vector<16xi32>
    %add3A_293 = arith.addi %mul3A_242, %add3A_292 : vector<16xi32>
    %gather3A_294 = tpu.vector_load_idx %arg6[%add3A_293] : memref<1120xf32, #tpu.memory_space<vmem>>[vector<16xi32>], vector<16xf32>,
    %mul3A_295 = arith.mulf %gather3A_294, %get3A_32 : vector<16xf32>
    %add3A_296 = arith.addf %add3A_290, %mul3A_295 : vector<16xf32>
    %add3A_297 = arith.constant 9 : i32
    %add3A_298 = vector.broadcast %add3A_297 : i32 to vector<16xi32>
    %add3A_299 = arith.addi %mul3A_242, %add3A_298 : vector<16xi32>
    %gather3A_300 = tpu.vector_load_idx %arg6[%add3A_299] : memref<1120xf32, #tpu.memory_space<vmem>>[vector<16xi32>], vector<16xf32>,
    %mul3A_301 = arith.mulf %gather3A_300, %get3A_34 : vector<16xf32>
    %add3A_302 = arith.addf %add3A_296, %mul3A_301 : vector<16xf32>
    %swap3A_303 = arith.constant 48 : index
    %swap3A_304 = tpu.vector_load %arg8[%swap3A_303] {strides = array<i32>} : memref<112xf32, #tpu.memory_space<vmem>>, vector<16xf32>,
    tpu.vector_store %arg8[%swap3A_303], %add3A_302 {strides = array<i32>} : memref<112xf32, #tpu.memory_space<vmem>>, vector<16xf32>,
    %add3A_305 = arith.constant 64 : i32
    %add3A_306 = vector.broadcast %add3A_305 : i32 to vector<16xi32>
    %add3A_307 = arith.addi %add3A_306, %iota3A : vector<16xi32>
    %mul3A_308 = arith.constant 10 : i32
    %mul3A_309 = vector.broadcast %mul3A_308 : i32 to vector<16xi32>
    %mul3A_310 = arith.muli %add3A_307, %mul3A_309 : vector<16xi32>
    %add3A_311 = arith.constant 0 : i32
    %add3A_312 = vector.broadcast %add3A_311 : i32 to vector<16xi32>
    %add3A_313 = arith.addi %mul3A_310, %add3A_312 : vector<16xi32>
    %gather3A_314 = tpu.vector_load_idx %arg6[%add3A_313] : memref<1120xf32, #tpu.memory_space<vmem>>[vector<16xi32>], vector<16xf32>,
    %mul3A_315 = arith.mulf %gather3A_314, %get3A_16 : vector<16xf32>
    %add3A_316 = arith.addf %get3A_14, %mul3A_315 : vector<16xf32>
    %add3A_317 = arith.constant 1 : i32
    %add3A_318 = vector.broadcast %add3A_317 : i32 to vector<16xi32>
    %add3A_319 = arith.addi %mul3A_310, %add3A_318 : vector<16xi32>
    %gather3A_320 = tpu.vector_load_idx %arg6[%add3A_319] : memref<1120xf32, #tpu.memory_space<vmem>>[vector<16xi32>], vector<16xf32>,
    %mul3A_321 = arith.mulf %gather3A_320, %get3A_18 : vector<16xf32>
    %add3A_322 = arith.addf %add3A_316, %mul3A_321 : vector<16xf32>
    %add3A_323 = arith.constant 2 : i32
    %add3A_324 = vector.broadcast %add3A_323 : i32 to vector<16xi32>
    %add3A_325 = arith.addi %mul3A_310, %add3A_324 : vector<16xi32>
    %gather3A_326 = tpu.vector_load_idx %arg6[%add3A_325] : memref<1120xf32, #tpu.memory_space<vmem>>[vector<16xi32>], vector<16xf32>,
    %mul3A_327 = arith.mulf %gather3A_326, %get3A_20 : vector<16xf32>
    %add3A_328 = arith.addf %add3A_322, %mul3A_327 : vector<16xf32>
    %add3A_329 = arith.constant 3 : i32
    %add3A_330 = vector.broadcast %add3A_329 : i32 to vector<16xi32>
    %add3A_331 = arith.addi %mul3A_310, %add3A_330 : vector<16xi32>
    %gather3A_332 = tpu.vector_load_idx %arg6[%add3A_331] : memref<1120xf32, #tpu.memory_space<vmem>>[vector<16xi32>], vector<16xf32>,
    %mul3A_333 = arith.mulf %gather3A_332, %get3A_22 : vector<16xf32>
    %add3A_334 = arith.addf %add3A_328, %mul3A_333 : vector<16xf32>
    %add3A_335 = arith.constant 4 : i32
    %add3A_336 = vector.broadcast %add3A_335 : i32 to vector<16xi32>
    %add3A_337 = arith.addi %mul3A_310, %add3A_336 : vector<16xi32>
    %gather3A_338 = tpu.vector_load_idx %arg6[%add3A_337] : memref<1120xf32, #tpu.memory_space<vmem>>[vector<16xi32>], vector<16xf32>,
    %mul3A_339 = arith.mulf %gather3A_338, %get3A_24 : vector<16xf32>
    %add3A_340 = arith.addf %add3A_334, %mul3A_339 : vector<16xf32>
    %add3A_341 = arith.constant 5 : i32
    %add3A_342 = vector.broadcast %add3A_341 : i32 to vector<16xi32>
    %add3A_343 = arith.addi %mul3A_310, %add3A_342 : vector<16xi32>
    %gather3A_344 = tpu.vector_load_idx %arg6[%add3A_343] : memref<1120xf32, #tpu.memory_space<vmem>>[vector<16xi32>], vector<16xf32>,
    %mul3A_345 = arith.mulf %gather3A_344, %get3A_26 : vector<16xf32>
    %add3A_346 = arith.addf %add3A_340, %mul3A_345 : vector<16xf32>
    %add3A_347 = arith.constant 6 : i32
    %add3A_348 = vector.broadcast %add3A_347 : i32 to vector<16xi32>
    %add3A_349 = arith.addi %mul3A_310, %add3A_348 : vector<16xi32>
    %gather3A_350 = tpu.vector_load_idx %arg6[%add3A_349] : memref<1120xf32, #tpu.memory_space<vmem>>[vector<16xi32>], vector<16xf32>,
    %mul3A_351 = arith.mulf %gather3A_350, %get3A_28 : vector<16xf32>
    %add3A_352 = arith.addf %add3A_346, %mul3A_351 : vector<16xf32>
    %add3A_353 = arith.constant 7 : i32
    %add3A_354 = vector.broadcast %add3A_353 : i32 to vector<16xi32>
    %add3A_355 = arith.addi %mul3A_310, %add3A_354 : vector<16xi32>
    %gather3A_356 = tpu.vector_load_idx %arg6[%add3A_355] : memref<1120xf32, #tpu.memory_space<vmem>>[vector<16xi32>], vector<16xf32>,
    %mul3A_357 = arith.mulf %gather3A_356, %get3A_30 : vector<16xf32>
    %add3A_358 = arith.addf %add3A_352, %mul3A_357 : vector<16xf32>
    %add3A_359 = arith.constant 8 : i32
    %add3A_360 = vector.broadcast %add3A_359 : i32 to vector<16xi32>
    %add3A_361 = arith.addi %mul3A_310, %add3A_360 : vector<16xi32>
    %gather3A_362 = tpu.vector_load_idx %arg6[%add3A_361] : memref<1120xf32, #tpu.memory_space<vmem>>[vector<16xi32>], vector<16xf32>,
    %mul3A_363 = arith.mulf %gather3A_362, %get3A_32 : vector<16xf32>
    %add3A_364 = arith.addf %add3A_358, %mul3A_363 : vector<16xf32>
    %add3A_365 = arith.constant 9 : i32
    %add3A_366 = vector.broadcast %add3A_365 : i32 to vector<16xi32>
    %add3A_367 = arith.addi %mul3A_310, %add3A_366 : vector<16xi32>
    %gather3A_368 = tpu.vector_load_idx %arg6[%add3A_367] : memref<1120xf32, #tpu.memory_space<vmem>>[vector<16xi32>], vector<16xf32>,
    %mul3A_369 = arith.mulf %gather3A_368, %get3A_34 : vector<16xf32>
    %add3A_370 = arith.addf %add3A_364, %mul3A_369 : vector<16xf32>
    %swap3A_371 = arith.constant 64 : index
    %swap3A_372 = tpu.vector_load %arg8[%swap3A_371] {strides = array<i32>} : memref<112xf32, #tpu.memory_space<vmem>>, vector<16xf32>,
    tpu.vector_store %arg8[%swap3A_371], %add3A_370 {strides = array<i32>} : memref<112xf32, #tpu.memory_space<vmem>>, vector<16xf32>,
    %add3A_373 = arith.constant 80 : i32
    %add3A_374 = vector.broadcast %add3A_373 : i32 to vector<16xi32>
    %add3A_375 = arith.addi %add3A_374, %iota3A : vector<16xi32>
    %mul3A_376 = arith.constant 10 : i32
    %mul3A_377 = vector.broadcast %mul3A_376 : i32 to vector<16xi32>
    %mul3A_378 = arith.muli %add3A_375, %mul3A_377 : vector<16xi32>
    %add3A_379 = arith.constant 0 : i32
    %add3A_380 = vector.broadcast %add3A_379 : i32 to vector<16xi32>
    %add3A_381 = arith.addi %mul3A_378, %add3A_380 : vector<16xi32>
    %gather3A_382 = tpu.vector_load_idx %arg6[%add3A_381] : memref<1120xf32, #tpu.memory_space<vmem>>[vector<16xi32>], vector<16xf32>,
    %mul3A_383 = arith.mulf %gather3A_382, %get3A_16 : vector<16xf32>
    %add3A_384 = arith.addf %get3A_14, %mul3A_383 : vector<16xf32>
    %add3A_385 = arith.constant 1 : i32
    %add3A_386 = vector.broadcast %add3A_385 : i32 to vector<16xi32>
    %add3A_387 = arith.addi %mul3A_378, %add3A_386 : vector<16xi32>
    %gather3A_388 = tpu.vector_load_idx %arg6[%add3A_387] : memref<1120xf32, #tpu.memory_space<vmem>>[vector<16xi32>], vector<16xf32>,
    %mul3A_389 = arith.mulf %gather3A_388, %get3A_18 : vector<16xf32>
    %add3A_390 = arith.addf %add3A_384, %mul3A_389 : vector<16xf32>
    %add3A_391 = arith.constant 2 : i32
    %add3A_392 = vector.broadcast %add3A_391 : i32 to vector<16xi32>
    %add3A_393 = arith.addi %mul3A_378, %add3A_392 : vector<16xi32>
    %gather3A_394 = tpu.vector_load_idx %arg6[%add3A_393] : memref<1120xf32, #tpu.memory_space<vmem>>[vector<16xi32>], vector<16xf32>,
    %mul3A_395 = arith.mulf %gather3A_394, %get3A_20 : vector<16xf32>
    %add3A_396 = arith.addf %add3A_390, %mul3A_395 : vector<16xf32>
    %add3A_397 = arith.constant 3 : i32
    %add3A_398 = vector.broadcast %add3A_397 : i32 to vector<16xi32>
    %add3A_399 = arith.addi %mul3A_378, %add3A_398 : vector<16xi32>
    %gather3A_400 = tpu.vector_load_idx %arg6[%add3A_399] : memref<1120xf32, #tpu.memory_space<vmem>>[vector<16xi32>], vector<16xf32>,
    %mul3A_401 = arith.mulf %gather3A_400, %get3A_22 : vector<16xf32>
    %add3A_402 = arith.addf %add3A_396, %mul3A_401 : vector<16xf32>
    %add3A_403 = arith.constant 4 : i32
    %add3A_404 = vector.broadcast %add3A_403 : i32 to vector<16xi32>
    %add3A_405 = arith.addi %mul3A_378, %add3A_404 : vector<16xi32>
    %gather3A_406 = tpu.vector_load_idx %arg6[%add3A_405] : memref<1120xf32, #tpu.memory_space<vmem>>[vector<16xi32>], vector<16xf32>,
    %mul3A_407 = arith.mulf %gather3A_406, %get3A_24 : vector<16xf32>
    %add3A_408 = arith.addf %add3A_402, %mul3A_407 : vector<16xf32>
    %add3A_409 = arith.constant 5 : i32
    %add3A_410 = vector.broadcast %add3A_409 : i32 to vector<16xi32>
    %add3A_411 = arith.addi %mul3A_378, %add3A_410 : vector<16xi32>
    %gather3A_412 = tpu.vector_load_idx %arg6[%add3A_411] : memref<1120xf32, #tpu.memory_space<vmem>>[vector<16xi32>], vector<16xf32>,
    %mul3A_413 = arith.mulf %gather3A_412, %get3A_26 : vector<16xf32>
    %add3A_414 = arith.addf %add3A_408, %mul3A_413 : vector<16xf32>
    %add3A_415 = arith.constant 6 : i32
    %add3A_416 = vector.broadcast %add3A_415 : i32 to vector<16xi32>
    %add3A_417 = arith.addi %mul3A_378, %add3A_416 : vector<16xi32>
    %gather3A_418 = tpu.vector_load_idx %arg6[%add3A_417] : memref<1120xf32, #tpu.memory_space<vmem>>[vector<16xi32>], vector<16xf32>,
    %mul3A_419 = arith.mulf %gather3A_418, %get3A_28 : vector<16xf32>
    %add3A_420 = arith.addf %add3A_414, %mul3A_419 : vector<16xf32>
    %add3A_421 = arith.constant 7 : i32
    %add3A_422 = vector.broadcast %add3A_421 : i32 to vector<16xi32>
    %add3A_423 = arith.addi %mul3A_378, %add3A_422 : vector<16xi32>
    %gather3A_424 = tpu.vector_load_idx %arg6[%add3A_423] : memref<1120xf32, #tpu.memory_space<vmem>>[vector<16xi32>], vector<16xf32>,
    %mul3A_425 = arith.mulf %gather3A_424, %get3A_30 : vector<16xf32>
    %add3A_426 = arith.addf %add3A_420, %mul3A_425 : vector<16xf32>
    %add3A_427 = arith.constant 8 : i32
    %add3A_428 = vector.broadcast %add3A_427 : i32 to vector<16xi32>
    %add3A_429 = arith.addi %mul3A_378, %add3A_428 : vector<16xi32>
    %gather3A_430 = tpu.vector_load_idx %arg6[%add3A_429] : memref<1120xf32, #tpu.memory_space<vmem>>[vector<16xi32>], vector<16xf32>,
    %mul3A_431 = arith.mulf %gather3A_430, %get3A_32 : vector<16xf32>
    %add3A_432 = arith.addf %add3A_426, %mul3A_431 : vector<16xf32>
    %add3A_433 = arith.constant 9 : i32
    %add3A_434 = vector.broadcast %add3A_433 : i32 to vector<16xi32>
    %add3A_435 = arith.addi %mul3A_378, %add3A_434 : vector<16xi32>
    %gather3A_436 = tpu.vector_load_idx %arg6[%add3A_435] : memref<1120xf32, #tpu.memory_space<vmem>>[vector<16xi32>], vector<16xf32>,
    %mul3A_437 = arith.mulf %gather3A_436, %get3A_34 : vector<16xf32>
    %add3A_438 = arith.addf %add3A_432, %mul3A_437 : vector<16xf32>
    %swap3A_439 = arith.constant 80 : index
    %swap3A_440 = tpu.vector_load %arg8[%swap3A_439] {strides = array<i32>} : memref<112xf32, #tpu.memory_space<vmem>>, vector<16xf32>,
    tpu.vector_store %arg8[%swap3A_439], %add3A_438 {strides = array<i32>} : memref<112xf32, #tpu.memory_space<vmem>>, vector<16xf32>,
    %add3A_441 = arith.constant 96 : i32
    %add3A_442 = vector.broadcast %add3A_441 : i32 to vector<16xi32>
    %add3A_443 = arith.addi %add3A_442, %iota3A : vector<16xi32>
    %mul3A_444 = arith.constant 10 : i32
    %mul3A_445 = vector.broadcast %mul3A_444 : i32 to vector<16xi32>
    %mul3A_446 = arith.muli %add3A_443, %mul3A_445 : vector<16xi32>
    %add3A_447 = arith.constant 0 : i32
    %add3A_448 = vector.broadcast %add3A_447 : i32 to vector<16xi32>
    %add3A_449 = arith.addi %mul3A_446, %add3A_448 : vector<16xi32>
    %gather3A_450 = tpu.vector_load_idx %arg6[%add3A_449] : memref<1120xf32, #tpu.memory_space<vmem>>[vector<16xi32>], vector<16xf32>,
    %mul3A_451 = arith.mulf %gather3A_450, %get3A_16 : vector<16xf32>
    %add3A_452 = arith.addf %get3A_14, %mul3A_451 : vector<16xf32>
    %add3A_453 = arith.constant 1 : i32
    %add3A_454 = vector.broadcast %add3A_453 : i32 to vector<16xi32>
    %add3A_455 = arith.addi %mul3A_446, %add3A_454 : vector<16xi32>
    %gather3A_456 = tpu.vector_load_idx %arg6[%add3A_455] : memref<1120xf32, #tpu.memory_space<vmem>>[vector<16xi32>], vector<16xf32>,
    %mul3A_457 = arith.mulf %gather3A_456, %get3A_18 : vector<16xf32>
    %add3A_458 = arith.addf %add3A_452, %mul3A_457 : vector<16xf32>
    %add3A_459 = arith.constant 2 : i32
    %add3A_460 = vector.broadcast %add3A_459 : i32 to vector<16xi32>
    %add3A_461 = arith.addi %mul3A_446, %add3A_460 : vector<16xi32>
    %gather3A_462 = tpu.vector_load_idx %arg6[%add3A_461] : memref<1120xf32, #tpu.memory_space<vmem>>[vector<16xi32>], vector<16xf32>,
    %mul3A_463 = arith.mulf %gather3A_462, %get3A_20 : vector<16xf32>
    %add3A_464 = arith.addf %add3A_458, %mul3A_463 : vector<16xf32>
    %add3A_465 = arith.constant 3 : i32
    %add3A_466 = vector.broadcast %add3A_465 : i32 to vector<16xi32>
    %add3A_467 = arith.addi %mul3A_446, %add3A_466 : vector<16xi32>
    %gather3A_468 = tpu.vector_load_idx %arg6[%add3A_467] : memref<1120xf32, #tpu.memory_space<vmem>>[vector<16xi32>], vector<16xf32>,
    %mul3A_469 = arith.mulf %gather3A_468, %get3A_22 : vector<16xf32>
    %add3A_470 = arith.addf %add3A_464, %mul3A_469 : vector<16xf32>
    %add3A_471 = arith.constant 4 : i32
    %add3A_472 = vector.broadcast %add3A_471 : i32 to vector<16xi32>
    %add3A_473 = arith.addi %mul3A_446, %add3A_472 : vector<16xi32>
    %gather3A_474 = tpu.vector_load_idx %arg6[%add3A_473] : memref<1120xf32, #tpu.memory_space<vmem>>[vector<16xi32>], vector<16xf32>,
    %mul3A_475 = arith.mulf %gather3A_474, %get3A_24 : vector<16xf32>
    %add3A_476 = arith.addf %add3A_470, %mul3A_475 : vector<16xf32>
    %add3A_477 = arith.constant 5 : i32
    %add3A_478 = vector.broadcast %add3A_477 : i32 to vector<16xi32>
    %add3A_479 = arith.addi %mul3A_446, %add3A_478 : vector<16xi32>
    %gather3A_480 = tpu.vector_load_idx %arg6[%add3A_479] : memref<1120xf32, #tpu.memory_space<vmem>>[vector<16xi32>], vector<16xf32>,
    %mul3A_481 = arith.mulf %gather3A_480, %get3A_26 : vector<16xf32>
    %add3A_482 = arith.addf %add3A_476, %mul3A_481 : vector<16xf32>
    %add3A_483 = arith.constant 6 : i32
    %add3A_484 = vector.broadcast %add3A_483 : i32 to vector<16xi32>
    %add3A_485 = arith.addi %mul3A_446, %add3A_484 : vector<16xi32>
    %gather3A_486 = tpu.vector_load_idx %arg6[%add3A_485] : memref<1120xf32, #tpu.memory_space<vmem>>[vector<16xi32>], vector<16xf32>,
    %mul3A_487 = arith.mulf %gather3A_486, %get3A_28 : vector<16xf32>
    %add3A_488 = arith.addf %add3A_482, %mul3A_487 : vector<16xf32>
    %add3A_489 = arith.constant 7 : i32
    %add3A_490 = vector.broadcast %add3A_489 : i32 to vector<16xi32>
    %add3A_491 = arith.addi %mul3A_446, %add3A_490 : vector<16xi32>
    %gather3A_492 = tpu.vector_load_idx %arg6[%add3A_491] : memref<1120xf32, #tpu.memory_space<vmem>>[vector<16xi32>], vector<16xf32>,
    %mul3A_493 = arith.mulf %gather3A_492, %get3A_30 : vector<16xf32>
    %add3A_494 = arith.addf %add3A_488, %mul3A_493 : vector<16xf32>
    %add3A_495 = arith.constant 8 : i32
    %add3A_496 = vector.broadcast %add3A_495 : i32 to vector<16xi32>
    %add3A_497 = arith.addi %mul3A_446, %add3A_496 : vector<16xi32>
    %gather3A_498 = tpu.vector_load_idx %arg6[%add3A_497] : memref<1120xf32, #tpu.memory_space<vmem>>[vector<16xi32>], vector<16xf32>,
    %mul3A_499 = arith.mulf %gather3A_498, %get3A_32 : vector<16xf32>
    %add3A_500 = arith.addf %add3A_494, %mul3A_499 : vector<16xf32>
    %add3A_501 = arith.constant 9 : i32
    %add3A_502 = vector.broadcast %add3A_501 : i32 to vector<16xi32>
    %add3A_503 = arith.addi %mul3A_446, %add3A_502 : vector<16xi32>
    %gather3A_504 = tpu.vector_load_idx %arg6[%add3A_503] : memref<1120xf32, #tpu.memory_space<vmem>>[vector<16xi32>], vector<16xf32>,
    %mul3A_505 = arith.mulf %gather3A_504, %get3A_34 : vector<16xf32>
    %add3A_506 = arith.addf %add3A_500, %mul3A_505 : vector<16xf32>
    %swap3A_507 = arith.constant 96 : index
    %swap3A_508 = tpu.vector_load %arg8[%swap3A_507] {strides = array<i32>} : memref<112xf32, #tpu.memory_space<vmem>>, vector<16xf32>,
    tpu.vector_store %arg8[%swap3A_507], %add3A_506 {strides = array<i32>} : memref<112xf32, #tpu.memory_space<vmem>>, vector<16xf32>,
    %jit3A = arith.constant 8 : i32
    %div3A = vector.broadcast %jit3A : i32 to vector<16xi32>
    %div3A_509 = arith.divsi %iota3A, %div3A : vector<16xi32>
    %sign3A = arith.constant 0 : i32
    %sign3A_510 = vector.broadcast %sign3A : i32 to vector<16xi32>
    %sign3A_511 = arith.cmpi sgt, %iota3A, %sign3A_510 : vector<16xi32>
    %sign3A_512 = arith.extui %sign3A_511 : vector<16xi1> to vector<16xi32>
    %sign3A_513 = arith.constant 0 : i32
    %sign3A_514 = vector.broadcast %sign3A_513 : i32 to vector<16xi32>
    %sign3A_515 = arith.cmpi slt, %iota3A, %sign3A_514 : vector<16xi32>
    %sign3A_516 = arith.extui %sign3A_515 : vector<16xi1> to vector<16xi32>
    %sign3A_517 = arith.subi %sign3A_512, %sign3A_516 : vector<16xi32>
    %sign3A_518 = arith.constant 0 : i32
    %sign3A_519 = arith.cmpi sgt, %jit3A, %sign3A_518 : i32
    %sign3A_520 = arith.extui %sign3A_519 : i1 to i32
    %sign3A_521 = arith.constant 0 : i32
    %sign3A_522 = arith.cmpi slt, %jit3A, %sign3A_521 : i32
    %sign3A_523 = arith.extui %sign3A_522 : i1 to i32
    %sign3A_524 = arith.subi %sign3A_520, %sign3A_523 : i32
    %ne3A = vector.broadcast %sign3A_524 : i32 to vector<16xi32>
    %ne3A_525 = arith.cmpi ne, %sign3A_517, %ne3A : vector<16xi32>
    %rem3A = vector.broadcast %jit3A : i32 to vector<16xi32>
    %rem3A_526 = arith.remsi %iota3A, %rem3A : vector<16xi32>
    %ne3A_527 = arith.constant 0 : i32
    %ne3A_528 = vector.broadcast %ne3A_527 : i32 to vector<16xi32>
    %ne3A_529 = arith.cmpi ne, %rem3A_526, %ne3A_528 : vector<16xi32>
    %and3A = arith.andi %ne3A_525, %ne3A_529 : vector<16xi1>
    %sub3A = arith.constant 1 : i32
    %sub3A_530 = vector.broadcast %sub3A : i32 to vector<16xi32>
    %sub3A_531 = arith.subi %div3A_509, %sub3A_530 : vector<16xi32>
    %select_n3A = arith.select %and3A, %sub3A_531, %div3A_509 : vector<16xi1>, vector<16xi32>
    %jit3A_532 = arith.constant 8 : i32
    %eq3A = arith.constant 0 : i32
    %eq3A_533 = arith.cmpi eq, %jit3A_532, %eq3A : i32
    %jit3A_534 = arith.constant 1 : i32
    %select_n3A_535 = arith.select %eq3A_533, %jit3A_534, %jit3A_532 : i32
    %rem3A_536 = vector.broadcast %select_n3A_535 : i32 to vector<16xi32>
    %rem3A_537 = arith.remsi %iota3A, %rem3A_536 : vector<16xi32>
    %ne3A_538 = arith.constant 0 : i32
    %ne3A_539 = vector.broadcast %ne3A_538 : i32 to vector<16xi32>
    %ne3A_540 = arith.cmpi ne, %rem3A_537, %ne3A_539 : vector<16xi32>
    %lt3A = arith.constant 0 : i32
    %lt3A_541 = vector.broadcast %lt3A : i32 to vector<16xi32>
    %lt3A_542 = arith.cmpi slt, %rem3A_537, %lt3A_541 : vector<16xi32>
    %lt3A_543 = arith.constant 0 : i32
    %lt3A_544 = arith.cmpi slt, %select_n3A_535, %lt3A_543 : i32
    %ne3A_545 = vector.broadcast %lt3A_544 : i1 to vector<16xi1>
    %ne3A_546 = vector.broadcast %ne3A_545 : vector<16xi1> to vector<16xi1>
    %ne3A_547 = arith.xori %lt3A_542, %ne3A_546 : vector<16xi1>
    %and3A_548 = arith.andi %ne3A_547, %ne3A_540 : vector<16xi1>
    %add3A_549 = vector.broadcast %select_n3A_535 : i32 to vector<16xi32>
    %add3A_550 = arith.addi %rem3A_537, %add3A_549 : vector<16xi32>
    %select_n3A_551 = arith.select %and3A_548, %add3A_550, %rem3A_537 : vector<16xi1>, vector<16xi32>
    %add3A_552 = arith.constant 192 : i32
    %add3A_553 = vector.broadcast %add3A_552 : i32 to vector<16xi32>
    %add3A_554 = arith.addi %add3A_553, %select_n3A_551 : vector<16xi32>
    %dma_wait3A = arith.constant 0 : i32
    %dma_wait3A_555 = tpu.memref_slice %arg2[%add3A_4, %dma_wait3A] : memref<16384x200xi32, #tpu.memory_space<hbm>> -> memref<64x200xi32, #tpu.memory_space<hbm>>
    %dma_wait3A_556 = arith.constant 0 : i32
    %dma_wait3A_557 = tpu.memref_slice %arg2[%add3A_4, %dma_wait3A_556] : memref<16384x200xi32, #tpu.memory_space<hbm>> -> memref<64x200xi32, #tpu.memory_space<hbm>>
    tpu.wait_dma2 semaphore(%arg13 : memref<!tpu.dma_semaphore, #tpu.memory_space<semaphore_mem>>) src(%dma_wait3A_557 : memref<64x200xi32, #tpu.memory_space<hbm>>) dst(%arg9 : memref<64x200xi32, #tpu.memory_space<vmem>>)
    %parallel_loop3A = arith.constant 0 : i32
    %parallel_loop3A_558 = arith.constant 64 : i32
    %parallel_loop3A_559 = arith.constant 1 : i32
    scf.for %parallel_loop3A_749 = %parallel_loop3A to %parallel_loop3A_558 step %parallel_loop3A_559  : i32 {
      %parallel_loop3A_750 = arith.index_cast %parallel_loop3A_749 : i32 to index
      %parallel_loop3A_751 = arith.constant 0 : index
      %parallel_loop3A_752 = tpu.vector_load %arg9[%parallel_loop3A_750, %parallel_loop3A_751] {strides = array<i32>} : memref<64x200xi32, #tpu.memory_space<vmem>>, vector<16xi32>,
      %parallel_loop3A_753 = tpu.vector_load_idx %arg8[%parallel_loop3A_752] : memref<112xf32, #tpu.memory_space<vmem>>[vector<16xi32>], vector<16xf32>,
      %parallel_loop3A_754 = arith.index_cast %parallel_loop3A_749 : i32 to index
      %parallel_loop3A_755 = arith.constant 0 : index
      %parallel_loop3A_756 = tpu.vector_load %arg11[%parallel_loop3A_754, %parallel_loop3A_755] {strides = array<i32>} : memref<64x200xf32, #tpu.memory_space<vmem>>, vector<16xf32>,
      tpu.vector_store %arg11[%parallel_loop3A_754, %parallel_loop3A_755], %parallel_loop3A_753 {strides = array<i32>} : memref<64x200xf32, #tpu.memory_space<vmem>>, vector<16xf32>,
      %parallel_loop3A_757 = arith.index_cast %parallel_loop3A_749 : i32 to index
      %parallel_loop3A_758 = arith.constant 16 : index
      %parallel_loop3A_759 = tpu.vector_load %arg9[%parallel_loop3A_757, %parallel_loop3A_758] {strides = array<i32>} : memref<64x200xi32, #tpu.memory_space<vmem>>, vector<16xi32>,
      %parallel_loop3A_760 = tpu.vector_load_idx %arg8[%parallel_loop3A_759] : memref<112xf32, #tpu.memory_space<vmem>>[vector<16xi32>], vector<16xf32>,
      %parallel_loop3A_761 = arith.index_cast %parallel_loop3A_749 : i32 to index
      %parallel_loop3A_762 = arith.constant 16 : index
      %parallel_loop3A_763 = tpu.vector_load %arg11[%parallel_loop3A_761, %parallel_loop3A_762] {strides = array<i32>} : memref<64x200xf32, #tpu.memory_space<vmem>>, vector<16xf32>,
      tpu.vector_store %arg11[%parallel_loop3A_761, %parallel_loop3A_762], %parallel_loop3A_760 {strides = array<i32>} : memref<64x200xf32, #tpu.memory_space<vmem>>, vector<16xf32>,
      %parallel_loop3A_764 = arith.index_cast %parallel_loop3A_749 : i32 to index
      %parallel_loop3A_765 = arith.constant 32 : index
      %parallel_loop3A_766 = tpu.vector_load %arg9[%parallel_loop3A_764, %parallel_loop3A_765] {strides = array<i32>} : memref<64x200xi32, #tpu.memory_space<vmem>>, vector<16xi32>,
      %parallel_loop3A_767 = tpu.vector_load_idx %arg8[%parallel_loop3A_766] : memref<112xf32, #tpu.memory_space<vmem>>[vector<16xi32>], vector<16xf32>,
      %parallel_loop3A_768 = arith.index_cast %parallel_loop3A_749 : i32 to index
      %parallel_loop3A_769 = arith.constant 32 : index
      %parallel_loop3A_770 = tpu.vector_load %arg11[%parallel_loop3A_768, %parallel_loop3A_769] {strides = array<i32>} : memref<64x200xf32, #tpu.memory_space<vmem>>, vector<16xf32>,
      tpu.vector_store %arg11[%parallel_loop3A_768, %parallel_loop3A_769], %parallel_loop3A_767 {strides = array<i32>} : memref<64x200xf32, #tpu.memory_space<vmem>>, vector<16xf32>,
      %parallel_loop3A_771 = arith.index_cast %parallel_loop3A_749 : i32 to index
      %parallel_loop3A_772 = arith.constant 48 : index
      %parallel_loop3A_773 = tpu.vector_load %arg9[%parallel_loop3A_771, %parallel_loop3A_772] {strides = array<i32>} : memref<64x200xi32, #tpu.memory_space<vmem>>, vector<16xi32>,
      %parallel_loop3A_774 = tpu.vector_load_idx %arg8[%parallel_loop3A_773] : memref<112xf32, #tpu.memory_space<vmem>>[vector<16xi32>], vector<16xf32>,
      %parallel_loop3A_775 = arith.index_cast %parallel_loop3A_749 : i32 to index
      %parallel_loop3A_776 = arith.constant 48 : index
      %parallel_loop3A_777 = tpu.vector_load %arg11[%parallel_loop3A_775, %parallel_loop3A_776] {strides = array<i32>} : memref<64x200xf32, #tpu.memory_space<vmem>>, vector<16xf32>,
      tpu.vector_store %arg11[%parallel_loop3A_775, %parallel_loop3A_776], %parallel_loop3A_774 {strides = array<i32>} : memref<64x200xf32, #tpu.memory_space<vmem>>, vector<16xf32>,
      %parallel_loop3A_778 = arith.index_cast %parallel_loop3A_749 : i32 to index
      %parallel_loop3A_779 = arith.constant 64 : index
      %parallel_loop3A_780 = tpu.vector_load %arg9[%parallel_loop3A_778, %parallel_loop3A_779] {strides = array<i32>} : memref<64x200xi32, #tpu.memory_space<vmem>>, vector<16xi32>,
      %parallel_loop3A_781 = tpu.vector_load_idx %arg8[%parallel_loop3A_780] : memref<112xf32, #tpu.memory_space<vmem>>[vector<16xi32>], vector<16xf32>,
      %parallel_loop3A_782 = arith.index_cast %parallel_loop3A_749 : i32 to index
      %parallel_loop3A_783 = arith.constant 64 : index
      %parallel_loop3A_784 = tpu.vector_load %arg11[%parallel_loop3A_782, %parallel_loop3A_783] {strides = array<i32>} : memref<64x200xf32, #tpu.memory_space<vmem>>, vector<16xf32>,
      tpu.vector_store %arg11[%parallel_loop3A_782, %parallel_loop3A_783], %parallel_loop3A_781 {strides = array<i32>} : memref<64x200xf32, #tpu.memory_space<vmem>>, vector<16xf32>,
      %parallel_loop3A_785 = arith.index_cast %parallel_loop3A_749 : i32 to index
      %parallel_loop3A_786 = arith.constant 80 : index
      %parallel_loop3A_787 = tpu.vector_load %arg9[%parallel_loop3A_785, %parallel_loop3A_786] {strides = array<i32>} : memref<64x200xi32, #tpu.memory_space<vmem>>, vector<16xi32>,
      %parallel_loop3A_788 = tpu.vector_load_idx %arg8[%parallel_loop3A_787] : memref<112xf32, #tpu.memory_space<vmem>>[vector<16xi32>], vector<16xf32>,
      %parallel_loop3A_789 = arith.index_cast %parallel_loop3A_749 : i32 to index
      %parallel_loop3A_790 = arith.constant 80 : index
      %parallel_loop3A_791 = tpu.vector_load %arg11[%parallel_loop3A_789, %parallel_loop3A_790] {strides = array<i32>} : memref<64x200xf32, #tpu.memory_space<vmem>>, vector<16xf32>,
      tpu.vector_store %arg11[%parallel_loop3A_789, %parallel_loop3A_790], %parallel_loop3A_788 {strides = array<i32>} : memref<64x200xf32, #tpu.memory_space<vmem>>, vector<16xf32>,
      %parallel_loop3A_792 = arith.index_cast %parallel_loop3A_749 : i32 to index
      %parallel_loop3A_793 = arith.constant 96 : index
      %parallel_loop3A_794 = tpu.vector_load %arg9[%parallel_loop3A_792, %parallel_loop3A_793] {strides = array<i32>} : memref<64x200xi32, #tpu.memory_space<vmem>>, vector<16xi32>,
      %parallel_loop3A_795 = tpu.vector_load_idx %arg8[%parallel_loop3A_794] : memref<112xf32, #tpu.memory_space<vmem>>[vector<16xi32>], vector<16xf32>,
      %parallel_loop3A_796 = arith.index_cast %parallel_loop3A_749 : i32 to index
      %parallel_loop3A_797 = arith.constant 96 : index
      %parallel_loop3A_798 = tpu.vector_load %arg11[%parallel_loop3A_796, %parallel_loop3A_797] {strides = array<i32>} : memref<64x200xf32, #tpu.memory_space<vmem>>, vector<16xf32>,
      tpu.vector_store %arg11[%parallel_loop3A_796, %parallel_loop3A_797], %parallel_loop3A_795 {strides = array<i32>} : memref<64x200xf32, #tpu.memory_space<vmem>>, vector<16xf32>,
      %parallel_loop3A_799 = arith.index_cast %parallel_loop3A_749 : i32 to index
      %parallel_loop3A_800 = arith.constant 112 : index
      %parallel_loop3A_801 = tpu.vector_load %arg9[%parallel_loop3A_799, %parallel_loop3A_800] {strides = array<i32>} : memref<64x200xi32, #tpu.memory_space<vmem>>, vector<16xi32>,
      %parallel_loop3A_802 = tpu.vector_load_idx %arg8[%parallel_loop3A_801] : memref<112xf32, #tpu.memory_space<vmem>>[vector<16xi32>], vector<16xf32>,
      %parallel_loop3A_803 = arith.index_cast %parallel_loop3A_749 : i32 to index
      %parallel_loop3A_804 = arith.constant 112 : index
      %parallel_loop3A_805 = tpu.vector_load %arg11[%parallel_loop3A_803, %parallel_loop3A_804] {strides = array<i32>} : memref<64x200xf32, #tpu.memory_space<vmem>>, vector<16xf32>,
      tpu.vector_store %arg11[%parallel_loop3A_803, %parallel_loop3A_804], %parallel_loop3A_802 {strides = array<i32>} : memref<64x200xf32, #tpu.memory_space<vmem>>, vector<16xf32>,
      %parallel_loop3A_806 = arith.index_cast %parallel_loop3A_749 : i32 to index
      %parallel_loop3A_807 = arith.constant 128 : index
      %parallel_loop3A_808 = tpu.vector_load %arg9[%parallel_loop3A_806, %parallel_loop3A_807] {strides = array<i32>} : memref<64x200xi32, #tpu.memory_space<vmem>>, vector<16xi32>,
      %parallel_loop3A_809 = tpu.vector_load_idx %arg8[%parallel_loop3A_808] : memref<112xf32, #tpu.memory_space<vmem>>[vector<16xi32>], vector<16xf32>,
      %parallel_loop3A_810 = arith.index_cast %parallel_loop3A_749 : i32 to index
      %parallel_loop3A_811 = arith.constant 128 : index
      %parallel_loop3A_812 = tpu.vector_load %arg11[%parallel_loop3A_810, %parallel_loop3A_811] {strides = array<i32>} : memref<64x200xf32, #tpu.memory_space<vmem>>, vector<16xf32>,
      tpu.vector_store %arg11[%parallel_loop3A_810, %parallel_loop3A_811], %parallel_loop3A_809 {strides = array<i32>} : memref<64x200xf32, #tpu.memory_space<vmem>>, vector<16xf32>,
      %parallel_loop3A_813 = arith.index_cast %parallel_loop3A_749 : i32 to index
      %parallel_loop3A_814 = arith.constant 144 : index
      %parallel_loop3A_815 = tpu.vector_load %arg9[%parallel_loop3A_813, %parallel_loop3A_814] {strides = array<i32>} : memref<64x200xi32, #tpu.memory_space<vmem>>, vector<16xi32>,
      %parallel_loop3A_816 = tpu.vector_load_idx %arg8[%parallel_loop3A_815] : memref<112xf32, #tpu.memory_space<vmem>>[vector<16xi32>], vector<16xf32>,
      %parallel_loop3A_817 = arith.index_cast %parallel_loop3A_749 : i32 to index
      %parallel_loop3A_818 = arith.constant 144 : index
      %parallel_loop3A_819 = tpu.vector_load %arg11[%parallel_loop3A_817, %parallel_loop3A_818] {strides = array<i32>} : memref<64x200xf32, #tpu.memory_space<vmem>>, vector<16xf32>,
      tpu.vector_store %arg11[%parallel_loop3A_817, %parallel_loop3A_818], %parallel_loop3A_816 {strides = array<i32>} : memref<64x200xf32, #tpu.memory_space<vmem>>, vector<16xf32>,
      %parallel_loop3A_820 = arith.index_cast %parallel_loop3A_749 : i32 to index
      %parallel_loop3A_821 = arith.constant 160 : index
      %parallel_loop3A_822 = tpu.vector_load %arg9[%parallel_loop3A_820, %parallel_loop3A_821] {strides = array<i32>} : memref<64x200xi32, #tpu.memory_space<vmem>>, vector<16xi32>,
      %parallel_loop3A_823 = tpu.vector_load_idx %arg8[%parallel_loop3A_822] : memref<112xf32, #tpu.memory_space<vmem>>[vector<16xi32>], vector<16xf32>,
      %parallel_loop3A_824 = arith.index_cast %parallel_loop3A_749 : i32 to index
      %parallel_loop3A_825 = arith.constant 160 : index
      %parallel_loop3A_826 = tpu.vector_load %arg11[%parallel_loop3A_824, %parallel_loop3A_825] {strides = array<i32>} : memref<64x200xf32, #tpu.memory_space<vmem>>, vector<16xf32>,
      tpu.vector_store %arg11[%parallel_loop3A_824, %parallel_loop3A_825], %parallel_loop3A_823 {strides = array<i32>} : memref<64x200xf32, #tpu.memory_space<vmem>>, vector<16xf32>,
      %parallel_loop3A_827 = arith.index_cast %parallel_loop3A_749 : i32 to index
      %parallel_loop3A_828 = arith.constant 176 : index
      %parallel_loop3A_829 = tpu.vector_load %arg9[%parallel_loop3A_827, %parallel_loop3A_828] {strides = array<i32>} : memref<64x200xi32, #tpu.memory_space<vmem>>, vector<16xi32>,
      %parallel_loop3A_830 = tpu.vector_load_idx %arg8[%parallel_loop3A_829] : memref<112xf32, #tpu.memory_space<vmem>>[vector<16xi32>], vector<16xf32>,
      %parallel_loop3A_831 = arith.index_cast %parallel_loop3A_749 : i32 to index
      %parallel_loop3A_832 = arith.constant 176 : index
      %parallel_loop3A_833 = tpu.vector_load %arg11[%parallel_loop3A_831, %parallel_loop3A_832] {strides = array<i32>} : memref<64x200xf32, #tpu.memory_space<vmem>>, vector<16xf32>,
      tpu.vector_store %arg11[%parallel_loop3A_831, %parallel_loop3A_832], %parallel_loop3A_830 {strides = array<i32>} : memref<64x200xf32, #tpu.memory_space<vmem>>, vector<16xf32>,
    } {sc.loop_unroll_factor = 2 : i64, sc.parallel_access}
    %parallel_loop3A_560 = arith.constant 0 : i32
    %parallel_loop3A_561 = arith.constant 32 : i32
    %parallel_loop3A_562 = arith.constant 1 : i32
    scf.for %parallel_loop3A_749 = %parallel_loop3A_560 to %parallel_loop3A_561 step %parallel_loop3A_562  : i32 {
      %parallel_loop3A_750 = arith.constant 2 : i32
      %parallel_loop3A_751 = arith.muli %parallel_loop3A_750, %parallel_loop3A_749 : i32
      %parallel_loop3A_752 = vector.broadcast %parallel_loop3A_751 : i32 to vector<16xi32>
      %parallel_loop3A_753 = arith.addi %parallel_loop3A_752, %select_n3A : vector<16xi32>
      %parallel_loop3A_754 = tpu.vector_load_idx %arg9[%parallel_loop3A_753, %add3A_554] : memref<64x200xi32, #tpu.memory_space<vmem>>[vector<16xi32>, vector<16xi32>], vector<16xi32>,
      %parallel_loop3A_755 = tpu.vector_load_idx %arg8[%parallel_loop3A_754] : memref<112xf32, #tpu.memory_space<vmem>>[vector<16xi32>], vector<16xf32>,
      tpu.vector_store_idx %arg11[%parallel_loop3A_753, %add3A_554], %parallel_loop3A_755 : memref<64x200xf32, #tpu.memory_space<vmem>>[vector<16xi32>, vector<16xi32>], vector<16xf32>,
    } {sc.loop_unroll_factor = 4 : i64, sc.parallel_access}
    %add3A_563 = arith.constant 128 : i32
    %add3A_564 = arith.addi %mul3A_2, %add3A_563 : i32
    %dma_start3A_565 = arith.constant 0 : i32
    %dma_start3A_566 = tpu.memref_slice %arg2[%add3A_564, %dma_start3A_565] : memref<16384x200xi32, #tpu.memory_space<hbm>> -> memref<64x200xi32, #tpu.memory_space<hbm>>
    %dma_start3A_567 = arith.constant 0 : i32
    %dma_start3A_568 = tpu.memref_slice %arg2[%add3A_564, %dma_start3A_567] : memref<16384x200xi32, #tpu.memory_space<hbm>> -> memref<64x200xi32, #tpu.memory_space<hbm>>
    tpu.enqueue_dma source(%dma_start3A_568 : memref<64x200xi32, #tpu.memory_space<hbm>>) target(%arg9 : memref<64x200xi32, #tpu.memory_space<vmem>>) target_semaphore(%arg13 : memref<!tpu.dma_semaphore, #tpu.memory_space<semaphore_mem>>)
    %add3A_569 = arith.constant 0 : i32
    %add3A_570 = arith.addi %mul3A_2, %add3A_569 : i32
    %dma_start3A_571 = arith.constant 0 : i32
    %dma_start3A_572 = tpu.memref_slice %arg5[%add3A_570, %dma_start3A_571] : memref<16384x200xf32, #tpu.memory_space<hbm>> -> memref<64x200xf32, #tpu.memory_space<hbm>>
    %dma_start3A_573 = arith.constant 0 : i32
    %dma_start3A_574 = tpu.memref_slice %arg5[%add3A_570, %dma_start3A_573] : memref<16384x200xf32, #tpu.memory_space<hbm>> -> memref<64x200xf32, #tpu.memory_space<hbm>>
    tpu.enqueue_dma source(%arg11 : memref<64x200xf32, #tpu.memory_space<vmem>>) target(%dma_start3A_574 : memref<64x200xf32, #tpu.memory_space<hbm>>) target_semaphore(%arg15 : memref<!tpu.dma_semaphore, #tpu.memory_space<semaphore_mem>>)
    %dma_wait3A_575 = arith.constant 0 : i32
    %dma_wait3A_576 = tpu.memref_slice %arg2[%add3A_9, %dma_wait3A_575] : memref<16384x200xi32, #tpu.memory_space<hbm>> -> memref<64x200xi32, #tpu.memory_space<hbm>>
    %dma_wait3A_577 = arith.constant 0 : i32
    %dma_wait3A_578 = tpu.memref_slice %arg2[%add3A_9, %dma_wait3A_577] : memref<16384x200xi32, #tpu.memory_space<hbm>> -> memref<64x200xi32, #tpu.memory_space<hbm>>
    tpu.wait_dma2 semaphore(%arg14 : memref<!tpu.dma_semaphore, #tpu.memory_space<semaphore_mem>>) src(%dma_wait3A_578 : memref<64x200xi32, #tpu.memory_space<hbm>>) dst(%arg10 : memref<64x200xi32, #tpu.memory_space<vmem>>)
    %parallel_loop3A_579 = arith.constant 0 : i32
    %parallel_loop3A_580 = arith.constant 64 : i32
    %parallel_loop3A_581 = arith.constant 1 : i32
    scf.for %parallel_loop3A_749 = %parallel_loop3A_579 to %parallel_loop3A_580 step %parallel_loop3A_581  : i32 {
      %parallel_loop3A_750 = arith.index_cast %parallel_loop3A_749 : i32 to index
      %parallel_loop3A_751 = arith.constant 0 : index
      %parallel_loop3A_752 = tpu.vector_load %arg10[%parallel_loop3A_750, %parallel_loop3A_751] {strides = array<i32>} : memref<64x200xi32, #tpu.memory_space<vmem>>, vector<16xi32>,
      %parallel_loop3A_753 = tpu.vector_load_idx %arg8[%parallel_loop3A_752] : memref<112xf32, #tpu.memory_space<vmem>>[vector<16xi32>], vector<16xf32>,
      %parallel_loop3A_754 = arith.index_cast %parallel_loop3A_749 : i32 to index
      %parallel_loop3A_755 = arith.constant 0 : index
      %parallel_loop3A_756 = tpu.vector_load %arg12[%parallel_loop3A_754, %parallel_loop3A_755] {strides = array<i32>} : memref<64x200xf32, #tpu.memory_space<vmem>>, vector<16xf32>,
      tpu.vector_store %arg12[%parallel_loop3A_754, %parallel_loop3A_755], %parallel_loop3A_753 {strides = array<i32>} : memref<64x200xf32, #tpu.memory_space<vmem>>, vector<16xf32>,
      %parallel_loop3A_757 = arith.index_cast %parallel_loop3A_749 : i32 to index
      %parallel_loop3A_758 = arith.constant 16 : index
      %parallel_loop3A_759 = tpu.vector_load %arg10[%parallel_loop3A_757, %parallel_loop3A_758] {strides = array<i32>} : memref<64x200xi32, #tpu.memory_space<vmem>>, vector<16xi32>,
      %parallel_loop3A_760 = tpu.vector_load_idx %arg8[%parallel_loop3A_759] : memref<112xf32, #tpu.memory_space<vmem>>[vector<16xi32>], vector<16xf32>,
      %parallel_loop3A_761 = arith.index_cast %parallel_loop3A_749 : i32 to index
      %parallel_loop3A_762 = arith.constant 16 : index
      %parallel_loop3A_763 = tpu.vector_load %arg12[%parallel_loop3A_761, %parallel_loop3A_762] {strides = array<i32>} : memref<64x200xf32, #tpu.memory_space<vmem>>, vector<16xf32>,
      tpu.vector_store %arg12[%parallel_loop3A_761, %parallel_loop3A_762], %parallel_loop3A_760 {strides = array<i32>} : memref<64x200xf32, #tpu.memory_space<vmem>>, vector<16xf32>,
      %parallel_loop3A_764 = arith.index_cast %parallel_loop3A_749 : i32 to index
      %parallel_loop3A_765 = arith.constant 32 : index
      %parallel_loop3A_766 = tpu.vector_load %arg10[%parallel_loop3A_764, %parallel_loop3A_765] {strides = array<i32>} : memref<64x200xi32, #tpu.memory_space<vmem>>, vector<16xi32>,
      %parallel_loop3A_767 = tpu.vector_load_idx %arg8[%parallel_loop3A_766] : memref<112xf32, #tpu.memory_space<vmem>>[vector<16xi32>], vector<16xf32>,
      %parallel_loop3A_768 = arith.index_cast %parallel_loop3A_749 : i32 to index
      %parallel_loop3A_769 = arith.constant 32 : index
      %parallel_loop3A_770 = tpu.vector_load %arg12[%parallel_loop3A_768, %parallel_loop3A_769] {strides = array<i32>} : memref<64x200xf32, #tpu.memory_space<vmem>>, vector<16xf32>,
      tpu.vector_store %arg12[%parallel_loop3A_768, %parallel_loop3A_769], %parallel_loop3A_767 {strides = array<i32>} : memref<64x200xf32, #tpu.memory_space<vmem>>, vector<16xf32>,
      %parallel_loop3A_771 = arith.index_cast %parallel_loop3A_749 : i32 to index
      %parallel_loop3A_772 = arith.constant 48 : index
      %parallel_loop3A_773 = tpu.vector_load %arg10[%parallel_loop3A_771, %parallel_loop3A_772] {strides = array<i32>} : memref<64x200xi32, #tpu.memory_space<vmem>>, vector<16xi32>,
      %parallel_loop3A_774 = tpu.vector_load_idx %arg8[%parallel_loop3A_773] : memref<112xf32, #tpu.memory_space<vmem>>[vector<16xi32>], vector<16xf32>,
      %parallel_loop3A_775 = arith.index_cast %parallel_loop3A_749 : i32 to index
      %parallel_loop3A_776 = arith.constant 48 : index
      %parallel_loop3A_777 = tpu.vector_load %arg12[%parallel_loop3A_775, %parallel_loop3A_776] {strides = array<i32>} : memref<64x200xf32, #tpu.memory_space<vmem>>, vector<16xf32>,
      tpu.vector_store %arg12[%parallel_loop3A_775, %parallel_loop3A_776], %parallel_loop3A_774 {strides = array<i32>} : memref<64x200xf32, #tpu.memory_space<vmem>>, vector<16xf32>,
      %parallel_loop3A_778 = arith.index_cast %parallel_loop3A_749 : i32 to index
      %parallel_loop3A_779 = arith.constant 64 : index
      %parallel_loop3A_780 = tpu.vector_load %arg10[%parallel_loop3A_778, %parallel_loop3A_779] {strides = array<i32>} : memref<64x200xi32, #tpu.memory_space<vmem>>, vector<16xi32>,
      %parallel_loop3A_781 = tpu.vector_load_idx %arg8[%parallel_loop3A_780] : memref<112xf32, #tpu.memory_space<vmem>>[vector<16xi32>], vector<16xf32>,
      %parallel_loop3A_782 = arith.index_cast %parallel_loop3A_749 : i32 to index
      %parallel_loop3A_783 = arith.constant 64 : index
      %parallel_loop3A_784 = tpu.vector_load %arg12[%parallel_loop3A_782, %parallel_loop3A_783] {strides = array<i32>} : memref<64x200xf32, #tpu.memory_space<vmem>>, vector<16xf32>,
      tpu.vector_store %arg12[%parallel_loop3A_782, %parallel_loop3A_783], %parallel_loop3A_781 {strides = array<i32>} : memref<64x200xf32, #tpu.memory_space<vmem>>, vector<16xf32>,
      %parallel_loop3A_785 = arith.index_cast %parallel_loop3A_749 : i32 to index
      %parallel_loop3A_786 = arith.constant 80 : index
      %parallel_loop3A_787 = tpu.vector_load %arg10[%parallel_loop3A_785, %parallel_loop3A_786] {strides = array<i32>} : memref<64x200xi32, #tpu.memory_space<vmem>>, vector<16xi32>,
      %parallel_loop3A_788 = tpu.vector_load_idx %arg8[%parallel_loop3A_787] : memref<112xf32, #tpu.memory_space<vmem>>[vector<16xi32>], vector<16xf32>,
      %parallel_loop3A_789 = arith.index_cast %parallel_loop3A_749 : i32 to index
      %parallel_loop3A_790 = arith.constant 80 : index
      %parallel_loop3A_791 = tpu.vector_load %arg12[%parallel_loop3A_789, %parallel_loop3A_790] {strides = array<i32>} : memref<64x200xf32, #tpu.memory_space<vmem>>, vector<16xf32>,
      tpu.vector_store %arg12[%parallel_loop3A_789, %parallel_loop3A_790], %parallel_loop3A_788 {strides = array<i32>} : memref<64x200xf32, #tpu.memory_space<vmem>>, vector<16xf32>,
      %parallel_loop3A_792 = arith.index_cast %parallel_loop3A_749 : i32 to index
      %parallel_loop3A_793 = arith.constant 96 : index
      %parallel_loop3A_794 = tpu.vector_load %arg10[%parallel_loop3A_792, %parallel_loop3A_793] {strides = array<i32>} : memref<64x200xi32, #tpu.memory_space<vmem>>, vector<16xi32>,
      %parallel_loop3A_795 = tpu.vector_load_idx %arg8[%parallel_loop3A_794] : memref<112xf32, #tpu.memory_space<vmem>>[vector<16xi32>], vector<16xf32>,
      %parallel_loop3A_796 = arith.index_cast %parallel_loop3A_749 : i32 to index
      %parallel_loop3A_797 = arith.constant 96 : index
      %parallel_loop3A_798 = tpu.vector_load %arg12[%parallel_loop3A_796, %parallel_loop3A_797] {strides = array<i32>} : memref<64x200xf32, #tpu.memory_space<vmem>>, vector<16xf32>,
      tpu.vector_store %arg12[%parallel_loop3A_796, %parallel_loop3A_797], %parallel_loop3A_795 {strides = array<i32>} : memref<64x200xf32, #tpu.memory_space<vmem>>, vector<16xf32>,
      %parallel_loop3A_799 = arith.index_cast %parallel_loop3A_749 : i32 to index
      %parallel_loop3A_800 = arith.constant 112 : index
      %parallel_loop3A_801 = tpu.vector_load %arg10[%parallel_loop3A_799, %parallel_loop3A_800] {strides = array<i32>} : memref<64x200xi32, #tpu.memory_space<vmem>>, vector<16xi32>,
      %parallel_loop3A_802 = tpu.vector_load_idx %arg8[%parallel_loop3A_801] : memref<112xf32, #tpu.memory_space<vmem>>[vector<16xi32>], vector<16xf32>,
      %parallel_loop3A_803 = arith.index_cast %parallel_loop3A_749 : i32 to index
      %parallel_loop3A_804 = arith.constant 112 : index
      %parallel_loop3A_805 = tpu.vector_load %arg12[%parallel_loop3A_803, %parallel_loop3A_804] {strides = array<i32>} : memref<64x200xf32, #tpu.memory_space<vmem>>, vector<16xf32>,
      tpu.vector_store %arg12[%parallel_loop3A_803, %parallel_loop3A_804], %parallel_loop3A_802 {strides = array<i32>} : memref<64x200xf32, #tpu.memory_space<vmem>>, vector<16xf32>,
      %parallel_loop3A_806 = arith.index_cast %parallel_loop3A_749 : i32 to index
      %parallel_loop3A_807 = arith.constant 128 : index
      %parallel_loop3A_808 = tpu.vector_load %arg10[%parallel_loop3A_806, %parallel_loop3A_807] {strides = array<i32>} : memref<64x200xi32, #tpu.memory_space<vmem>>, vector<16xi32>,
      %parallel_loop3A_809 = tpu.vector_load_idx %arg8[%parallel_loop3A_808] : memref<112xf32, #tpu.memory_space<vmem>>[vector<16xi32>], vector<16xf32>,
      %parallel_loop3A_810 = arith.index_cast %parallel_loop3A_749 : i32 to index
      %parallel_loop3A_811 = arith.constant 128 : index
      %parallel_loop3A_812 = tpu.vector_load %arg12[%parallel_loop3A_810, %parallel_loop3A_811] {strides = array<i32>} : memref<64x200xf32, #tpu.memory_space<vmem>>, vector<16xf32>,
      tpu.vector_store %arg12[%parallel_loop3A_810, %parallel_loop3A_811], %parallel_loop3A_809 {strides = array<i32>} : memref<64x200xf32, #tpu.memory_space<vmem>>, vector<16xf32>,
      %parallel_loop3A_813 = arith.index_cast %parallel_loop3A_749 : i32 to index
      %parallel_loop3A_814 = arith.constant 144 : index
      %parallel_loop3A_815 = tpu.vector_load %arg10[%parallel_loop3A_813, %parallel_loop3A_814] {strides = array<i32>} : memref<64x200xi32, #tpu.memory_space<vmem>>, vector<16xi32>,
      %parallel_loop3A_816 = tpu.vector_load_idx %arg8[%parallel_loop3A_815] : memref<112xf32, #tpu.memory_space<vmem>>[vector<16xi32>], vector<16xf32>,
      %parallel_loop3A_817 = arith.index_cast %parallel_loop3A_749 : i32 to index
      %parallel_loop3A_818 = arith.constant 144 : index
      %parallel_loop3A_819 = tpu.vector_load %arg12[%parallel_loop3A_817, %parallel_loop3A_818] {strides = array<i32>} : memref<64x200xf32, #tpu.memory_space<vmem>>, vector<16xf32>,
      tpu.vector_store %arg12[%parallel_loop3A_817, %parallel_loop3A_818], %parallel_loop3A_816 {strides = array<i32>} : memref<64x200xf32, #tpu.memory_space<vmem>>, vector<16xf32>,
      %parallel_loop3A_820 = arith.index_cast %parallel_loop3A_749 : i32 to index
      %parallel_loop3A_821 = arith.constant 160 : index
      %parallel_loop3A_822 = tpu.vector_load %arg10[%parallel_loop3A_820, %parallel_loop3A_821] {strides = array<i32>} : memref<64x200xi32, #tpu.memory_space<vmem>>, vector<16xi32>,
      %parallel_loop3A_823 = tpu.vector_load_idx %arg8[%parallel_loop3A_822] : memref<112xf32, #tpu.memory_space<vmem>>[vector<16xi32>], vector<16xf32>,
      %parallel_loop3A_824 = arith.index_cast %parallel_loop3A_749 : i32 to index
      %parallel_loop3A_825 = arith.constant 160 : index
      %parallel_loop3A_826 = tpu.vector_load %arg12[%parallel_loop3A_824, %parallel_loop3A_825] {strides = array<i32>} : memref<64x200xf32, #tpu.memory_space<vmem>>, vector<16xf32>,
      tpu.vector_store %arg12[%parallel_loop3A_824, %parallel_loop3A_825], %parallel_loop3A_823 {strides = array<i32>} : memref<64x200xf32, #tpu.memory_space<vmem>>, vector<16xf32>,
      %parallel_loop3A_827 = arith.index_cast %parallel_loop3A_749 : i32 to index
      %parallel_loop3A_828 = arith.constant 176 : index
      %parallel_loop3A_829 = tpu.vector_load %arg10[%parallel_loop3A_827, %parallel_loop3A_828] {strides = array<i32>} : memref<64x200xi32, #tpu.memory_space<vmem>>, vector<16xi32>,
      %parallel_loop3A_830 = tpu.vector_load_idx %arg8[%parallel_loop3A_829] : memref<112xf32, #tpu.memory_space<vmem>>[vector<16xi32>], vector<16xf32>,
      %parallel_loop3A_831 = arith.index_cast %parallel_loop3A_749 : i32 to index
      %parallel_loop3A_832 = arith.constant 176 : index
      %parallel_loop3A_833 = tpu.vector_load %arg12[%parallel_loop3A_831, %parallel_loop3A_832] {strides = array<i32>} : memref<64x200xf32, #tpu.memory_space<vmem>>, vector<16xf32>,
      tpu.vector_store %arg12[%parallel_loop3A_831, %parallel_loop3A_832], %parallel_loop3A_830 {strides = array<i32>} : memref<64x200xf32, #tpu.memory_space<vmem>>, vector<16xf32>,
    } {sc.loop_unroll_factor = 2 : i64, sc.parallel_access}
    %parallel_loop3A_582 = arith.constant 0 : i32
    %parallel_loop3A_583 = arith.constant 32 : i32
    %parallel_loop3A_584 = arith.constant 1 : i32
    scf.for %parallel_loop3A_749 = %parallel_loop3A_582 to %parallel_loop3A_583 step %parallel_loop3A_584  : i32 {
      %parallel_loop3A_750 = arith.constant 2 : i32
      %parallel_loop3A_751 = arith.muli %parallel_loop3A_750, %parallel_loop3A_749 : i32
      %parallel_loop3A_752 = vector.broadcast %parallel_loop3A_751 : i32 to vector<16xi32>
      %parallel_loop3A_753 = arith.addi %parallel_loop3A_752, %select_n3A : vector<16xi32>
      %parallel_loop3A_754 = tpu.vector_load_idx %arg10[%parallel_loop3A_753, %add3A_554] : memref<64x200xi32, #tpu.memory_space<vmem>>[vector<16xi32>, vector<16xi32>], vector<16xi32>,
      %parallel_loop3A_755 = tpu.vector_load_idx %arg8[%parallel_loop3A_754] : memref<112xf32, #tpu.memory_space<vmem>>[vector<16xi32>], vector<16xf32>,
      tpu.vector_store_idx %arg12[%parallel_loop3A_753, %add3A_554], %parallel_loop3A_755 : memref<64x200xf32, #tpu.memory_space<vmem>>[vector<16xi32>, vector<16xi32>], vector<16xf32>,
    } {sc.loop_unroll_factor = 4 : i64, sc.parallel_access}
    %add3A_585 = arith.constant 192 : i32
    %add3A_586 = arith.addi %mul3A_2, %add3A_585 : i32
    %dma_start3A_587 = arith.constant 0 : i32
    %dma_start3A_588 = tpu.memref_slice %arg2[%add3A_586, %dma_start3A_587] : memref<16384x200xi32, #tpu.memory_space<hbm>> -> memref<64x200xi32, #tpu.memory_space<hbm>>
    %dma_start3A_589 = arith.constant 0 : i32
    %dma_start3A_590 = tpu.memref_slice %arg2[%add3A_586, %dma_start3A_589] : memref<16384x200xi32, #tpu.memory_space<hbm>> -> memref<64x200xi32, #tpu.memory_space<hbm>>
    tpu.enqueue_dma source(%dma_start3A_590 : memref<64x200xi32, #tpu.memory_space<hbm>>) target(%arg10 : memref<64x200xi32, #tpu.memory_space<vmem>>) target_semaphore(%arg14 : memref<!tpu.dma_semaphore, #tpu.memory_space<semaphore_mem>>)
    %add3A_591 = arith.constant 64 : i32
    %add3A_592 = arith.addi %mul3A_2, %add3A_591 : i32
    %dma_start3A_593 = arith.constant 0 : i32
    %dma_start3A_594 = tpu.memref_slice %arg5[%add3A_592, %dma_start3A_593] : memref<16384x200xf32, #tpu.memory_space<hbm>> -> memref<64x200xf32, #tpu.memory_space<hbm>>
    %dma_start3A_595 = arith.constant 0 : i32
    %dma_start3A_596 = tpu.memref_slice %arg5[%add3A_592, %dma_start3A_595] : memref<16384x200xf32, #tpu.memory_space<hbm>> -> memref<64x200xf32, #tpu.memory_space<hbm>>
    tpu.enqueue_dma source(%arg12 : memref<64x200xf32, #tpu.memory_space<vmem>>) target(%dma_start3A_596 : memref<64x200xf32, #tpu.memory_space<hbm>>) target_semaphore(%arg16 : memref<!tpu.dma_semaphore, #tpu.memory_space<semaphore_mem>>)
    %dma_wait3A_597 = arith.constant 0 : i32
    %dma_wait3A_598 = tpu.memref_slice %arg2[%add3A_564, %dma_wait3A_597] : memref<16384x200xi32, #tpu.memory_space<hbm>> -> memref<64x200xi32, #tpu.memory_space<hbm>>
    %dma_wait3A_599 = arith.constant 0 : i32
    %dma_wait3A_600 = tpu.memref_slice %arg2[%add3A_564, %dma_wait3A_599] : memref<16384x200xi32, #tpu.memory_space<hbm>> -> memref<64x200xi32, #tpu.memory_space<hbm>>
    tpu.wait_dma2 semaphore(%arg13 : memref<!tpu.dma_semaphore, #tpu.memory_space<semaphore_mem>>) src(%dma_wait3A_600 : memref<64x200xi32, #tpu.memory_space<hbm>>) dst(%arg9 : memref<64x200xi32, #tpu.memory_space<vmem>>)
    %dma_wait3A_601 = arith.constant 0 : i32
    %dma_wait3A_602 = tpu.memref_slice %arg5[%add3A_570, %dma_wait3A_601] : memref<16384x200xf32, #tpu.memory_space<hbm>> -> memref<64x200xf32, #tpu.memory_space<hbm>>
    %dma_wait3A_603 = arith.constant 0 : i32
    %dma_wait3A_604 = tpu.memref_slice %arg5[%add3A_570, %dma_wait3A_603] : memref<16384x200xf32, #tpu.memory_space<hbm>> -> memref<64x200xf32, #tpu.memory_space<hbm>>
    tpu.wait_dma2 semaphore(%arg15 : memref<!tpu.dma_semaphore, #tpu.memory_space<semaphore_mem>>) src(%arg11 : memref<64x200xf32, #tpu.memory_space<vmem>>) dst(%dma_wait3A_604 : memref<64x200xf32, #tpu.memory_space<hbm>>)
    %parallel_loop3A_605 = arith.constant 0 : i32
    %parallel_loop3A_606 = arith.constant 64 : i32
    %parallel_loop3A_607 = arith.constant 1 : i32
    scf.for %parallel_loop3A_749 = %parallel_loop3A_605 to %parallel_loop3A_606 step %parallel_loop3A_607  : i32 {
      %parallel_loop3A_750 = arith.index_cast %parallel_loop3A_749 : i32 to index
      %parallel_loop3A_751 = arith.constant 0 : index
      %parallel_loop3A_752 = tpu.vector_load %arg9[%parallel_loop3A_750, %parallel_loop3A_751] {strides = array<i32>} : memref<64x200xi32, #tpu.memory_space<vmem>>, vector<16xi32>,
      %parallel_loop3A_753 = tpu.vector_load_idx %arg8[%parallel_loop3A_752] : memref<112xf32, #tpu.memory_space<vmem>>[vector<16xi32>], vector<16xf32>,
      %parallel_loop3A_754 = arith.index_cast %parallel_loop3A_749 : i32 to index
      %parallel_loop3A_755 = arith.constant 0 : index
      %parallel_loop3A_756 = tpu.vector_load %arg11[%parallel_loop3A_754, %parallel_loop3A_755] {strides = array<i32>} : memref<64x200xf32, #tpu.memory_space<vmem>>, vector<16xf32>,
      tpu.vector_store %arg11[%parallel_loop3A_754, %parallel_loop3A_755], %parallel_loop3A_753 {strides = array<i32>} : memref<64x200xf32, #tpu.memory_space<vmem>>, vector<16xf32>,
      %parallel_loop3A_757 = arith.index_cast %parallel_loop3A_749 : i32 to index
      %parallel_loop3A_758 = arith.constant 16 : index
      %parallel_loop3A_759 = tpu.vector_load %arg9[%parallel_loop3A_757, %parallel_loop3A_758] {strides = array<i32>} : memref<64x200xi32, #tpu.memory_space<vmem>>, vector<16xi32>,
      %parallel_loop3A_760 = tpu.vector_load_idx %arg8[%parallel_loop3A_759] : memref<112xf32, #tpu.memory_space<vmem>>[vector<16xi32>], vector<16xf32>,
      %parallel_loop3A_761 = arith.index_cast %parallel_loop3A_749 : i32 to index
      %parallel_loop3A_762 = arith.constant 16 : index
      %parallel_loop3A_763 = tpu.vector_load %arg11[%parallel_loop3A_761, %parallel_loop3A_762] {strides = array<i32>} : memref<64x200xf32, #tpu.memory_space<vmem>>, vector<16xf32>,
      tpu.vector_store %arg11[%parallel_loop3A_761, %parallel_loop3A_762], %parallel_loop3A_760 {strides = array<i32>} : memref<64x200xf32, #tpu.memory_space<vmem>>, vector<16xf32>,
      %parallel_loop3A_764 = arith.index_cast %parallel_loop3A_749 : i32 to index
      %parallel_loop3A_765 = arith.constant 32 : index
      %parallel_loop3A_766 = tpu.vector_load %arg9[%parallel_loop3A_764, %parallel_loop3A_765] {strides = array<i32>} : memref<64x200xi32, #tpu.memory_space<vmem>>, vector<16xi32>,
      %parallel_loop3A_767 = tpu.vector_load_idx %arg8[%parallel_loop3A_766] : memref<112xf32, #tpu.memory_space<vmem>>[vector<16xi32>], vector<16xf32>,
      %parallel_loop3A_768 = arith.index_cast %parallel_loop3A_749 : i32 to index
      %parallel_loop3A_769 = arith.constant 32 : index
      %parallel_loop3A_770 = tpu.vector_load %arg11[%parallel_loop3A_768, %parallel_loop3A_769] {strides = array<i32>} : memref<64x200xf32, #tpu.memory_space<vmem>>, vector<16xf32>,
      tpu.vector_store %arg11[%parallel_loop3A_768, %parallel_loop3A_769], %parallel_loop3A_767 {strides = array<i32>} : memref<64x200xf32, #tpu.memory_space<vmem>>, vector<16xf32>,
      %parallel_loop3A_771 = arith.index_cast %parallel_loop3A_749 : i32 to index
      %parallel_loop3A_772 = arith.constant 48 : index
      %parallel_loop3A_773 = tpu.vector_load %arg9[%parallel_loop3A_771, %parallel_loop3A_772] {strides = array<i32>} : memref<64x200xi32, #tpu.memory_space<vmem>>, vector<16xi32>,
      %parallel_loop3A_774 = tpu.vector_load_idx %arg8[%parallel_loop3A_773] : memref<112xf32, #tpu.memory_space<vmem>>[vector<16xi32>], vector<16xf32>,
      %parallel_loop3A_775 = arith.index_cast %parallel_loop3A_749 : i32 to index
      %parallel_loop3A_776 = arith.constant 48 : index
      %parallel_loop3A_777 = tpu.vector_load %arg11[%parallel_loop3A_775, %parallel_loop3A_776] {strides = array<i32>} : memref<64x200xf32, #tpu.memory_space<vmem>>, vector<16xf32>,
      tpu.vector_store %arg11[%parallel_loop3A_775, %parallel_loop3A_776], %parallel_loop3A_774 {strides = array<i32>} : memref<64x200xf32, #tpu.memory_space<vmem>>, vector<16xf32>,
      %parallel_loop3A_778 = arith.index_cast %parallel_loop3A_749 : i32 to index
      %parallel_loop3A_779 = arith.constant 64 : index
      %parallel_loop3A_780 = tpu.vector_load %arg9[%parallel_loop3A_778, %parallel_loop3A_779] {strides = array<i32>} : memref<64x200xi32, #tpu.memory_space<vmem>>, vector<16xi32>,
      %parallel_loop3A_781 = tpu.vector_load_idx %arg8[%parallel_loop3A_780] : memref<112xf32, #tpu.memory_space<vmem>>[vector<16xi32>], vector<16xf32>,
      %parallel_loop3A_782 = arith.index_cast %parallel_loop3A_749 : i32 to index
      %parallel_loop3A_783 = arith.constant 64 : index
      %parallel_loop3A_784 = tpu.vector_load %arg11[%parallel_loop3A_782, %parallel_loop3A_783] {strides = array<i32>} : memref<64x200xf32, #tpu.memory_space<vmem>>, vector<16xf32>,
      tpu.vector_store %arg11[%parallel_loop3A_782, %parallel_loop3A_783], %parallel_loop3A_781 {strides = array<i32>} : memref<64x200xf32, #tpu.memory_space<vmem>>, vector<16xf32>,
      %parallel_loop3A_785 = arith.index_cast %parallel_loop3A_749 : i32 to index
      %parallel_loop3A_786 = arith.constant 80 : index
      %parallel_loop3A_787 = tpu.vector_load %arg9[%parallel_loop3A_785, %parallel_loop3A_786] {strides = array<i32>} : memref<64x200xi32, #tpu.memory_space<vmem>>, vector<16xi32>,
      %parallel_loop3A_788 = tpu.vector_load_idx %arg8[%parallel_loop3A_787] : memref<112xf32, #tpu.memory_space<vmem>>[vector<16xi32>], vector<16xf32>,
      %parallel_loop3A_789 = arith.index_cast %parallel_loop3A_749 : i32 to index
      %parallel_loop3A_790 = arith.constant 80 : index
      %parallel_loop3A_791 = tpu.vector_load %arg11[%parallel_loop3A_789, %parallel_loop3A_790] {strides = array<i32>} : memref<64x200xf32, #tpu.memory_space<vmem>>, vector<16xf32>,
      tpu.vector_store %arg11[%parallel_loop3A_789, %parallel_loop3A_790], %parallel_loop3A_788 {strides = array<i32>} : memref<64x200xf32, #tpu.memory_space<vmem>>, vector<16xf32>,
      %parallel_loop3A_792 = arith.index_cast %parallel_loop3A_749 : i32 to index
      %parallel_loop3A_793 = arith.constant 96 : index
      %parallel_loop3A_794 = tpu.vector_load %arg9[%parallel_loop3A_792, %parallel_loop3A_793] {strides = array<i32>} : memref<64x200xi32, #tpu.memory_space<vmem>>, vector<16xi32>,
      %parallel_loop3A_795 = tpu.vector_load_idx %arg8[%parallel_loop3A_794] : memref<112xf32, #tpu.memory_space<vmem>>[vector<16xi32>], vector<16xf32>,
      %parallel_loop3A_796 = arith.index_cast %parallel_loop3A_749 : i32 to index
      %parallel_loop3A_797 = arith.constant 96 : index
      %parallel_loop3A_798 = tpu.vector_load %arg11[%parallel_loop3A_796, %parallel_loop3A_797] {strides = array<i32>} : memref<64x200xf32, #tpu.memory_space<vmem>>, vector<16xf32>,
      tpu.vector_store %arg11[%parallel_loop3A_796, %parallel_loop3A_797], %parallel_loop3A_795 {strides = array<i32>} : memref<64x200xf32, #tpu.memory_space<vmem>>, vector<16xf32>,
      %parallel_loop3A_799 = arith.index_cast %parallel_loop3A_749 : i32 to index
      %parallel_loop3A_800 = arith.constant 112 : index
      %parallel_loop3A_801 = tpu.vector_load %arg9[%parallel_loop3A_799, %parallel_loop3A_800] {strides = array<i32>} : memref<64x200xi32, #tpu.memory_space<vmem>>, vector<16xi32>,
      %parallel_loop3A_802 = tpu.vector_load_idx %arg8[%parallel_loop3A_801] : memref<112xf32, #tpu.memory_space<vmem>>[vector<16xi32>], vector<16xf32>,
      %parallel_loop3A_803 = arith.index_cast %parallel_loop3A_749 : i32 to index
      %parallel_loop3A_804 = arith.constant 112 : index
      %parallel_loop3A_805 = tpu.vector_load %arg11[%parallel_loop3A_803, %parallel_loop3A_804] {strides = array<i32>} : memref<64x200xf32, #tpu.memory_space<vmem>>, vector<16xf32>,
      tpu.vector_store %arg11[%parallel_loop3A_803, %parallel_loop3A_804], %parallel_loop3A_802 {strides = array<i32>} : memref<64x200xf32, #tpu.memory_space<vmem>>, vector<16xf32>,
      %parallel_loop3A_806 = arith.index_cast %parallel_loop3A_749 : i32 to index
      %parallel_loop3A_807 = arith.constant 128 : index
      %parallel_loop3A_808 = tpu.vector_load %arg9[%parallel_loop3A_806, %parallel_loop3A_807] {strides = array<i32>} : memref<64x200xi32, #tpu.memory_space<vmem>>, vector<16xi32>,
      %parallel_loop3A_809 = tpu.vector_load_idx %arg8[%parallel_loop3A_808] : memref<112xf32, #tpu.memory_space<vmem>>[vector<16xi32>], vector<16xf32>,
      %parallel_loop3A_810 = arith.index_cast %parallel_loop3A_749 : i32 to index
      %parallel_loop3A_811 = arith.constant 128 : index
      %parallel_loop3A_812 = tpu.vector_load %arg11[%parallel_loop3A_810, %parallel_loop3A_811] {strides = array<i32>} : memref<64x200xf32, #tpu.memory_space<vmem>>, vector<16xf32>,
      tpu.vector_store %arg11[%parallel_loop3A_810, %parallel_loop3A_811], %parallel_loop3A_809 {strides = array<i32>} : memref<64x200xf32, #tpu.memory_space<vmem>>, vector<16xf32>,
      %parallel_loop3A_813 = arith.index_cast %parallel_loop3A_749 : i32 to index
      %parallel_loop3A_814 = arith.constant 144 : index
      %parallel_loop3A_815 = tpu.vector_load %arg9[%parallel_loop3A_813, %parallel_loop3A_814] {strides = array<i32>} : memref<64x200xi32, #tpu.memory_space<vmem>>, vector<16xi32>,
      %parallel_loop3A_816 = tpu.vector_load_idx %arg8[%parallel_loop3A_815] : memref<112xf32, #tpu.memory_space<vmem>>[vector<16xi32>], vector<16xf32>,
      %parallel_loop3A_817 = arith.index_cast %parallel_loop3A_749 : i32 to index
      %parallel_loop3A_818 = arith.constant 144 : index
      %parallel_loop3A_819 = tpu.vector_load %arg11[%parallel_loop3A_817, %parallel_loop3A_818] {strides = array<i32>} : memref<64x200xf32, #tpu.memory_space<vmem>>, vector<16xf32>,
      tpu.vector_store %arg11[%parallel_loop3A_817, %parallel_loop3A_818], %parallel_loop3A_816 {strides = array<i32>} : memref<64x200xf32, #tpu.memory_space<vmem>>, vector<16xf32>,
      %parallel_loop3A_820 = arith.index_cast %parallel_loop3A_749 : i32 to index
      %parallel_loop3A_821 = arith.constant 160 : index
      %parallel_loop3A_822 = tpu.vector_load %arg9[%parallel_loop3A_820, %parallel_loop3A_821] {strides = array<i32>} : memref<64x200xi32, #tpu.memory_space<vmem>>, vector<16xi32>,
      %parallel_loop3A_823 = tpu.vector_load_idx %arg8[%parallel_loop3A_822] : memref<112xf32, #tpu.memory_space<vmem>>[vector<16xi32>], vector<16xf32>,
      %parallel_loop3A_824 = arith.index_cast %parallel_loop3A_749 : i32 to index
      %parallel_loop3A_825 = arith.constant 160 : index
      %parallel_loop3A_826 = tpu.vector_load %arg11[%parallel_loop3A_824, %parallel_loop3A_825] {strides = array<i32>} : memref<64x200xf32, #tpu.memory_space<vmem>>, vector<16xf32>,
      tpu.vector_store %arg11[%parallel_loop3A_824, %parallel_loop3A_825], %parallel_loop3A_823 {strides = array<i32>} : memref<64x200xf32, #tpu.memory_space<vmem>>, vector<16xf32>,
      %parallel_loop3A_827 = arith.index_cast %parallel_loop3A_749 : i32 to index
      %parallel_loop3A_828 = arith.constant 176 : index
      %parallel_loop3A_829 = tpu.vector_load %arg9[%parallel_loop3A_827, %parallel_loop3A_828] {strides = array<i32>} : memref<64x200xi32, #tpu.memory_space<vmem>>, vector<16xi32>,
      %parallel_loop3A_830 = tpu.vector_load_idx %arg8[%parallel_loop3A_829] : memref<112xf32, #tpu.memory_space<vmem>>[vector<16xi32>], vector<16xf32>,
      %parallel_loop3A_831 = arith.index_cast %parallel_loop3A_749 : i32 to index
      %parallel_loop3A_832 = arith.constant 176 : index
      %parallel_loop3A_833 = tpu.vector_load %arg11[%parallel_loop3A_831, %parallel_loop3A_832] {strides = array<i32>} : memref<64x200xf32, #tpu.memory_space<vmem>>, vector<16xf32>,
      tpu.vector_store %arg11[%parallel_loop3A_831, %parallel_loop3A_832], %parallel_loop3A_830 {strides = array<i32>} : memref<64x200xf32, #tpu.memory_space<vmem>>, vector<16xf32>,
    } {sc.loop_unroll_factor = 2 : i64, sc.parallel_access}
    %parallel_loop3A_608 = arith.constant 0 : i32
    %parallel_loop3A_609 = arith.constant 32 : i32
    %parallel_loop3A_610 = arith.constant 1 : i32
    scf.for %parallel_loop3A_749 = %parallel_loop3A_608 to %parallel_loop3A_609 step %parallel_loop3A_610  : i32 {
      %parallel_loop3A_750 = arith.constant 2 : i32
      %parallel_loop3A_751 = arith.muli %parallel_loop3A_750, %parallel_loop3A_749 : i32
      %parallel_loop3A_752 = vector.broadcast %parallel_loop3A_751 : i32 to vector<16xi32>
      %parallel_loop3A_753 = arith.addi %parallel_loop3A_752, %select_n3A : vector<16xi32>
      %parallel_loop3A_754 = tpu.vector_load_idx %arg9[%parallel_loop3A_753, %add3A_554] : memref<64x200xi32, #tpu.memory_space<vmem>>[vector<16xi32>, vector<16xi32>], vector<16xi32>,
      %parallel_loop3A_755 = tpu.vector_load_idx %arg8[%parallel_loop3A_754] : memref<112xf32, #tpu.memory_space<vmem>>[vector<16xi32>], vector<16xf32>,
      tpu.vector_store_idx %arg11[%parallel_loop3A_753, %add3A_554], %parallel_loop3A_755 : memref<64x200xf32, #tpu.memory_space<vmem>>[vector<16xi32>, vector<16xi32>], vector<16xf32>,
    } {sc.loop_unroll_factor = 4 : i64, sc.parallel_access}
    %add3A_611 = arith.constant 256 : i32
    %add3A_612 = arith.addi %mul3A_2, %add3A_611 : i32
    %dma_start3A_613 = arith.constant 0 : i32
    %dma_start3A_614 = tpu.memref_slice %arg2[%add3A_612, %dma_start3A_613] : memref<16384x200xi32, #tpu.memory_space<hbm>> -> memref<64x200xi32, #tpu.memory_space<hbm>>
    %dma_start3A_615 = arith.constant 0 : i32
    %dma_start3A_616 = tpu.memref_slice %arg2[%add3A_612, %dma_start3A_615] : memref<16384x200xi32, #tpu.memory_space<hbm>> -> memref<64x200xi32, #tpu.memory_space<hbm>>
    tpu.enqueue_dma source(%dma_start3A_616 : memref<64x200xi32, #tpu.memory_space<hbm>>) target(%arg9 : memref<64x200xi32, #tpu.memory_space<vmem>>) target_semaphore(%arg13 : memref<!tpu.dma_semaphore, #tpu.memory_space<semaphore_mem>>)
    %add3A_617 = arith.constant 128 : i32
    %add3A_618 = arith.addi %mul3A_2, %add3A_617 : i32
    %dma_start3A_619 = arith.constant 0 : i32
    %dma_start3A_620 = tpu.memref_slice %arg5[%add3A_618, %dma_start3A_619] : memref<16384x200xf32, #tpu.memory_space<hbm>> -> memref<64x200xf32, #tpu.memory_space<hbm>>
    %dma_start3A_621 = arith.constant 0 : i32
    %dma_start3A_622 = tpu.memref_slice %arg5[%add3A_618, %dma_start3A_621] : memref<16384x200xf32, #tpu.memory_space<hbm>> -> memref<64x200xf32, #tpu.memory_space<hbm>>
    tpu.enqueue_dma source(%arg11 : memref<64x200xf32, #tpu.memory_space<vmem>>) target(%dma_start3A_622 : memref<64x200xf32, #tpu.memory_space<hbm>>) target_semaphore(%arg15 : memref<!tpu.dma_semaphore, #tpu.memory_space<semaphore_mem>>)
    %dma_wait3A_623 = arith.constant 0 : i32
    %dma_wait3A_624 = tpu.memref_slice %arg2[%add3A_586, %dma_wait3A_623] : memref<16384x200xi32, #tpu.memory_space<hbm>> -> memref<64x200xi32, #tpu.memory_space<hbm>>
    %dma_wait3A_625 = arith.constant 0 : i32
    %dma_wait3A_626 = tpu.memref_slice %arg2[%add3A_586, %dma_wait3A_625] : memref<16384x200xi32, #tpu.memory_space<hbm>> -> memref<64x200xi32, #tpu.memory_space<hbm>>
    tpu.wait_dma2 semaphore(%arg14 : memref<!tpu.dma_semaphore, #tpu.memory_space<semaphore_mem>>) src(%dma_wait3A_626 : memref<64x200xi32, #tpu.memory_space<hbm>>) dst(%arg10 : memref<64x200xi32, #tpu.memory_space<vmem>>)
    %dma_wait3A_627 = arith.constant 0 : i32
    %dma_wait3A_628 = tpu.memref_slice %arg5[%add3A_592, %dma_wait3A_627] : memref<16384x200xf32, #tpu.memory_space<hbm>> -> memref<64x200xf32, #tpu.memory_space<hbm>>
    %dma_wait3A_629 = arith.constant 0 : i32
    %dma_wait3A_630 = tpu.memref_slice %arg5[%add3A_592, %dma_wait3A_629] : memref<16384x200xf32, #tpu.memory_space<hbm>> -> memref<64x200xf32, #tpu.memory_space<hbm>>
    tpu.wait_dma2 semaphore(%arg16 : memref<!tpu.dma_semaphore, #tpu.memory_space<semaphore_mem>>) src(%arg12 : memref<64x200xf32, #tpu.memory_space<vmem>>) dst(%dma_wait3A_630 : memref<64x200xf32, #tpu.memory_space<hbm>>)
    %parallel_loop3A_631 = arith.constant 0 : i32
    %parallel_loop3A_632 = arith.constant 64 : i32
    %parallel_loop3A_633 = arith.constant 1 : i32
    scf.for %parallel_loop3A_749 = %parallel_loop3A_631 to %parallel_loop3A_632 step %parallel_loop3A_633  : i32 {
      %parallel_loop3A_750 = arith.index_cast %parallel_loop3A_749 : i32 to index
      %parallel_loop3A_751 = arith.constant 0 : index
      %parallel_loop3A_752 = tpu.vector_load %arg10[%parallel_loop3A_750, %parallel_loop3A_751] {strides = array<i32>} : memref<64x200xi32, #tpu.memory_space<vmem>>, vector<16xi32>,
      %parallel_loop3A_753 = tpu.vector_load_idx %arg8[%parallel_loop3A_752] : memref<112xf32, #tpu.memory_space<vmem>>[vector<16xi32>], vector<16xf32>,
      %parallel_loop3A_754 = arith.index_cast %parallel_loop3A_749 : i32 to index
      %parallel_loop3A_755 = arith.constant 0 : index
      %parallel_loop3A_756 = tpu.vector_load %arg12[%parallel_loop3A_754, %parallel_loop3A_755] {strides = array<i32>} : memref<64x200xf32, #tpu.memory_space<vmem>>, vector<16xf32>,
      tpu.vector_store %arg12[%parallel_loop3A_754, %parallel_loop3A_755], %parallel_loop3A_753 {strides = array<i32>} : memref<64x200xf32, #tpu.memory_space<vmem>>, vector<16xf32>,
      %parallel_loop3A_757 = arith.index_cast %parallel_loop3A_749 : i32 to index
      %parallel_loop3A_758 = arith.constant 16 : index
      %parallel_loop3A_759 = tpu.vector_load %arg10[%parallel_loop3A_757, %parallel_loop3A_758] {strides = array<i32>} : memref<64x200xi32, #tpu.memory_space<vmem>>, vector<16xi32>,
      %parallel_loop3A_760 = tpu.vector_load_idx %arg8[%parallel_loop3A_759] : memref<112xf32, #tpu.memory_space<vmem>>[vector<16xi32>], vector<16xf32>,
      %parallel_loop3A_761 = arith.index_cast %parallel_loop3A_749 : i32 to index
      %parallel_loop3A_762 = arith.constant 16 : index
      %parallel_loop3A_763 = tpu.vector_load %arg12[%parallel_loop3A_761, %parallel_loop3A_762] {strides = array<i32>} : memref<64x200xf32, #tpu.memory_space<vmem>>, vector<16xf32>,
      tpu.vector_store %arg12[%parallel_loop3A_761, %parallel_loop3A_762], %parallel_loop3A_760 {strides = array<i32>} : memref<64x200xf32, #tpu.memory_space<vmem>>, vector<16xf32>,
      %parallel_loop3A_764 = arith.index_cast %parallel_loop3A_749 : i32 to index
      %parallel_loop3A_765 = arith.constant 32 : index
      %parallel_loop3A_766 = tpu.vector_load %arg10[%parallel_loop3A_764, %parallel_loop3A_765] {strides = array<i32>} : memref<64x200xi32, #tpu.memory_space<vmem>>, vector<16xi32>,
      %parallel_loop3A_767 = tpu.vector_load_idx %arg8[%parallel_loop3A_766] : memref<112xf32, #tpu.memory_space<vmem>>[vector<16xi32>], vector<16xf32>,
      %parallel_loop3A_768 = arith.index_cast %parallel_loop3A_749 : i32 to index
      %parallel_loop3A_769 = arith.constant 32 : index
      %parallel_loop3A_770 = tpu.vector_load %arg12[%parallel_loop3A_768, %parallel_loop3A_769] {strides = array<i32>} : memref<64x200xf32, #tpu.memory_space<vmem>>, vector<16xf32>,
      tpu.vector_store %arg12[%parallel_loop3A_768, %parallel_loop3A_769], %parallel_loop3A_767 {strides = array<i32>} : memref<64x200xf32, #tpu.memory_space<vmem>>, vector<16xf32>,
      %parallel_loop3A_771 = arith.index_cast %parallel_loop3A_749 : i32 to index
      %parallel_loop3A_772 = arith.constant 48 : index
      %parallel_loop3A_773 = tpu.vector_load %arg10[%parallel_loop3A_771, %parallel_loop3A_772] {strides = array<i32>} : memref<64x200xi32, #tpu.memory_space<vmem>>, vector<16xi32>,
      %parallel_loop3A_774 = tpu.vector_load_idx %arg8[%parallel_loop3A_773] : memref<112xf32, #tpu.memory_space<vmem>>[vector<16xi32>], vector<16xf32>,
      %parallel_loop3A_775 = arith.index_cast %parallel_loop3A_749 : i32 to index
      %parallel_loop3A_776 = arith.constant 48 : index
      %parallel_loop3A_777 = tpu.vector_load %arg12[%parallel_loop3A_775, %parallel_loop3A_776] {strides = array<i32>} : memref<64x200xf32, #tpu.memory_space<vmem>>, vector<16xf32>,
      tpu.vector_store %arg12[%parallel_loop3A_775, %parallel_loop3A_776], %parallel_loop3A_774 {strides = array<i32>} : memref<64x200xf32, #tpu.memory_space<vmem>>, vector<16xf32>,
      %parallel_loop3A_778 = arith.index_cast %parallel_loop3A_749 : i32 to index
      %parallel_loop3A_779 = arith.constant 64 : index
      %parallel_loop3A_780 = tpu.vector_load %arg10[%parallel_loop3A_778, %parallel_loop3A_779] {strides = array<i32>} : memref<64x200xi32, #tpu.memory_space<vmem>>, vector<16xi32>,
      %parallel_loop3A_781 = tpu.vector_load_idx %arg8[%parallel_loop3A_780] : memref<112xf32, #tpu.memory_space<vmem>>[vector<16xi32>], vector<16xf32>,
      %parallel_loop3A_782 = arith.index_cast %parallel_loop3A_749 : i32 to index
      %parallel_loop3A_783 = arith.constant 64 : index
      %parallel_loop3A_784 = tpu.vector_load %arg12[%parallel_loop3A_782, %parallel_loop3A_783] {strides = array<i32>} : memref<64x200xf32, #tpu.memory_space<vmem>>, vector<16xf32>,
      tpu.vector_store %arg12[%parallel_loop3A_782, %parallel_loop3A_783], %parallel_loop3A_781 {strides = array<i32>} : memref<64x200xf32, #tpu.memory_space<vmem>>, vector<16xf32>,
      %parallel_loop3A_785 = arith.index_cast %parallel_loop3A_749 : i32 to index
      %parallel_loop3A_786 = arith.constant 80 : index
      %parallel_loop3A_787 = tpu.vector_load %arg10[%parallel_loop3A_785, %parallel_loop3A_786] {strides = array<i32>} : memref<64x200xi32, #tpu.memory_space<vmem>>, vector<16xi32>,
      %parallel_loop3A_788 = tpu.vector_load_idx %arg8[%parallel_loop3A_787] : memref<112xf32, #tpu.memory_space<vmem>>[vector<16xi32>], vector<16xf32>,
      %parallel_loop3A_789 = arith.index_cast %parallel_loop3A_749 : i32 to index
      %parallel_loop3A_790 = arith.constant 80 : index
      %parallel_loop3A_791 = tpu.vector_load %arg12[%parallel_loop3A_789, %parallel_loop3A_790] {strides = array<i32>} : memref<64x200xf32, #tpu.memory_space<vmem>>, vector<16xf32>,
      tpu.vector_store %arg12[%parallel_loop3A_789, %parallel_loop3A_790], %parallel_loop3A_788 {strides = array<i32>} : memref<64x200xf32, #tpu.memory_space<vmem>>, vector<16xf32>,
      %parallel_loop3A_792 = arith.index_cast %parallel_loop3A_749 : i32 to index
      %parallel_loop3A_793 = arith.constant 96 : index
      %parallel_loop3A_794 = tpu.vector_load %arg10[%parallel_loop3A_792, %parallel_loop3A_793] {strides = array<i32>} : memref<64x200xi32, #tpu.memory_space<vmem>>, vector<16xi32>,
      %parallel_loop3A_795 = tpu.vector_load_idx %arg8[%parallel_loop3A_794] : memref<112xf32, #tpu.memory_space<vmem>>[vector<16xi32>], vector<16xf32>,
      %parallel_loop3A_796 = arith.index_cast %parallel_loop3A_749 : i32 to index
      %parallel_loop3A_797 = arith.constant 96 : index
      %parallel_loop3A_798 = tpu.vector_load %arg12[%parallel_loop3A_796, %parallel_loop3A_797] {strides = array<i32>} : memref<64x200xf32, #tpu.memory_space<vmem>>, vector<16xf32>,
      tpu.vector_store %arg12[%parallel_loop3A_796, %parallel_loop3A_797], %parallel_loop3A_795 {strides = array<i32>} : memref<64x200xf32, #tpu.memory_space<vmem>>, vector<16xf32>,
      %parallel_loop3A_799 = arith.index_cast %parallel_loop3A_749 : i32 to index
      %parallel_loop3A_800 = arith.constant 112 : index
      %parallel_loop3A_801 = tpu.vector_load %arg10[%parallel_loop3A_799, %parallel_loop3A_800] {strides = array<i32>} : memref<64x200xi32, #tpu.memory_space<vmem>>, vector<16xi32>,
      %parallel_loop3A_802 = tpu.vector_load_idx %arg8[%parallel_loop3A_801] : memref<112xf32, #tpu.memory_space<vmem>>[vector<16xi32>], vector<16xf32>,
      %parallel_loop3A_803 = arith.index_cast %parallel_loop3A_749 : i32 to index
      %parallel_loop3A_804 = arith.constant 112 : index
      %parallel_loop3A_805 = tpu.vector_load %arg12[%parallel_loop3A_803, %parallel_loop3A_804] {strides = array<i32>} : memref<64x200xf32, #tpu.memory_space<vmem>>, vector<16xf32>,
      tpu.vector_store %arg12[%parallel_loop3A_803, %parallel_loop3A_804], %parallel_loop3A_802 {strides = array<i32>} : memref<64x200xf32, #tpu.memory_space<vmem>>, vector<16xf32>,
      %parallel_loop3A_806 = arith.index_cast %parallel_loop3A_749 : i32 to index
      %parallel_loop3A_807 = arith.constant 128 : index
      %parallel_loop3A_808 = tpu.vector_load %arg10[%parallel_loop3A_806, %parallel_loop3A_807] {strides = array<i32>} : memref<64x200xi32, #tpu.memory_space<vmem>>, vector<16xi32>,
      %parallel_loop3A_809 = tpu.vector_load_idx %arg8[%parallel_loop3A_808] : memref<112xf32, #tpu.memory_space<vmem>>[vector<16xi32>], vector<16xf32>,
      %parallel_loop3A_810 = arith.index_cast %parallel_loop3A_749 : i32 to index
      %parallel_loop3A_811 = arith.constant 128 : index
      %parallel_loop3A_812 = tpu.vector_load %arg12[%parallel_loop3A_810, %parallel_loop3A_811] {strides = array<i32>} : memref<64x200xf32, #tpu.memory_space<vmem>>, vector<16xf32>,
      tpu.vector_store %arg12[%parallel_loop3A_810, %parallel_loop3A_811], %parallel_loop3A_809 {strides = array<i32>} : memref<64x200xf32, #tpu.memory_space<vmem>>, vector<16xf32>,
      %parallel_loop3A_813 = arith.index_cast %parallel_loop3A_749 : i32 to index
      %parallel_loop3A_814 = arith.constant 144 : index
      %parallel_loop3A_815 = tpu.vector_load %arg10[%parallel_loop3A_813, %parallel_loop3A_814] {strides = array<i32>} : memref<64x200xi32, #tpu.memory_space<vmem>>, vector<16xi32>,
      %parallel_loop3A_816 = tpu.vector_load_idx %arg8[%parallel_loop3A_815] : memref<112xf32, #tpu.memory_space<vmem>>[vector<16xi32>], vector<16xf32>,
      %parallel_loop3A_817 = arith.index_cast %parallel_loop3A_749 : i32 to index
      %parallel_loop3A_818 = arith.constant 144 : index
      %parallel_loop3A_819 = tpu.vector_load %arg12[%parallel_loop3A_817, %parallel_loop3A_818] {strides = array<i32>} : memref<64x200xf32, #tpu.memory_space<vmem>>, vector<16xf32>,
      tpu.vector_store %arg12[%parallel_loop3A_817, %parallel_loop3A_818], %parallel_loop3A_816 {strides = array<i32>} : memref<64x200xf32, #tpu.memory_space<vmem>>, vector<16xf32>,
      %parallel_loop3A_820 = arith.index_cast %parallel_loop3A_749 : i32 to index
      %parallel_loop3A_821 = arith.constant 160 : index
      %parallel_loop3A_822 = tpu.vector_load %arg10[%parallel_loop3A_820, %parallel_loop3A_821] {strides = array<i32>} : memref<64x200xi32, #tpu.memory_space<vmem>>, vector<16xi32>,
      %parallel_loop3A_823 = tpu.vector_load_idx %arg8[%parallel_loop3A_822] : memref<112xf32, #tpu.memory_space<vmem>>[vector<16xi32>], vector<16xf32>,
      %parallel_loop3A_824 = arith.index_cast %parallel_loop3A_749 : i32 to index
      %parallel_loop3A_825 = arith.constant 160 : index
      %parallel_loop3A_826 = tpu.vector_load %arg12[%parallel_loop3A_824, %parallel_loop3A_825] {strides = array<i32>} : memref<64x200xf32, #tpu.memory_space<vmem>>, vector<16xf32>,
      tpu.vector_store %arg12[%parallel_loop3A_824, %parallel_loop3A_825], %parallel_loop3A_823 {strides = array<i32>} : memref<64x200xf32, #tpu.memory_space<vmem>>, vector<16xf32>,
      %parallel_loop3A_827 = arith.index_cast %parallel_loop3A_749 : i32 to index
      %parallel_loop3A_828 = arith.constant 176 : index
      %parallel_loop3A_829 = tpu.vector_load %arg10[%parallel_loop3A_827, %parallel_loop3A_828] {strides = array<i32>} : memref<64x200xi32, #tpu.memory_space<vmem>>, vector<16xi32>,
      %parallel_loop3A_830 = tpu.vector_load_idx %arg8[%parallel_loop3A_829] : memref<112xf32, #tpu.memory_space<vmem>>[vector<16xi32>], vector<16xf32>,
      %parallel_loop3A_831 = arith.index_cast %parallel_loop3A_749 : i32 to index
      %parallel_loop3A_832 = arith.constant 176 : index
      %parallel_loop3A_833 = tpu.vector_load %arg12[%parallel_loop3A_831, %parallel_loop3A_832] {strides = array<i32>} : memref<64x200xf32, #tpu.memory_space<vmem>>, vector<16xf32>,
      tpu.vector_store %arg12[%parallel_loop3A_831, %parallel_loop3A_832], %parallel_loop3A_830 {strides = array<i32>} : memref<64x200xf32, #tpu.memory_space<vmem>>, vector<16xf32>,
    } {sc.loop_unroll_factor = 2 : i64, sc.parallel_access}
    %parallel_loop3A_634 = arith.constant 0 : i32
    %parallel_loop3A_635 = arith.constant 32 : i32
    %parallel_loop3A_636 = arith.constant 1 : i32
    scf.for %parallel_loop3A_749 = %parallel_loop3A_634 to %parallel_loop3A_635 step %parallel_loop3A_636  : i32 {
      %parallel_loop3A_750 = arith.constant 2 : i32
      %parallel_loop3A_751 = arith.muli %parallel_loop3A_750, %parallel_loop3A_749 : i32
      %parallel_loop3A_752 = vector.broadcast %parallel_loop3A_751 : i32 to vector<16xi32>
      %parallel_loop3A_753 = arith.addi %parallel_loop3A_752, %select_n3A : vector<16xi32>
      %parallel_loop3A_754 = tpu.vector_load_idx %arg10[%parallel_loop3A_753, %add3A_554] : memref<64x200xi32, #tpu.memory_space<vmem>>[vector<16xi32>, vector<16xi32>], vector<16xi32>,
      %parallel_loop3A_755 = tpu.vector_load_idx %arg8[%parallel_loop3A_754] : memref<112xf32, #tpu.memory_space<vmem>>[vector<16xi32>], vector<16xf32>,
      tpu.vector_store_idx %arg12[%parallel_loop3A_753, %add3A_554], %parallel_loop3A_755 : memref<64x200xf32, #tpu.memory_space<vmem>>[vector<16xi32>, vector<16xi32>], vector<16xf32>,
    } {sc.loop_unroll_factor = 4 : i64, sc.parallel_access}
    %add3A_637 = arith.constant 320 : i32
    %add3A_638 = arith.addi %mul3A_2, %add3A_637 : i32
    %dma_start3A_639 = arith.constant 0 : i32
    %dma_start3A_640 = tpu.memref_slice %arg2[%add3A_638, %dma_start3A_639] : memref<16384x200xi32, #tpu.memory_space<hbm>> -> memref<64x200xi32, #tpu.memory_space<hbm>>
    %dma_start3A_641 = arith.constant 0 : i32
    %dma_start3A_642 = tpu.memref_slice %arg2[%add3A_638, %dma_start3A_641] : memref<16384x200xi32, #tpu.memory_space<hbm>> -> memref<64x200xi32, #tpu.memory_space<hbm>>
    tpu.enqueue_dma source(%dma_start3A_642 : memref<64x200xi32, #tpu.memory_space<hbm>>) target(%arg10 : memref<64x200xi32, #tpu.memory_space<vmem>>) target_semaphore(%arg14 : memref<!tpu.dma_semaphore, #tpu.memory_space<semaphore_mem>>)
    %add3A_643 = arith.constant 192 : i32
    %add3A_644 = arith.addi %mul3A_2, %add3A_643 : i32
    %dma_start3A_645 = arith.constant 0 : i32
    %dma_start3A_646 = tpu.memref_slice %arg5[%add3A_644, %dma_start3A_645] : memref<16384x200xf32, #tpu.memory_space<hbm>> -> memref<64x200xf32, #tpu.memory_space<hbm>>
    %dma_start3A_647 = arith.constant 0 : i32
    %dma_start3A_648 = tpu.memref_slice %arg5[%add3A_644, %dma_start3A_647] : memref<16384x200xf32, #tpu.memory_space<hbm>> -> memref<64x200xf32, #tpu.memory_space<hbm>>
    tpu.enqueue_dma source(%arg12 : memref<64x200xf32, #tpu.memory_space<vmem>>) target(%dma_start3A_648 : memref<64x200xf32, #tpu.memory_space<hbm>>) target_semaphore(%arg16 : memref<!tpu.dma_semaphore, #tpu.memory_space<semaphore_mem>>)
    %dma_wait3A_649 = arith.constant 0 : i32
    %dma_wait3A_650 = tpu.memref_slice %arg2[%add3A_612, %dma_wait3A_649] : memref<16384x200xi32, #tpu.memory_space<hbm>> -> memref<64x200xi32, #tpu.memory_space<hbm>>
    %dma_wait3A_651 = arith.constant 0 : i32
    %dma_wait3A_652 = tpu.memref_slice %arg2[%add3A_612, %dma_wait3A_651] : memref<16384x200xi32, #tpu.memory_space<hbm>> -> memref<64x200xi32, #tpu.memory_space<hbm>>
    tpu.wait_dma2 semaphore(%arg13 : memref<!tpu.dma_semaphore, #tpu.memory_space<semaphore_mem>>) src(%dma_wait3A_652 : memref<64x200xi32, #tpu.memory_space<hbm>>) dst(%arg9 : memref<64x200xi32, #tpu.memory_space<vmem>>)
    %dma_wait3A_653 = arith.constant 0 : i32
    %dma_wait3A_654 = tpu.memref_slice %arg5[%add3A_618, %dma_wait3A_653] : memref<16384x200xf32, #tpu.memory_space<hbm>> -> memref<64x200xf32, #tpu.memory_space<hbm>>
    %dma_wait3A_655 = arith.constant 0 : i32
    %dma_wait3A_656 = tpu.memref_slice %arg5[%add3A_618, %dma_wait3A_655] : memref<16384x200xf32, #tpu.memory_space<hbm>> -> memref<64x200xf32, #tpu.memory_space<hbm>>
    tpu.wait_dma2 semaphore(%arg15 : memref<!tpu.dma_semaphore, #tpu.memory_space<semaphore_mem>>) src(%arg11 : memref<64x200xf32, #tpu.memory_space<vmem>>) dst(%dma_wait3A_656 : memref<64x200xf32, #tpu.memory_space<hbm>>)
    %parallel_loop3A_657 = arith.constant 0 : i32
    %parallel_loop3A_658 = arith.constant 64 : i32
    %parallel_loop3A_659 = arith.constant 1 : i32
    scf.for %parallel_loop3A_749 = %parallel_loop3A_657 to %parallel_loop3A_658 step %parallel_loop3A_659  : i32 {
      %parallel_loop3A_750 = arith.index_cast %parallel_loop3A_749 : i32 to index
      %parallel_loop3A_751 = arith.constant 0 : index
      %parallel_loop3A_752 = tpu.vector_load %arg9[%parallel_loop3A_750, %parallel_loop3A_751] {strides = array<i32>} : memref<64x200xi32, #tpu.memory_space<vmem>>, vector<16xi32>,
      %parallel_loop3A_753 = tpu.vector_load_idx %arg8[%parallel_loop3A_752] : memref<112xf32, #tpu.memory_space<vmem>>[vector<16xi32>], vector<16xf32>,
      %parallel_loop3A_754 = arith.index_cast %parallel_loop3A_749 : i32 to index
      %parallel_loop3A_755 = arith.constant 0 : index
      %parallel_loop3A_756 = tpu.vector_load %arg11[%parallel_loop3A_754, %parallel_loop3A_755] {strides = array<i32>} : memref<64x200xf32, #tpu.memory_space<vmem>>, vector<16xf32>,
      tpu.vector_store %arg11[%parallel_loop3A_754, %parallel_loop3A_755], %parallel_loop3A_753 {strides = array<i32>} : memref<64x200xf32, #tpu.memory_space<vmem>>, vector<16xf32>,
      %parallel_loop3A_757 = arith.index_cast %parallel_loop3A_749 : i32 to index
      %parallel_loop3A_758 = arith.constant 16 : index
      %parallel_loop3A_759 = tpu.vector_load %arg9[%parallel_loop3A_757, %parallel_loop3A_758] {strides = array<i32>} : memref<64x200xi32, #tpu.memory_space<vmem>>, vector<16xi32>,
      %parallel_loop3A_760 = tpu.vector_load_idx %arg8[%parallel_loop3A_759] : memref<112xf32, #tpu.memory_space<vmem>>[vector<16xi32>], vector<16xf32>,
      %parallel_loop3A_761 = arith.index_cast %parallel_loop3A_749 : i32 to index
      %parallel_loop3A_762 = arith.constant 16 : index
      %parallel_loop3A_763 = tpu.vector_load %arg11[%parallel_loop3A_761, %parallel_loop3A_762] {strides = array<i32>} : memref<64x200xf32, #tpu.memory_space<vmem>>, vector<16xf32>,
      tpu.vector_store %arg11[%parallel_loop3A_761, %parallel_loop3A_762], %parallel_loop3A_760 {strides = array<i32>} : memref<64x200xf32, #tpu.memory_space<vmem>>, vector<16xf32>,
      %parallel_loop3A_764 = arith.index_cast %parallel_loop3A_749 : i32 to index
      %parallel_loop3A_765 = arith.constant 32 : index
      %parallel_loop3A_766 = tpu.vector_load %arg9[%parallel_loop3A_764, %parallel_loop3A_765] {strides = array<i32>} : memref<64x200xi32, #tpu.memory_space<vmem>>, vector<16xi32>,
      %parallel_loop3A_767 = tpu.vector_load_idx %arg8[%parallel_loop3A_766] : memref<112xf32, #tpu.memory_space<vmem>>[vector<16xi32>], vector<16xf32>,
      %parallel_loop3A_768 = arith.index_cast %parallel_loop3A_749 : i32 to index
      %parallel_loop3A_769 = arith.constant 32 : index
      %parallel_loop3A_770 = tpu.vector_load %arg11[%parallel_loop3A_768, %parallel_loop3A_769] {strides = array<i32>} : memref<64x200xf32, #tpu.memory_space<vmem>>, vector<16xf32>,
      tpu.vector_store %arg11[%parallel_loop3A_768, %parallel_loop3A_769], %parallel_loop3A_767 {strides = array<i32>} : memref<64x200xf32, #tpu.memory_space<vmem>>, vector<16xf32>,
      %parallel_loop3A_771 = arith.index_cast %parallel_loop3A_749 : i32 to index
      %parallel_loop3A_772 = arith.constant 48 : index
      %parallel_loop3A_773 = tpu.vector_load %arg9[%parallel_loop3A_771, %parallel_loop3A_772] {strides = array<i32>} : memref<64x200xi32, #tpu.memory_space<vmem>>, vector<16xi32>,
      %parallel_loop3A_774 = tpu.vector_load_idx %arg8[%parallel_loop3A_773] : memref<112xf32, #tpu.memory_space<vmem>>[vector<16xi32>], vector<16xf32>,
      %parallel_loop3A_775 = arith.index_cast %parallel_loop3A_749 : i32 to index
      %parallel_loop3A_776 = arith.constant 48 : index
      %parallel_loop3A_777 = tpu.vector_load %arg11[%parallel_loop3A_775, %parallel_loop3A_776] {strides = array<i32>} : memref<64x200xf32, #tpu.memory_space<vmem>>, vector<16xf32>,
      tpu.vector_store %arg11[%parallel_loop3A_775, %parallel_loop3A_776], %parallel_loop3A_774 {strides = array<i32>} : memref<64x200xf32, #tpu.memory_space<vmem>>, vector<16xf32>,
      %parallel_loop3A_778 = arith.index_cast %parallel_loop3A_749 : i32 to index
      %parallel_loop3A_779 = arith.constant 64 : index
      %parallel_loop3A_780 = tpu.vector_load %arg9[%parallel_loop3A_778, %parallel_loop3A_779] {strides = array<i32>} : memref<64x200xi32, #tpu.memory_space<vmem>>, vector<16xi32>,
      %parallel_loop3A_781 = tpu.vector_load_idx %arg8[%parallel_loop3A_780] : memref<112xf32, #tpu.memory_space<vmem>>[vector<16xi32>], vector<16xf32>,
      %parallel_loop3A_782 = arith.index_cast %parallel_loop3A_749 : i32 to index
      %parallel_loop3A_783 = arith.constant 64 : index
      %parallel_loop3A_784 = tpu.vector_load %arg11[%parallel_loop3A_782, %parallel_loop3A_783] {strides = array<i32>} : memref<64x200xf32, #tpu.memory_space<vmem>>, vector<16xf32>,
      tpu.vector_store %arg11[%parallel_loop3A_782, %parallel_loop3A_783], %parallel_loop3A_781 {strides = array<i32>} : memref<64x200xf32, #tpu.memory_space<vmem>>, vector<16xf32>,
      %parallel_loop3A_785 = arith.index_cast %parallel_loop3A_749 : i32 to index
      %parallel_loop3A_786 = arith.constant 80 : index
      %parallel_loop3A_787 = tpu.vector_load %arg9[%parallel_loop3A_785, %parallel_loop3A_786] {strides = array<i32>} : memref<64x200xi32, #tpu.memory_space<vmem>>, vector<16xi32>,
      %parallel_loop3A_788 = tpu.vector_load_idx %arg8[%parallel_loop3A_787] : memref<112xf32, #tpu.memory_space<vmem>>[vector<16xi32>], vector<16xf32>,
      %parallel_loop3A_789 = arith.index_cast %parallel_loop3A_749 : i32 to index
      %parallel_loop3A_790 = arith.constant 80 : index
      %parallel_loop3A_791 = tpu.vector_load %arg11[%parallel_loop3A_789, %parallel_loop3A_790] {strides = array<i32>} : memref<64x200xf32, #tpu.memory_space<vmem>>, vector<16xf32>,
      tpu.vector_store %arg11[%parallel_loop3A_789, %parallel_loop3A_790], %parallel_loop3A_788 {strides = array<i32>} : memref<64x200xf32, #tpu.memory_space<vmem>>, vector<16xf32>,
      %parallel_loop3A_792 = arith.index_cast %parallel_loop3A_749 : i32 to index
      %parallel_loop3A_793 = arith.constant 96 : index
      %parallel_loop3A_794 = tpu.vector_load %arg9[%parallel_loop3A_792, %parallel_loop3A_793] {strides = array<i32>} : memref<64x200xi32, #tpu.memory_space<vmem>>, vector<16xi32>,
      %parallel_loop3A_795 = tpu.vector_load_idx %arg8[%parallel_loop3A_794] : memref<112xf32, #tpu.memory_space<vmem>>[vector<16xi32>], vector<16xf32>,
      %parallel_loop3A_796 = arith.index_cast %parallel_loop3A_749 : i32 to index
      %parallel_loop3A_797 = arith.constant 96 : index
      %parallel_loop3A_798 = tpu.vector_load %arg11[%parallel_loop3A_796, %parallel_loop3A_797] {strides = array<i32>} : memref<64x200xf32, #tpu.memory_space<vmem>>, vector<16xf32>,
      tpu.vector_store %arg11[%parallel_loop3A_796, %parallel_loop3A_797], %parallel_loop3A_795 {strides = array<i32>} : memref<64x200xf32, #tpu.memory_space<vmem>>, vector<16xf32>,
      %parallel_loop3A_799 = arith.index_cast %parallel_loop3A_749 : i32 to index
      %parallel_loop3A_800 = arith.constant 112 : index
      %parallel_loop3A_801 = tpu.vector_load %arg9[%parallel_loop3A_799, %parallel_loop3A_800] {strides = array<i32>} : memref<64x200xi32, #tpu.memory_space<vmem>>, vector<16xi32>,
      %parallel_loop3A_802 = tpu.vector_load_idx %arg8[%parallel_loop3A_801] : memref<112xf32, #tpu.memory_space<vmem>>[vector<16xi32>], vector<16xf32>,
      %parallel_loop3A_803 = arith.index_cast %parallel_loop3A_749 : i32 to index
      %parallel_loop3A_804 = arith.constant 112 : index
      %parallel_loop3A_805 = tpu.vector_load %arg11[%parallel_loop3A_803, %parallel_loop3A_804] {strides = array<i32>} : memref<64x200xf32, #tpu.memory_space<vmem>>, vector<16xf32>,
      tpu.vector_store %arg11[%parallel_loop3A_803, %parallel_loop3A_804], %parallel_loop3A_802 {strides = array<i32>} : memref<64x200xf32, #tpu.memory_space<vmem>>, vector<16xf32>,
      %parallel_loop3A_806 = arith.index_cast %parallel_loop3A_749 : i32 to index
      %parallel_loop3A_807 = arith.constant 128 : index
      %parallel_loop3A_808 = tpu.vector_load %arg9[%parallel_loop3A_806, %parallel_loop3A_807] {strides = array<i32>} : memref<64x200xi32, #tpu.memory_space<vmem>>, vector<16xi32>,
      %parallel_loop3A_809 = tpu.vector_load_idx %arg8[%parallel_loop3A_808] : memref<112xf32, #tpu.memory_space<vmem>>[vector<16xi32>], vector<16xf32>,
      %parallel_loop3A_810 = arith.index_cast %parallel_loop3A_749 : i32 to index
      %parallel_loop3A_811 = arith.constant 128 : index
      %parallel_loop3A_812 = tpu.vector_load %arg11[%parallel_loop3A_810, %parallel_loop3A_811] {strides = array<i32>} : memref<64x200xf32, #tpu.memory_space<vmem>>, vector<16xf32>,
      tpu.vector_store %arg11[%parallel_loop3A_810, %parallel_loop3A_811], %parallel_loop3A_809 {strides = array<i32>} : memref<64x200xf32, #tpu.memory_space<vmem>>, vector<16xf32>,
      %parallel_loop3A_813 = arith.index_cast %parallel_loop3A_749 : i32 to index
      %parallel_loop3A_814 = arith.constant 144 : index
      %parallel_loop3A_815 = tpu.vector_load %arg9[%parallel_loop3A_813, %parallel_loop3A_814] {strides = array<i32>} : memref<64x200xi32, #tpu.memory_space<vmem>>, vector<16xi32>,
      %parallel_loop3A_816 = tpu.vector_load_idx %arg8[%parallel_loop3A_815] : memref<112xf32, #tpu.memory_space<vmem>>[vector<16xi32>], vector<16xf32>,
      %parallel_loop3A_817 = arith.index_cast %parallel_loop3A_749 : i32 to index
      %parallel_loop3A_818 = arith.constant 144 : index
      %parallel_loop3A_819 = tpu.vector_load %arg11[%parallel_loop3A_817, %parallel_loop3A_818] {strides = array<i32>} : memref<64x200xf32, #tpu.memory_space<vmem>>, vector<16xf32>,
      tpu.vector_store %arg11[%parallel_loop3A_817, %parallel_loop3A_818], %parallel_loop3A_816 {strides = array<i32>} : memref<64x200xf32, #tpu.memory_space<vmem>>, vector<16xf32>,
      %parallel_loop3A_820 = arith.index_cast %parallel_loop3A_749 : i32 to index
      %parallel_loop3A_821 = arith.constant 160 : index
      %parallel_loop3A_822 = tpu.vector_load %arg9[%parallel_loop3A_820, %parallel_loop3A_821] {strides = array<i32>} : memref<64x200xi32, #tpu.memory_space<vmem>>, vector<16xi32>,
      %parallel_loop3A_823 = tpu.vector_load_idx %arg8[%parallel_loop3A_822] : memref<112xf32, #tpu.memory_space<vmem>>[vector<16xi32>], vector<16xf32>,
      %parallel_loop3A_824 = arith.index_cast %parallel_loop3A_749 : i32 to index
      %parallel_loop3A_825 = arith.constant 160 : index
      %parallel_loop3A_826 = tpu.vector_load %arg11[%parallel_loop3A_824, %parallel_loop3A_825] {strides = array<i32>} : memref<64x200xf32, #tpu.memory_space<vmem>>, vector<16xf32>,
      tpu.vector_store %arg11[%parallel_loop3A_824, %parallel_loop3A_825], %parallel_loop3A_823 {strides = array<i32>} : memref<64x200xf32, #tpu.memory_space<vmem>>, vector<16xf32>,
      %parallel_loop3A_827 = arith.index_cast %parallel_loop3A_749 : i32 to index
      %parallel_loop3A_828 = arith.constant 176 : index
      %parallel_loop3A_829 = tpu.vector_load %arg9[%parallel_loop3A_827, %parallel_loop3A_828] {strides = array<i32>} : memref<64x200xi32, #tpu.memory_space<vmem>>, vector<16xi32>,
      %parallel_loop3A_830 = tpu.vector_load_idx %arg8[%parallel_loop3A_829] : memref<112xf32, #tpu.memory_space<vmem>>[vector<16xi32>], vector<16xf32>,
      %parallel_loop3A_831 = arith.index_cast %parallel_loop3A_749 : i32 to index
      %parallel_loop3A_832 = arith.constant 176 : index
      %parallel_loop3A_833 = tpu.vector_load %arg11[%parallel_loop3A_831, %parallel_loop3A_832] {strides = array<i32>} : memref<64x200xf32, #tpu.memory_space<vmem>>, vector<16xf32>,
      tpu.vector_store %arg11[%parallel_loop3A_831, %parallel_loop3A_832], %parallel_loop3A_830 {strides = array<i32>} : memref<64x200xf32, #tpu.memory_space<vmem>>, vector<16xf32>,
    } {sc.loop_unroll_factor = 2 : i64, sc.parallel_access}
    %parallel_loop3A_660 = arith.constant 0 : i32
    %parallel_loop3A_661 = arith.constant 32 : i32
    %parallel_loop3A_662 = arith.constant 1 : i32
    scf.for %parallel_loop3A_749 = %parallel_loop3A_660 to %parallel_loop3A_661 step %parallel_loop3A_662  : i32 {
      %parallel_loop3A_750 = arith.constant 2 : i32
      %parallel_loop3A_751 = arith.muli %parallel_loop3A_750, %parallel_loop3A_749 : i32
      %parallel_loop3A_752 = vector.broadcast %parallel_loop3A_751 : i32 to vector<16xi32>
      %parallel_loop3A_753 = arith.addi %parallel_loop3A_752, %select_n3A : vector<16xi32>
      %parallel_loop3A_754 = tpu.vector_load_idx %arg9[%parallel_loop3A_753, %add3A_554] : memref<64x200xi32, #tpu.memory_space<vmem>>[vector<16xi32>, vector<16xi32>], vector<16xi32>,
      %parallel_loop3A_755 = tpu.vector_load_idx %arg8[%parallel_loop3A_754] : memref<112xf32, #tpu.memory_space<vmem>>[vector<16xi32>], vector<16xf32>,
      tpu.vector_store_idx %arg11[%parallel_loop3A_753, %add3A_554], %parallel_loop3A_755 : memref<64x200xf32, #tpu.memory_space<vmem>>[vector<16xi32>, vector<16xi32>], vector<16xf32>,
    } {sc.loop_unroll_factor = 4 : i64, sc.parallel_access}
    %add3A_663 = arith.constant 384 : i32
    %add3A_664 = arith.addi %mul3A_2, %add3A_663 : i32
    %dma_start3A_665 = arith.constant 0 : i32
    %dma_start3A_666 = tpu.memref_slice %arg2[%add3A_664, %dma_start3A_665] : memref<16384x200xi32, #tpu.memory_space<hbm>> -> memref<64x200xi32, #tpu.memory_space<hbm>>
    %dma_start3A_667 = arith.constant 0 : i32
    %dma_start3A_668 = tpu.memref_slice %arg2[%add3A_664, %dma_start3A_667] : memref<16384x200xi32, #tpu.memory_space<hbm>> -> memref<64x200xi32, #tpu.memory_space<hbm>>
    tpu.enqueue_dma source(%dma_start3A_668 : memref<64x200xi32, #tpu.memory_space<hbm>>) target(%arg9 : memref<64x200xi32, #tpu.memory_space<vmem>>) target_semaphore(%arg13 : memref<!tpu.dma_semaphore, #tpu.memory_space<semaphore_mem>>)
    %add3A_669 = arith.constant 256 : i32
    %add3A_670 = arith.addi %mul3A_2, %add3A_669 : i32
    %dma_start3A_671 = arith.constant 0 : i32
    %dma_start3A_672 = tpu.memref_slice %arg5[%add3A_670, %dma_start3A_671] : memref<16384x200xf32, #tpu.memory_space<hbm>> -> memref<64x200xf32, #tpu.memory_space<hbm>>
    %dma_start3A_673 = arith.constant 0 : i32
    %dma_start3A_674 = tpu.memref_slice %arg5[%add3A_670, %dma_start3A_673] : memref<16384x200xf32, #tpu.memory_space<hbm>> -> memref<64x200xf32, #tpu.memory_space<hbm>>
    tpu.enqueue_dma source(%arg11 : memref<64x200xf32, #tpu.memory_space<vmem>>) target(%dma_start3A_674 : memref<64x200xf32, #tpu.memory_space<hbm>>) target_semaphore(%arg15 : memref<!tpu.dma_semaphore, #tpu.memory_space<semaphore_mem>>)
    %dma_wait3A_675 = arith.constant 0 : i32
    %dma_wait3A_676 = tpu.memref_slice %arg2[%add3A_638, %dma_wait3A_675] : memref<16384x200xi32, #tpu.memory_space<hbm>> -> memref<64x200xi32, #tpu.memory_space<hbm>>
    %dma_wait3A_677 = arith.constant 0 : i32
    %dma_wait3A_678 = tpu.memref_slice %arg2[%add3A_638, %dma_wait3A_677] : memref<16384x200xi32, #tpu.memory_space<hbm>> -> memref<64x200xi32, #tpu.memory_space<hbm>>
    tpu.wait_dma2 semaphore(%arg14 : memref<!tpu.dma_semaphore, #tpu.memory_space<semaphore_mem>>) src(%dma_wait3A_678 : memref<64x200xi32, #tpu.memory_space<hbm>>) dst(%arg10 : memref<64x200xi32, #tpu.memory_space<vmem>>)
    %dma_wait3A_679 = arith.constant 0 : i32
    %dma_wait3A_680 = tpu.memref_slice %arg5[%add3A_644, %dma_wait3A_679] : memref<16384x200xf32, #tpu.memory_space<hbm>> -> memref<64x200xf32, #tpu.memory_space<hbm>>
    %dma_wait3A_681 = arith.constant 0 : i32
    %dma_wait3A_682 = tpu.memref_slice %arg5[%add3A_644, %dma_wait3A_681] : memref<16384x200xf32, #tpu.memory_space<hbm>> -> memref<64x200xf32, #tpu.memory_space<hbm>>
    tpu.wait_dma2 semaphore(%arg16 : memref<!tpu.dma_semaphore, #tpu.memory_space<semaphore_mem>>) src(%arg12 : memref<64x200xf32, #tpu.memory_space<vmem>>) dst(%dma_wait3A_682 : memref<64x200xf32, #tpu.memory_space<hbm>>)
    %parallel_loop3A_683 = arith.constant 0 : i32
    %parallel_loop3A_684 = arith.constant 64 : i32
    %parallel_loop3A_685 = arith.constant 1 : i32
    scf.for %parallel_loop3A_749 = %parallel_loop3A_683 to %parallel_loop3A_684 step %parallel_loop3A_685  : i32 {
      %parallel_loop3A_750 = arith.index_cast %parallel_loop3A_749 : i32 to index
      %parallel_loop3A_751 = arith.constant 0 : index
      %parallel_loop3A_752 = tpu.vector_load %arg10[%parallel_loop3A_750, %parallel_loop3A_751] {strides = array<i32>} : memref<64x200xi32, #tpu.memory_space<vmem>>, vector<16xi32>,
      %parallel_loop3A_753 = tpu.vector_load_idx %arg8[%parallel_loop3A_752] : memref<112xf32, #tpu.memory_space<vmem>>[vector<16xi32>], vector<16xf32>,
      %parallel_loop3A_754 = arith.index_cast %parallel_loop3A_749 : i32 to index
      %parallel_loop3A_755 = arith.constant 0 : index
      %parallel_loop3A_756 = tpu.vector_load %arg12[%parallel_loop3A_754, %parallel_loop3A_755] {strides = array<i32>} : memref<64x200xf32, #tpu.memory_space<vmem>>, vector<16xf32>,
      tpu.vector_store %arg12[%parallel_loop3A_754, %parallel_loop3A_755], %parallel_loop3A_753 {strides = array<i32>} : memref<64x200xf32, #tpu.memory_space<vmem>>, vector<16xf32>,
      %parallel_loop3A_757 = arith.index_cast %parallel_loop3A_749 : i32 to index
      %parallel_loop3A_758 = arith.constant 16 : index
      %parallel_loop3A_759 = tpu.vector_load %arg10[%parallel_loop3A_757, %parallel_loop3A_758] {strides = array<i32>} : memref<64x200xi32, #tpu.memory_space<vmem>>, vector<16xi32>,
      %parallel_loop3A_760 = tpu.vector_load_idx %arg8[%parallel_loop3A_759] : memref<112xf32, #tpu.memory_space<vmem>>[vector<16xi32>], vector<16xf32>,
      %parallel_loop3A_761 = arith.index_cast %parallel_loop3A_749 : i32 to index
      %parallel_loop3A_762 = arith.constant 16 : index
      %parallel_loop3A_763 = tpu.vector_load %arg12[%parallel_loop3A_761, %parallel_loop3A_762] {strides = array<i32>} : memref<64x200xf32, #tpu.memory_space<vmem>>, vector<16xf32>,
      tpu.vector_store %arg12[%parallel_loop3A_761, %parallel_loop3A_762], %parallel_loop3A_760 {strides = array<i32>} : memref<64x200xf32, #tpu.memory_space<vmem>>, vector<16xf32>,
      %parallel_loop3A_764 = arith.index_cast %parallel_loop3A_749 : i32 to index
      %parallel_loop3A_765 = arith.constant 32 : index
      %parallel_loop3A_766 = tpu.vector_load %arg10[%parallel_loop3A_764, %parallel_loop3A_765] {strides = array<i32>} : memref<64x200xi32, #tpu.memory_space<vmem>>, vector<16xi32>,
      %parallel_loop3A_767 = tpu.vector_load_idx %arg8[%parallel_loop3A_766] : memref<112xf32, #tpu.memory_space<vmem>>[vector<16xi32>], vector<16xf32>,
      %parallel_loop3A_768 = arith.index_cast %parallel_loop3A_749 : i32 to index
      %parallel_loop3A_769 = arith.constant 32 : index
      %parallel_loop3A_770 = tpu.vector_load %arg12[%parallel_loop3A_768, %parallel_loop3A_769] {strides = array<i32>} : memref<64x200xf32, #tpu.memory_space<vmem>>, vector<16xf32>,
      tpu.vector_store %arg12[%parallel_loop3A_768, %parallel_loop3A_769], %parallel_loop3A_767 {strides = array<i32>} : memref<64x200xf32, #tpu.memory_space<vmem>>, vector<16xf32>,
      %parallel_loop3A_771 = arith.index_cast %parallel_loop3A_749 : i32 to index
      %parallel_loop3A_772 = arith.constant 48 : index
      %parallel_loop3A_773 = tpu.vector_load %arg10[%parallel_loop3A_771, %parallel_loop3A_772] {strides = array<i32>} : memref<64x200xi32, #tpu.memory_space<vmem>>, vector<16xi32>,
      %parallel_loop3A_774 = tpu.vector_load_idx %arg8[%parallel_loop3A_773] : memref<112xf32, #tpu.memory_space<vmem>>[vector<16xi32>], vector<16xf32>,
      %parallel_loop3A_775 = arith.index_cast %parallel_loop3A_749 : i32 to index
      %parallel_loop3A_776 = arith.constant 48 : index
      %parallel_loop3A_777 = tpu.vector_load %arg12[%parallel_loop3A_775, %parallel_loop3A_776] {strides = array<i32>} : memref<64x200xf32, #tpu.memory_space<vmem>>, vector<16xf32>,
      tpu.vector_store %arg12[%parallel_loop3A_775, %parallel_loop3A_776], %parallel_loop3A_774 {strides = array<i32>} : memref<64x200xf32, #tpu.memory_space<vmem>>, vector<16xf32>,
      %parallel_loop3A_778 = arith.index_cast %parallel_loop3A_749 : i32 to index
      %parallel_loop3A_779 = arith.constant 64 : index
      %parallel_loop3A_780 = tpu.vector_load %arg10[%parallel_loop3A_778, %parallel_loop3A_779] {strides = array<i32>} : memref<64x200xi32, #tpu.memory_space<vmem>>, vector<16xi32>,
      %parallel_loop3A_781 = tpu.vector_load_idx %arg8[%parallel_loop3A_780] : memref<112xf32, #tpu.memory_space<vmem>>[vector<16xi32>], vector<16xf32>,
      %parallel_loop3A_782 = arith.index_cast %parallel_loop3A_749 : i32 to index
      %parallel_loop3A_783 = arith.constant 64 : index
      %parallel_loop3A_784 = tpu.vector_load %arg12[%parallel_loop3A_782, %parallel_loop3A_783] {strides = array<i32>} : memref<64x200xf32, #tpu.memory_space<vmem>>, vector<16xf32>,
      tpu.vector_store %arg12[%parallel_loop3A_782, %parallel_loop3A_783], %parallel_loop3A_781 {strides = array<i32>} : memref<64x200xf32, #tpu.memory_space<vmem>>, vector<16xf32>,
      %parallel_loop3A_785 = arith.index_cast %parallel_loop3A_749 : i32 to index
      %parallel_loop3A_786 = arith.constant 80 : index
      %parallel_loop3A_787 = tpu.vector_load %arg10[%parallel_loop3A_785, %parallel_loop3A_786] {strides = array<i32>} : memref<64x200xi32, #tpu.memory_space<vmem>>, vector<16xi32>,
      %parallel_loop3A_788 = tpu.vector_load_idx %arg8[%parallel_loop3A_787] : memref<112xf32, #tpu.memory_space<vmem>>[vector<16xi32>], vector<16xf32>,
      %parallel_loop3A_789 = arith.index_cast %parallel_loop3A_749 : i32 to index
      %parallel_loop3A_790 = arith.constant 80 : index
      %parallel_loop3A_791 = tpu.vector_load %arg12[%parallel_loop3A_789, %parallel_loop3A_790] {strides = array<i32>} : memref<64x200xf32, #tpu.memory_space<vmem>>, vector<16xf32>,
      tpu.vector_store %arg12[%parallel_loop3A_789, %parallel_loop3A_790], %parallel_loop3A_788 {strides = array<i32>} : memref<64x200xf32, #tpu.memory_space<vmem>>, vector<16xf32>,
      %parallel_loop3A_792 = arith.index_cast %parallel_loop3A_749 : i32 to index
      %parallel_loop3A_793 = arith.constant 96 : index
      %parallel_loop3A_794 = tpu.vector_load %arg10[%parallel_loop3A_792, %parallel_loop3A_793] {strides = array<i32>} : memref<64x200xi32, #tpu.memory_space<vmem>>, vector<16xi32>,
      %parallel_loop3A_795 = tpu.vector_load_idx %arg8[%parallel_loop3A_794] : memref<112xf32, #tpu.memory_space<vmem>>[vector<16xi32>], vector<16xf32>,
      %parallel_loop3A_796 = arith.index_cast %parallel_loop3A_749 : i32 to index
      %parallel_loop3A_797 = arith.constant 96 : index
      %parallel_loop3A_798 = tpu.vector_load %arg12[%parallel_loop3A_796, %parallel_loop3A_797] {strides = array<i32>} : memref<64x200xf32, #tpu.memory_space<vmem>>, vector<16xf32>,
      tpu.vector_store %arg12[%parallel_loop3A_796, %parallel_loop3A_797], %parallel_loop3A_795 {strides = array<i32>} : memref<64x200xf32, #tpu.memory_space<vmem>>, vector<16xf32>,
      %parallel_loop3A_799 = arith.index_cast %parallel_loop3A_749 : i32 to index
      %parallel_loop3A_800 = arith.constant 112 : index
      %parallel_loop3A_801 = tpu.vector_load %arg10[%parallel_loop3A_799, %parallel_loop3A_800] {strides = array<i32>} : memref<64x200xi32, #tpu.memory_space<vmem>>, vector<16xi32>,
      %parallel_loop3A_802 = tpu.vector_load_idx %arg8[%parallel_loop3A_801] : memref<112xf32, #tpu.memory_space<vmem>>[vector<16xi32>], vector<16xf32>,
      %parallel_loop3A_803 = arith.index_cast %parallel_loop3A_749 : i32 to index
      %parallel_loop3A_804 = arith.constant 112 : index
      %parallel_loop3A_805 = tpu.vector_load %arg12[%parallel_loop3A_803, %parallel_loop3A_804] {strides = array<i32>} : memref<64x200xf32, #tpu.memory_space<vmem>>, vector<16xf32>,
      tpu.vector_store %arg12[%parallel_loop3A_803, %parallel_loop3A_804], %parallel_loop3A_802 {strides = array<i32>} : memref<64x200xf32, #tpu.memory_space<vmem>>, vector<16xf32>,
      %parallel_loop3A_806 = arith.index_cast %parallel_loop3A_749 : i32 to index
      %parallel_loop3A_807 = arith.constant 128 : index
      %parallel_loop3A_808 = tpu.vector_load %arg10[%parallel_loop3A_806, %parallel_loop3A_807] {strides = array<i32>} : memref<64x200xi32, #tpu.memory_space<vmem>>, vector<16xi32>,
      %parallel_loop3A_809 = tpu.vector_load_idx %arg8[%parallel_loop3A_808] : memref<112xf32, #tpu.memory_space<vmem>>[vector<16xi32>], vector<16xf32>,
      %parallel_loop3A_810 = arith.index_cast %parallel_loop3A_749 : i32 to index
      %parallel_loop3A_811 = arith.constant 128 : index
      %parallel_loop3A_812 = tpu.vector_load %arg12[%parallel_loop3A_810, %parallel_loop3A_811] {strides = array<i32>} : memref<64x200xf32, #tpu.memory_space<vmem>>, vector<16xf32>,
      tpu.vector_store %arg12[%parallel_loop3A_810, %parallel_loop3A_811], %parallel_loop3A_809 {strides = array<i32>} : memref<64x200xf32, #tpu.memory_space<vmem>>, vector<16xf32>,
      %parallel_loop3A_813 = arith.index_cast %parallel_loop3A_749 : i32 to index
      %parallel_loop3A_814 = arith.constant 144 : index
      %parallel_loop3A_815 = tpu.vector_load %arg10[%parallel_loop3A_813, %parallel_loop3A_814] {strides = array<i32>} : memref<64x200xi32, #tpu.memory_space<vmem>>, vector<16xi32>,
      %parallel_loop3A_816 = tpu.vector_load_idx %arg8[%parallel_loop3A_815] : memref<112xf32, #tpu.memory_space<vmem>>[vector<16xi32>], vector<16xf32>,
      %parallel_loop3A_817 = arith.index_cast %parallel_loop3A_749 : i32 to index
      %parallel_loop3A_818 = arith.constant 144 : index
      %parallel_loop3A_819 = tpu.vector_load %arg12[%parallel_loop3A_817, %parallel_loop3A_818] {strides = array<i32>} : memref<64x200xf32, #tpu.memory_space<vmem>>, vector<16xf32>,
      tpu.vector_store %arg12[%parallel_loop3A_817, %parallel_loop3A_818], %parallel_loop3A_816 {strides = array<i32>} : memref<64x200xf32, #tpu.memory_space<vmem>>, vector<16xf32>,
      %parallel_loop3A_820 = arith.index_cast %parallel_loop3A_749 : i32 to index
      %parallel_loop3A_821 = arith.constant 160 : index
      %parallel_loop3A_822 = tpu.vector_load %arg10[%parallel_loop3A_820, %parallel_loop3A_821] {strides = array<i32>} : memref<64x200xi32, #tpu.memory_space<vmem>>, vector<16xi32>,
      %parallel_loop3A_823 = tpu.vector_load_idx %arg8[%parallel_loop3A_822] : memref<112xf32, #tpu.memory_space<vmem>>[vector<16xi32>], vector<16xf32>,
      %parallel_loop3A_824 = arith.index_cast %parallel_loop3A_749 : i32 to index
      %parallel_loop3A_825 = arith.constant 160 : index
      %parallel_loop3A_826 = tpu.vector_load %arg12[%parallel_loop3A_824, %parallel_loop3A_825] {strides = array<i32>} : memref<64x200xf32, #tpu.memory_space<vmem>>, vector<16xf32>,
      tpu.vector_store %arg12[%parallel_loop3A_824, %parallel_loop3A_825], %parallel_loop3A_823 {strides = array<i32>} : memref<64x200xf32, #tpu.memory_space<vmem>>, vector<16xf32>,
      %parallel_loop3A_827 = arith.index_cast %parallel_loop3A_749 : i32 to index
      %parallel_loop3A_828 = arith.constant 176 : index
      %parallel_loop3A_829 = tpu.vector_load %arg10[%parallel_loop3A_827, %parallel_loop3A_828] {strides = array<i32>} : memref<64x200xi32, #tpu.memory_space<vmem>>, vector<16xi32>,
      %parallel_loop3A_830 = tpu.vector_load_idx %arg8[%parallel_loop3A_829] : memref<112xf32, #tpu.memory_space<vmem>>[vector<16xi32>], vector<16xf32>,
      %parallel_loop3A_831 = arith.index_cast %parallel_loop3A_749 : i32 to index
      %parallel_loop3A_832 = arith.constant 176 : index
      %parallel_loop3A_833 = tpu.vector_load %arg12[%parallel_loop3A_831, %parallel_loop3A_832] {strides = array<i32>} : memref<64x200xf32, #tpu.memory_space<vmem>>, vector<16xf32>,
      tpu.vector_store %arg12[%parallel_loop3A_831, %parallel_loop3A_832], %parallel_loop3A_830 {strides = array<i32>} : memref<64x200xf32, #tpu.memory_space<vmem>>, vector<16xf32>,
    } {sc.loop_unroll_factor = 2 : i64, sc.parallel_access}
    %parallel_loop3A_686 = arith.constant 0 : i32
    %parallel_loop3A_687 = arith.constant 32 : i32
    %parallel_loop3A_688 = arith.constant 1 : i32
    scf.for %parallel_loop3A_749 = %parallel_loop3A_686 to %parallel_loop3A_687 step %parallel_loop3A_688  : i32 {
      %parallel_loop3A_750 = arith.constant 2 : i32
      %parallel_loop3A_751 = arith.muli %parallel_loop3A_750, %parallel_loop3A_749 : i32
      %parallel_loop3A_752 = vector.broadcast %parallel_loop3A_751 : i32 to vector<16xi32>
      %parallel_loop3A_753 = arith.addi %parallel_loop3A_752, %select_n3A : vector<16xi32>
      %parallel_loop3A_754 = tpu.vector_load_idx %arg10[%parallel_loop3A_753, %add3A_554] : memref<64x200xi32, #tpu.memory_space<vmem>>[vector<16xi32>, vector<16xi32>], vector<16xi32>,
      %parallel_loop3A_755 = tpu.vector_load_idx %arg8[%parallel_loop3A_754] : memref<112xf32, #tpu.memory_space<vmem>>[vector<16xi32>], vector<16xf32>,
      tpu.vector_store_idx %arg12[%parallel_loop3A_753, %add3A_554], %parallel_loop3A_755 : memref<64x200xf32, #tpu.memory_space<vmem>>[vector<16xi32>, vector<16xi32>], vector<16xf32>,
    } {sc.loop_unroll_factor = 4 : i64, sc.parallel_access}
    %add3A_689 = arith.constant 448 : i32
    %add3A_690 = arith.addi %mul3A_2, %add3A_689 : i32
    %dma_start3A_691 = arith.constant 0 : i32
    %dma_start3A_692 = tpu.memref_slice %arg2[%add3A_690, %dma_start3A_691] : memref<16384x200xi32, #tpu.memory_space<hbm>> -> memref<64x200xi32, #tpu.memory_space<hbm>>
    %dma_start3A_693 = arith.constant 0 : i32
    %dma_start3A_694 = tpu.memref_slice %arg2[%add3A_690, %dma_start3A_693] : memref<16384x200xi32, #tpu.memory_space<hbm>> -> memref<64x200xi32, #tpu.memory_space<hbm>>
    tpu.enqueue_dma source(%dma_start3A_694 : memref<64x200xi32, #tpu.memory_space<hbm>>) target(%arg10 : memref<64x200xi32, #tpu.memory_space<vmem>>) target_semaphore(%arg14 : memref<!tpu.dma_semaphore, #tpu.memory_space<semaphore_mem>>)
    %add3A_695 = arith.constant 320 : i32
    %add3A_696 = arith.addi %mul3A_2, %add3A_695 : i32
    %dma_start3A_697 = arith.constant 0 : i32
    %dma_start3A_698 = tpu.memref_slice %arg5[%add3A_696, %dma_start3A_697] : memref<16384x200xf32, #tpu.memory_space<hbm>> -> memref<64x200xf32, #tpu.memory_space<hbm>>
    %dma_start3A_699 = arith.constant 0 : i32
    %dma_start3A_700 = tpu.memref_slice %arg5[%add3A_696, %dma_start3A_699] : memref<16384x200xf32, #tpu.memory_space<hbm>> -> memref<64x200xf32, #tpu.memory_space<hbm>>
    tpu.enqueue_dma source(%arg12 : memref<64x200xf32, #tpu.memory_space<vmem>>) target(%dma_start3A_700 : memref<64x200xf32, #tpu.memory_space<hbm>>) target_semaphore(%arg16 : memref<!tpu.dma_semaphore, #tpu.memory_space<semaphore_mem>>)
    %dma_wait3A_701 = arith.constant 0 : i32
    %dma_wait3A_702 = tpu.memref_slice %arg2[%add3A_664, %dma_wait3A_701] : memref<16384x200xi32, #tpu.memory_space<hbm>> -> memref<64x200xi32, #tpu.memory_space<hbm>>
    %dma_wait3A_703 = arith.constant 0 : i32
    %dma_wait3A_704 = tpu.memref_slice %arg2[%add3A_664, %dma_wait3A_703] : memref<16384x200xi32, #tpu.memory_space<hbm>> -> memref<64x200xi32, #tpu.memory_space<hbm>>
    tpu.wait_dma2 semaphore(%arg13 : memref<!tpu.dma_semaphore, #tpu.memory_space<semaphore_mem>>) src(%dma_wait3A_704 : memref<64x200xi32, #tpu.memory_space<hbm>>) dst(%arg9 : memref<64x200xi32, #tpu.memory_space<vmem>>)
    %dma_wait3A_705 = arith.constant 0 : i32
    %dma_wait3A_706 = tpu.memref_slice %arg5[%add3A_670, %dma_wait3A_705] : memref<16384x200xf32, #tpu.memory_space<hbm>> -> memref<64x200xf32, #tpu.memory_space<hbm>>
    %dma_wait3A_707 = arith.constant 0 : i32
    %dma_wait3A_708 = tpu.memref_slice %arg5[%add3A_670, %dma_wait3A_707] : memref<16384x200xf32, #tpu.memory_space<hbm>> -> memref<64x200xf32, #tpu.memory_space<hbm>>
    tpu.wait_dma2 semaphore(%arg15 : memref<!tpu.dma_semaphore, #tpu.memory_space<semaphore_mem>>) src(%arg11 : memref<64x200xf32, #tpu.memory_space<vmem>>) dst(%dma_wait3A_708 : memref<64x200xf32, #tpu.memory_space<hbm>>)
    %parallel_loop3A_709 = arith.constant 0 : i32
    %parallel_loop3A_710 = arith.constant 64 : i32
    %parallel_loop3A_711 = arith.constant 1 : i32
    scf.for %parallel_loop3A_749 = %parallel_loop3A_709 to %parallel_loop3A_710 step %parallel_loop3A_711  : i32 {
      %parallel_loop3A_750 = arith.index_cast %parallel_loop3A_749 : i32 to index
      %parallel_loop3A_751 = arith.constant 0 : index
      %parallel_loop3A_752 = tpu.vector_load %arg9[%parallel_loop3A_750, %parallel_loop3A_751] {strides = array<i32>} : memref<64x200xi32, #tpu.memory_space<vmem>>, vector<16xi32>,
      %parallel_loop3A_753 = tpu.vector_load_idx %arg8[%parallel_loop3A_752] : memref<112xf32, #tpu.memory_space<vmem>>[vector<16xi32>], vector<16xf32>,
      %parallel_loop3A_754 = arith.index_cast %parallel_loop3A_749 : i32 to index
      %parallel_loop3A_755 = arith.constant 0 : index
      %parallel_loop3A_756 = tpu.vector_load %arg11[%parallel_loop3A_754, %parallel_loop3A_755] {strides = array<i32>} : memref<64x200xf32, #tpu.memory_space<vmem>>, vector<16xf32>,
      tpu.vector_store %arg11[%parallel_loop3A_754, %parallel_loop3A_755], %parallel_loop3A_753 {strides = array<i32>} : memref<64x200xf32, #tpu.memory_space<vmem>>, vector<16xf32>,
      %parallel_loop3A_757 = arith.index_cast %parallel_loop3A_749 : i32 to index
      %parallel_loop3A_758 = arith.constant 16 : index
      %parallel_loop3A_759 = tpu.vector_load %arg9[%parallel_loop3A_757, %parallel_loop3A_758] {strides = array<i32>} : memref<64x200xi32, #tpu.memory_space<vmem>>, vector<16xi32>,
      %parallel_loop3A_760 = tpu.vector_load_idx %arg8[%parallel_loop3A_759] : memref<112xf32, #tpu.memory_space<vmem>>[vector<16xi32>], vector<16xf32>,
      %parallel_loop3A_761 = arith.index_cast %parallel_loop3A_749 : i32 to index
      %parallel_loop3A_762 = arith.constant 16 : index
      %parallel_loop3A_763 = tpu.vector_load %arg11[%parallel_loop3A_761, %parallel_loop3A_762] {strides = array<i32>} : memref<64x200xf32, #tpu.memory_space<vmem>>, vector<16xf32>,
      tpu.vector_store %arg11[%parallel_loop3A_761, %parallel_loop3A_762], %parallel_loop3A_760 {strides = array<i32>} : memref<64x200xf32, #tpu.memory_space<vmem>>, vector<16xf32>,
      %parallel_loop3A_764 = arith.index_cast %parallel_loop3A_749 : i32 to index
      %parallel_loop3A_765 = arith.constant 32 : index
      %parallel_loop3A_766 = tpu.vector_load %arg9[%parallel_loop3A_764, %parallel_loop3A_765] {strides = array<i32>} : memref<64x200xi32, #tpu.memory_space<vmem>>, vector<16xi32>,
      %parallel_loop3A_767 = tpu.vector_load_idx %arg8[%parallel_loop3A_766] : memref<112xf32, #tpu.memory_space<vmem>>[vector<16xi32>], vector<16xf32>,
      %parallel_loop3A_768 = arith.index_cast %parallel_loop3A_749 : i32 to index
      %parallel_loop3A_769 = arith.constant 32 : index
      %parallel_loop3A_770 = tpu.vector_load %arg11[%parallel_loop3A_768, %parallel_loop3A_769] {strides = array<i32>} : memref<64x200xf32, #tpu.memory_space<vmem>>, vector<16xf32>,
      tpu.vector_store %arg11[%parallel_loop3A_768, %parallel_loop3A_769], %parallel_loop3A_767 {strides = array<i32>} : memref<64x200xf32, #tpu.memory_space<vmem>>, vector<16xf32>,
      %parallel_loop3A_771 = arith.index_cast %parallel_loop3A_749 : i32 to index
      %parallel_loop3A_772 = arith.constant 48 : index
      %parallel_loop3A_773 = tpu.vector_load %arg9[%parallel_loop3A_771, %parallel_loop3A_772] {strides = array<i32>} : memref<64x200xi32, #tpu.memory_space<vmem>>, vector<16xi32>,
      %parallel_loop3A_774 = tpu.vector_load_idx %arg8[%parallel_loop3A_773] : memref<112xf32, #tpu.memory_space<vmem>>[vector<16xi32>], vector<16xf32>,
      %parallel_loop3A_775 = arith.index_cast %parallel_loop3A_749 : i32 to index
      %parallel_loop3A_776 = arith.constant 48 : index
      %parallel_loop3A_777 = tpu.vector_load %arg11[%parallel_loop3A_775, %parallel_loop3A_776] {strides = array<i32>} : memref<64x200xf32, #tpu.memory_space<vmem>>, vector<16xf32>,
      tpu.vector_store %arg11[%parallel_loop3A_775, %parallel_loop3A_776], %parallel_loop3A_774 {strides = array<i32>} : memref<64x200xf32, #tpu.memory_space<vmem>>, vector<16xf32>,
      %parallel_loop3A_778 = arith.index_cast %parallel_loop3A_749 : i32 to index
      %parallel_loop3A_779 = arith.constant 64 : index
      %parallel_loop3A_780 = tpu.vector_load %arg9[%parallel_loop3A_778, %parallel_loop3A_779] {strides = array<i32>} : memref<64x200xi32, #tpu.memory_space<vmem>>, vector<16xi32>,
      %parallel_loop3A_781 = tpu.vector_load_idx %arg8[%parallel_loop3A_780] : memref<112xf32, #tpu.memory_space<vmem>>[vector<16xi32>], vector<16xf32>,
      %parallel_loop3A_782 = arith.index_cast %parallel_loop3A_749 : i32 to index
      %parallel_loop3A_783 = arith.constant 64 : index
      %parallel_loop3A_784 = tpu.vector_load %arg11[%parallel_loop3A_782, %parallel_loop3A_783] {strides = array<i32>} : memref<64x200xf32, #tpu.memory_space<vmem>>, vector<16xf32>,
      tpu.vector_store %arg11[%parallel_loop3A_782, %parallel_loop3A_783], %parallel_loop3A_781 {strides = array<i32>} : memref<64x200xf32, #tpu.memory_space<vmem>>, vector<16xf32>,
      %parallel_loop3A_785 = arith.index_cast %parallel_loop3A_749 : i32 to index
      %parallel_loop3A_786 = arith.constant 80 : index
      %parallel_loop3A_787 = tpu.vector_load %arg9[%parallel_loop3A_785, %parallel_loop3A_786] {strides = array<i32>} : memref<64x200xi32, #tpu.memory_space<vmem>>, vector<16xi32>,
      %parallel_loop3A_788 = tpu.vector_load_idx %arg8[%parallel_loop3A_787] : memref<112xf32, #tpu.memory_space<vmem>>[vector<16xi32>], vector<16xf32>,
      %parallel_loop3A_789 = arith.index_cast %parallel_loop3A_749 : i32 to index
      %parallel_loop3A_790 = arith.constant 80 : index
      %parallel_loop3A_791 = tpu.vector_load %arg11[%parallel_loop3A_789, %parallel_loop3A_790] {strides = array<i32>} : memref<64x200xf32, #tpu.memory_space<vmem>>, vector<16xf32>,
      tpu.vector_store %arg11[%parallel_loop3A_789, %parallel_loop3A_790], %parallel_loop3A_788 {strides = array<i32>} : memref<64x200xf32, #tpu.memory_space<vmem>>, vector<16xf32>,
      %parallel_loop3A_792 = arith.index_cast %parallel_loop3A_749 : i32 to index
      %parallel_loop3A_793 = arith.constant 96 : index
      %parallel_loop3A_794 = tpu.vector_load %arg9[%parallel_loop3A_792, %parallel_loop3A_793] {strides = array<i32>} : memref<64x200xi32, #tpu.memory_space<vmem>>, vector<16xi32>,
      %parallel_loop3A_795 = tpu.vector_load_idx %arg8[%parallel_loop3A_794] : memref<112xf32, #tpu.memory_space<vmem>>[vector<16xi32>], vector<16xf32>,
      %parallel_loop3A_796 = arith.index_cast %parallel_loop3A_749 : i32 to index
      %parallel_loop3A_797 = arith.constant 96 : index
      %parallel_loop3A_798 = tpu.vector_load %arg11[%parallel_loop3A_796, %parallel_loop3A_797] {strides = array<i32>} : memref<64x200xf32, #tpu.memory_space<vmem>>, vector<16xf32>,
      tpu.vector_store %arg11[%parallel_loop3A_796, %parallel_loop3A_797], %parallel_loop3A_795 {strides = array<i32>} : memref<64x200xf32, #tpu.memory_space<vmem>>, vector<16xf32>,
      %parallel_loop3A_799 = arith.index_cast %parallel_loop3A_749 : i32 to index
      %parallel_loop3A_800 = arith.constant 112 : index
      %parallel_loop3A_801 = tpu.vector_load %arg9[%parallel_loop3A_799, %parallel_loop3A_800] {strides = array<i32>} : memref<64x200xi32, #tpu.memory_space<vmem>>, vector<16xi32>,
      %parallel_loop3A_802 = tpu.vector_load_idx %arg8[%parallel_loop3A_801] : memref<112xf32, #tpu.memory_space<vmem>>[vector<16xi32>], vector<16xf32>,
      %parallel_loop3A_803 = arith.index_cast %parallel_loop3A_749 : i32 to index
      %parallel_loop3A_804 = arith.constant 112 : index
      %parallel_loop3A_805 = tpu.vector_load %arg11[%parallel_loop3A_803, %parallel_loop3A_804] {strides = array<i32>} : memref<64x200xf32, #tpu.memory_space<vmem>>, vector<16xf32>,
      tpu.vector_store %arg11[%parallel_loop3A_803, %parallel_loop3A_804], %parallel_loop3A_802 {strides = array<i32>} : memref<64x200xf32, #tpu.memory_space<vmem>>, vector<16xf32>,
      %parallel_loop3A_806 = arith.index_cast %parallel_loop3A_749 : i32 to index
      %parallel_loop3A_807 = arith.constant 128 : index
      %parallel_loop3A_808 = tpu.vector_load %arg9[%parallel_loop3A_806, %parallel_loop3A_807] {strides = array<i32>} : memref<64x200xi32, #tpu.memory_space<vmem>>, vector<16xi32>,
      %parallel_loop3A_809 = tpu.vector_load_idx %arg8[%parallel_loop3A_808] : memref<112xf32, #tpu.memory_space<vmem>>[vector<16xi32>], vector<16xf32>,
      %parallel_loop3A_810 = arith.index_cast %parallel_loop3A_749 : i32 to index
      %parallel_loop3A_811 = arith.constant 128 : index
      %parallel_loop3A_812 = tpu.vector_load %arg11[%parallel_loop3A_810, %parallel_loop3A_811] {strides = array<i32>} : memref<64x200xf32, #tpu.memory_space<vmem>>, vector<16xf32>,
      tpu.vector_store %arg11[%parallel_loop3A_810, %parallel_loop3A_811], %parallel_loop3A_809 {strides = array<i32>} : memref<64x200xf32, #tpu.memory_space<vmem>>, vector<16xf32>,
      %parallel_loop3A_813 = arith.index_cast %parallel_loop3A_749 : i32 to index
      %parallel_loop3A_814 = arith.constant 144 : index
      %parallel_loop3A_815 = tpu.vector_load %arg9[%parallel_loop3A_813, %parallel_loop3A_814] {strides = array<i32>} : memref<64x200xi32, #tpu.memory_space<vmem>>, vector<16xi32>,
      %parallel_loop3A_816 = tpu.vector_load_idx %arg8[%parallel_loop3A_815] : memref<112xf32, #tpu.memory_space<vmem>>[vector<16xi32>], vector<16xf32>,
      %parallel_loop3A_817 = arith.index_cast %parallel_loop3A_749 : i32 to index
      %parallel_loop3A_818 = arith.constant 144 : index
      %parallel_loop3A_819 = tpu.vector_load %arg11[%parallel_loop3A_817, %parallel_loop3A_818] {strides = array<i32>} : memref<64x200xf32, #tpu.memory_space<vmem>>, vector<16xf32>,
      tpu.vector_store %arg11[%parallel_loop3A_817, %parallel_loop3A_818], %parallel_loop3A_816 {strides = array<i32>} : memref<64x200xf32, #tpu.memory_space<vmem>>, vector<16xf32>,
      %parallel_loop3A_820 = arith.index_cast %parallel_loop3A_749 : i32 to index
      %parallel_loop3A_821 = arith.constant 160 : index
      %parallel_loop3A_822 = tpu.vector_load %arg9[%parallel_loop3A_820, %parallel_loop3A_821] {strides = array<i32>} : memref<64x200xi32, #tpu.memory_space<vmem>>, vector<16xi32>,
      %parallel_loop3A_823 = tpu.vector_load_idx %arg8[%parallel_loop3A_822] : memref<112xf32, #tpu.memory_space<vmem>>[vector<16xi32>], vector<16xf32>,
      %parallel_loop3A_824 = arith.index_cast %parallel_loop3A_749 : i32 to index
      %parallel_loop3A_825 = arith.constant 160 : index
      %parallel_loop3A_826 = tpu.vector_load %arg11[%parallel_loop3A_824, %parallel_loop3A_825] {strides = array<i32>} : memref<64x200xf32, #tpu.memory_space<vmem>>, vector<16xf32>,
      tpu.vector_store %arg11[%parallel_loop3A_824, %parallel_loop3A_825], %parallel_loop3A_823 {strides = array<i32>} : memref<64x200xf32, #tpu.memory_space<vmem>>, vector<16xf32>,
      %parallel_loop3A_827 = arith.index_cast %parallel_loop3A_749 : i32 to index
      %parallel_loop3A_828 = arith.constant 176 : index
      %parallel_loop3A_829 = tpu.vector_load %arg9[%parallel_loop3A_827, %parallel_loop3A_828] {strides = array<i32>} : memref<64x200xi32, #tpu.memory_space<vmem>>, vector<16xi32>,
      %parallel_loop3A_830 = tpu.vector_load_idx %arg8[%parallel_loop3A_829] : memref<112xf32, #tpu.memory_space<vmem>>[vector<16xi32>], vector<16xf32>,
      %parallel_loop3A_831 = arith.index_cast %parallel_loop3A_749 : i32 to index
      %parallel_loop3A_832 = arith.constant 176 : index
      %parallel_loop3A_833 = tpu.vector_load %arg11[%parallel_loop3A_831, %parallel_loop3A_832] {strides = array<i32>} : memref<64x200xf32, #tpu.memory_space<vmem>>, vector<16xf32>,
      tpu.vector_store %arg11[%parallel_loop3A_831, %parallel_loop3A_832], %parallel_loop3A_830 {strides = array<i32>} : memref<64x200xf32, #tpu.memory_space<vmem>>, vector<16xf32>,
    } {sc.loop_unroll_factor = 2 : i64, sc.parallel_access}
    %parallel_loop3A_712 = arith.constant 0 : i32
    %parallel_loop3A_713 = arith.constant 32 : i32
    %parallel_loop3A_714 = arith.constant 1 : i32
    scf.for %parallel_loop3A_749 = %parallel_loop3A_712 to %parallel_loop3A_713 step %parallel_loop3A_714  : i32 {
      %parallel_loop3A_750 = arith.constant 2 : i32
      %parallel_loop3A_751 = arith.muli %parallel_loop3A_750, %parallel_loop3A_749 : i32
      %parallel_loop3A_752 = vector.broadcast %parallel_loop3A_751 : i32 to vector<16xi32>
      %parallel_loop3A_753 = arith.addi %parallel_loop3A_752, %select_n3A : vector<16xi32>
      %parallel_loop3A_754 = tpu.vector_load_idx %arg9[%parallel_loop3A_753, %add3A_554] : memref<64x200xi32, #tpu.memory_space<vmem>>[vector<16xi32>, vector<16xi32>], vector<16xi32>,
      %parallel_loop3A_755 = tpu.vector_load_idx %arg8[%parallel_loop3A_754] : memref<112xf32, #tpu.memory_space<vmem>>[vector<16xi32>], vector<16xf32>,
      tpu.vector_store_idx %arg11[%parallel_loop3A_753, %add3A_554], %parallel_loop3A_755 : memref<64x200xf32, #tpu.memory_space<vmem>>[vector<16xi32>, vector<16xi32>], vector<16xf32>,
    } {sc.loop_unroll_factor = 4 : i64, sc.parallel_access}
    %add3A_715 = arith.constant 384 : i32
    %add3A_716 = arith.addi %mul3A_2, %add3A_715 : i32
    %dma_start3A_717 = arith.constant 0 : i32
    %dma_start3A_718 = tpu.memref_slice %arg5[%add3A_716, %dma_start3A_717] : memref<16384x200xf32, #tpu.memory_space<hbm>> -> memref<64x200xf32, #tpu.memory_space<hbm>>
    %dma_start3A_719 = arith.constant 0 : i32
    %dma_start3A_720 = tpu.memref_slice %arg5[%add3A_716, %dma_start3A_719] : memref<16384x200xf32, #tpu.memory_space<hbm>> -> memref<64x200xf32, #tpu.memory_space<hbm>>
    tpu.enqueue_dma source(%arg11 : memref<64x200xf32, #tpu.memory_space<vmem>>) target(%dma_start3A_720 : memref<64x200xf32, #tpu.memory_space<hbm>>) target_semaphore(%arg15 : memref<!tpu.dma_semaphore, #tpu.memory_space<semaphore_mem>>)
    %dma_wait3A_721 = arith.constant 0 : i32
    %dma_wait3A_722 = tpu.memref_slice %arg2[%add3A_690, %dma_wait3A_721] : memref<16384x200xi32, #tpu.memory_space<hbm>> -> memref<64x200xi32, #tpu.memory_space<hbm>>
    %dma_wait3A_723 = arith.constant 0 : i32
    %dma_wait3A_724 = tpu.memref_slice %arg2[%add3A_690, %dma_wait3A_723] : memref<16384x200xi32, #tpu.memory_space<hbm>> -> memref<64x200xi32, #tpu.memory_space<hbm>>
    tpu.wait_dma2 semaphore(%arg14 : memref<!tpu.dma_semaphore, #tpu.memory_space<semaphore_mem>>) src(%dma_wait3A_724 : memref<64x200xi32, #tpu.memory_space<hbm>>) dst(%arg10 : memref<64x200xi32, #tpu.memory_space<vmem>>)
    %dma_wait3A_725 = arith.constant 0 : i32
    %dma_wait3A_726 = tpu.memref_slice %arg5[%add3A_696, %dma_wait3A_725] : memref<16384x200xf32, #tpu.memory_space<hbm>> -> memref<64x200xf32, #tpu.memory_space<hbm>>
    %dma_wait3A_727 = arith.constant 0 : i32
    %dma_wait3A_728 = tpu.memref_slice %arg5[%add3A_696, %dma_wait3A_727] : memref<16384x200xf32, #tpu.memory_space<hbm>> -> memref<64x200xf32, #tpu.memory_space<hbm>>
    tpu.wait_dma2 semaphore(%arg16 : memref<!tpu.dma_semaphore, #tpu.memory_space<semaphore_mem>>) src(%arg12 : memref<64x200xf32, #tpu.memory_space<vmem>>) dst(%dma_wait3A_728 : memref<64x200xf32, #tpu.memory_space<hbm>>)
    %parallel_loop3A_729 = arith.constant 0 : i32
    %parallel_loop3A_730 = arith.constant 64 : i32
    %parallel_loop3A_731 = arith.constant 1 : i32
    scf.for %parallel_loop3A_749 = %parallel_loop3A_729 to %parallel_loop3A_730 step %parallel_loop3A_731  : i32 {
      %parallel_loop3A_750 = arith.index_cast %parallel_loop3A_749 : i32 to index
      %parallel_loop3A_751 = arith.constant 0 : index
      %parallel_loop3A_752 = tpu.vector_load %arg10[%parallel_loop3A_750, %parallel_loop3A_751] {strides = array<i32>} : memref<64x200xi32, #tpu.memory_space<vmem>>, vector<16xi32>,
      %parallel_loop3A_753 = tpu.vector_load_idx %arg8[%parallel_loop3A_752] : memref<112xf32, #tpu.memory_space<vmem>>[vector<16xi32>], vector<16xf32>,
      %parallel_loop3A_754 = arith.index_cast %parallel_loop3A_749 : i32 to index
      %parallel_loop3A_755 = arith.constant 0 : index
      %parallel_loop3A_756 = tpu.vector_load %arg12[%parallel_loop3A_754, %parallel_loop3A_755] {strides = array<i32>} : memref<64x200xf32, #tpu.memory_space<vmem>>, vector<16xf32>,
      tpu.vector_store %arg12[%parallel_loop3A_754, %parallel_loop3A_755], %parallel_loop3A_753 {strides = array<i32>} : memref<64x200xf32, #tpu.memory_space<vmem>>, vector<16xf32>,
      %parallel_loop3A_757 = arith.index_cast %parallel_loop3A_749 : i32 to index
      %parallel_loop3A_758 = arith.constant 16 : index
      %parallel_loop3A_759 = tpu.vector_load %arg10[%parallel_loop3A_757, %parallel_loop3A_758] {strides = array<i32>} : memref<64x200xi32, #tpu.memory_space<vmem>>, vector<16xi32>,
      %parallel_loop3A_760 = tpu.vector_load_idx %arg8[%parallel_loop3A_759] : memref<112xf32, #tpu.memory_space<vmem>>[vector<16xi32>], vector<16xf32>,
      %parallel_loop3A_761 = arith.index_cast %parallel_loop3A_749 : i32 to index
      %parallel_loop3A_762 = arith.constant 16 : index
      %parallel_loop3A_763 = tpu.vector_load %arg12[%parallel_loop3A_761, %parallel_loop3A_762] {strides = array<i32>} : memref<64x200xf32, #tpu.memory_space<vmem>>, vector<16xf32>,
      tpu.vector_store %arg12[%parallel_loop3A_761, %parallel_loop3A_762], %parallel_loop3A_760 {strides = array<i32>} : memref<64x200xf32, #tpu.memory_space<vmem>>, vector<16xf32>,
      %parallel_loop3A_764 = arith.index_cast %parallel_loop3A_749 : i32 to index
      %parallel_loop3A_765 = arith.constant 32 : index
      %parallel_loop3A_766 = tpu.vector_load %arg10[%parallel_loop3A_764, %parallel_loop3A_765] {strides = array<i32>} : memref<64x200xi32, #tpu.memory_space<vmem>>, vector<16xi32>,
      %parallel_loop3A_767 = tpu.vector_load_idx %arg8[%parallel_loop3A_766] : memref<112xf32, #tpu.memory_space<vmem>>[vector<16xi32>], vector<16xf32>,
      %parallel_loop3A_768 = arith.index_cast %parallel_loop3A_749 : i32 to index
      %parallel_loop3A_769 = arith.constant 32 : index
      %parallel_loop3A_770 = tpu.vector_load %arg12[%parallel_loop3A_768, %parallel_loop3A_769] {strides = array<i32>} : memref<64x200xf32, #tpu.memory_space<vmem>>, vector<16xf32>,
      tpu.vector_store %arg12[%parallel_loop3A_768, %parallel_loop3A_769], %parallel_loop3A_767 {strides = array<i32>} : memref<64x200xf32, #tpu.memory_space<vmem>>, vector<16xf32>,
      %parallel_loop3A_771 = arith.index_cast %parallel_loop3A_749 : i32 to index
      %parallel_loop3A_772 = arith.constant 48 : index
      %parallel_loop3A_773 = tpu.vector_load %arg10[%parallel_loop3A_771, %parallel_loop3A_772] {strides = array<i32>} : memref<64x200xi32, #tpu.memory_space<vmem>>, vector<16xi32>,
      %parallel_loop3A_774 = tpu.vector_load_idx %arg8[%parallel_loop3A_773] : memref<112xf32, #tpu.memory_space<vmem>>[vector<16xi32>], vector<16xf32>,
      %parallel_loop3A_775 = arith.index_cast %parallel_loop3A_749 : i32 to index
      %parallel_loop3A_776 = arith.constant 48 : index
      %parallel_loop3A_777 = tpu.vector_load %arg12[%parallel_loop3A_775, %parallel_loop3A_776] {strides = array<i32>} : memref<64x200xf32, #tpu.memory_space<vmem>>, vector<16xf32>,
      tpu.vector_store %arg12[%parallel_loop3A_775, %parallel_loop3A_776], %parallel_loop3A_774 {strides = array<i32>} : memref<64x200xf32, #tpu.memory_space<vmem>>, vector<16xf32>,
      %parallel_loop3A_778 = arith.index_cast %parallel_loop3A_749 : i32 to index
      %parallel_loop3A_779 = arith.constant 64 : index
      %parallel_loop3A_780 = tpu.vector_load %arg10[%parallel_loop3A_778, %parallel_loop3A_779] {strides = array<i32>} : memref<64x200xi32, #tpu.memory_space<vmem>>, vector<16xi32>,
      %parallel_loop3A_781 = tpu.vector_load_idx %arg8[%parallel_loop3A_780] : memref<112xf32, #tpu.memory_space<vmem>>[vector<16xi32>], vector<16xf32>,
      %parallel_loop3A_782 = arith.index_cast %parallel_loop3A_749 : i32 to index
      %parallel_loop3A_783 = arith.constant 64 : index
      %parallel_loop3A_784 = tpu.vector_load %arg12[%parallel_loop3A_782, %parallel_loop3A_783] {strides = array<i32>} : memref<64x200xf32, #tpu.memory_space<vmem>>, vector<16xf32>,
      tpu.vector_store %arg12[%parallel_loop3A_782, %parallel_loop3A_783], %parallel_loop3A_781 {strides = array<i32>} : memref<64x200xf32, #tpu.memory_space<vmem>>, vector<16xf32>,
      %parallel_loop3A_785 = arith.index_cast %parallel_loop3A_749 : i32 to index
      %parallel_loop3A_786 = arith.constant 80 : index
      %parallel_loop3A_787 = tpu.vector_load %arg10[%parallel_loop3A_785, %parallel_loop3A_786] {strides = array<i32>} : memref<64x200xi32, #tpu.memory_space<vmem>>, vector<16xi32>,
      %parallel_loop3A_788 = tpu.vector_load_idx %arg8[%parallel_loop3A_787] : memref<112xf32, #tpu.memory_space<vmem>>[vector<16xi32>], vector<16xf32>,
      %parallel_loop3A_789 = arith.index_cast %parallel_loop3A_749 : i32 to index
      %parallel_loop3A_790 = arith.constant 80 : index
      %parallel_loop3A_791 = tpu.vector_load %arg12[%parallel_loop3A_789, %parallel_loop3A_790] {strides = array<i32>} : memref<64x200xf32, #tpu.memory_space<vmem>>, vector<16xf32>,
      tpu.vector_store %arg12[%parallel_loop3A_789, %parallel_loop3A_790], %parallel_loop3A_788 {strides = array<i32>} : memref<64x200xf32, #tpu.memory_space<vmem>>, vector<16xf32>,
      %parallel_loop3A_792 = arith.index_cast %parallel_loop3A_749 : i32 to index
      %parallel_loop3A_793 = arith.constant 96 : index
      %parallel_loop3A_794 = tpu.vector_load %arg10[%parallel_loop3A_792, %parallel_loop3A_793] {strides = array<i32>} : memref<64x200xi32, #tpu.memory_space<vmem>>, vector<16xi32>,
      %parallel_loop3A_795 = tpu.vector_load_idx %arg8[%parallel_loop3A_794] : memref<112xf32, #tpu.memory_space<vmem>>[vector<16xi32>], vector<16xf32>,
      %parallel_loop3A_796 = arith.index_cast %parallel_loop3A_749 : i32 to index
      %parallel_loop3A_797 = arith.constant 96 : index
      %parallel_loop3A_798 = tpu.vector_load %arg12[%parallel_loop3A_796, %parallel_loop3A_797] {strides = array<i32>} : memref<64x200xf32, #tpu.memory_space<vmem>>, vector<16xf32>,
      tpu.vector_store %arg12[%parallel_loop3A_796, %parallel_loop3A_797], %parallel_loop3A_795 {strides = array<i32>} : memref<64x200xf32, #tpu.memory_space<vmem>>, vector<16xf32>,
      %parallel_loop3A_799 = arith.index_cast %parallel_loop3A_749 : i32 to index
      %parallel_loop3A_800 = arith.constant 112 : index
      %parallel_loop3A_801 = tpu.vector_load %arg10[%parallel_loop3A_799, %parallel_loop3A_800] {strides = array<i32>} : memref<64x200xi32, #tpu.memory_space<vmem>>, vector<16xi32>,
      %parallel_loop3A_802 = tpu.vector_load_idx %arg8[%parallel_loop3A_801] : memref<112xf32, #tpu.memory_space<vmem>>[vector<16xi32>], vector<16xf32>,
      %parallel_loop3A_803 = arith.index_cast %parallel_loop3A_749 : i32 to index
      %parallel_loop3A_804 = arith.constant 112 : index
      %parallel_loop3A_805 = tpu.vector_load %arg12[%parallel_loop3A_803, %parallel_loop3A_804] {strides = array<i32>} : memref<64x200xf32, #tpu.memory_space<vmem>>, vector<16xf32>,
      tpu.vector_store %arg12[%parallel_loop3A_803, %parallel_loop3A_804], %parallel_loop3A_802 {strides = array<i32>} : memref<64x200xf32, #tpu.memory_space<vmem>>, vector<16xf32>,
      %parallel_loop3A_806 = arith.index_cast %parallel_loop3A_749 : i32 to index
      %parallel_loop3A_807 = arith.constant 128 : index
      %parallel_loop3A_808 = tpu.vector_load %arg10[%parallel_loop3A_806, %parallel_loop3A_807] {strides = array<i32>} : memref<64x200xi32, #tpu.memory_space<vmem>>, vector<16xi32>,
      %parallel_loop3A_809 = tpu.vector_load_idx %arg8[%parallel_loop3A_808] : memref<112xf32, #tpu.memory_space<vmem>>[vector<16xi32>], vector<16xf32>,
      %parallel_loop3A_810 = arith.index_cast %parallel_loop3A_749 : i32 to index
      %parallel_loop3A_811 = arith.constant 128 : index
      %parallel_loop3A_812 = tpu.vector_load %arg12[%parallel_loop3A_810, %parallel_loop3A_811] {strides = array<i32>} : memref<64x200xf32, #tpu.memory_space<vmem>>, vector<16xf32>,
      tpu.vector_store %arg12[%parallel_loop3A_810, %parallel_loop3A_811], %parallel_loop3A_809 {strides = array<i32>} : memref<64x200xf32, #tpu.memory_space<vmem>>, vector<16xf32>,
      %parallel_loop3A_813 = arith.index_cast %parallel_loop3A_749 : i32 to index
      %parallel_loop3A_814 = arith.constant 144 : index
      %parallel_loop3A_815 = tpu.vector_load %arg10[%parallel_loop3A_813, %parallel_loop3A_814] {strides = array<i32>} : memref<64x200xi32, #tpu.memory_space<vmem>>, vector<16xi32>,
      %parallel_loop3A_816 = tpu.vector_load_idx %arg8[%parallel_loop3A_815] : memref<112xf32, #tpu.memory_space<vmem>>[vector<16xi32>], vector<16xf32>,
      %parallel_loop3A_817 = arith.index_cast %parallel_loop3A_749 : i32 to index
      %parallel_loop3A_818 = arith.constant 144 : index
      %parallel_loop3A_819 = tpu.vector_load %arg12[%parallel_loop3A_817, %parallel_loop3A_818] {strides = array<i32>} : memref<64x200xf32, #tpu.memory_space<vmem>>, vector<16xf32>,
      tpu.vector_store %arg12[%parallel_loop3A_817, %parallel_loop3A_818], %parallel_loop3A_816 {strides = array<i32>} : memref<64x200xf32, #tpu.memory_space<vmem>>, vector<16xf32>,
      %parallel_loop3A_820 = arith.index_cast %parallel_loop3A_749 : i32 to index
      %parallel_loop3A_821 = arith.constant 160 : index
      %parallel_loop3A_822 = tpu.vector_load %arg10[%parallel_loop3A_820, %parallel_loop3A_821] {strides = array<i32>} : memref<64x200xi32, #tpu.memory_space<vmem>>, vector<16xi32>,
      %parallel_loop3A_823 = tpu.vector_load_idx %arg8[%parallel_loop3A_822] : memref<112xf32, #tpu.memory_space<vmem>>[vector<16xi32>], vector<16xf32>,
      %parallel_loop3A_824 = arith.index_cast %parallel_loop3A_749 : i32 to index
      %parallel_loop3A_825 = arith.constant 160 : index
      %parallel_loop3A_826 = tpu.vector_load %arg12[%parallel_loop3A_824, %parallel_loop3A_825] {strides = array<i32>} : memref<64x200xf32, #tpu.memory_space<vmem>>, vector<16xf32>,
      tpu.vector_store %arg12[%parallel_loop3A_824, %parallel_loop3A_825], %parallel_loop3A_823 {strides = array<i32>} : memref<64x200xf32, #tpu.memory_space<vmem>>, vector<16xf32>,
      %parallel_loop3A_827 = arith.index_cast %parallel_loop3A_749 : i32 to index
      %parallel_loop3A_828 = arith.constant 176 : index
      %parallel_loop3A_829 = tpu.vector_load %arg10[%parallel_loop3A_827, %parallel_loop3A_828] {strides = array<i32>} : memref<64x200xi32, #tpu.memory_space<vmem>>, vector<16xi32>,
      %parallel_loop3A_830 = tpu.vector_load_idx %arg8[%parallel_loop3A_829] : memref<112xf32, #tpu.memory_space<vmem>>[vector<16xi32>], vector<16xf32>,
      %parallel_loop3A_831 = arith.index_cast %parallel_loop3A_749 : i32 to index
      %parallel_loop3A_832 = arith.constant 176 : index
      %parallel_loop3A_833 = tpu.vector_load %arg12[%parallel_loop3A_831, %parallel_loop3A_832] {strides = array<i32>} : memref<64x200xf32, #tpu.memory_space<vmem>>, vector<16xf32>,
      tpu.vector_store %arg12[%parallel_loop3A_831, %parallel_loop3A_832], %parallel_loop3A_830 {strides = array<i32>} : memref<64x200xf32, #tpu.memory_space<vmem>>, vector<16xf32>,
    } {sc.loop_unroll_factor = 2 : i64, sc.parallel_access}
    %parallel_loop3A_732 = arith.constant 0 : i32
    %parallel_loop3A_733 = arith.constant 32 : i32
    %parallel_loop3A_734 = arith.constant 1 : i32
    scf.for %parallel_loop3A_749 = %parallel_loop3A_732 to %parallel_loop3A_733 step %parallel_loop3A_734  : i32 {
      %parallel_loop3A_750 = arith.constant 2 : i32
      %parallel_loop3A_751 = arith.muli %parallel_loop3A_750, %parallel_loop3A_749 : i32
      %parallel_loop3A_752 = vector.broadcast %parallel_loop3A_751 : i32 to vector<16xi32>
      %parallel_loop3A_753 = arith.addi %parallel_loop3A_752, %select_n3A : vector<16xi32>
      %parallel_loop3A_754 = tpu.vector_load_idx %arg10[%parallel_loop3A_753, %add3A_554] : memref<64x200xi32, #tpu.memory_space<vmem>>[vector<16xi32>, vector<16xi32>], vector<16xi32>,
      %parallel_loop3A_755 = tpu.vector_load_idx %arg8[%parallel_loop3A_754] : memref<112xf32, #tpu.memory_space<vmem>>[vector<16xi32>], vector<16xf32>,
      tpu.vector_store_idx %arg12[%parallel_loop3A_753, %add3A_554], %parallel_loop3A_755 : memref<64x200xf32, #tpu.memory_space<vmem>>[vector<16xi32>, vector<16xi32>], vector<16xf32>,
    } {sc.loop_unroll_factor = 4 : i64, sc.parallel_access}
    %add3A_735 = arith.constant 448 : i32
    %add3A_736 = arith.addi %mul3A_2, %add3A_735 : i32
    %dma_start3A_737 = arith.constant 0 : i32
    %dma_start3A_738 = tpu.memref_slice %arg5[%add3A_736, %dma_start3A_737] : memref<16384x200xf32, #tpu.memory_space<hbm>> -> memref<64x200xf32, #tpu.memory_space<hbm>>
    %dma_start3A_739 = arith.constant 0 : i32
    %dma_start3A_740 = tpu.memref_slice %arg5[%add3A_736, %dma_start3A_739] : memref<16384x200xf32, #tpu.memory_space<hbm>> -> memref<64x200xf32, #tpu.memory_space<hbm>>
    tpu.enqueue_dma source(%arg12 : memref<64x200xf32, #tpu.memory_space<vmem>>) target(%dma_start3A_740 : memref<64x200xf32, #tpu.memory_space<hbm>>) target_semaphore(%arg16 : memref<!tpu.dma_semaphore, #tpu.memory_space<semaphore_mem>>)
    %dma_wait3A_741 = arith.constant 0 : i32
    %dma_wait3A_742 = tpu.memref_slice %arg5[%add3A_716, %dma_wait3A_741] : memref<16384x200xf32, #tpu.memory_space<hbm>> -> memref<64x200xf32, #tpu.memory_space<hbm>>
    %dma_wait3A_743 = arith.constant 0 : i32
    %dma_wait3A_744 = tpu.memref_slice %arg5[%add3A_716, %dma_wait3A_743] : memref<16384x200xf32, #tpu.memory_space<hbm>> -> memref<64x200xf32, #tpu.memory_space<hbm>>
    tpu.wait_dma2 semaphore(%arg15 : memref<!tpu.dma_semaphore, #tpu.memory_space<semaphore_mem>>) src(%arg11 : memref<64x200xf32, #tpu.memory_space<vmem>>) dst(%dma_wait3A_744 : memref<64x200xf32, #tpu.memory_space<hbm>>)
    %dma_wait3A_745 = arith.constant 0 : i32
    %dma_wait3A_746 = tpu.memref_slice %arg5[%add3A_736, %dma_wait3A_745] : memref<16384x200xf32, #tpu.memory_space<hbm>> -> memref<64x200xf32, #tpu.memory_space<hbm>>
    %dma_wait3A_747 = arith.constant 0 : i32
    %dma_wait3A_748 = tpu.memref_slice %arg5[%add3A_736, %dma_wait3A_747] : memref<16384x200xf32, #tpu.memory_space<hbm>> -> memref<64x200xf32, #tpu.memory_space<hbm>>
    tpu.wait_dma2 semaphore(%arg16 : memref<!tpu.dma_semaphore, #tpu.memory_space<semaphore_mem>>) src(%arg12 : memref<64x200xf32, #tpu.memory_space<vmem>>) dst(%dma_wait3A_748 : memref<64x200xf32, #tpu.memory_space<hbm>>)
    return
  }
}

</mosaic_0001>

<sc_bundles>
// kernel: _lut_gather.3.cloned.1.call-start
scs
__scs_entry_jumppad:
0x0: {  	(pc) =	sbr.rel $0x88, $3  }
0x1: {  	(tag) =	ssettag $0x0;
	lr =	simm.s32 $0x1  }
0x2: {  	[smem:$0x3F9E] =	sst lr;
	_ =	strace $0xD0000000  }
0x3: {  	_ = 	snop  }
0x4: {  	_ = 	snop  }
0x5: {  	_ = 	snop  }
0x6: {  	_ = 	snop  }
0x7: {  	_ = 	snop  }
__scs_overlays_trampoline_lowered:
0x8: {  	[smem:$0x3FAD] =	sst s0  }
0x9: {  	[smem:$0x3FAE] =	sst s1  }
0xa: {  	[smem:$0x3FAF] =	sst s2  }
0xb: {  	[smem:$0x3FB0] =	sst s3  }
0xc: {  	[smem:$0x3FB1] =	sst s4  }
0xd: {  	[smem:$0x3FB2] =	sst s5  }
0xe: {  	[smem:$0x3FB3] =	sst s6  }
0xf: {  	[smem:$0x3FB4] =	sst s7  }
0x10: {  	[smem:$0x3FB5] =	sst s8  }
0x11: {  	[smem:$0x3FB6] =	sst s9;
	s0 =	simm.s32 @!p0 $0x0  }
0x12: {  	s1 =	sld [smem:$0x3F9C];
	s0 =	simm.s32 @p0 $0x1  }
0x13: {  	[smem:$0x3FB7] =	sst s0;
	s0 =	simm.s32 @!p1 $0x0  }
0x14: {  	s2 =	sld [smem:$0x3F9B];
	s0 =	simm.s32 @p1 $0x1  }
0x15: {  	[smem:$0x3FB8] =	sst s0;
	s0 =	simm.s32 @!p2 $0x0  }
0x16: {  	s3 =	sld [smem:$0x3FDB];
	s0 =	simm.s32 @p2 $0x1  }
0x17: {  	s4 =	simm.s32 $0x1BF5;
	[smem:$0x3FBA] =	sst s0  }
0x18: {  	s0 =	sld [smem:$0x3F9D];
	_ =	swait.ge [sflag:s4], $0x0  }
0x19: {  	s7 =	sld [smem:$0x3F9E]  }
0x1a: {  	s8 =	sadd.s32 $0xFFFFE003, lr  }
0x1b: {  	s9 =	sadd.s32 $0xFFFFFEF7, lr;
	s5 =	simm.s32 $0xFFFFFFFF;
	p2 =	slt.u32 s8, $0xFFFFF086  }
0x1c: {  	p1 =	slt.u32 s9, $0xF7A;
	s5 =	simm.s32 @!p2 $0x0  }
0x1d: {  	s5 =	simm.s32 @p1 $0x1;
	p0 =	seq.s32 s7, s2  }
0x1e: {  	s7 =	smul.u32 @!p0 $0xF7A, s2;
	p2 =	seq.s32 @!p0 s5, $0x0  }
0x1f: {  	s9 =	smul.u32 $0xF7A, s1;
	s8 =	simm.s32 @!p0 $0x1BF5;
	p2 =	por !p2, p0  }
0x20: {  	[sflag:s8] =	ssyncset.s32 @!p0 $0xFFFFF086;
	s6 =	sadd.s32 @!p0 s3, s7;
	s7 =	simm.s32 @!p0 $0x108  }
0x21: {  	s3 =	sadd.s32 s3, s9;
	s6 =	sadd.s32 @!p0 $0x88, s6;
	s7 =	simm.s32 @p2 $0x1082  }
0x22: {  	[simem:s7], [sflag:s8] =	dma.local @!p0 [hbm:s6], $0xF7A  }
0x23: {  	s9 =	sor.u32 $0xD0000000, s2;
	s6 =	simm.s32 $0x108;
	_ =	swait.ge @!p0 [sflag:s8], $0x0  }
0x24: {  	s3 =	sadd.s32 $0x88, s3;
	s6 =	simm.s32 @!p1 $0x1082;
	[sflag:s4] =	ssyncset.s32 $0xFFFFF086  }
0x25: {  	[simem:s6], [sflag:s4] =	dma.local [hbm:s3], $0xF7A  }
0x26: {  	[smem:$0x3F9E] =	sst s1;
	(tag) =	ssettag s2;
	_ =	strace s9  }
0x27: {  	s1 =	sld [smem:$0x3FAE]  }
0x28: {  	s2 =	sld [smem:$0x3FAF]  }
0x29: {  	s4 =	sld [smem:$0x3FB1]  }
0x2a: {  	p0 =	seq.s32 s5, $0x0;
	s5 =	sld [smem:$0x3FB2]  }
0x2b: {  	s6 =	sld [smem:$0x3FB3]  }
0x2c: {  	s7 =	sld [smem:$0x3FB4]  }
0x2d: {  	s3 =	simm.s32 $0x108;
	s8 =	sld [smem:$0x3FB5]  }
0x2e: {  	s3 =	simm.s32 @!p0 $0x1082;
	s9 =	sld [smem:$0x3FB6]  }
0x2f: {  	lr =	sadd.s32 s0, s3;
	s0 =	sld [smem:$0x3FAD]  }
0x30: {  	s3 =	sld [smem:$0x3FB0]  }
0x31: {  	[smem:$0x3FB9] =	sst s10  }
0x32: {  	s10 =	sld [smem:$0x3FB7];
	_ =	sdelay $0x3  }
0x33: {  	p0 =	seq.s32 s10, $0x1;
	s10 =	sld [smem:$0x3FB9];
	_ =	sdelay $0x3  }
0x34: {  	[smem:$0x3FB9] =	sst s10  }
0x35: {  	s10 =	sld [smem:$0x3FB8];
	_ =	sdelay $0x3  }
0x36: {  	p1 =	seq.s32 s10, $0x1;
	s10 =	sld [smem:$0x3FB9];
	_ =	sdelay $0x3  }
0x37: {  	[smem:$0x3FB9] =	sst s10  }
0x38: {  	s10 =	sld [smem:$0x3FBA]  }
0x39: {  	_ = 	snop;
	(pc) =	sbr.ind lr, $3  }
0x3a: {  	_ = 	snop  }
0x3b: {  	_ = 	snop  }
0x3c: {  	p2 =	seq.s32 s10, $0x1;
	s10 =	sld [smem:$0x3FB9]  }
0x3d: {  	_ =	shalt  }
0x3e: {  	_ =	shalt  }
0x3f: {  	_ =	shalt  }
0x40: {  	_ =	shalt  }
0x41: {  	_ =	shalt  }
0x42: {  	_ =	shalt  }
0x43: {  	_ =	shalt  }
0x44: {  	_ =	shalt  }
0x45: {  	_ =	shalt  }
0x46: {  	_ =	shalt  }
0x47: {  	_ =	shalt  }
0x48: {  	_ =	shalt  }
0x49: {  	_ =	shalt  }
0x4a: {  	_ =	shalt  }
0x4b: {  	_ =	shalt  }
0x4c: {  	_ =	shalt  }
0x4d: {  	_ =	shalt  }
0x4e: {  	_ =	shalt  }
0x4f: {  	_ =	shalt  }
0x50: {  	_ =	shalt  }
0x51: {  	_ =	shalt  }
0x52: {  	_ =	shalt  }
0x53: {  	_ =	shalt  }
0x54: {  	_ =	shalt  }
0x55: {  	_ =	shalt  }
0x56: {  	_ =	shalt  }
0x57: {  	_ =	shalt  }
0x58: {  	_ =	shalt  }
0x59: {  	_ =	shalt  }
0x5a: {  	_ =	shalt  }
0x5b: {  	_ =	shalt  }
0x5c: {  	_ =	shalt  }
0x5d: {  	_ =	shalt  }
0x5e: {  	_ =	shalt  }
0x5f: {  	_ =	shalt  }
0x60: {  	_ =	shalt  }
0x61: {  	_ =	shalt  }
0x62: {  	_ =	shalt  }
0x63: {  	_ =	shalt  }
0x64: {  	_ =	shalt  }
0x65: {  	_ =	shalt  }
0x66: {  	_ =	shalt  }
0x67: {  	_ =	shalt  }
0x68: {  	_ =	shalt  }
0x69: {  	_ =	shalt  }
0x6a: {  	_ =	shalt  }
0x6b: {  	_ =	shalt  }
0x6c: {  	_ =	shalt  }
0x6d: {  	_ =	shalt  }
0x6e: {  	_ =	shalt  }
0x6f: {  	_ =	shalt  }
0x70: {  	_ =	shalt  }
0x71: {  	_ =	shalt  }
0x72: {  	_ =	shalt  }
0x73: {  	_ =	shalt  }
0x74: {  	_ =	shalt  }
0x75: {  	_ =	shalt  }
0x76: {  	_ =	shalt  }
0x77: {  	_ =	shalt  }
0x78: {  	_ =	shalt  }
0x79: {  	_ =	shalt  }
0x7a: {  	_ =	shalt  }
0x7b: {  	_ =	shalt  }
0x7c: {  	_ =	shalt  }
0x7d: {  	_ =	shalt  }
0x7e: {  	_ =	shalt  }
0x7f: {  	_ =	shalt  }
0x80: {  	_ =	shalt  }
0x81: {  	_ =	shalt  }
0x82: {  	_ =	shalt  }
0x83: {  	_ =	shalt  }
0x84: {  	_ =	shalt  }
0x85: {  	_ =	shalt  }
0x86: {  	_ =	shalt  }
0x87: {  	_ =	shalt  }
.Lfunc_end0:
.L_simem_size_0:
called_computation_lowered:
.L_overlay_start_0:
0x88: {  	s2 =	sld [smem:$0x3FD9]  }
0x89: {  	s3 =	sld [smem:$0x3FFE];
	_ =	sdelay $0x1  }
0x8a: {  	s1 =	srdreg.scid  }
0x8b: {  	s0 =	sand.u32 $0x1, s1  }
0x8c: {  	s17 =	sshll.u32 s0, $0xA;
	s2 =	sadd.s32 s3, s2  }
0x8d: {  	s2 =	sadd.s32 s2, s17  }
0x8e: {  	[smem:$0x3FC5] =	sst s2  }
0x8f: {  	_ = 	snop  }
0x90: {  	s2 =	sld [smem:$0x3FC8]  }
0x91: {  	s18 =	sld [smem:$0x3FC7];
	(tm) =	ssettm $0x1  }
0x92: {  	s4 =	sld [smem:$0x3FFB];
	_ =	sdelay $0x3  }
0x93: {  	_ =	strace s4  }
0x94: {  	s4 =	sld [smem:$0x3FFC];
	_ =	sdelay $0x3  }
0x95: {  	_ =	strace s4  }
0x96: {  	s4 =	sld [smem:$0x3FFD];
	_ =	sdelay $0x3  }
0x97: {  	_ =	strace s4  }
0x98: {  	_ =	strace $0x8FFFFFFF  }
0x99: {  	s19 =	sld [smem:$0x3FDB];
	_ =	sdelay $0x1  }
0x9a: {  	s5 =	simm.s32 $_scs_section_size  }
0x9b: {  	s6 =	simm.s32 $_size__tile_overlayer_lowered;
	s7 =	simm.s32 $_tile_overlayer_lowered  }
0x9c: {  	s22 =	simm.s32 $0x1BFF;
	s21 =	sshll.u32 s7, $0x1;
	s4 =	sadd.s32 s5, s19  }
0x9d: {  	s8 =	simm.s32 $0x0;
	s20 =	sshll.u32 s6, $0x1;
	s6 =	sadd.s32 s21, s4  }
0x9e: {  	[timem:s8], [sflag:s22] =	dma.local [hbm:s6], s20  }
0x9f: {  	_ =	swait.ge [sflag:s22], s20  }
0xa0: {  	s5 =	ssub.s32 $0x0, s20;
	[sflag:s22] =	ssyncset.done $0x0  }
0xa1: {  	[sflag:s22] =	ssyncadd.s32 s5;
	_ =	sdelay $0x1  }
0xa2: {  	s23 =	simm.s32 $0x1B8B  }
0xa3: {  	_ =	swait.ge [sflag:s23], $0x1  }
0xa4: {  	[sflag:s23] =	ssyncset.done $0x0  }
0xa5: {  	s25 =	simm.s32 $0x1B8E;
	s24 =	sld [smem:$0x3FFE];
	[sflag:s23] =	ssyncadd.s32 $0xFFFFFFFF  }
0xa6: {  	s26 =	simm.s32 $execute0_lowered;
	[smem:$0x3FD2] =	sst s25  }
0xa7: {  	s6 =	sshll.u32 s26, $0x1;
	_ =	strace $0x80000046;
	[dreg:$0x1] =	wrdreg $0xFFFFFFFF  }
0xa8: {  	s28 =	simm.s32 $_size_execute0_lowered;
	s4 =	sadd.s32 s4, s6;
	[dreg:$0x0] =	wrdreg $0x0  }
0xa9: {  	s6 =	sshll.u32 s28, $0x1;
	[dreg:$0x2] =	wrdreg s4  }
0xaa: {  	[dreg:$0x3] =	wrdreg s6  }
0xab: {  	[dreg:$0x4] =	wrdreg $0xC0  }
0xac: {  	_ =	task [dreg:s8], $0x5FFFF  }
0xad: {  	[dreg:$0x1] =	wrdreg $0xFFFFFFFF  }
0xae: {  	[dreg:$0x0] =	wrdreg $0x60  }
0xaf: {  	[dreg:$0x2] =	wrdreg s24  }
0xb0: {  	[dreg:$0x3] =	wrdreg s2  }
0xb1: {  	[dreg:$0x4] =	wrdreg s18  }
0xb2: {  	[dreg:$0x5] =	wrdreg $0x9  }
0xb3: {  	_ =	task.clear_ibuf [dreg:s8], $0x6FFFF;
	_ =	strace $0x90000046  }
0xb4: {  	s29 =	simm.s32 $0x9;
	_ =	strace $0x80000048  }
0xb5: {  	_ =	swait.ge [sflag:s29], $0x1  }
0xb6: {  	[sflag:s29] =	ssyncadd.s32 $0xFFFFFFFF  }
0xb7: {  	_ =	strace $0x90000048  }
0xb8: {  	_ =	sfence  }
0xb9: {  	s30 =	sld [smem:$0x0];
	_ =	sdelay $0x2  }
0xba: {  	s31 =	sshll.u32 s1, $0xD;
	s1 =	sshrl.u32 s1, $0x2  }
0xbb: {  	s3 =	sand.u32 $0x4000, s31;
	s1 =	sadd.s32 s1, s30  }
0xbc: {  	s0 =	sor.u32 s3, s0;
	s1 =	sshll.u32 s1, $0x11  }
0xbd: {  	s0 =	sor.u32 s1, s0  }
0xbe: {  	s0 =	sadd.s32 $0x8F2B, s0  }
0xbf: {  	[sflag:s0] =	ssyncadd.remote.s32 $0x1  }
0xc0: {  	_ =	sfence.sel $0xFFFF  }
0xc1: {  	[dreg:$0x0] =	wrdreg $0xFFFFFFFF;
	(pc) =	sbr.abs _section_cstart, $3  }
0xc2: {  	[dreg:$0x1] =	wrdreg $0xFFFFFFFF  }
0xc3: {  	_ =	task.clear_ibuf [dreg:s8], $0x2FFFF;
	_ =	strace $0x9FFFFFFF  }
0xc4: {  	(tm) =	ssettm $0x7FFFFFFF  }
0xc5: {  	_ =	shalt  }
tec
execute0_lowered:
.L_overlay_start_1:
0x0: {  	(tag) =	ssettag $0x1  }
0x1: {  	v0 =	vlaneseq.u32  }
0x2: {  	v0 =	vmul.u32 $0xA, v0;
	_ =	sdelay $0x1  }
0x3: {  	v1 =	vor.u32 $0x1, v0  }
0x4: {  	[tilespmem:$0x1FD60] =	vst v1;
	v1 =	vadd.s32 $0x2, v0  }
0x5: {  	[tilespmem:$0x1FD70] =	vst v1;
	v1 =	vadd.s32 $0x3, v0  }
0x6: {  	[tilespmem:$0x1FD80] =	vst v1;
	v1 =	vadd.s32 $0x4, v0  }
0x7: {  	[tilespmem:$0x1FD90] =	vst v1;
	v1 =	vadd.s32 $0x5, v0  }
0x8: {  	[tilespmem:$0x1FDA0] =	vst v1;
	v1 =	vadd.s32 $0x6, v0  }
0x9: {  	[tilespmem:$0x1FDB0] =	vst v1;
	v1 =	vadd.s32 $0x7, v0  }
0xa: {  	[tilespmem:$0x1FDC0] =	vst v1;
	v1 =	vadd.s32 $0x8, v0  }
0xb: {  	[tilespmem:$0x1FDD0] =	vst v1;
	v1 =	vadd.s32 $0x9, v0  }
0xc: {  	[tilespmem:$0x1FDE0] =	vst v1;
	v1 =	vadd.s32 $0xA0, v0  }
0xd: {  	[tilespmem:$0x1FDF0] =	vst v1;
	v1 =	vadd.s32 $0xA1, v0  }
0xe: {  	[tilespmem:$0x1FE00] =	vst v1;
	v1 =	vadd.s32 $0xA2, v0  }
0xf: {  	[tilespmem:$0x1FE10] =	vst v1;
	v1 =	vadd.s32 $0xA3, v0  }
0x10: {  	[tilespmem:$0x1FE20] =	vst v1;
	v1 =	vadd.s32 $0xA4, v0  }
0x11: {  	[tilespmem:$0x1FE30] =	vst v1;
	v1 =	vadd.s32 $0xA5, v0  }
0x12: {  	[tilespmem:$0x1FE40] =	vst v1;
	v1 =	vadd.s32 $0xA6, v0  }
0x13: {  	[tilespmem:$0x1FE50] =	vst v1;
	v1 =	vadd.s32 $0xA7, v0  }
0x14: {  	[tilespmem:$0x1FE60] =	vst v1;
	v1 =	vadd.s32 $0xA8, v0  }
0x15: {  	[tilespmem:$0x1FE70] =	vst v1;
	v1 =	vadd.s32 $0xA9, v0  }
0x16: {  	[tilespmem:$0x1FE80] =	vst v1;
	v1 =	vadd.s32 $0x140, v0  }
0x17: {  	[tilespmem:$0x1FE90] =	vst v1;
	v1 =	vadd.s32 $0x141, v0  }
0x18: {  	[tilespmem:$0x1FEA0] =	vst v1;
	v1 =	vadd.s32 $0x142, v0  }
0x19: {  	[tilespmem:$0x1FEB0] =	vst v1;
	v1 =	vadd.s32 $0x143, v0  }
0x1a: {  	[tilespmem:$0x1FEC0] =	vst v1;
	v1 =	vadd.s32 $0x144, v0  }
0x1b: {  	[tilespmem:$0x1FED0] =	vst v1;
	v1 =	vadd.s32 $0x145, v0  }
0x1c: {  	[tilespmem:$0x1FEE0] =	vst v1;
	v1 =	vadd.s32 $0x146, v0  }
0x1d: {  	[tilespmem:$0x1FEF0] =	vst v1;
	v1 =	vadd.s32 $0x147, v0  }
0x1e: {  	[tilespmem:$0x1FF00] =	vst v1;
	v1 =	vadd.s32 $0x148, v0  }
0x1f: {  	[tilespmem:$0x1FF10] =	vst v1;
	v1 =	vadd.s32 $0x149, v0  }
0x20: {  	v2 =	vimm.s32 $0xC7C6C5C4;
	[tilespmem:$0x1FF20] =	vst v1;
	v1 =	vadd.s32 $0x1E0, v0  }
0x21: {  	vm0 =	vcmask $0x1F10;
	v3 =	vimm.s32 $0x43424140;
	[tilespmem:$0x1FF30] =	vst v1;
	v1 =	vadd.s32 $0x1E1, v0  }
0x22: {  	v4 =	vimm.s32 $0x1C7;
	vm8 =	vcmask $0x300;
	[tilespmem:$0x1FF40] =	vst v1;
	v1 =	vadd.s32 $0x1E2, v0  }
0x23: {  	v5 =	vimm.s32 $0x47464544;
	vm6 =	vcmask $0x704;
	[tilespmem:$0x1FF50] =	vst v1;
	v1 =	vadd.s32 $0x1E3, v0  }
0x24: {  	vm7 =	vcmask $0xB08;
	vm5 =	vcmask $0xF0C;
	[tilespmem:$0x1FF60] =	vst v1;
	v1 =	vadd.s32 $0x1E4, v0  }
0x25: {  	vm4 =	vcmask $0x1310;
	vm3 =	vcmask $0x1714;
	[tilespmem:$0x1FF70] =	vst v1;
	v1 =	vadd.s32 $0x1E5, v0  }
0x26: {  	vm1 =	vcmask $0x1B18;
	vm9 =	vcmask $0x1F1C;
	[tilespmem:$0x1FF80] =	vst v1;
	v1 =	vadd.s32 $0x1E6, v0  }
0x27: {  	vm2 =	vcmask $0x2320;
	vm10 =	vcmask $0x2724;
	[tilespmem:$0x1FF90] =	vst v1;
	v1 =	vadd.s32 $0x1E7, v0  }
0x28: {  	vm11 =	vcmask $0x2B28;
	vm12 =	vcmask $0x2F2C;
	[tilespmem:$0x1FFA0] =	vst v1;
	v1 =	vadd.s32 $0x1E8, v0  }
0x29: {  	vm13 =	vcmask $0x3330;
	vm14 =	vcmask $0x3734;
	[tilespmem:$0x1FFB0] =	vst v1;
	v1 =	vadd.s32 $0x1E9, v0  }
0x2a: {  	vm15 =	vcmask $0x3B38;
	v2 =	vunpack.c.0.s8.s32 v2;
	[tilespmem:$0x1FFC0] =	vst v1;
	v1 =	vadd.s32 $0x280, v0  }
0x2b: {  	v3 =	vunpack.c.0.s8.s32 v3;
	v4 =	vsel vm8, $0x140, v4;
	[tilespmem:$0x1FFD0] =	vst v1;
	v1 =	vadd.s32 $0x281, v0  }
0x2c: {  	v5 =	vunpack.c.0.s8.s32 v5;
	v4 =	vsel vm6, $0x141, v4;
	[tilespmem:$0x1FFE0] =	vst v1;
	v1 =	vadd.s32 $0x282, v0  }
0x2d: {  	v43 =	vadd.s32 $0x283, v0;
	v44 =	vadd.s32 $0x284, v0;
	[tilespmem:$0x1FFF0] =	vst v1;
	v1 =	vimm.s32 $0xC3C2C1C0  }
0x2e: {  	v45 =	vadd.s32 $0x285, v0;
	v46 =	vadd.s32 $0x286, v0;
	v1 =	vunpack.c.0.s8.s32 v1  }
0x2f: {  	v47 =	vadd.s32 $0x287, v0;
	v48 =	vadd.s32 $0x288, v0;
	v49 =	vadd.s32 $0x289, v0  }
0x30: {  	v50 =	vadd.s32 $0x320, v0;
	v1 =	vsel vm0, v2, v1;
	v2 =	vsel vm7, $0x142, v4  }
0x31: {  	s0 =	rddreg [dreg:$0x0];
	v51 =	vadd.s32 $0x321, v0;
	v3 =	vsel vm0, v5, v3;
	v2 =	vsel vm5, $0x143, v2  }
0x32: {  	s3 =	simm.s32 $0x0;
	s1 =	srdreg.scid;
	s6 =	stileid.u32;
	v52 =	vadd.s32 $0x322, v0;
	v1 =	vcombine.low v3, v1;
	v2 =	vsel vm4, $0x144, v2  }
0x33: {  	s28 =	simm.s32 $0x580;
	s29 =	simm.s32 $0x8600;
	s30 =	simm.s32 $0x2;
	v53 =	vadd.s32 $0x323, v0;
	v54 =	vadd.s32 $0x324, v0;
	v2 =	vsel vm3, $0x145, v2  }
0x34: {  	s31 =	simm.s32 $0xC600;
	[smem:$0x7FF] =	sst s3;
	s1 =	sand.u32 $0x1, s1;
	v60 =	vand.u32 $0xFF, v1;
	v1 =	vsel vm1, $0x146, v2;
	v2 =	vimm.s32 $0x2C7  }
0x35: {  	s6 =	sshll.u32 s6, $0xF;
	s4 =	ssub.s32 $0x2, s1;
	s1 =	sshll.u32 s1, $0xE;
	v55 =	vadd.s32 $0x325, v0;
	v3 =	vimm.s32 $0x3C7;
	v2 =	vsel vm8, $0x240, v2  }
0x36: {  	s2 =	sadd.s32 $0x400, s0;
	v56 =	vadd.s32 $0x326, v0;
	s5 =	sshrl.u32 s4, $0x1;
	s1 =	sor.u32 s1, s6;
	v3 =	vsel vm8, $0x340, v3;
	v2 =	vsel vm6, $0x241, v2  }
0x37: {  	s0 =	sadd.s32 $0x80400, s0;
	v57 =	vadd.s32 $0x327, v0;
	s4 =	ssub.s32 s4, s5;
	s18 =	sadd.s32 s2, s1;
	v3 =	vsel vm6, $0x341, v3;
	v2 =	vsel vm7, $0x242, v2  }
0x38: {  	v58 =	vadd.s32 $0x328, v0;
	s19 =	sor.u32 $0x800, s1;
	s6 =	sor.u32 $0x1000, s1;
	s21 =	sor.u32 $0x1800, s1;
	v3 =	vsel vm7, $0x342, v3;
	v2 =	vsel vm5, $0x243, v2  }
0x39: {  	v59 =	vadd.s32 $0x329, v0;
	s8 =	sadd.s32 s0, s1;
	s23 =	sor.u32 $0x2000, s1;
	s25 =	sor.u32 $0x2800, s1;
	v3 =	vsel vm5, $0x343, v3;
	v2 =	vsel vm4, $0x244, v2  }
0x3a: {  	s26 =	sor.u32 $0x3000, s1;
	s1 =	sor.u32 $0x3800, s1;
	s7 =	sadd.s32 s2, s19;
	v4 =	vadd.s32 $0x3C3, v0;
	v3 =	vsel vm4, $0x344, v3;
	v2 =	vsel vm3, $0x245, v2  }
0x3b: {  	s20 =	sadd.s32 s2, s6;
	_ =	strace $0x80000047;
	[dreg:$0x4] =	wrdreg s18;
	v1 =	vsel vm9, $0x147, v1;
	v3 =	vsel vm3, $0x345, v3;
	v2 =	vsel vm1, $0x246, v2  }
0x3c: {  	s22 =	sadd.s32 s2, s21;
	s5 =	sadd.s32 s0, s19;
	[dreg:$0x5] =	wrdreg s7;
	v1 =	vsel vm2, $0x1C0, v1;
	v3 =	vsel vm1, $0x346, v3;
	v2 =	vsel vm9, $0x247, v2  }
0x3d: {  	s24 =	sadd.s32 s2, s23;
	s6 =	sadd.s32 s0, s6;
	[dreg:$0x6] =	wrdreg s20;
	v1 =	vsel vm10, $0x1C1, v1;
	v3 =	vsel vm9, $0x347, v3;
	v2 =	vsel vm2, $0x2C0, v2  }
0x3e: {  	s13 =	sadd.s32 s2, s25;
	s14 =	sadd.s32 s0, s21;
	[dreg:$0x7] =	wrdreg s8;
	v1 =	vsel vm11, $0x1C2, v1;
	v3 =	vsel vm2, $0x3C0, v3;
	v2 =	vsel vm10, $0x2C1, v2  }
0x3f: {  	s15 =	sadd.s32 s2, s26;
	s16 =	sadd.s32 s0, s23;
	[dreg:$0x8] =	wrdreg s22;
	v1 =	vsel vm12, $0x1C3, v1;
	v3 =	vsel vm10, $0x3C1, v3;
	v2 =	vsel vm11, $0x2C2, v2  }
0x40: {  	s17 =	sadd.s32 s2, s1;
	s19 =	sadd.s32 s0, s26;
	[dreg:$0x9] =	wrdreg s5;
	v1 =	vsel vm13, $0x1C4, v1;
	v3 =	vsel vm11, $0x3C2, v3;
	v2 =	vsel vm12, $0x2C3, v2  }
0x41: {  	s21 =	smax.u32 s4, $0x1;
	s23 =	simm.s32 $0x4600;
	[dreg:$0xa] =	wrdreg s24;
	v1 =	vsel vm14, $0x1C5, v1;
	v3 =	vsel vm12, $0x3C3, v3;
	v2 =	vsel vm13, $0x2C4, v2  }
0x42: {  	s26 =	simm.s32 $0x1;
	s4 =	simm.s32 $0x4;
	[dreg:$0xb] =	wrdreg s6;
	v61 =	vsel vm15, $0x1C6, v1;
	v3 =	vsel vm13, $0x3C4, v3;
	v1 =	vsel vm14, $0x2C5, v2  }
0x43: {  	s18 =	sadd.s32 s0, s25;
	s20 =	sadd.s32 s0, s1;
	s22 =	simm.s32 $0x600;
	v2 =	vsel vm14, $0x3C5, v3;
	v3 =	vadd.s32 $0x3C2, v0;
	v62 =	vsel vm15, $0x2C6, v1  }
0x44: {  	s24 =	simm.s32 $0x5;
	s1 =	simm.s32 $0x3;
	s0 =	simm.s32 $0x0;
	v63 =	vsel vm15, $0x3C6, v2;
	v1 =	vadd.s32 $0x3C0, v0;
	v2 =	vadd.s32 $0x3C1, v0  }
.LBB2_1:
0x45: {  	s2 =	rddreg [dreg:$0x4]  }
0x46: {  	[tilespmem:s22], [sflag:$0x1] =	stream.linear.gather [hbm4b:s2+s3], $0x4000, $0x38;
	[tilespmem:$0x10600] =	vst v63  }
0x47: {  	s25 =	rddreg [dreg:$0x5]  }
0x48: {  	[tilespmem:s23], [sflag:$0x2] =	stream.linear.gather [hbm4b:s25+s3], $0x4000, $0x38;
	[tilespmem:$0x10600] =	vst v63  }
0x49: {  	s5 =	rddreg [dreg:$0x1]  }
0x4a: {  	[tilespmem:s3], [sflag:$0x5] =	stream.linear.gather [hbm4b:s5+s3], $0x480, $0x38;
	[tilespmem:$0x10600] =	vst v63  }
0x4b: {  	_ =	swait.ge [sflag:s24], $0x480  }
0x4c: {  	[sflag:s24] =	ssyncset.done $0x0  }
0x4d: {  	[sflag:s24] =	ssyncadd.s32 $0xFFFFFB80  }
0x4e: {  	s5 =	simm.s32 $0x480;
	s6 =	rddreg [dreg:$0x2]  }
0x4f: {  	[tilespmem:s5], [sflag:$0x5] =	stream.linear.gather [hbm4b:s6+s3], $0x100, $0x38;
	[tilespmem:$0x10600] =	vst v63  }
0x50: {  	_ =	swait.ge [sflag:s24], $0x100  }
0x51: {  	v6 =	vld [tilespmem:$0x1FD60];
	_ =	sdelay $0x1  }
0x52: {  	[sflag:s24] =	ssyncset.done $0x0;
	v7 =	vld [tilespmem:$0x1FD70]  }
0x53: {  	[sflag:s24] =	ssyncadd.s32 $0xFFFFFF00  }
0x54: {  	v10 =	vld [tilespmem:$0x520]  }
0x55: {  	v15 =	vld [tilespmem:$0x480]  }
0x56: {  	v5 =	vld.idx.msk [tilespmem:v0+s3+$0x0], $0xffff  }
0x57: {  	v13 =	vld [tilespmem:$0x490]  }
0x58: {  	v6 =	vld.idx.msk [tilespmem:v6+s3+$0x0], $0xffff  }
0x59: {  	v11 =	vld [tilespmem:$0x4A0]  }
0x5a: {  	v8 =	vld.idx.msk [tilespmem:v7+s3+$0x0], $0xffff  }
0x5b: {  	v9 =	vmul.f32 v5, v15;
	v5 =	vld [tilespmem:$0x1FD80];
	_ =	sdelay $0x1  }
0x5c: {  	v9 =	vadd.f32 v9, v10;
	v14 =	vmul.f32 v6, v13;
	v6 =	vld [tilespmem:$0x1FD90];
	_ =	sdelay $0x1  }
0x5d: {  	v9 =	vadd.f32 v14, v9;
	v14 =	vmul.f32 v8, v11;
	v8 =	vld [tilespmem:$0x1FDA0];
	_ =	sdelay $0x1  }
0x5e: {  	v14 =	vadd.f32 v14, v9;
	v9 =	vld [tilespmem:$0x1FDB0]  }
0x5f: {  	v7 =	vld [tilespmem:$0x4B0]  }
0x60: {  	v12 =	vld.idx.msk [tilespmem:v5+s3+$0x0], $0xffff  }
0x61: {  	v5 =	vld [tilespmem:$0x4C0]  }
0x62: {  	v16 =	vld.idx.msk [tilespmem:v6+s3+$0x0], $0xffff  }
0x63: {  	v6 =	vld [tilespmem:$0x4D0]  }
0x64: {  	v17 =	vld.idx.msk [tilespmem:v8+s3+$0x0], $0xffff  }
0x65: {  	v12 =	vmul.f32 v12, v7;
	v8 =	vld [tilespmem:$0x4E0]  }
0x66: {  	v18 =	vld.idx.msk [tilespmem:v9+s3+$0x0], $0xffff  }
0x67: {  	v14 =	vadd.f32 v12, v14;
	v12 =	vld [tilespmem:$0x1FDC0];
	v16 =	vmul.f32 v16, v5;
	_ =	sdelay $0x1  }
0x68: {  	v16 =	vadd.f32 v16, v14;
	v17 =	vmul.f32 v17, v6;
	v14 =	vld [tilespmem:$0x1FDD0];
	_ =	sdelay $0x1  }
0x69: {  	v16 =	vadd.f32 v17, v16;
	v17 =	vmul.f32 v18, v8;
	v18 =	vld [tilespmem:$0x1FDE0];
	_ =	sdelay $0x2  }
0x6a: {  	v9 =	vld [tilespmem:$0x4F0]  }
0x6b: {  	v19 =	vld.idx.msk [tilespmem:v12+s3+$0x0], $0xffff  }
0x6c: {  	v12 =	vld [tilespmem:$0x500]  }
0x6d: {  	v20 =	vld.idx.msk [tilespmem:v14+s3+$0x0], $0xffff  }
0x6e: {  	v14 =	vld [tilespmem:$0x510]  }
0x6f: {  	v18 =	vld.idx.msk [tilespmem:v18+s3+$0x0], $0xffff  }
0x70: {  	v16 =	vadd.f32 v17, v16;
	v17 =	vmul.f32 v19, v9;
	_ =	sdelay $0x1  }
0x71: {  	v16 =	vadd.f32 v17, v16;
	v17 =	vmul.f32 v20, v12;
	_ =	sdelay $0x1  }
0x72: {  	v16 =	vadd.f32 v17, v16;
	v17 =	vmul.f32 v18, v14;
	_ =	sdelay $0x1  }
0x73: {  	v16 =	vadd.f32 v17, v16;
	_ =	sdelay $0x1  }
0x74: {  	[tilespmem:$0x580] =	vst v16;
	v16 =	vld [tilespmem:$0x1FDF0];
	_ =	sdelay $0x1  }
0x75: {  	v17 =	vld [tilespmem:$0x1FE00];
	_ =	sdelay $0x1  }
0x76: {  	v18 =	vld [tilespmem:$0x1FE10];
	_ =	sdelay $0x1  }
0x77: {  	v19 =	vld [tilespmem:$0x1FE20];
	_ =	sdelay $0x1  }
0x78: {  	v16 =	vld.idx.msk [tilespmem:v16+s3+$0x0], $0xffff;
	_ =	sdelay $0x1  }
0x79: {  	v17 =	vld.idx.msk [tilespmem:v17+s3+$0x0], $0xffff;
	_ =	sdelay $0x1  }
0x7a: {  	v18 =	vld.idx.msk [tilespmem:v18+s3+$0x0], $0xffff  }
0x7b: {  	v16 =	vmul.f32 v16, v15  }
0x7c: {  	v19 =	vld.idx.msk [tilespmem:v19+s3+$0x0], $0xffff  }
0x7d: {  	v20 =	vld [tilespmem:$0x1FE30];
	v17 =	vmul.f32 v17, v13;
	v16 =	vadd.f32 v16, v10;
	_ =	sdelay $0x1  }
0x7e: {  	v16 =	vadd.f32 v17, v16;
	v17 =	vmul.f32 v18, v11;
	v18 =	vld [tilespmem:$0x1FE40];
	_ =	sdelay $0x1  }
0x7f: {  	v16 =	vadd.f32 v17, v16;
	v17 =	vmul.f32 v19, v7;
	v19 =	vld [tilespmem:$0x1FE50];
	_ =	sdelay $0x3  }
0x80: {  	v20 =	vld.idx.msk [tilespmem:v20+s3+$0x0], $0xffff;
	_ =	sdelay $0x1  }
0x81: {  	v18 =	vld.idx.msk [tilespmem:v18+s3+$0x0], $0xffff;
	_ =	sdelay $0x1  }
0x82: {  	v19 =	vld.idx.msk [tilespmem:v19+s3+$0x0], $0xffff  }
0x83: {  	v16 =	vadd.f32 v17, v16;
	v17 =	vmul.f32 v20, v5;
	v20 =	vld [tilespmem:$0x1FE60];
	_ =	sdelay $0x1  }
0x84: {  	v16 =	vadd.f32 v17, v16;
	v17 =	vmul.f32 v18, v6;
	v18 =	vld [tilespmem:$0x1FE70];
	_ =	sdelay $0x1  }
0x85: {  	v16 =	vadd.f32 v17, v16;
	v17 =	vmul.f32 v19, v8;
	v19 =	vld [tilespmem:$0x1FE80];
	_ =	sdelay $0x3  }
0x86: {  	v20 =	vld.idx.msk [tilespmem:v20+s3+$0x0], $0xffff;
	_ =	sdelay $0x1  }
0x87: {  	v18 =	vld.idx.msk [tilespmem:v18+s3+$0x0], $0xffff;
	_ =	sdelay $0x1  }
0x88: {  	v19 =	vld.idx.msk [tilespmem:v19+s3+$0x0], $0xffff  }
0x89: {  	v16 =	vadd.f32 v17, v16;
	v17 =	vmul.f32 v20, v9;
	_ =	sdelay $0x1  }
0x8a: {  	v16 =	vadd.f32 v17, v16;
	v17 =	vmul.f32 v18, v12;
	_ =	sdelay $0x1  }
0x8b: {  	v16 =	vadd.f32 v17, v16;
	v17 =	vmul.f32 v19, v14;
	_ =	sdelay $0x1  }
0x8c: {  	v16 =	vadd.f32 v17, v16;
	_ =	sdelay $0x1  }
0x8d: {  	[tilespmem:$0x590] =	vst v16;
	v16 =	vld [tilespmem:$0x1FE90];
	_ =	sdelay $0x1  }
0x8e: {  	v17 =	vld [tilespmem:$0x1FEA0];
	_ =	sdelay $0x1  }
0x8f: {  	v18 =	vld [tilespmem:$0x1FEB0];
	_ =	sdelay $0x1  }
0x90: {  	v19 =	vld [tilespmem:$0x1FEC0];
	_ =	sdelay $0x1  }
0x91: {  	v16 =	vld.idx.msk [tilespmem:v16+s3+$0x0], $0xffff;
	_ =	sdelay $0x1  }
0x92: {  	v17 =	vld.idx.msk [tilespmem:v17+s3+$0x0], $0xffff;
	_ =	sdelay $0x1  }
0x93: {  	v18 =	vld.idx.msk [tilespmem:v18+s3+$0x0], $0xffff  }
0x94: {  	v16 =	vmul.f32 v16, v15  }
0x95: {  	v19 =	vld.idx.msk [tilespmem:v19+s3+$0x0], $0xffff  }
0x96: {  	v20 =	vld [tilespmem:$0x1FED0];
	v17 =	vmul.f32 v17, v13;
	v16 =	vadd.f32 v16, v10;
	_ =	sdelay $0x1  }
0x97: {  	v16 =	vadd.f32 v17, v16;
	v17 =	vmul.f32 v18, v11;
	v18 =	vld [tilespmem:$0x1FEE0];
	_ =	sdelay $0x1  }
0x98: {  	v16 =	vadd.f32 v17, v16;
	v17 =	vmul.f32 v19, v7;
	v19 =	vld [tilespmem:$0x1FEF0];
	_ =	sdelay $0x3  }
0x99: {  	v20 =	vld.idx.msk [tilespmem:v20+s3+$0x0], $0xffff;
	_ =	sdelay $0x1  }
0x9a: {  	v18 =	vld.idx.msk [tilespmem:v18+s3+$0x0], $0xffff;
	_ =	sdelay $0x1  }
0x9b: {  	v19 =	vld.idx.msk [tilespmem:v19+s3+$0x0], $0xffff  }
0x9c: {  	v16 =	vadd.f32 v17, v16;
	v17 =	vmul.f32 v20, v5;
	v20 =	vld [tilespmem:$0x1FF00];
	_ =	sdelay $0x1  }
0x9d: {  	v16 =	vadd.f32 v17, v16;
	v17 =	vmul.f32 v18, v6;
	v18 =	vld [tilespmem:$0x1FF10];
	_ =	sdelay $0x1  }
0x9e: {  	v16 =	vadd.f32 v17, v16;
	v17 =	vmul.f32 v19, v8;
	v19 =	vld [tilespmem:$0x1FF20];
	_ =	sdelay $0x3  }
0x9f: {  	v20 =	vld.idx.msk [tilespmem:v20+s3+$0x0], $0xffff;
	_ =	sdelay $0x1  }
0xa0: {  	v18 =	vld.idx.msk [tilespmem:v18+s3+$0x0], $0xffff;
	_ =	sdelay $0x1  }
0xa1: {  	v19 =	vld.idx.msk [tilespmem:v19+s3+$0x0], $0xffff  }
0xa2: {  	v16 =	vadd.f32 v17, v16;
	v17 =	vmul.f32 v20, v9;
	_ =	sdelay $0x1  }
0xa3: {  	v16 =	vadd.f32 v17, v16;
	v17 =	vmul.f32 v18, v12;
	_ =	sdelay $0x1  }
0xa4: {  	v16 =	vadd.f32 v17, v16;
	v17 =	vmul.f32 v19, v14;
	_ =	sdelay $0x1  }
0xa5: {  	v16 =	vadd.f32 v17, v16;
	_ =	sdelay $0x1  }
0xa6: {  	[tilespmem:$0x5A0] =	vst v16;
	v16 =	vld [tilespmem:$0x1FF30];
	_ =	sdelay $0x1  }
0xa7: {  	v17 =	vld [tilespmem:$0x1FF40];
	_ =	sdelay $0x1  }
0xa8: {  	v18 =	vld [tilespmem:$0x1FF50];
	_ =	sdelay $0x1  }
0xa9: {  	v19 =	vld [tilespmem:$0x1FF60];
	_ =	sdelay $0x1  }
0xaa: {  	v16 =	vld.idx.msk [tilespmem:v16+s3+$0x0], $0xffff;
	_ =	sdelay $0x1  }
0xab: {  	v17 =	vld.idx.msk [tilespmem:v17+s3+$0x0], $0xffff;
	_ =	sdelay $0x1  }
0xac: {  	v18 =	vld.idx.msk [tilespmem:v18+s3+$0x0], $0xffff  }
0xad: {  	v16 =	vmul.f32 v16, v15  }
0xae: {  	v19 =	vld.idx.msk [tilespmem:v19+s3+$0x0], $0xffff  }
0xaf: {  	v20 =	vld [tilespmem:$0x1FF70];
	v17 =	vmul.f32 v17, v13;
	v16 =	vadd.f32 v16, v10;
	_ =	sdelay $0x1  }
0xb0: {  	v16 =	vadd.f32 v17, v16;
	v17 =	vmul.f32 v18, v11;
	v18 =	vld [tilespmem:$0x1FF80];
	_ =	sdelay $0x1  }
0xb1: {  	v16 =	vadd.f32 v17, v16;
	v17 =	vmul.f32 v19, v7;
	v19 =	vld [tilespmem:$0x1FF90];
	_ =	sdelay $0x3  }
0xb2: {  	v20 =	vld.idx.msk [tilespmem:v20+s3+$0x0], $0xffff;
	_ =	sdelay $0x1  }
0xb3: {  	v18 =	vld.idx.msk [tilespmem:v18+s3+$0x0], $0xffff;
	_ =	sdelay $0x1  }
0xb4: {  	v19 =	vld.idx.msk [tilespmem:v19+s3+$0x0], $0xffff  }
0xb5: {  	v16 =	vadd.f32 v17, v16;
	v17 =	vmul.f32 v20, v5;
	v20 =	vld [tilespmem:$0x1FFA0];
	_ =	sdelay $0x1  }
0xb6: {  	v16 =	vadd.f32 v17, v16;
	v17 =	vmul.f32 v18, v6;
	v18 =	vld [tilespmem:$0x1FFB0];
	_ =	sdelay $0x1  }
0xb7: {  	v16 =	vadd.f32 v17, v16;
	v17 =	vmul.f32 v19, v8;
	v19 =	vld [tilespmem:$0x1FFC0];
	_ =	sdelay $0x3  }
0xb8: {  	v20 =	vld.idx.msk [tilespmem:v20+s3+$0x0], $0xffff;
	_ =	sdelay $0x1  }
0xb9: {  	v18 =	vld.idx.msk [tilespmem:v18+s3+$0x0], $0xffff;
	_ =	sdelay $0x1  }
0xba: {  	v19 =	vld.idx.msk [tilespmem:v19+s3+$0x0], $0xffff  }
0xbb: {  	v16 =	vadd.f32 v17, v16;
	v17 =	vmul.f32 v20, v9;
	_ =	sdelay $0x1  }
0xbc: {  	v16 =	vadd.f32 v17, v16;
	v17 =	vmul.f32 v18, v12;
	_ =	sdelay $0x1  }
0xbd: {  	v16 =	vadd.f32 v17, v16;
	v17 =	vmul.f32 v19, v14;
	_ =	sdelay $0x1  }
0xbe: {  	v16 =	vadd.f32 v17, v16;
	_ =	sdelay $0x1  }
0xbf: {  	[tilespmem:$0x5B0] =	vst v16;
	v16 =	vld [tilespmem:$0x1FFD0];
	_ =	sdelay $0x1  }
0xc0: {  	v17 =	vld [tilespmem:$0x1FFE0];
	_ =	sdelay $0x1  }
0xc1: {  	v18 =	vld [tilespmem:$0x1FFF0];
	_ =	sdelay $0x3  }
0xc2: {  	v16 =	vld.idx.msk [tilespmem:v16+s3+$0x0], $0xffff;
	_ =	sdelay $0x1  }
0xc3: {  	v17 =	vld.idx.msk [tilespmem:v17+s3+$0x0], $0xffff;
	_ =	sdelay $0x1  }
0xc4: {  	v18 =	vld.idx.msk [tilespmem:v18+s3+$0x0], $0xffff  }
0xc5: {  	v16 =	vmul.f32 v16, v15  }
0xc6: {  	v19 =	vld.idx.msk [tilespmem:v43+s3+$0x0], $0xffff  }
0xc7: {  	v17 =	vmul.f32 v17, v13;
	v16 =	vadd.f32 v16, v10  }
0xc8: {  	v20 =	vld.idx.msk [tilespmem:v44+s3+$0x0], $0xffff  }
0xc9: {  	v16 =	vadd.f32 v17, v16;
	v17 =	vmul.f32 v18, v11  }
0xca: {  	v18 =	vld.idx.msk [tilespmem:v45+s3+$0x0], $0xffff  }
0xcb: {  	v16 =	vadd.f32 v17, v16;
	v17 =	vmul.f32 v19, v7  }
0xcc: {  	v19 =	vld.idx.msk [tilespmem:v46+s3+$0x0], $0xffff  }
0xcd: {  	v16 =	vadd.f32 v17, v16;
	v17 =	vmul.f32 v20, v5  }
0xce: {  	v20 =	vld.idx.msk [tilespmem:v47+s3+$0x0], $0xffff  }
0xcf: {  	v16 =	vadd.f32 v17, v16;
	v17 =	vmul.f32 v18, v6  }
0xd0: {  	v18 =	vld.idx.msk [tilespmem:v48+s3+$0x0], $0xffff  }
0xd1: {  	v16 =	vadd.f32 v17, v16;
	v17 =	vmul.f32 v19, v8  }
0xd2: {  	v19 =	vld.idx.msk [tilespmem:v49+s3+$0x0], $0xffff  }
0xd3: {  	v16 =	vadd.f32 v17, v16;
	v17 =	vmul.f32 v20, v9;
	_ =	sdelay $0x1  }
0xd4: {  	v16 =	vadd.f32 v17, v16;
	v17 =	vmul.f32 v18, v12;
	_ =	sdelay $0x1  }
0xd5: {  	v16 =	vadd.f32 v17, v16;
	v17 =	vmul.f32 v19, v14;
	_ =	sdelay $0x1  }
0xd6: {  	v16 =	vadd.f32 v17, v16;
	_ =	sdelay $0x1  }
0xd7: {  	[tilespmem:$0x5C0] =	vst v16  }
0xd8: {  	v16 =	vld.idx.msk [tilespmem:v50+s3+$0x0], $0xffff;
	_ =	sdelay $0x1  }
0xd9: {  	v17 =	vld.idx.msk [tilespmem:v51+s3+$0x0], $0xffff;
	_ =	sdelay $0x1  }
0xda: {  	v18 =	vld.idx.msk [tilespmem:v52+s3+$0x0], $0xffff  }
0xdb: {  	v16 =	vmul.f32 v16, v15  }
0xdc: {  	v19 =	vld.idx.msk [tilespmem:v53+s3+$0x0], $0xffff  }
0xdd: {  	v17 =	vmul.f32 v17, v13;
	v16 =	vadd.f32 v16, v10  }
0xde: {  	v20 =	vld.idx.msk [tilespmem:v54+s3+$0x0], $0xffff  }
0xdf: {  	v16 =	vadd.f32 v17, v16;
	v17 =	vmul.f32 v18, v11  }
0xe0: {  	v18 =	vld.idx.msk [tilespmem:v55+s3+$0x0], $0xffff  }
0xe1: {  	v16 =	vadd.f32 v17, v16;
	v17 =	vmul.f32 v19, v7  }
0xe2: {  	v19 =	vld.idx.msk [tilespmem:v56+s3+$0x0], $0xffff  }
0xe3: {  	v16 =	vadd.f32 v17, v16;
	v17 =	vmul.f32 v20, v5  }
0xe4: {  	v20 =	vld.idx.msk [tilespmem:v57+s3+$0x0], $0xffff  }
0xe5: {  	v16 =	vadd.f32 v17, v16;
	v17 =	vmul.f32 v18, v6  }
0xe6: {  	v18 =	vld.idx.msk [tilespmem:v58+s3+$0x0], $0xffff  }
0xe7: {  	v16 =	vadd.f32 v17, v16;
	v17 =	vmul.f32 v19, v8  }
0xe8: {  	v19 =	vld.idx.msk [tilespmem:v59+s3+$0x0], $0xffff  }
0xe9: {  	v16 =	vadd.f32 v17, v16;
	v17 =	vmul.f32 v20, v9;
	_ =	sdelay $0x1  }
0xea: {  	v16 =	vadd.f32 v17, v16;
	v17 =	vmul.f32 v18, v12;
	_ =	sdelay $0x1  }
0xeb: {  	v16 =	vadd.f32 v17, v16;
	v17 =	vmul.f32 v19, v14;
	_ =	sdelay $0x1  }
0xec: {  	v16 =	vadd.f32 v17, v16;
	_ =	sdelay $0x1  }
0xed: {  	[tilespmem:$0x5D0] =	vst v16  }
0xee: {  	v16 =	vld.idx.msk [tilespmem:v1+s3+$0x0], $0xffff;
	_ =	sdelay $0x1  }
0xef: {  	v17 =	vld.idx.msk [tilespmem:v2+s3+$0x0], $0xffff  }
0xf0: {  	v18 =	vadd.s32 $0x3C4, v0  }
0xf1: {  	v19 =	vld.idx.msk [tilespmem:v3+s3+$0x0], $0xffff  }
0xf2: {  	v15 =	vmul.f32 v16, v15;
	v16 =	vadd.s32 $0x3C5, v0  }
0xf3: {  	v20 =	vld.idx.msk [tilespmem:v4+s3+$0x0], $0xffff  }
0xf4: {  	v13 =	vmul.f32 v17, v13;
	v10 =	vadd.f32 v15, v10;
	v15 =	vadd.s32 $0x3C6, v0  }
0xf5: {  	v17 =	vld.idx.msk [tilespmem:v18+s3+$0x0], $0xffff  }
0xf6: {  	v11 =	vmul.f32 v19, v11;
	v10 =	vadd.f32 v13, v10;
	v13 =	vadd.s32 $0x3C7, v0  }
0xf7: {  	v16 =	vld.idx.msk [tilespmem:v16+s3+$0x0], $0xffff  }
0xf8: {  	v7 =	vmul.f32 v20, v7;
	v10 =	vadd.f32 v11, v10;
	v11 =	vadd.s32 $0x3C8, v0  }
0xf9: {  	v15 =	vld.idx.msk [tilespmem:v15+s3+$0x0], $0xffff  }
0xfa: {  	v5 =	vmul.f32 v17, v5;
	v7 =	vadd.f32 v7, v10;
	v10 =	vadd.s32 $0x3C9, v0  }
0xfb: {  	v13 =	vld.idx.msk [tilespmem:v13+s3+$0x0], $0xffff  }
0xfc: {  	v5 =	vadd.f32 v5, v7;
	v6 =	vmul.f32 v16, v6  }
0xfd: {  	v7 =	vld.idx.msk [tilespmem:v11+s3+$0x0], $0xffff  }
0xfe: {  	v5 =	vadd.f32 v6, v5;
	v6 =	vmul.f32 v15, v8  }
0xff: {  	v8 =	vld.idx.msk [tilespmem:v10+s3+$0x0], $0xffff  }
0x100: {  	v5 =	vadd.f32 v6, v5;
	v6 =	vmul.f32 v13, v9;
	_ =	sdelay $0x1  }
0x101: {  	v5 =	vadd.f32 v6, v5;
	v6 =	vmul.f32 v7, v12;
	_ =	sdelay $0x1  }
0x102: {  	v5 =	vadd.f32 v6, v5;
	v6 =	vmul.f32 v8, v14;
	_ =	sdelay $0x1  }
0x103: {  	v5 =	vadd.f32 v6, v5;
	_ =	sdelay $0x1  }
0x104: {  	[tilespmem:$0x5E0] =	vst v5  }
0x105: {  	_ =	swait.ge [sflag:s26], $0x4000  }
0x106: {  	s7 =	sand.u32 $0x3800, s3;
	s8 =	sand.u32 $0x300, s3;
	[sflag:s26] =	ssyncset.done $0x0  }
0x107: {  	s25 =	sor.u32 s8, s7;
	[sflag:s26] =	ssyncadd.s32 $0xFFFFC000  }
0x108: {  	v5 =	vld [tilespmem:s25+$0x680]  }
0x109: {  	v6 =	vld [tilespmem:s25+$0x600]  }
0x10a: {  	v7 =	vld [tilespmem:s25+$0x690]  }
0x10b: {  	v8 =	vld [tilespmem:s25+$0x610]  }
0x10c: {  	v9 =	vld [tilespmem:s25+$0x620]  }
0x10d: {  	v10 =	vld [tilespmem:s25+$0x630]  }
0x10e: {  	s9 =	simm.s32 $0x100;
	s10 =	simm.s32 $0x200;
	v11 =	vld [tilespmem:s25+$0x640]  }
0x10f: {  	s2 =	sand.u32 $0x300, s9;
	s5 =	sand.u32 $0x3800, s10;
	v12 =	vld [tilespmem:s25+$0x660]  }
0x110: {  	s5 =	sor.u32 s2, s5;
	v15 =	vld [tilespmem:s25+$0xA10]  }
0x111: {  	v14 =	vld [tilespmem:s5+$0x680]  }
0x112: {  	v16 =	vld [tilespmem:s5+$0x610]  }
0x113: {  	v17 =	vld [tilespmem:s5+$0x690]  }
0x114: {  	v18 =	vld [tilespmem:s25+$0xA80]  }
0x115: {  	v5 =	vld.idx.msk [tilespmem:v5+s28+$0x0], $0xffff  }
0x116: {  	v19 =	vld [tilespmem:s5+$0x620]  }
0x117: {  	v20 =	vld [tilespmem:s25+$0xA90]  }
0x118: {  	v21 =	vld [tilespmem:s5+$0x640]  }
0x119: {  	v6 =	vld.idx.msk [tilespmem:v6+s28+$0x0], $0xffff  }
0x11a: {  	s11 =	simm.s32 $0x200;
	s6 =	simm.s32 $0x400;
	[tilespmem:s25+$0x8680] =	vst v5;
	v5 =	vld [tilespmem:s25+$0x6A0]  }
0x11b: {  	s6 =	sand.u32 $0x3800, s6;
	s2 =	sand.u32 $0x300, s11;
	v7 =	vld.idx.msk [tilespmem:v7+s28+$0x0], $0xffff  }
0x11c: {  	s6 =	sor.u32 s2, s6;
	v22 =	vld [tilespmem:s5+$0x660]  }
0x11d: {  	v39 =	vld [tilespmem:s6+$0x690]  }
0x11e: {  	v23 =	vld [tilespmem:s6+$0x620];
	[tilespmem:s25+$0x8600] =	vst v6  }
0x11f: {  	v6 =	vld.idx.msk [tilespmem:v8+s28+$0x0], $0xffff  }
0x120: {  	[tilespmem:s25+$0x8690] =	vst v7;
	v7 =	vld [tilespmem:s25+$0x6B0]  }
0x121: {  	v24 =	vld [tilespmem:s5+$0xA90]  }
0x122: {  	v5 =	vld.idx.msk [tilespmem:v5+s28+$0x0], $0xffff  }
0x123: {  	v25 =	vld [tilespmem:s6+$0x640]  }
0x124: {  	v40 =	vld [tilespmem:s6+$0x6B0]  }
0x125: {  	v26 =	vld [tilespmem:s6+$0x660];
	[tilespmem:s25+$0x8610] =	vst v6  }
0x126: {  	v6 =	vld.idx.msk [tilespmem:v9+s28+$0x0], $0xffff  }
0x127: {  	[tilespmem:s25+$0x86A0] =	vst v5;
	v5 =	vld [tilespmem:s25+$0x6C0]  }
0x128: {  	v7 =	vld.idx.msk [tilespmem:v7+s28+$0x0], $0xffff  }
0x129: {  	v41 =	vld [tilespmem:s5+$0xAB0]  }
0x12a: {  	v42 =	vld [tilespmem:s6+$0x670]  }
0x12b: {  	v32 =	vld [tilespmem:s6+$0xA10];
	[tilespmem:s25+$0x8620] =	vst v6  }
0x12c: {  	v6 =	vld.idx.msk [tilespmem:v10+s28+$0x0], $0xffff  }
0x12d: {  	[tilespmem:s25+$0x86B0] =	vst v7;
	v7 =	vld [tilespmem:s25+$0x6D0]  }
0x12e: {  	s12 =	simm.s32 $0x300;
	s7 =	simm.s32 $0x600;
	v33 =	vld [tilespmem:s6+$0xA80]  }
0x12f: {  	s7 =	sand.u32 $0x3800, s7;
	s2 =	sand.u32 $0x300, s12;
	v5 =	vld.idx.msk [tilespmem:v5+s28+$0x0], $0xffff  }
0x130: {  	s7 =	sor.u32 s2, s7;
	v8 =	vld [tilespmem:s25+$0x650]  }
0x131: {  	v34 =	vld [tilespmem:s7+$0x690];
	[tilespmem:s25+$0x8630] =	vst v6  }
0x132: {  	v6 =	vld.idx.msk [tilespmem:v11+s28+$0x0], $0xffff  }
0x133: {  	v11 =	vld [tilespmem:s25+$0x6E0]  }
0x134: {  	v27 =	vld [tilespmem:s7+$0x640];
	[tilespmem:s25+$0x86C0] =	vst v5  }
0x135: {  	v13 =	vld.idx.msk [tilespmem:v7+s28+$0x0], $0xffff  }
0x136: {  	v28 =	vld [tilespmem:s6+$0xA90]  }
0x137: {  	v14 =	vld.idx.msk [tilespmem:v14+s28+$0x0], $0xffff;
	[tilespmem:s25+$0x8640] =	vst v6  }
0x138: {  	v6 =	vld.idx.msk [tilespmem:v8+s28+$0x0], $0xffff  }
0x139: {  	v8 =	vld [tilespmem:s25+$0x6F0]  }
0x13a: {  	[tilespmem:s25+$0x86D0] =	vst v13;
	v13 =	vld [tilespmem:s5+$0x600]  }
0x13b: {  	v11 =	vld.idx.msk [tilespmem:v11+s28+$0x0], $0xffff  }
0x13c: {  	v29 =	vld [tilespmem:s7+$0x6A0]  }
0x13d: {  	v35 =	vld [tilespmem:s6+$0xAA0]  }
0x13e: {  	v36 =	vld [tilespmem:s7+$0x6B0]  }
0x13f: {  	[tilespmem:s5+$0x8680] =	vst v14;
	v14 =	vld [tilespmem:s5+$0x6A0]  }
0x140: {  	v17 =	vld.idx.msk [tilespmem:v17+s28+$0x0], $0xffff;
	[tilespmem:s25+$0x86E0] =	vst v11  }
0x141: {  	v8 =	vld.idx.msk [tilespmem:v8+s28+$0x0], $0xffff  }
0x142: {  	v13 =	vld.idx.msk [tilespmem:v13+s28+$0x0], $0xffff  }
0x143: {  	v37 =	vld [tilespmem:s6+$0xAB0]  }
0x144: {  	v38 =	vld [tilespmem:s7+$0x6C0]  }
0x145: {  	[tilespmem:s5+$0x8690] =	vst v17;
	v17 =	vld [tilespmem:s25+$0xAA0]  }
0x146: {  	v9 =	vld [tilespmem:s25+$0x670];
	[tilespmem:s25+$0x86F0] =	vst v8  }
0x147: {  	v8 =	vld.idx.msk [tilespmem:v18+s28+$0x0], $0xffff;
	[tilespmem:s5+$0x8600] =	vst v13  }
0x148: {  	v13 =	vld.idx.msk [tilespmem:v16+s28+$0x0], $0xffff  }
0x149: {  	v16 =	vld [tilespmem:s5+$0x6B0]  }
0x14a: {  	v14 =	vld.idx.msk [tilespmem:v14+s28+$0x0], $0xffff  }
0x14b: {  	v10 =	vld [tilespmem:s25+$0xA00];
	[tilespmem:s25+$0x8650] =	vst v6  }
0x14c: {  	v11 =	vld [tilespmem:s5+$0x630];
	[tilespmem:s25+$0x8A80] =	vst v8  }
0x14d: {  	v8 =	vld.idx.msk [tilespmem:v12+s28+$0x0], $0xffff;
	[tilespmem:s5+$0x8610] =	vst v13  }
0x14e: {  	v12 =	vld.idx.msk [tilespmem:v19+s28+$0x0], $0xffff  }
0x14f: {  	v13 =	vld [tilespmem:s5+$0x6C0]  }
0x150: {  	[tilespmem:s5+$0x86A0] =	vst v14;
	v5 =	vld [tilespmem:s25+$0xA30]  }
0x151: {  	v14 =	vld.idx.msk [tilespmem:v16+s28+$0x0], $0xffff  }
0x152: {  	v6 =	vld.idx.msk [tilespmem:v20+s28+$0x0], $0xffff;
	[tilespmem:s25+$0x8660] =	vst v8  }
0x153: {  	v8 =	vld.idx.msk [tilespmem:v9+s28+$0x0], $0xffff;
	[tilespmem:s5+$0x8620] =	vst v12  }
0x154: {  	v9 =	vld.idx.msk [tilespmem:v11+s28+$0x0], $0xffff  }
0x155: {  	v11 =	vld [tilespmem:s5+$0x6D0]  }
0x156: {  	v7 =	vld [tilespmem:s25+$0xA20];
	[tilespmem:s5+$0x86B0] =	vst v14  }
0x157: {  	v12 =	vld.idx.msk [tilespmem:v13+s28+$0x0], $0xffff  }
0x158: {  	v18 =	vld [tilespmem:s5+$0x650];
	[tilespmem:s25+$0x8670] =	vst v8  }
0x159: {  	v8 =	vld.idx.msk [tilespmem:v10+s28+$0x0], $0xffff  }
0x15a: {  	v16 =	vld [tilespmem:s25+$0xAB0];
	[tilespmem:s25+$0x8A90] =	vst v6  }
0x15b: {  	v6 =	vld.idx.msk [tilespmem:v17+s28+$0x0], $0xffff  }
0x15c: {  	v10 =	vld [tilespmem:s5+$0x6E0];
	[tilespmem:s5+$0x86C0] =	vst v12  }
0x15d: {  	[tilespmem:s5+$0x8630] =	vst v9;
	v11 =	vld.idx.msk [tilespmem:v11+s28+$0x0], $0xffff  }
0x15e: {  	[tilespmem:s25+$0x8A00] =	vst v8;
	v8 =	vld [tilespmem:s6+$0x680]  }
0x15f: {  	v9 =	vld.idx.msk [tilespmem:v21+s28+$0x0], $0xffff  }
0x160: {  	v12 =	vld.idx.msk [tilespmem:v15+s28+$0x0], $0xffff  }
0x161: {  	[tilespmem:s25+$0x8AA0] =	vst v6;
	v15 =	vld [tilespmem:s6+$0x600]  }
0x162: {  	[tilespmem:s5+$0x86D0] =	vst v11;
	v11 =	vld [tilespmem:s5+$0x6F0]  }
0x163: {  	v13 =	vld.idx.msk [tilespmem:v16+s28+$0x0], $0xffff  }
0x164: {  	v10 =	vld.idx.msk [tilespmem:v10+s28+$0x0], $0xffff  }
0x165: {  	v16 =	vld [tilespmem:s6+$0x610]  }
0x166: {  	[tilespmem:s5+$0x8640] =	vst v9;
	v8 =	vld.idx.msk [tilespmem:v8+s28+$0x0], $0xffff  }
0x167: {  	v9 =	vld.idx.msk [tilespmem:v18+s28+$0x0], $0xffff  }
0x168: {  	v18 =	vld [tilespmem:s5+$0xA80]  }
0x169: {  	v15 =	vld.idx.msk [tilespmem:v15+s28+$0x0], $0xffff;
	[tilespmem:s5+$0x86E0] =	vst v10  }
0x16a: {  	v10 =	vld.idx.msk [tilespmem:v11+s28+$0x0], $0xffff  }
0x16b: {  	[tilespmem:s6+$0x8680] =	vst v8;
	v8 =	vld [tilespmem:s6+$0x6A0]  }
0x16c: {  	v20 =	vld [tilespmem:s5+$0xA10]  }
0x16d: {  	v21 =	vld.idx.msk [tilespmem:v39+s28+$0x0], $0xffff  }
0x16e: {  	v19 =	vld [tilespmem:s5+$0x670];
	[tilespmem:s6+$0x8600] =	vst v15  }
0x16f: {  	v16 =	vld.idx.msk [tilespmem:v16+s28+$0x0], $0xffff  }
0x170: {  	v17 =	vld [tilespmem:s5+$0xA00];
	[tilespmem:s5+$0x86F0] =	vst v10  }
0x171: {  	v10 =	vld.idx.msk [tilespmem:v18+s28+$0x0], $0xffff  }
0x172: {  	v11 =	vld [tilespmem:s6+$0x630];
	[tilespmem:s6+$0x8690] =	vst v21  }
0x173: {  	v8 =	vld.idx.msk [tilespmem:v8+s28+$0x0], $0xffff  }
0x174: {  	v18 =	vld [tilespmem:s5+$0xAA0];
	[tilespmem:s6+$0x8610] =	vst v16  }
0x175: {  	[tilespmem:s5+$0x8650] =	vst v9;
	v16 =	vld.idx.msk [tilespmem:v23+s28+$0x0], $0xffff  }
0x176: {  	[tilespmem:s5+$0x8A80] =	vst v10;
	v10 =	vld.idx.msk [tilespmem:v22+s28+$0x0], $0xffff  }
0x177: {  	v9 =	vld.idx.msk [tilespmem:v24+s28+$0x0], $0xffff  }
0x178: {  	[tilespmem:s6+$0x86A0] =	vst v8;
	v8 =	vld [tilespmem:s6+$0x6C0]  }
0x179: {  	v14 =	vld [tilespmem:s5+$0xA20]  }
0x17a: {  	[tilespmem:s6+$0x8620] =	vst v16;
	v21 =	vld.idx.msk [tilespmem:v40+s28+$0x0], $0xffff  }
0x17b: {  	v11 =	vld.idx.msk [tilespmem:v11+s28+$0x0], $0xffff;
	[tilespmem:s5+$0x8660] =	vst v10  }
0x17c: {  	[tilespmem:s5+$0x8A90] =	vst v9;
	v10 =	vld.idx.msk [tilespmem:v19+s28+$0x0], $0xffff  }
0x17d: {  	v9 =	vld.idx.msk [tilespmem:v18+s28+$0x0], $0xffff  }
0x17e: {  	v18 =	vld [tilespmem:s6+$0x6D0]  }
0x17f: {  	v15 =	vld [tilespmem:s6+$0x650];
	[tilespmem:s6+$0x86B0] =	vst v21  }
0x180: {  	v19 =	vld.idx.msk [tilespmem:v8+s28+$0x0], $0xffff  }
0x181: {  	v6 =	vld [tilespmem:s5+$0xA30];
	[tilespmem:s6+$0x8630] =	vst v11  }
0x182: {  	[tilespmem:s5+$0x8670] =	vst v10;
	v10 =	vld.idx.msk [tilespmem:v25+s28+$0x0], $0xffff  }
0x183: {  	[tilespmem:s25+$0x8AB0] =	vst v13;
	v13 =	vld [tilespmem:s7+$0xA20]  }
0x184: {  	v11 =	vld [tilespmem:s6+$0x6E0];
	[tilespmem:s5+$0x8AA0] =	vst v9  }
0x185: {  	v9 =	vld.idx.msk [tilespmem:v17+s28+$0x0], $0xffff;
	[tilespmem:s6+$0x86C0] =	vst v19  }
0x186: {  	[tilespmem:s25+$0x8A10] =	vst v12;
	v12 =	vld.idx.msk [tilespmem:v18+s28+$0x0], $0xffff  }
0x187: {  	v16 =	vld [tilespmem:s6+$0xA00];
	[tilespmem:s6+$0x8640] =	vst v10  }
0x188: {  	v10 =	vld.idx.msk [tilespmem:v15+s28+$0x0], $0xffff  }
0x189: {  	v15 =	vld [tilespmem:s7+$0x600]  }
0x18a: {  	[tilespmem:s5+$0x8A00] =	vst v9;
	v9 =	vld [tilespmem:s7+$0x680]  }
0x18b: {  	[tilespmem:s6+$0x86D0] =	vst v12;
	v12 =	vld [tilespmem:s6+$0x6F0]  }
0x18c: {  	v40 =	vld [tilespmem:s7+$0x6D0]  }
0x18d: {  	v11 =	vld.idx.msk [tilespmem:v11+s28+$0x0], $0xffff  }
0x18e: {  	v8 =	vld [tilespmem:s6+$0xA20]  }
0x18f: {  	v19 =	vld [tilespmem:s7+$0x610]  }
0x190: {  	v17 =	vld.idx.msk [tilespmem:v7+s28+$0x0], $0xffff  }
0x191: {  	v15 =	vld.idx.msk [tilespmem:v15+s28+$0x0], $0xffff  }
0x192: {  	v9 =	vld.idx.msk [tilespmem:v9+s28+$0x0], $0xffff;
	[tilespmem:s6+$0x86E0] =	vst v11  }
0x193: {  	v11 =	vld.idx.msk [tilespmem:v12+s28+$0x0], $0xffff  }
0x194: {  	v18 =	vld.idx.msk [tilespmem:v20+s28+$0x0], $0xffff  }
0x195: {  	v20 =	vld [tilespmem:s7+$0x620]  }
0x196: {  	v7 =	vld [tilespmem:s6+$0xA30];
	[tilespmem:s7+$0x8600] =	vst v15  }
0x197: {  	[tilespmem:s7+$0x8680] =	vst v9;
	v19 =	vld.idx.msk [tilespmem:v19+s28+$0x0], $0xffff  }
0x198: {  	v25 =	vld.idx.msk [tilespmem:v34+s28+$0x0], $0xffff;
	[tilespmem:s6+$0x86F0] =	vst v11  }
0x199: {  	v11 =	vld.idx.msk [tilespmem:v33+s28+$0x0], $0xffff  }
0x19a: {  	v22 =	vld.idx.msk [tilespmem:v41+s28+$0x0], $0xffff  }
0x19b: {  	[tilespmem:s6+$0x8650] =	vst v10;
	v12 =	vld [tilespmem:s7+$0x630]  }
0x19c: {  	[tilespmem:s7+$0x8610] =	vst v19;
	v19 =	vld.idx.msk [tilespmem:v26+s28+$0x0], $0xffff  }
0x19d: {  	[tilespmem:s7+$0x8690] =	vst v25;
	v20 =	vld.idx.msk [tilespmem:v20+s28+$0x0], $0xffff  }
0x19e: {  	[tilespmem:s6+$0x8A80] =	vst v11;
	v11 =	vld.idx.msk [tilespmem:v29+s28+$0x0], $0xffff  }
0x19f: {  	v28 =	vld.idx.msk [tilespmem:v28+s28+$0x0], $0xffff  }
0x1a0: {  	v10 =	vld [tilespmem:s7+$0x670];
	[tilespmem:s5+$0x8A10] =	vst v18  }
0x1a1: {  	v18 =	vld [tilespmem:s7+$0x6E0];
	[tilespmem:s6+$0x8660] =	vst v19  }
0x1a2: {  	[tilespmem:s7+$0x8620] =	vst v20;
	v20 =	vld.idx.msk [tilespmem:v42+s28+$0x0], $0xffff  }
0x1a3: {  	v39 =	vld.idx.msk [tilespmem:v12+s28+$0x0], $0xffff;
	[tilespmem:s7+$0x86A0] =	vst v11  }
0x1a4: {  	[tilespmem:s6+$0x8A90] =	vst v28;
	v11 =	vld.idx.msk [tilespmem:v36+s28+$0x0], $0xffff  }
0x1a5: {  	v19 =	vld.idx.msk [tilespmem:v35+s28+$0x0], $0xffff  }
0x1a6: {  	v15 =	vld [tilespmem:s7+$0x650]  }
0x1a7: {  	v9 =	vld [tilespmem:s7+$0x660];
	[tilespmem:s6+$0x8670] =	vst v20  }
0x1a8: {  	v12 =	vld [tilespmem:s7+$0xA00];
	[tilespmem:s7+$0x8630] =	vst v39  }
0x1a9: {  	v41 =	vld.idx.msk [tilespmem:v16+s28+$0x0], $0xffff;
	[tilespmem:s7+$0x86B0] =	vst v11  }
0x1aa: {  	[tilespmem:s6+$0x8AA0] =	vst v19;
	v19 =	vld.idx.msk [tilespmem:v38+s28+$0x0], $0xffff  }
0x1ab: {  	v42 =	vld.idx.msk [tilespmem:v27+s28+$0x0], $0xffff  }
0x1ac: {  	[tilespmem:s25+$0x8A20] =	vst v17;
	v20 =	vld.idx.msk [tilespmem:v37+s28+$0x0], $0xffff  }
0x1ad: {  	[tilespmem:s5+$0x8AB0] =	vst v22;
	v16 =	vld.idx.msk [tilespmem:v14+s28+$0x0], $0xffff  }
0x1ae: {  	v14 =	vld [tilespmem:s7+$0xA30];
	[tilespmem:s6+$0x8A00] =	vst v41  }
0x1af: {  	v11 =	vld [tilespmem:s7+$0xA10];
	[tilespmem:s7+$0x86C0] =	vst v19  }
0x1b0: {  	[tilespmem:s7+$0x8640] =	vst v42;
	v19 =	vld.idx.msk [tilespmem:v40+s28+$0x0], $0xffff  }
0x1b1: {  	s9 =	simm.s32 $0x800;
	s8 =	simm.s32 $0x400;
	s2 =	simm.s32 $0x6;
	v17 =	vld.idx.msk [tilespmem:v32+s28+$0x0], $0xffff;
	[tilespmem:s6+$0x8AB0] =	vst v20  }
.LBB2_2:
0x1b2: {  	s10 =	sand.u32 $0x3800, s9;
	s11 =	sand.u32 $0x300, s8;
	s2 =	sadd.s32 $0x2, s2;
	v15 =	vld.idx.msk [tilespmem:v15+s28+$0x0], $0xffff  }
0x1b3: {  	s10 =	sor.u32 s11, s10;
	p0 =	slt.u32 s2, $0x3E;
	[tilespmem:s5+$0x8A20] =	vst v16;
	v16 =	vld.idx.msk [tilespmem:v5+s28+$0x0], $0xffff;
	v5 =	vmov v6;
	v6 =	vmov v7  }
0x1b4: {  	v20 =	vld [tilespmem:s10+$0x680]  }
0x1b5: {  	[tilespmem:s7+$0x86D0] =	vst v19;
	v19 =	vld [tilespmem:s7+$0x6F0];
	v7 =	vmov v14  }
0x1b6: {  	v14 =	vld.idx.msk [tilespmem:v18+s28+$0x0], $0xffff  }
0x1b7: {  	v18 =	vld [tilespmem:s10+$0x600];
	[tilespmem:s6+$0x8A10] =	vst v17  }
0x1b8: {  	v17 =	vld [tilespmem:s10+$0x610];
	[tilespmem:s7+$0x8650] =	vst v15  }
0x1b9: {  	v21 =	vld [tilespmem:s10+$0x620];
	[tilespmem:s25+$0x8A30] =	vst v16;
	s25 =	smov.u32 s5;
	s5 =	smov.u32 s6;
	s6 =	smov.u32 s7  }
0x1ba: {  	s7 =	smov.u32 s10;
	v15 =	vld [tilespmem:s6+$0xA80]  }
0x1bb: {  	v16 =	vld [tilespmem:s7+$0x690]  }
0x1bc: {  	v20 =	vld.idx.msk [tilespmem:v20+s28+$0x0], $0xffff;
	[tilespmem:s6+$0x86E0] =	vst v14  }
0x1bd: {  	v14 =	vld.idx.msk [tilespmem:v19+s28+$0x0], $0xffff  }
0x1be: {  	v19 =	vld [tilespmem:s7+$0x630]  }
0x1bf: {  	v18 =	vld.idx.msk [tilespmem:v18+s28+$0x0], $0xffff  }
0x1c0: {  	v22 =	vld [tilespmem:s7+$0x640]  }
0x1c1: {  	v23 =	vld [tilespmem:s6+$0xA90]  }
0x1c2: {  	[tilespmem:s7+$0x8680] =	vst v20;
	v20 =	vld [tilespmem:s7+$0x6A0]  }
0x1c3: {  	v16 =	vld.idx.msk [tilespmem:v16+s28+$0x0], $0xffff;
	[tilespmem:s6+$0x86F0] =	vst v14  }
0x1c4: {  	v14 =	vld.idx.msk [tilespmem:v15+s28+$0x0], $0xffff  }
0x1c5: {  	[tilespmem:s7+$0x8600] =	vst v18;
	v15 =	vld [tilespmem:s7+$0x650]  }
0x1c6: {  	v17 =	vld.idx.msk [tilespmem:v17+s28+$0x0], $0xffff  }
0x1c7: {  	v18 =	vld [tilespmem:s7+$0x660]  }
0x1c8: {  	v24 =	vld [tilespmem:s6+$0xAA0]  }
0x1c9: {  	[tilespmem:s7+$0x8690] =	vst v16;
	v16 =	vld [tilespmem:s7+$0x6B0]  }
0x1ca: {  	v20 =	vld.idx.msk [tilespmem:v20+s28+$0x0], $0xffff;
	[tilespmem:s6+$0x8A80] =	vst v14  }
0x1cb: {  	v14 =	vld.idx.msk [tilespmem:v23+s28+$0x0], $0xffff  }
0x1cc: {  	[tilespmem:s7+$0x8610] =	vst v17;
	v17 =	vld.idx.msk [tilespmem:v9+s28+$0x0], $0xffff;
	v9 =	vmov v18  }
0x1cd: {  	v18 =	vld.idx.msk [tilespmem:v21+s28+$0x0], $0xffff  }
0x1ce: {  	v21 =	vld [tilespmem:s7+$0x670]  }
0x1cf: {  	v23 =	vld [tilespmem:s6+$0xAB0]  }
0x1d0: {  	[tilespmem:s7+$0x86A0] =	vst v20;
	v20 =	vld [tilespmem:s7+$0x6C0]  }
0x1d1: {  	v16 =	vld.idx.msk [tilespmem:v16+s28+$0x0], $0xffff;
	[tilespmem:s6+$0x8A90] =	vst v14  }
0x1d2: {  	[tilespmem:s6+$0x8660] =	vst v17;
	v14 =	vld.idx.msk [tilespmem:v24+s28+$0x0], $0xffff  }
0x1d3: {  	[tilespmem:s7+$0x8620] =	vst v18;
	v17 =	vld.idx.msk [tilespmem:v10+s28+$0x0], $0xffff;
	v10 =	vmov v21  }
0x1d4: {  	v18 =	vld.idx.msk [tilespmem:v19+s28+$0x0], $0xffff  }
0x1d5: {  	v19 =	vld [tilespmem:s7+$0xA00]  }
0x1d6: {  	v21 =	vld [tilespmem:s7+$0xA10]  }
0x1d7: {  	[tilespmem:s7+$0x86B0] =	vst v16;
	v24 =	vld [tilespmem:s7+$0x6D0]  }
0x1d8: {  	v20 =	vld.idx.msk [tilespmem:v20+s28+$0x0], $0xffff;
	[tilespmem:s6+$0x8AA0] =	vst v14  }
0x1d9: {  	[tilespmem:s6+$0x8670] =	vst v17;
	v14 =	vld.idx.msk [tilespmem:v23+s28+$0x0], $0xffff  }
0x1da: {  	[tilespmem:s7+$0x8630] =	vst v18;
	v17 =	vld.idx.msk [tilespmem:v12+s28+$0x0], $0xffff;
	v12 =	vmov v19  }
0x1db: {  	v22 =	vld.idx.msk [tilespmem:v22+s28+$0x0], $0xffff  }
0x1dc: {  	v23 =	vld [tilespmem:s7+$0xA20]  }
.Ltmp0:
0x1dd: {  	v16 =	vld.idx.msk [tilespmem:v8+s28+$0x0], $0xffff;
	v8 =	vmov v13;
	(pc) =	sbr.rel @p0 .LBB2_2-.Ltmp0, $4  }
0x1de: {  	[tilespmem:s7+$0x86C0] =	vst v20;
	v18 =	vld [tilespmem:s7+$0x6E0]  }
0x1df: {  	v19 =	vld.idx.msk [tilespmem:v24+s28+$0x0], $0xffff;
	[tilespmem:s6+$0x8AB0] =	vst v14  }
0x1e0: {  	v14 =	vld [tilespmem:s7+$0xA30];
	[tilespmem:s6+$0x8A00] =	vst v17  }
0x1e1: {  	s8 =	sadd.s32 $0x100, s8;
	s9 =	sadd.s32 $0x200, s9;
	[tilespmem:s7+$0x8640] =	vst v22;
	v17 =	vld.idx.msk [tilespmem:v11+s28+$0x0], $0xffff;
	v11 =	vmov v21;
	v13 =	vmov v23  }
0x1e2: {  	_ =	sdelay $0x3  }
0x1e3: {  	v15 =	vld.idx.msk [tilespmem:v15+s28+$0x0], $0xffff;
	_ =	sdelay $0x1  }
0x1e4: {  	v40 =	vld [tilespmem:s7+$0x6F0]  }
0x1e5: {  	[tilespmem:s7+$0x86D0] =	vst v19  }
0x1e6: {  	v18 =	vld.idx.msk [tilespmem:v18+s28+$0x0], $0xffff  }
0x1e7: {  	[tilespmem:s7+$0x8650] =	vst v15  }
0x1e8: {  	v9 =	vld.idx.msk [tilespmem:v9+s28+$0x0], $0xffff;
	_ =	sdelay $0x1  }
0x1e9: {  	v41 =	vld [tilespmem:s7+$0xA80]  }
0x1ea: {  	[tilespmem:s7+$0x86E0] =	vst v18  }
0x1eb: {  	v18 =	vld.idx.msk [tilespmem:v40+s28+$0x0], $0xffff  }
0x1ec: {  	[tilespmem:s7+$0x8660] =	vst v9  }
0x1ed: {  	v9 =	vld.idx.msk [tilespmem:v10+s28+$0x0], $0xffff;
	_ =	sdelay $0x1  }
0x1ee: {  	v10 =	vld [tilespmem:s7+$0xA90]  }
0x1ef: {  	[tilespmem:s7+$0x86F0] =	vst v18  }
0x1f0: {  	v15 =	vld.idx.msk [tilespmem:v41+s28+$0x0], $0xffff  }
0x1f1: {  	[tilespmem:s7+$0x8670] =	vst v9  }
0x1f2: {  	v9 =	vld.idx.msk [tilespmem:v12+s28+$0x0], $0xffff;
	_ =	sdelay $0x1  }
0x1f3: {  	v42 =	vld [tilespmem:s7+$0xAA0]  }
0x1f4: {  	[tilespmem:s7+$0x8A80] =	vst v15  }
0x1f5: {  	v10 =	vld.idx.msk [tilespmem:v10+s28+$0x0], $0xffff  }
0x1f6: {  	[tilespmem:s7+$0x8A00] =	vst v9  }
0x1f7: {  	v9 =	vld.idx.msk [tilespmem:v11+s28+$0x0], $0xffff;
	_ =	sdelay $0x1  }
0x1f8: {  	v11 =	vld [tilespmem:s7+$0xAB0]  }
0x1f9: {  	[tilespmem:s7+$0x8A90] =	vst v10  }
0x1fa: {  	[tilespmem:s6+$0x8A10] =	vst v17;
	v10 =	vld.idx.msk [tilespmem:v42+s28+$0x0], $0xffff  }
0x1fb: {  	v8 =	vld.idx.msk [tilespmem:v8+s28+$0x0], $0xffff;
	[tilespmem:s7+$0x8A10] =	vst v9  }
0x1fc: {  	v9 =	vld.idx.msk [tilespmem:v13+s28+$0x0], $0xffff;
	_ =	sdelay $0x1  }
0x1fd: {  	v5 =	vld.idx.msk [tilespmem:v5+s28+$0x0], $0xffff;
	[tilespmem:s5+$0x8A20] =	vst v16  }
0x1fe: {  	v6 =	vld.idx.msk [tilespmem:v6+s28+$0x0], $0xffff;
	[tilespmem:s7+$0x8AA0] =	vst v10  }
0x1ff: {  	s2 =	simm.s32 $0x0;
	[tilespmem:s6+$0x8A20] =	vst v8;
	v10 =	vld.idx.msk [tilespmem:v11+s28+$0x0], $0xffff  }
0x200: {  	v8 =	vmov s2;
	v7 =	vld.idx.msk [tilespmem:v7+s28+$0x0], $0xffff;
	[tilespmem:s7+$0x8A20] =	vst v9  }
0x201: {  	p3 =	por $0x1, $0x1;
	v8 =	vshrl.u32 v8, $0x3;
	v9 =	vld.idx.msk [tilespmem:v14+s28+$0x0], $0xffff  }
.Ltmp1:
0x202: {  	[tilespmem:s25+$0x8A30] =	vst v5;
	v5 =	vshll.u32 v8, $0xB;
	(pc) =	sbr.rel @!p3 .LBB2_4-.Ltmp1, $4  }
0x203: {  	[tilespmem:s5+$0x8A30] =	vst v6;
	v5 =	vor.u32 $0x400, v5  }
0x204: {  	[tilespmem:s7+$0x8AB0] =	vst v10;
	v10 =	vbroadcast v5, $0x0  }
0x205: {  	p0 =	por $0x0, $0x0;
	[tilespmem:s6+$0x8A30] =	vst v7  }
0x206: {  	p1 =	por $0x0, $0x0;
	p2 =	por $0x0, $0x0;
	s5 =	simm.s32 $0x8;
	v28 =	vor.u32 v60, v10;
	v38 =	vor.u32 v62, v10;
	v24 =	vor.u32 v61, v10;
	[tilespmem:s7+$0x8A30] =	vst v9  }
0x207: {  	_ = 	snop  }
0x208: {  	v5 =	vmov s5  }
0x209: {  	v36 =	vor.u32 v63, v10;
	p3 =	por $0x1, $0x1;
	v5 =	vshrl.u32 v5, $0x3  }
.Ltmp2:
0x20a: {  	v5 =	vshll.u32 v5, $0xB;
	(pc) =	sbr.rel @!p3 .LBB2_6-.Ltmp2, $4  }
0x20b: {  	v31 =	vld.idx.msk [tilespmem:v28+s22+$0x0], $0xffff;
	v5 =	vor.u32 $0x400, v5  }
0x20c: {  	v40 =	vld.idx.msk [tilespmem:v24+s22+$0x0], $0xffff;
	v10 =	vbroadcast v5, $0x0  }
0x20d: {  	v6 =	vld.idx.msk [tilespmem:v38+s22+$0x0], $0xffff  }
0x20e: {  	s5 =	simm.s32 $0x10;
	p0 =	por $0x1, $0x1;
	v39 =	vld.idx.msk [tilespmem:v36+s22+$0x0], $0xffff;
	v7 =	vor.u32 v60, v10;
	v12 =	vor.u32 v62, v10;
	v5 =	vor.u32 v61, v10  }
0x20f: {  	v17 =	vor.u32 v63, v10;
	_ =	sdelay $0x3  }
0x210: {  	v14 =	vld.idx.msk [tilespmem:v7+s22+$0x0], $0xffff  }
0x211: {  	v8 =	vmov s5;
	v22 =	vld.idx.msk [tilespmem:v17+s22+$0x0], $0xffff  }
0x212: {  	v20 =	vld.idx.msk [tilespmem:v5+s22+$0x0], $0xffff;
	p3 =	por $0x1, $0x1;
	v8 =	vshrl.u32 v8, $0x3  }
.Ltmp3:
0x213: {  	v8 =	vshll.u32 v8, $0xB;
	(pc) =	sbr.rel @!p3 .LBB2_8-.Ltmp3, $4  }
0x214: {  	v8 =	vor.u32 $0x400, v8  }
0x215: {  	v10 =	vbroadcast v8, $0x0  }
0x216: {  	v35 =	vld.idx.msk [tilespmem:v12+s22+$0x0], $0xffff  }
0x217: {  	s5 =	simm.s32 $0x18;
	p1 =	por $0x1, $0x1;
	v26 =	vld.idx.msk [tilespmem:v6+s28+$0x0], $0xffff;
	v33 =	vor.u32 v60, v10;
	v13 =	vor.u32 v62, v10;
	v29 =	vor.u32 v61, v10  }
0x218: {  	_ =	sdelay $0x3  }
0x219: {  	v9 =	vld.idx.msk [tilespmem:v39+s28+$0x0], $0xffff;
	_ =	sdelay $0x2  }
0x21a: {  	v6 =	vmov s5;
	v8 =	vld.idx.msk [tilespmem:v31+s28+$0x0], $0xffff;
	v11 =	vor.u32 v63, v10  }
0x21b: {  	v21 =	vld.idx.msk [tilespmem:v40+s28+$0x0], $0xffff;
	p3 =	por $0x1, $0x1;
	v6 =	vshrl.u32 v6, $0x3  }
.Ltmp4:
0x21c: {  	v25 =	vld.idx.msk [tilespmem:v33+s22+$0x0], $0xffff;
	v6 =	vshll.u32 v6, $0xB;
	[tilespmem:v36+s29+$0x0] =	vst.idx.msk $0xffff, v9;
	v9 =	vmov v24;
	(pc) =	sbr.rel @!p3 .LBB2_10-.Ltmp4, $4  }
0x21d: {  	v15 =	vld.idx.msk [tilespmem:v29+s22+$0x0], $0xffff;
	v6 =	vor.u32 $0x400, v6  }
0x21e: {  	v32 =	vld.idx.msk [tilespmem:v13+s22+$0x0], $0xffff;
	v10 =	vbroadcast v6, $0x0;
	[tilespmem:v38+s29+$0x0] =	vst.idx.msk $0xffff, v26  }
0x21f: {  	v16 =	vld.idx.msk [tilespmem:v11+s22+$0x0], $0xffff;
	[tilespmem:v28+s29+$0x0] =	vst.idx.msk $0xffff, v8  }
0x220: {  	s5 =	simm.s32 $0xC;
	s6 =	simm.s32 $0x20;
	p2 =	por $0x1, $0x1;
	v19 =	vld.idx.msk [tilespmem:v35+s28+$0x0], $0xffff;
	v6 =	vor.u32 v60, v10;
	v8 =	vor.u32 v62, v10;
	v23 =	vor.u32 v61, v10  }
.LBB2_11:
0x221: {  	v37 =	vmov s6;
	s5 =	sadd.s32 $0x4, s5;
	v27 =	vld.idx.msk [tilespmem:v14+s28+$0x0], $0xffff;
	[tilespmem:v9+s29+$0x0] =	vst.idx.msk $0xffff, v21;
	v14 =	vmovc v25;
	v30 =	vmovc v7;
	v7 =	vmov v33;
	v33 =	vmov v6  }
0x222: {  	v34 =	vor.u32 v63, v10;
	v9 =	vmovc v5;
	v5 =	vmovc v29;
	v29 =	vmov v23;
	v25 =	vshrl.u32 v37, $0x3;
	p3 =	slt.u32 s5, $0x1C;
	v35 =	vld.idx.msk [tilespmem:v22+s28+$0x0], $0xffff  }
0x223: {  	v10 =	vshll.u32 v25, $0xB;
	v21 =	vld.idx.msk [tilespmem:v20+s28+$0x0], $0xffff;
	v20 =	vmov v15;
	v18 =	vmov v32  }
.Ltmp5:
0x224: {  	v10 =	vor.u32 $0x400, v10;
	v25 =	vld.idx.msk [tilespmem:v6+s22+$0x0], $0xffff;
	v22 =	vmov v16;
	(pc) =	sbr.rel @p3 .LBB2_11-.Ltmp5, $4  }
0x225: {  	v10 =	vbroadcast v10, $0x0;
	v15 =	vld.idx.msk [tilespmem:v23+s22+$0x0], $0xffff  }
0x226: {  	v32 =	vld.idx.msk [tilespmem:v8+s22+$0x0], $0xffff;
	[tilespmem:v12+s29+$0x0] =	vst.idx.msk $0xffff, v19;
	v12 =	vmov v13;
	v13 =	vmov v8  }
0x227: {  	v6 =	vor.u32 v60, v10;
	v8 =	vor.u32 v62, v10;
	v16 =	vld.idx.msk [tilespmem:v34+s22+$0x0], $0xffff;
	[tilespmem:v30+s29+$0x0] =	vst.idx.msk $0xffff, v27  }
0x228: {  	s6 =	sadd.s32 $0x8, s6;
	v23 =	vor.u32 v61, v10;
	v19 =	vld.idx.msk [tilespmem:v18+s28+$0x0], $0xffff;
	[tilespmem:v17+s29+$0x0] =	vst.idx.msk $0xffff, v35;
	v17 =	vmov v11;
	v11 =	vmov v34  }
0x229: {  	v18 =	vmov v14;
	v41 =	vmov v33  }
0x22a: {  	v37 =	vmovc v22;
	v42 =	vmovc v29;
	v34 =	vmov v20;
	v27 =	vmov v12;
	v30 =	vmov v17  }
0x22b: {  	v14 =	vmovc v25;
	v25 =	vmovc v7;
	v33 =	vmov v6;
	v7 =	vmov v5;
	v29 =	vmov v23  }
0x22c: {  	v12 =	vmovc v13;
	v17 =	vmovc v11;
	v20 =	vmov v15;
	v35 =	vmov v32;
	v22 =	vmov v16  }
.LBB2_13:
0x22d: {  	_ =	sdelay $0x3  }
0x22e: {  	v5 =	vld.idx.msk @p1 [tilespmem:v18+s28+$0x0], $0xffff  }
0x22f: {  	v6 =	vor.u32 v63, v10;
	v10 =	vld.idx.msk @p1 [tilespmem:v37+s28+$0x0], $0xffff  }
0x230: {  	v11 =	vmov @p0 v14;
	v13 =	vld.idx.msk @p1 [tilespmem:v34+s28+$0x0], $0xffff;
	v14 =	vmov @p0 v35  }
0x231: {  	v15 =	vld.idx.msk [tilespmem:v33+s22+$0x0], $0xffff;
	v16 =	vmov @p0 v22;
	v11 =	vpsel p0, v11, v31  }
0x232: {  	v18 =	vmov @p0 v20;
	v20 =	vld.idx.msk [tilespmem:v8+s22+$0x0], $0xffff;
	v16 =	vpsel p0, v16, v39  }
0x233: {  	v22 =	vmov @p1 v25;
	v23 =	vld.idx.msk [tilespmem:v29+s22+$0x0], $0xffff;
	v18 =	vpsel p0, v18, v40  }
0x234: {  	v31 =	vld.idx.msk [tilespmem:v6+s22+$0x0], $0xffff  }
0x235: {  	v7 =	vpsel p1, v7, v0;
	v14 =	vld.idx.msk @p0 [tilespmem:v14+s28+$0x0], $0xffff  }
0x236: {  	[tilespmem:v9+s29+$0x0] =	vst.idx.msk @p2 $0xffff, v21;
	v9 =	vmov @p0 v41;
	v21 =	vmov @p0 v42;
	v12 =	vpsel p0, v12, v38;
	v11 =	vld.idx.msk @p0 [tilespmem:v11+s28+$0x0], $0xffff  }
0x237: {  	[tilespmem:v27+s29+$0x0] =	vst.idx.msk @p1 $0xffff, v19;
	v9 =	vpsel p0, v9, v28;
	v19 =	vpsel p0, v21, v24;
	v16 =	vld.idx.msk @p0 [tilespmem:v16+s28+$0x0], $0xffff  }
0x238: {  	[tilespmem:v22+s29+$0x0] =	vst.idx.msk @p1 $0xffff, v5;
	v5 =	vpsel p0, v17, v36;
	v17 =	vmov @p0 v19;
	v18 =	vld.idx.msk @p0 [tilespmem:v18+s28+$0x0], $0xffff  }
0x239: {  	[tilespmem:v30+s29+$0x0] =	vst.idx.msk @p1 $0xffff, v10;
	v10 =	vpsel p1, v13, v0;
	v13 =	vpsel p0, v17, v0  }
0x23a: {  	[tilespmem:v7+s29+$0x0] =	vst.idx.msk @p1 $0xffff, v10;
	v7 =	vld.idx.msk [tilespmem:v20+s28+$0x0], $0xffff;
	v14 =	vpsel p0, v14, v26  }
0x23b: {  	v10 =	vld.idx.msk [tilespmem:v15+s28+$0x0], $0xffff;
	[tilespmem:v12+s29+$0x0] =	vst.idx.msk @p0 $0xffff, v14  }
0x23c: {  	[tilespmem:v9+s29+$0x0] =	vst.idx.msk @p0 $0xffff, v11;
	v11 =	vld.idx.msk [tilespmem:v23+s28+$0x0], $0xffff  }
0x23d: {  	[tilespmem:v5+s29+$0x0] =	vst.idx.msk @p0 $0xffff, v16;
	v5 =	vpsel p0, v18, v0;
	v9 =	vld.idx.msk [tilespmem:v31+s28+$0x0], $0xffff  }
0x23e: {  	[tilespmem:v13+s29+$0x0] =	vst.idx.msk @p0 $0xffff, v5  }
0x23f: {  	[tilespmem:v8+s29+$0x0] =	vst.idx.msk $0xffff, v7  }
0x240: {  	[tilespmem:v33+s29+$0x0] =	vst.idx.msk $0xffff, v10  }
0x241: {  	[tilespmem:v29+s29+$0x0] =	vst.idx.msk $0xffff, v11  }
0x242: {  	[tilespmem:v6+s29+$0x0] =	vst.idx.msk $0xffff, v9  }
0x243: {  	s5 =	rddreg [dreg:$0x6]  }
0x244: {  	[tilespmem:s22], [sflag:$0x1] =	stream.linear.gather [hbm4b:s5+s2], $0x4000, $0x38;
	[tilespmem:$0x10600] =	vst v63  }
0x245: {  	s7 =	rddreg [dreg:$0x7]  }
0x246: {  	[hbm4b:s7+s2] =	stream.linear.scatter [tilespmem:s29], [sflag:$0x3], $0x4000, $0x38;
	[tilespmem:$0x10600] =	vst v63  }
0x247: {  	_ =	swait.ge [sflag:s30], $0x4000  }
0x248: {  	s8 =	sand.u32 $0x3800, s2;
	s6 =	sand.u32 $0x300, s2;
	[sflag:s30] =	ssyncset.done $0x0  }
0x249: {  	s25 =	sor.u32 s6, s8;
	[sflag:s30] =	ssyncadd.s32 $0xFFFFC000  }
0x24a: {  	v5 =	vld [tilespmem:s25+$0x4680]  }
0x24b: {  	v6 =	vld [tilespmem:s25+$0x4600]  }
0x24c: {  	v7 =	vld [tilespmem:s25+$0x4690]  }
0x24d: {  	v8 =	vld [tilespmem:s25+$0x4610]  }
0x24e: {  	v9 =	vld [tilespmem:s25+$0x4620]  }
0x24f: {  	v10 =	vld [tilespmem:s25+$0x4630]  }
0x250: {  	v11 =	vld [tilespmem:s25+$0x4640]  }
0x251: {  	v12 =	vld [tilespmem:s25+$0x4650]  }
0x252: {  	s9 =	simm.s32 $0x100;
	s10 =	simm.s32 $0x200;
	v13 =	vld [tilespmem:s25+$0x4660]  }
0x253: {  	s6 =	sand.u32 $0x3800, s10;
	s5 =	sand.u32 $0x300, s9;
	v15 =	vld [tilespmem:s25+$0x4A10]  }
0x254: {  	s5 =	sor.u32 s5, s6;
	v5 =	vld.idx.msk [tilespmem:v5+s28+$0x0], $0xffff  }
0x255: {  	v14 =	vld [tilespmem:s5+$0x4680]  }
0x256: {  	v16 =	vld [tilespmem:s5+$0x4610]  }
0x257: {  	v6 =	vld.idx.msk [tilespmem:v6+s28+$0x0], $0xffff  }
0x258: {  	v17 =	vld [tilespmem:s5+$0x4690]  }
0x259: {  	[tilespmem:s25+$0xC680] =	vst v5;
	v5 =	vld [tilespmem:s25+$0x46A0]  }
0x25a: {  	v7 =	vld.idx.msk [tilespmem:v7+s28+$0x0], $0xffff  }
0x25b: {  	v18 =	vld [tilespmem:s25+$0x4A80]  }
0x25c: {  	v19 =	vld [tilespmem:s5+$0x4620];
	[tilespmem:s25+$0xC600] =	vst v6  }
0x25d: {  	v6 =	vld.idx.msk [tilespmem:v8+s28+$0x0], $0xffff  }
0x25e: {  	v20 =	vld [tilespmem:s25+$0x4A90]  }
0x25f: {  	[tilespmem:s25+$0xC690] =	vst v7;
	v7 =	vld [tilespmem:s25+$0x46B0]  }
0x260: {  	v32 =	vld [tilespmem:s5+$0x4640]  }
0x261: {  	s11 =	simm.s32 $0x200;
	s7 =	simm.s32 $0x400;
	v5 =	vld.idx.msk [tilespmem:v5+s28+$0x0], $0xffff  }
0x262: {  	s6 =	sand.u32 $0x300, s11;
	s7 =	sand.u32 $0x3800, s7;
	v33 =	vld [tilespmem:s5+$0x4660];
	[tilespmem:s25+$0xC610] =	vst v6  }
0x263: {  	s6 =	sor.u32 s6, s7;
	v6 =	vld.idx.msk [tilespmem:v9+s28+$0x0], $0xffff  }
0x264: {  	v34 =	vld [tilespmem:s6+$0x4690]  }
0x265: {  	v35 =	vld [tilespmem:s6+$0x4620]  }
0x266: {  	[tilespmem:s25+$0xC6A0] =	vst v5;
	v5 =	vld [tilespmem:s25+$0x46C0]  }
0x267: {  	v7 =	vld.idx.msk [tilespmem:v7+s28+$0x0], $0xffff  }
0x268: {  	v36 =	vld [tilespmem:s5+$0x4A90];
	[tilespmem:s25+$0xC620] =	vst v6  }
0x269: {  	v6 =	vld.idx.msk [tilespmem:v10+s28+$0x0], $0xffff  }
0x26a: {  	v37 =	vld [tilespmem:s6+$0x4640]  }
0x26b: {  	v38 =	vld [tilespmem:s6+$0x46B0]  }
0x26c: {  	[tilespmem:s25+$0xC6B0] =	vst v7;
	v7 =	vld [tilespmem:s25+$0x46D0]  }
0x26d: {  	v14 =	vld.idx.msk [tilespmem:v14+s28+$0x0], $0xffff  }
0x26e: {  	[tilespmem:s25+$0xC630] =	vst v6;
	v5 =	vld.idx.msk [tilespmem:v5+s28+$0x0], $0xffff  }
0x26f: {  	v6 =	vld.idx.msk [tilespmem:v11+s28+$0x0], $0xffff  }
0x270: {  	v39 =	vld [tilespmem:s6+$0x4660]  }
0x271: {  	v40 =	vld [tilespmem:s5+$0x4AB0]  }
0x272: {  	[tilespmem:s5+$0xC680] =	vst v14;
	v14 =	vld [tilespmem:s5+$0x46A0]  }
0x273: {  	v11 =	vld [tilespmem:s25+$0x46E0];
	[tilespmem:s25+$0xC6C0] =	vst v5  }
0x274: {  	[tilespmem:s25+$0xC640] =	vst v6;
	v7 =	vld.idx.msk [tilespmem:v7+s28+$0x0], $0xffff  }
0x275: {  	v6 =	vld.idx.msk [tilespmem:v12+s28+$0x0], $0xffff  }
0x276: {  	v12 =	vld [tilespmem:s5+$0x4600]  }
0x277: {  	v17 =	vld.idx.msk [tilespmem:v17+s28+$0x0], $0xffff  }
0x278: {  	v41 =	vld [tilespmem:s6+$0x4670]  }
0x279: {  	[tilespmem:s25+$0xC6D0] =	vst v7;
	v7 =	vld [tilespmem:s25+$0x46F0]  }
0x27a: {  	v42 =	vld [tilespmem:s6+$0x4A80]  }
0x27b: {  	v11 =	vld.idx.msk [tilespmem:v11+s28+$0x0], $0xffff  }
0x27c: {  	v8 =	vld [tilespmem:s25+$0x4A20];
	[tilespmem:s5+$0xC690] =	vst v17  }
0x27d: {  	v14 =	vld.idx.msk [tilespmem:v14+s28+$0x0], $0xffff  }
0x27e: {  	v12 =	vld.idx.msk [tilespmem:v12+s28+$0x0], $0xffff  }
0x27f: {  	v17 =	vld [tilespmem:s5+$0x46B0]  }
0x280: {  	v9 =	vld [tilespmem:s25+$0x4670];
	[tilespmem:s25+$0xC6E0] =	vst v11  }
0x281: {  	v7 =	vld.idx.msk [tilespmem:v7+s28+$0x0], $0xffff  }
0x282: {  	v10 =	vld [tilespmem:s25+$0x4A00];
	[tilespmem:s5+$0xC6A0] =	vst v14  }
0x283: {  	v14 =	vld [tilespmem:s5+$0x46C0];
	[tilespmem:s5+$0xC600] =	vst v12  }
0x284: {  	v16 =	vld.idx.msk [tilespmem:v16+s28+$0x0], $0xffff  }
0x285: {  	v5 =	vld [tilespmem:s25+$0x4A30]  }
0x286: {  	v11 =	vld [tilespmem:s5+$0x4630];
	[tilespmem:s25+$0xC6F0] =	vst v7  }
0x287: {  	v7 =	vld.idx.msk [tilespmem:v18+s28+$0x0], $0xffff  }
0x288: {  	v12 =	vld [tilespmem:s5+$0x4650]  }
0x289: {  	[tilespmem:s5+$0xC610] =	vst v16;
	v16 =	vld.idx.msk [tilespmem:v17+s28+$0x0], $0xffff  }
0x28a: {  	v17 =	vld [tilespmem:s25+$0x4AB0]  }
0x28b: {  	[tilespmem:s25+$0xC650] =	vst v6;
	v18 =	vld [tilespmem:s25+$0x4AA0]  }
0x28c: {  	[tilespmem:s25+$0xCA80] =	vst v7;
	v7 =	vld.idx.msk [tilespmem:v13+s28+$0x0], $0xffff  }
0x28d: {  	v13 =	vld.idx.msk [tilespmem:v19+s28+$0x0], $0xffff  }
0x28e: {  	[tilespmem:s5+$0xC6B0] =	vst v16;
	v16 =	vld [tilespmem:s5+$0x4A00]  }
0x28f: {  	v14 =	vld.idx.msk [tilespmem:v14+s28+$0x0], $0xffff  }
0x290: {  	v19 =	vld [tilespmem:s5+$0x4670]  }
0x291: {  	v6 =	vld.idx.msk [tilespmem:v20+s28+$0x0], $0xffff;
	[tilespmem:s25+$0xC660] =	vst v7  }
0x292: {  	[tilespmem:s5+$0xC620] =	vst v13;
	v7 =	vld.idx.msk [tilespmem:v9+s28+$0x0], $0xffff  }
0x293: {  	v9 =	vld.idx.msk [tilespmem:v11+s28+$0x0], $0xffff  }
0x294: {  	v11 =	vld [tilespmem:s5+$0x46D0]  }
0x295: {  	v20 =	vld [tilespmem:s5+$0x4A80];
	[tilespmem:s5+$0xC6C0] =	vst v14  }
0x296: {  	v14 =	vld [tilespmem:s5+$0x4A20];
	[tilespmem:s25+$0xCA90] =	vst v6  }
0x297: {  	v6 =	vld.idx.msk [tilespmem:v18+s28+$0x0], $0xffff;
	[tilespmem:s25+$0xC670] =	vst v7  }
0x298: {  	[tilespmem:s5+$0xC630] =	vst v9;
	v7 =	vld.idx.msk [tilespmem:v10+s28+$0x0], $0xffff  }
0x299: {  	v9 =	vld.idx.msk [tilespmem:v32+s28+$0x0], $0xffff  }
0x29a: {  	v18 =	vld [tilespmem:s5+$0x4A10]  }
0x29b: {  	v10 =	vld [tilespmem:s5+$0x46E0]  }
0x29c: {  	[tilespmem:s25+$0xCAA0] =	vst v6;
	v11 =	vld.idx.msk [tilespmem:v11+s28+$0x0], $0xffff  }
0x29d: {  	v6 =	vld [tilespmem:s5+$0x4A30];
	[tilespmem:s25+$0xCA00] =	vst v7  }
0x29e: {  	[tilespmem:s5+$0xC640] =	vst v9;
	v7 =	vld [tilespmem:s6+$0x4680]  }
0x29f: {  	s12 =	simm.s32 $0x300;
	s8 =	simm.s32 $0x600;
	v9 =	vld.idx.msk [tilespmem:v12+s28+$0x0], $0xffff  }
0x2a0: {  	s8 =	sand.u32 $0x3800, s8;
	s7 =	sand.u32 $0x300, s12;
	v12 =	vld [tilespmem:s6+$0x4600]  }
0x2a1: {  	s7 =	sor.u32 s7, s8;
	[tilespmem:s5+$0xC6D0] =	vst v11;
	v11 =	vld [tilespmem:s5+$0x46F0]  }
0x2a2: {  	v32 =	vld [tilespmem:s7+$0x4690]  }
0x2a3: {  	v10 =	vld.idx.msk [tilespmem:v10+s28+$0x0], $0xffff  }
0x2a4: {  	v13 =	vld.idx.msk [tilespmem:v17+s28+$0x0], $0xffff  }
0x2a5: {  	v17 =	vld [tilespmem:s6+$0x4610]  }
0x2a6: {  	v7 =	vld.idx.msk [tilespmem:v7+s28+$0x0], $0xffff  }
0x2a7: {  	v15 =	vld.idx.msk [tilespmem:v15+s28+$0x0], $0xffff  }
0x2a8: {  	[tilespmem:s5+$0xC6E0] =	vst v10;
	v12 =	vld.idx.msk [tilespmem:v12+s28+$0x0], $0xffff  }
0x2a9: {  	v10 =	vld.idx.msk [tilespmem:v11+s28+$0x0], $0xffff  }
0x2aa: {  	[tilespmem:s25+$0xCAB0] =	vst v13;
	v13 =	vld [tilespmem:s7+$0x4A20]  }
0x2ab: {  	[tilespmem:s6+$0xC680] =	vst v7;
	v7 =	vld [tilespmem:s6+$0x46A0]  }
0x2ac: {  	v11 =	vld [tilespmem:s6+$0x4630]  }
0x2ad: {  	v21 =	vld.idx.msk [tilespmem:v34+s28+$0x0], $0xffff;
	[tilespmem:s6+$0xC600] =	vst v12  }
0x2ae: {  	[tilespmem:s5+$0xC6F0] =	vst v10;
	v17 =	vld.idx.msk [tilespmem:v17+s28+$0x0], $0xffff  }
0x2af: {  	v10 =	vld.idx.msk [tilespmem:v20+s28+$0x0], $0xffff  }
0x2b0: {  	v12 =	vld [tilespmem:s6+$0x4650]  }
0x2b1: {  	[tilespmem:s5+$0xC650] =	vst v9;
	v34 =	vld [tilespmem:s6+$0x4A90]  }
0x2b2: {  	v20 =	vld [tilespmem:s5+$0x4AA0];
	[tilespmem:s6+$0xC690] =	vst v21  }
0x2b3: {  	[tilespmem:s6+$0xC610] =	vst v17;
	v7 =	vld.idx.msk [tilespmem:v7+s28+$0x0], $0xffff  }
0x2b4: {  	[tilespmem:s5+$0xCA80] =	vst v10;
	v10 =	vld.idx.msk [tilespmem:v33+s28+$0x0], $0xffff  }
0x2b5: {  	v17 =	vld.idx.msk [tilespmem:v35+s28+$0x0], $0xffff  }
0x2b6: {  	v33 =	vld [tilespmem:s7+$0x4640]  }
0x2b7: {  	v35 =	vld [tilespmem:s7+$0x46A0]  }
0x2b8: {  	v9 =	vld.idx.msk [tilespmem:v36+s28+$0x0], $0xffff  }
0x2b9: {  	v36 =	vld [tilespmem:s6+$0x4AA0]  }
0x2ba: {  	[tilespmem:s6+$0xC6A0] =	vst v7;
	v7 =	vld [tilespmem:s6+$0x46C0]  }
0x2bb: {  	[tilespmem:s6+$0xC620] =	vst v17;
	v17 =	vld [tilespmem:s6+$0x4A00]  }
0x2bc: {  	[tilespmem:s5+$0xC660] =	vst v10;
	v21 =	vld.idx.msk [tilespmem:v38+s28+$0x0], $0xffff  }
0x2bd: {  	v10 =	vld.idx.msk [tilespmem:v19+s28+$0x0], $0xffff  }
0x2be: {  	[tilespmem:s5+$0xCA90] =	vst v9;
	v11 =	vld.idx.msk [tilespmem:v11+s28+$0x0], $0xffff  }
0x2bf: {  	v9 =	vld.idx.msk [tilespmem:v20+s28+$0x0], $0xffff  }
0x2c0: {  	v19 =	vld [tilespmem:s6+$0x46D0]  }
0x2c1: {  	v38 =	vld [tilespmem:s6+$0x4AB0];
	[tilespmem:s6+$0xC6B0] =	vst v21  }
0x2c2: {  	[tilespmem:s5+$0xC670] =	vst v10;
	v20 =	vld.idx.msk [tilespmem:v7+s28+$0x0], $0xffff  }
0x2c3: {  	v21 =	vld [tilespmem:s6+$0x4A10];
	[tilespmem:s6+$0xC630] =	vst v11  }
0x2c4: {  	[tilespmem:s5+$0xCAA0] =	vst v9;
	v9 =	vld.idx.msk [tilespmem:v16+s28+$0x0], $0xffff  }
0x2c5: {  	v10 =	vld.idx.msk [tilespmem:v37+s28+$0x0], $0xffff  }
0x2c6: {  	v11 =	vld [tilespmem:s6+$0x46E0]  }
0x2c7: {  	v37 =	vld [tilespmem:s7+$0x46B0];
	[tilespmem:s6+$0xC6C0] =	vst v20  }
0x2c8: {  	[tilespmem:s25+$0xCA10] =	vst v15;
	v15 =	vld.idx.msk [tilespmem:v19+s28+$0x0], $0xffff  }
0x2c9: {  	v22 =	vld.idx.msk [tilespmem:v40+s28+$0x0], $0xffff;
	[tilespmem:s5+$0xCA00] =	vst v9  }
0x2ca: {  	[tilespmem:s6+$0xC640] =	vst v10;
	v9 =	vld [tilespmem:s7+$0x4680]  }
0x2cb: {  	v10 =	vld.idx.msk [tilespmem:v12+s28+$0x0], $0xffff  }
0x2cc: {  	v12 =	vld [tilespmem:s6+$0x46F0]  }
0x2cd: {  	[tilespmem:s6+$0xC6D0] =	vst v15;
	v15 =	vld [tilespmem:s7+$0x4600]  }
0x2ce: {  	v11 =	vld.idx.msk [tilespmem:v11+s28+$0x0], $0xffff  }
0x2cf: {  	v7 =	vld [tilespmem:s6+$0x4A20]  }
0x2d0: {  	v16 =	vld.idx.msk [tilespmem:v18+s28+$0x0], $0xffff  }
0x2d1: {  	v18 =	vld [tilespmem:s7+$0x4610]  }
0x2d2: {  	v20 =	vld [tilespmem:s7+$0x4620]  }
0x2d3: {  	v9 =	vld.idx.msk [tilespmem:v9+s28+$0x0], $0xffff;
	[tilespmem:s6+$0xC6E0] =	vst v11  }
0x2d4: {  	v11 =	vld.idx.msk [tilespmem:v12+s28+$0x0], $0xffff  }
0x2d5: {  	v19 =	vld.idx.msk [tilespmem:v8+s28+$0x0], $0xffff  }
0x2d6: {  	v15 =	vld.idx.msk [tilespmem:v15+s28+$0x0], $0xffff  }
0x2d7: {  	v8 =	vld [tilespmem:s6+$0x4A30];
	[tilespmem:s6+$0xC650] =	vst v10  }
0x2d8: {  	v10 =	vld [tilespmem:s7+$0x4670];
	[tilespmem:s7+$0xC680] =	vst v9  }
0x2d9: {  	v25 =	vld.idx.msk [tilespmem:v32+s28+$0x0], $0xffff;
	[tilespmem:s6+$0xC6F0] =	vst v11  }
0x2da: {  	[tilespmem:s5+$0xCA10] =	vst v16;
	v11 =	vld.idx.msk [tilespmem:v42+s28+$0x0], $0xffff  }
0x2db: {  	v16 =	vld.idx.msk [tilespmem:v14+s28+$0x0], $0xffff;
	[tilespmem:s7+$0xC600] =	vst v15  }
0x2dc: {  	v18 =	vld.idx.msk [tilespmem:v18+s28+$0x0], $0xffff  }
0x2dd: {  	v14 =	vld [tilespmem:s7+$0x4A30]  }
0x2de: {  	v12 =	vld [tilespmem:s7+$0x4630];
	[tilespmem:s7+$0xC690] =	vst v25  }
0x2df: {  	v29 =	vld.idx.msk [tilespmem:v35+s28+$0x0], $0xffff;
	[tilespmem:s6+$0xCA80] =	vst v11  }
0x2e0: {  	v11 =	vld.idx.msk [tilespmem:v34+s28+$0x0], $0xffff  }
0x2e1: {  	[tilespmem:s7+$0xC610] =	vst v18;
	v18 =	vld.idx.msk [tilespmem:v39+s28+$0x0], $0xffff  }
0x2e2: {  	v20 =	vld.idx.msk [tilespmem:v20+s28+$0x0], $0xffff  }
0x2e3: {  	v39 =	vld [tilespmem:s7+$0x46C0]  }
0x2e4: {  	v9 =	vld [tilespmem:s7+$0x4660];
	[tilespmem:s7+$0xC6A0] =	vst v29  }
0x2e5: {  	v25 =	vld.idx.msk [tilespmem:v37+s28+$0x0], $0xffff;
	[tilespmem:s6+$0xCA90] =	vst v11  }
0x2e6: {  	[tilespmem:s6+$0xC660] =	vst v18;
	v18 =	vld.idx.msk [tilespmem:v36+s28+$0x0], $0xffff  }
0x2e7: {  	[tilespmem:s7+$0xC620] =	vst v20;
	v20 =	vld.idx.msk [tilespmem:v41+s28+$0x0], $0xffff  }
0x2e8: {  	v40 =	vld.idx.msk [tilespmem:v12+s28+$0x0], $0xffff  }
0x2e9: {  	v15 =	vld [tilespmem:s7+$0x4650]  }
0x2ea: {  	[tilespmem:s7+$0xC6B0] =	vst v25;
	v41 =	vld [tilespmem:s7+$0x46D0]  }
0x2eb: {  	v25 =	vld.idx.msk [tilespmem:v39+s28+$0x0], $0xffff;
	[tilespmem:s6+$0xCAA0] =	vst v18  }
0x2ec: {  	[tilespmem:s6+$0xC670] =	vst v20;
	v20 =	vld.idx.msk [tilespmem:v38+s28+$0x0], $0xffff  }
0x2ed: {  	[tilespmem:s7+$0xC630] =	vst v40;
	v17 =	vld.idx.msk [tilespmem:v17+s28+$0x0], $0xffff  }
0x2ee: {  	[tilespmem:s5+$0xCAB0] =	vst v22;
	v42 =	vld.idx.msk [tilespmem:v33+s28+$0x0], $0xffff  }
0x2ef: {  	[tilespmem:s25+$0xCA20] =	vst v19;
	v11 =	vld [tilespmem:s7+$0x4A10]  }
0x2f0: {  	v18 =	vld [tilespmem:s7+$0x46E0];
	[tilespmem:s7+$0xC6C0] =	vst v25  }
0x2f1: {  	v12 =	vld [tilespmem:s7+$0x4A00];
	[tilespmem:s6+$0xCAB0] =	vst v20  }
0x2f2: {  	v19 =	vld.idx.msk [tilespmem:v41+s28+$0x0], $0xffff;
	[tilespmem:s6+$0xCA00] =	vst v17  }
0x2f3: {  	s10 =	simm.s32 $0x800;
	s9 =	simm.s32 $0x400;
	s8 =	simm.s32 $0x6;
	[tilespmem:s7+$0xC640] =	vst v42;
	v17 =	vld.idx.msk [tilespmem:v21+s28+$0x0], $0xffff  }
.LBB2_14:
0x2f4: {  	s11 =	sand.u32 $0x3800, s10;
	s12 =	sand.u32 $0x300, s9;
	s8 =	sadd.s32 $0x2, s8;
	v15 =	vld.idx.msk [tilespmem:v15+s28+$0x0], $0xffff  }
0x2f5: {  	s11 =	sor.u32 s12, s11;
	p0 =	slt.u32 s8, $0x3E;
	[tilespmem:s5+$0xCA20] =	vst v16;
	v16 =	vld.idx.msk [tilespmem:v5+s28+$0x0], $0xffff;
	v5 =	vmov v6;
	v6 =	vmov v8  }
0x2f6: {  	v20 =	vld [tilespmem:s11+$0x4680]  }
0x2f7: {  	[tilespmem:s7+$0xC6D0] =	vst v19;
	v19 =	vld [tilespmem:s7+$0x46F0];
	v8 =	vmov v14  }
0x2f8: {  	v14 =	vld.idx.msk [tilespmem:v18+s28+$0x0], $0xffff  }
0x2f9: {  	v18 =	vld [tilespmem:s11+$0x4600];
	[tilespmem:s6+$0xCA10] =	vst v17  }
0x2fa: {  	v17 =	vld [tilespmem:s11+$0x4610];
	[tilespmem:s7+$0xC650] =	vst v15  }
0x2fb: {  	v21 =	vld [tilespmem:s11+$0x4620];
	[tilespmem:s25+$0xCA30] =	vst v16;
	s25 =	smov.u32 s5;
	s5 =	smov.u32 s6;
	s6 =	smov.u32 s7  }
0x2fc: {  	s7 =	smov.u32 s11;
	v15 =	vld [tilespmem:s6+$0x4A80]  }
0x2fd: {  	v16 =	vld [tilespmem:s7+$0x4690]  }
0x2fe: {  	v20 =	vld.idx.msk [tilespmem:v20+s28+$0x0], $0xffff;
	[tilespmem:s6+$0xC6E0] =	vst v14  }
0x2ff: {  	v14 =	vld.idx.msk [tilespmem:v19+s28+$0x0], $0xffff  }
0x300: {  	v19 =	vld [tilespmem:s7+$0x4630]  }
0x301: {  	v18 =	vld.idx.msk [tilespmem:v18+s28+$0x0], $0xffff  }
0x302: {  	v22 =	vld [tilespmem:s7+$0x4640]  }
0x303: {  	v23 =	vld [tilespmem:s6+$0x4A90]  }
0x304: {  	[tilespmem:s7+$0xC680] =	vst v20;
	v20 =	vld [tilespmem:s7+$0x46A0]  }
0x305: {  	v16 =	vld.idx.msk [tilespmem:v16+s28+$0x0], $0xffff;
	[tilespmem:s6+$0xC6F0] =	vst v14  }
0x306: {  	v14 =	vld.idx.msk [tilespmem:v15+s28+$0x0], $0xffff  }
0x307: {  	[tilespmem:s7+$0xC600] =	vst v18;
	v15 =	vld [tilespmem:s7+$0x4650]  }
0x308: {  	v17 =	vld.idx.msk [tilespmem:v17+s28+$0x0], $0xffff  }
0x309: {  	v18 =	vld [tilespmem:s7+$0x4660]  }
0x30a: {  	v24 =	vld [tilespmem:s6+$0x4AA0]  }
0x30b: {  	[tilespmem:s7+$0xC690] =	vst v16;
	v16 =	vld [tilespmem:s7+$0x46B0]  }
0x30c: {  	v20 =	vld.idx.msk [tilespmem:v20+s28+$0x0], $0xffff;
	[tilespmem:s6+$0xCA80] =	vst v14  }
0x30d: {  	v14 =	vld.idx.msk [tilespmem:v23+s28+$0x0], $0xffff  }
0x30e: {  	[tilespmem:s7+$0xC610] =	vst v17;
	v17 =	vld.idx.msk [tilespmem:v9+s28+$0x0], $0xffff;
	v9 =	vmov v18  }
0x30f: {  	v18 =	vld.idx.msk [tilespmem:v21+s28+$0x0], $0xffff  }
0x310: {  	v21 =	vld [tilespmem:s7+$0x4670]  }
0x311: {  	v23 =	vld [tilespmem:s6+$0x4AB0]  }
0x312: {  	[tilespmem:s7+$0xC6A0] =	vst v20;
	v20 =	vld [tilespmem:s7+$0x46C0]  }
0x313: {  	v16 =	vld.idx.msk [tilespmem:v16+s28+$0x0], $0xffff;
	[tilespmem:s6+$0xCA90] =	vst v14  }
0x314: {  	[tilespmem:s6+$0xC660] =	vst v17;
	v14 =	vld.idx.msk [tilespmem:v24+s28+$0x0], $0xffff  }
0x315: {  	[tilespmem:s7+$0xC620] =	vst v18;
	v17 =	vld.idx.msk [tilespmem:v10+s28+$0x0], $0xffff;
	v10 =	vmov v21  }
0x316: {  	v18 =	vld.idx.msk [tilespmem:v19+s28+$0x0], $0xffff  }
0x317: {  	v19 =	vld [tilespmem:s7+$0x4A00]  }
0x318: {  	v21 =	vld [tilespmem:s7+$0x4A10]  }
0x319: {  	[tilespmem:s7+$0xC6B0] =	vst v16;
	v24 =	vld [tilespmem:s7+$0x46D0]  }
0x31a: {  	v20 =	vld.idx.msk [tilespmem:v20+s28+$0x0], $0xffff;
	[tilespmem:s6+$0xCAA0] =	vst v14  }
0x31b: {  	[tilespmem:s6+$0xC670] =	vst v17;
	v14 =	vld.idx.msk [tilespmem:v23+s28+$0x0], $0xffff  }
0x31c: {  	[tilespmem:s7+$0xC630] =	vst v18;
	v17 =	vld.idx.msk [tilespmem:v12+s28+$0x0], $0xffff;
	v12 =	vmov v19  }
0x31d: {  	v22 =	vld.idx.msk [tilespmem:v22+s28+$0x0], $0xffff  }
0x31e: {  	v23 =	vld [tilespmem:s7+$0x4A20]  }
.Ltmp6:
0x31f: {  	v16 =	vld.idx.msk [tilespmem:v7+s28+$0x0], $0xffff;
	v7 =	vmov v13;
	(pc) =	sbr.rel @p0 .LBB2_14-.Ltmp6, $4  }
0x320: {  	[tilespmem:s7+$0xC6C0] =	vst v20;
	v18 =	vld [tilespmem:s7+$0x46E0]  }
0x321: {  	v19 =	vld.idx.msk [tilespmem:v24+s28+$0x0], $0xffff;
	[tilespmem:s6+$0xCAB0] =	vst v14  }
0x322: {  	v14 =	vld [tilespmem:s7+$0x4A30];
	[tilespmem:s6+$0xCA00] =	vst v17  }
0x323: {  	s9 =	sadd.s32 $0x100, s9;
	s10 =	sadd.s32 $0x200, s10;
	[tilespmem:s7+$0xC640] =	vst v22;
	v17 =	vld.idx.msk [tilespmem:v11+s28+$0x0], $0xffff;
	v11 =	vmov v21;
	v13 =	vmov v23  }
0x324: {  	_ =	sdelay $0x3  }
0x325: {  	v15 =	vld.idx.msk [tilespmem:v15+s28+$0x0], $0xffff;
	_ =	sdelay $0x1  }
0x326: {  	v40 =	vld [tilespmem:s7+$0x46F0]  }
0x327: {  	[tilespmem:s7+$0xC6D0] =	vst v19  }
0x328: {  	v18 =	vld.idx.msk [tilespmem:v18+s28+$0x0], $0xffff  }
0x329: {  	[tilespmem:s7+$0xC650] =	vst v15  }
0x32a: {  	v9 =	vld.idx.msk [tilespmem:v9+s28+$0x0], $0xffff;
	_ =	sdelay $0x1  }
0x32b: {  	v41 =	vld [tilespmem:s7+$0x4A80]  }
0x32c: {  	[tilespmem:s7+$0xC6E0] =	vst v18  }
0x32d: {  	v18 =	vld.idx.msk [tilespmem:v40+s28+$0x0], $0xffff  }
0x32e: {  	[tilespmem:s7+$0xC660] =	vst v9  }
0x32f: {  	v9 =	vld.idx.msk [tilespmem:v10+s28+$0x0], $0xffff;
	_ =	sdelay $0x1  }
0x330: {  	v10 =	vld [tilespmem:s7+$0x4A90]  }
0x331: {  	[tilespmem:s7+$0xC6F0] =	vst v18  }
0x332: {  	v15 =	vld.idx.msk [tilespmem:v41+s28+$0x0], $0xffff  }
0x333: {  	[tilespmem:s7+$0xC670] =	vst v9  }
0x334: {  	v9 =	vld.idx.msk [tilespmem:v12+s28+$0x0], $0xffff;
	_ =	sdelay $0x1  }
0x335: {  	v42 =	vld [tilespmem:s7+$0x4AA0]  }
0x336: {  	[tilespmem:s7+$0xCA80] =	vst v15  }
0x337: {  	v10 =	vld.idx.msk [tilespmem:v10+s28+$0x0], $0xffff  }
0x338: {  	[tilespmem:s7+$0xCA00] =	vst v9  }
0x339: {  	v9 =	vld.idx.msk [tilespmem:v11+s28+$0x0], $0xffff;
	_ =	sdelay $0x1  }
0x33a: {  	v11 =	vld [tilespmem:s7+$0x4AB0]  }
0x33b: {  	[tilespmem:s7+$0xCA90] =	vst v10  }
0x33c: {  	[tilespmem:s6+$0xCA10] =	vst v17;
	v10 =	vld.idx.msk [tilespmem:v42+s28+$0x0], $0xffff  }
0x33d: {  	v7 =	vld.idx.msk [tilespmem:v7+s28+$0x0], $0xffff;
	[tilespmem:s7+$0xCA10] =	vst v9  }
0x33e: {  	v9 =	vld.idx.msk [tilespmem:v13+s28+$0x0], $0xffff;
	_ =	sdelay $0x1  }
0x33f: {  	v5 =	vld.idx.msk [tilespmem:v5+s28+$0x0], $0xffff;
	[tilespmem:s5+$0xCA20] =	vst v16  }
0x340: {  	v6 =	vld.idx.msk [tilespmem:v6+s28+$0x0], $0xffff;
	[tilespmem:s7+$0xCAA0] =	vst v10  }
0x341: {  	[tilespmem:s6+$0xCA20] =	vst v7;
	v10 =	vld.idx.msk [tilespmem:v11+s28+$0x0], $0xffff  }
0x342: {  	v7 =	vld.idx.msk [tilespmem:v8+s28+$0x0], $0xffff;
	v8 =	vmov s2;
	[tilespmem:s7+$0xCA20] =	vst v9  }
0x343: {  	p3 =	por $0x1, $0x1;
	v8 =	vshrl.u32 v8, $0x3;
	v9 =	vld.idx.msk [tilespmem:v14+s28+$0x0], $0xffff  }
.Ltmp7:
0x344: {  	[tilespmem:s25+$0xCA30] =	vst v5;
	v5 =	vshll.u32 v8, $0xB;
	(pc) =	sbr.rel @!p3 .LBB2_16-.Ltmp7, $4  }
0x345: {  	[tilespmem:s5+$0xCA30] =	vst v6;
	v5 =	vor.u32 $0x400, v5  }
0x346: {  	[tilespmem:s7+$0xCAB0] =	vst v10;
	v10 =	vbroadcast v5, $0x0  }
0x347: {  	p0 =	por $0x0, $0x0;
	[tilespmem:s6+$0xCA30] =	vst v7  }
0x348: {  	p1 =	por $0x0, $0x0;
	p2 =	por $0x0, $0x0;
	s2 =	simm.s32 $0x8;
	v6 =	vor.u32 v60, v10;
	v8 =	vor.u32 v62, v10;
	v5 =	vor.u32 v61, v10;
	[tilespmem:s7+$0xCA30] =	vst v9  }
0x349: {  	_ = 	snop  }
0x34a: {  	v7 =	vmov s2  }
0x34b: {  	v11 =	vor.u32 v63, v10;
	p3 =	por $0x1, $0x1;
	v7 =	vshrl.u32 v7, $0x3  }
.Ltmp8:
0x34c: {  	v7 =	vshll.u32 v7, $0xB;
	(pc) =	sbr.rel @!p3 .LBB2_18-.Ltmp8, $4  }
0x34d: {  	v14 =	vld.idx.msk [tilespmem:v6+s23+$0x0], $0xffff;
	v7 =	vor.u32 $0x400, v7  }
0x34e: {  	v15 =	vld.idx.msk [tilespmem:v5+s23+$0x0], $0xffff;
	v10 =	vbroadcast v7, $0x0  }
0x34f: {  	v19 =	vld.idx.msk [tilespmem:v8+s23+$0x0], $0xffff  }
0x350: {  	s2 =	simm.s32 $0x10;
	p0 =	por $0x1, $0x1;
	v16 =	vld.idx.msk [tilespmem:v11+s23+$0x0], $0xffff;
	v25 =	vor.u32 v60, v10;
	v13 =	vor.u32 v62, v10;
	v24 =	vor.u32 v61, v10  }
0x351: {  	v17 =	vor.u32 v63, v10;
	_ =	sdelay $0x3  }
0x352: {  	v18 =	vld.idx.msk [tilespmem:v25+s23+$0x0], $0xffff  }
0x353: {  	v7 =	vmov s2;
	v22 =	vld.idx.msk [tilespmem:v17+s23+$0x0], $0xffff  }
0x354: {  	v20 =	vld.idx.msk [tilespmem:v24+s23+$0x0], $0xffff;
	p3 =	por $0x1, $0x1;
	v7 =	vshrl.u32 v7, $0x3  }
.Ltmp9:
0x355: {  	v7 =	vshll.u32 v7, $0xB;
	(pc) =	sbr.rel @!p3 .LBB2_20-.Ltmp9, $4  }
0x356: {  	v7 =	vor.u32 $0x400, v7  }
0x357: {  	v10 =	vbroadcast v7, $0x0  }
0x358: {  	v32 =	vld.idx.msk [tilespmem:v13+s23+$0x0], $0xffff  }
0x359: {  	s2 =	simm.s32 $0x18;
	p1 =	por $0x1, $0x1;
	v19 =	vld.idx.msk [tilespmem:v19+s28+$0x0], $0xffff;
	v7 =	vor.u32 v60, v10;
	v27 =	vor.u32 v62, v10;
	v9 =	vor.u32 v61, v10  }
0x35a: {  	_ =	sdelay $0x3  }
0x35b: {  	v23 =	vld.idx.msk [tilespmem:v14+s28+$0x0], $0xffff;
	_ =	sdelay $0x2  }
0x35c: {  	v12 =	vmov s2;
	v30 =	vor.u32 v63, v10;
	v28 =	vld.idx.msk [tilespmem:v16+s28+$0x0], $0xffff  }
0x35d: {  	v21 =	vld.idx.msk [tilespmem:v15+s28+$0x0], $0xffff;
	p3 =	por $0x1, $0x1;
	v12 =	vshrl.u32 v12, $0x3  }
.Ltmp10:
0x35e: {  	v33 =	vld.idx.msk [tilespmem:v7+s23+$0x0], $0xffff;
	v10 =	vshll.u32 v12, $0xB;
	[tilespmem:v6+s31+$0x0] =	vst.idx.msk $0xffff, v23;
	v23 =	vmov v5;
	(pc) =	sbr.rel @!p3 .LBB2_22-.Ltmp10, $4  }
0x35f: {  	v34 =	vld.idx.msk [tilespmem:v9+s23+$0x0], $0xffff;
	v10 =	vor.u32 $0x400, v10  }
0x360: {  	v35 =	vld.idx.msk [tilespmem:v27+s23+$0x0], $0xffff;
	v10 =	vbroadcast v10, $0x0;
	[tilespmem:v8+s31+$0x0] =	vst.idx.msk $0xffff, v19  }
0x361: {  	v39 =	vld.idx.msk [tilespmem:v30+s23+$0x0], $0xffff;
	[tilespmem:v11+s31+$0x0] =	vst.idx.msk $0xffff, v28  }
0x362: {  	s2 =	simm.s32 $0xC;
	s5 =	simm.s32 $0x20;
	p2 =	por $0x1, $0x1;
	v26 =	vld.idx.msk [tilespmem:v32+s28+$0x0], $0xffff;
	v41 =	vor.u32 v60, v10;
	v12 =	vor.u32 v62, v10;
	v42 =	vor.u32 v61, v10  }
.LBB2_23:
0x363: {  	v28 =	vmov s5;
	s2 =	sadd.s32 $0x4, s2;
	v29 =	vld.idx.msk [tilespmem:v18+s28+$0x0], $0xffff;
	[tilespmem:v23+s31+$0x0] =	vst.idx.msk $0xffff, v21;
	v18 =	vmovc v33;
	v31 =	vmovc v25;
	v25 =	vmov v7;
	v7 =	vmov v41  }
0x364: {  	v23 =	vmovc v24;
	v24 =	vmovc v9;
	v9 =	vmov v42;
	v21 =	vshrl.u32 v28, $0x3;
	p3 =	slt.u32 s2, $0x1C;
	v28 =	vor.u32 v63, v10;
	v32 =	vld.idx.msk [tilespmem:v22+s28+$0x0], $0xffff  }
0x365: {  	v10 =	vshll.u32 v21, $0xB;
	v21 =	vld.idx.msk [tilespmem:v20+s28+$0x0], $0xffff;
	v20 =	vmov v34;
	v36 =	vmov v35  }
.Ltmp11:
0x366: {  	v10 =	vor.u32 $0x400, v10;
	v33 =	vld.idx.msk [tilespmem:v41+s23+$0x0], $0xffff;
	v22 =	vmov v39;
	(pc) =	sbr.rel @p3 .LBB2_23-.Ltmp11, $4  }
0x367: {  	v10 =	vbroadcast v10, $0x0;
	v34 =	vld.idx.msk [tilespmem:v42+s23+$0x0], $0xffff  }
0x368: {  	v35 =	vld.idx.msk [tilespmem:v12+s23+$0x0], $0xffff;
	[tilespmem:v13+s31+$0x0] =	vst.idx.msk $0xffff, v26;
	v13 =	vmov v27;
	v27 =	vmov v12  }
0x369: {  	v41 =	vor.u32 v60, v10;
	v12 =	vor.u32 v62, v10;
	v39 =	vld.idx.msk [tilespmem:v28+s23+$0x0], $0xffff;
	[tilespmem:v31+s31+$0x0] =	vst.idx.msk $0xffff, v29  }
0x36a: {  	s5 =	sadd.s32 $0x8, s5;
	v42 =	vor.u32 v61, v10;
	v26 =	vld.idx.msk [tilespmem:v36+s28+$0x0], $0xffff;
	[tilespmem:v17+s31+$0x0] =	vst.idx.msk $0xffff, v32;
	v17 =	vmov v30;
	v30 =	vmov v28  }
0x36b: {  	v31 =	vmov v18;
	v28 =	vmov v7  }
0x36c: {  	v37 =	vmovc v22;
	v29 =	vmovc v9;
	v40 =	vmov v20;
	v38 =	vmov v13;
	v36 =	vmov v17  }
0x36d: {  	v18 =	vmovc v33;
	v33 =	vmovc v25;
	v7 =	vmov v41;
	v25 =	vmov v24;
	v9 =	vmov v42  }
0x36e: {  	v13 =	vmovc v27;
	v17 =	vmovc v30;
	v20 =	vmov v34;
	v32 =	vmov v35;
	v22 =	vmov v39  }
.LBB2_25:
0x36f: {  	_ =	sdelay $0x3  }
0x370: {  	v24 =	vld.idx.msk @p1 [tilespmem:v31+s28+$0x0], $0xffff  }
0x371: {  	v10 =	vor.u32 v63, v10;
	v27 =	vld.idx.msk @p1 [tilespmem:v37+s28+$0x0], $0xffff  }
0x372: {  	v30 =	vld.idx.msk @p1 [tilespmem:v40+s28+$0x0], $0xffff;
	v31 =	vmov @p0 v32  }
0x373: {  	v40 =	vld.idx.msk [tilespmem:v7+s23+$0x0], $0xffff;
	v14 =	vpsel p0, v18, v14;
	v18 =	vmov @p0 v20  }
0x374: {  	v20 =	vld.idx.msk [tilespmem:v12+s23+$0x0], $0xffff;
	v16 =	vpsel p0, v22, v16  }
0x375: {  	v22 =	vmov @p1 v33;
	v41 =	vld.idx.msk [tilespmem:v9+s23+$0x0], $0xffff;
	v15 =	vpsel p0, v18, v15  }
0x376: {  	v18 =	vmov @p1 v25;
	v42 =	vld.idx.msk [tilespmem:v10+s23+$0x0], $0xffff  }
0x377: {  	[tilespmem:v23+s31+$0x0] =	vst.idx.msk @p2 $0xffff, v21;
	v21 =	vmov @p0 v28;
	v18 =	vpsel p1, v18, v0;
	v23 =	vld.idx.msk @p0 [tilespmem:v31+s28+$0x0], $0xffff  }
0x378: {  	v8 =	vpsel p0, v13, v8;
	v6 =	vpsel p0, v21, v6;
	v13 =	vld.idx.msk @p0 [tilespmem:v14+s28+$0x0], $0xffff  }
0x379: {  	v28 =	vmov @p0 v29;
	[tilespmem:v38+s31+$0x0] =	vst.idx.msk @p1 $0xffff, v26;
	v14 =	vmov @p0 v17;
	v16 =	vld.idx.msk @p0 [tilespmem:v16+s28+$0x0], $0xffff  }
0x37a: {  	v5 =	vpsel p0, v28, v5;
	[tilespmem:v22+s31+$0x0] =	vst.idx.msk @p1 $0xffff, v24;
	v11 =	vpsel p0, v14, v11;
	v14 =	vld.idx.msk @p0 [tilespmem:v15+s28+$0x0], $0xffff  }
0x37b: {  	v5 =	vpsel p0, v5, v0;
	[tilespmem:v36+s31+$0x0] =	vst.idx.msk @p1 $0xffff, v27;
	v15 =	vpsel p1, v30, v0  }
0x37c: {  	[tilespmem:v18+s31+$0x0] =	vst.idx.msk @p1 $0xffff, v15;
	v15 =	vld.idx.msk [tilespmem:v20+s28+$0x0], $0xffff  }
0x37d: {  	v17 =	vpsel p0, v23, v19;
	[tilespmem:v6+s31+$0x0] =	vst.idx.msk @p0 $0xffff, v13;
	v13 =	vld.idx.msk [tilespmem:v41+s28+$0x0], $0xffff  }
0x37e: {  	[tilespmem:v8+s31+$0x0] =	vst.idx.msk @p0 $0xffff, v17;
	v8 =	vld.idx.msk [tilespmem:v40+s28+$0x0], $0xffff  }
0x37f: {  	[tilespmem:v11+s31+$0x0] =	vst.idx.msk @p0 $0xffff, v16;
	v11 =	vpsel p0, v14, v0;
	v6 =	vld.idx.msk [tilespmem:v42+s28+$0x0], $0xffff  }
0x380: {  	[tilespmem:v5+s31+$0x0] =	vst.idx.msk @p0 $0xffff, v11  }
0x381: {  	[tilespmem:v12+s31+$0x0] =	vst.idx.msk $0xffff, v15  }
0x382: {  	[tilespmem:v9+s31+$0x0] =	vst.idx.msk $0xffff, v13  }
0x383: {  	[tilespmem:v7+s31+$0x0] =	vst.idx.msk $0xffff, v8  }
0x384: {  	[tilespmem:v10+s31+$0x0] =	vst.idx.msk $0xffff, v6  }
0x385: {  	s2 =	simm.s32 $0x0;
	s5 =	rddreg [dreg:$0x8]  }
0x386: {  	[tilespmem:s23], [sflag:$0x2] =	stream.linear.gather [hbm4b:s5+s2], $0x4000, $0x38;
	[tilespmem:$0x10600] =	vst v63  }
0x387: {  	s7 =	rddreg [dreg:$0x9]  }
0x388: {  	[hbm4b:s7+s2] =	stream.linear.scatter [tilespmem:s31], [sflag:$0x4], $0x4000, $0x38;
	[tilespmem:$0x10600] =	vst v63  }
0x389: {  	_ =	swait.ge [sflag:s26], $0x4000  }
0x38a: {  	[sflag:s26] =	ssyncset.done $0x0  }
0x38b: {  	[sflag:s26] =	ssyncadd.s32 $0xFFFFC000  }
0x38c: {  	_ =	swait.ge [sflag:s1], $0x4000  }
0x38d: {  	s8 =	sand.u32 $0x3800, s2;
	s6 =	sand.u32 $0x300, s2;
	[sflag:s1] =	ssyncset.done $0x0  }
0x38e: {  	s25 =	sor.u32 s6, s8;
	[sflag:s1] =	ssyncadd.s32 $0xFFFFC000  }
0x38f: {  	v5 =	vld [tilespmem:s25+$0x680]  }
0x390: {  	v6 =	vld [tilespmem:s25+$0x600]  }
0x391: {  	v7 =	vld [tilespmem:s25+$0x690]  }
0x392: {  	v8 =	vld [tilespmem:s25+$0x610]  }
0x393: {  	v9 =	vld [tilespmem:s25+$0x620]  }
0x394: {  	v10 =	vld [tilespmem:s25+$0x630]  }
0x395: {  	v11 =	vld [tilespmem:s25+$0x640]  }
0x396: {  	v12 =	vld [tilespmem:s25+$0x650]  }
0x397: {  	s9 =	simm.s32 $0x100;
	s10 =	simm.s32 $0x200;
	v13 =	vld [tilespmem:s25+$0x660]  }
0x398: {  	s6 =	sand.u32 $0x3800, s10;
	s5 =	sand.u32 $0x300, s9;
	v15 =	vld [tilespmem:s25+$0xA10]  }
0x399: {  	s5 =	sor.u32 s5, s6;
	v5 =	vld.idx.msk [tilespmem:v5+s28+$0x0], $0xffff  }
0x39a: {  	v14 =	vld [tilespmem:s5+$0x680]  }
0x39b: {  	v16 =	vld [tilespmem:s5+$0x610]  }
0x39c: {  	v6 =	vld.idx.msk [tilespmem:v6+s28+$0x0], $0xffff  }
0x39d: {  	v17 =	vld [tilespmem:s5+$0x690]  }
0x39e: {  	[tilespmem:s25+$0x8680] =	vst v5;
	v5 =	vld [tilespmem:s25+$0x6A0]  }
0x39f: {  	v7 =	vld.idx.msk [tilespmem:v7+s28+$0x0], $0xffff  }
0x3a0: {  	v18 =	vld [tilespmem:s25+$0xA80]  }
0x3a1: {  	v19 =	vld [tilespmem:s5+$0x620];
	[tilespmem:s25+$0x8600] =	vst v6  }
0x3a2: {  	v6 =	vld.idx.msk [tilespmem:v8+s28+$0x0], $0xffff  }
0x3a3: {  	v20 =	vld [tilespmem:s25+$0xA90]  }
0x3a4: {  	[tilespmem:s25+$0x8690] =	vst v7;
	v7 =	vld [tilespmem:s25+$0x6B0]  }
0x3a5: {  	v32 =	vld [tilespmem:s5+$0x640]  }
0x3a6: {  	s11 =	simm.s32 $0x200;
	s7 =	simm.s32 $0x400;
	v5 =	vld.idx.msk [tilespmem:v5+s28+$0x0], $0xffff  }
0x3a7: {  	s6 =	sand.u32 $0x300, s11;
	s7 =	sand.u32 $0x3800, s7;
	v33 =	vld [tilespmem:s5+$0x660];
	[tilespmem:s25+$0x8610] =	vst v6  }
0x3a8: {  	s6 =	sor.u32 s6, s7;
	v6 =	vld.idx.msk [tilespmem:v9+s28+$0x0], $0xffff  }
0x3a9: {  	v34 =	vld [tilespmem:s6+$0x690]  }
0x3aa: {  	v35 =	vld [tilespmem:s6+$0x620]  }
0x3ab: {  	[tilespmem:s25+$0x86A0] =	vst v5;
	v5 =	vld [tilespmem:s25+$0x6C0]  }
0x3ac: {  	v7 =	vld.idx.msk [tilespmem:v7+s28+$0x0], $0xffff  }
0x3ad: {  	v36 =	vld [tilespmem:s5+$0xA90];
	[tilespmem:s25+$0x8620] =	vst v6  }
0x3ae: {  	v6 =	vld.idx.msk [tilespmem:v10+s28+$0x0], $0xffff  }
0x3af: {  	v37 =	vld [tilespmem:s6+$0x640]  }
0x3b0: {  	v38 =	vld [tilespmem:s6+$0x6B0]  }
0x3b1: {  	[tilespmem:s25+$0x86B0] =	vst v7;
	v7 =	vld [tilespmem:s25+$0x6D0]  }
0x3b2: {  	v14 =	vld.idx.msk [tilespmem:v14+s28+$0x0], $0xffff  }
0x3b3: {  	[tilespmem:s25+$0x8630] =	vst v6;
	v5 =	vld.idx.msk [tilespmem:v5+s28+$0x0], $0xffff  }
0x3b4: {  	v6 =	vld.idx.msk [tilespmem:v11+s28+$0x0], $0xffff  }
0x3b5: {  	v39 =	vld [tilespmem:s6+$0x660]  }
0x3b6: {  	v40 =	vld [tilespmem:s5+$0xAB0]  }
0x3b7: {  	[tilespmem:s5+$0x8680] =	vst v14;
	v14 =	vld [tilespmem:s5+$0x6A0]  }
0x3b8: {  	v11 =	vld [tilespmem:s25+$0x6E0];
	[tilespmem:s25+$0x86C0] =	vst v5  }
0x3b9: {  	[tilespmem:s25+$0x8640] =	vst v6;
	v7 =	vld.idx.msk [tilespmem:v7+s28+$0x0], $0xffff  }
0x3ba: {  	v6 =	vld.idx.msk [tilespmem:v12+s28+$0x0], $0xffff  }
0x3bb: {  	v12 =	vld [tilespmem:s5+$0x600]  }
0x3bc: {  	v17 =	vld.idx.msk [tilespmem:v17+s28+$0x0], $0xffff  }
0x3bd: {  	v41 =	vld [tilespmem:s6+$0x670]  }
0x3be: {  	[tilespmem:s25+$0x86D0] =	vst v7;
	v7 =	vld [tilespmem:s25+$0x6F0]  }
0x3bf: {  	v42 =	vld [tilespmem:s6+$0xA80]  }
0x3c0: {  	v11 =	vld.idx.msk [tilespmem:v11+s28+$0x0], $0xffff  }
0x3c1: {  	v8 =	vld [tilespmem:s25+$0xA20];
	[tilespmem:s5+$0x8690] =	vst v17  }
0x3c2: {  	v14 =	vld.idx.msk [tilespmem:v14+s28+$0x0], $0xffff  }
0x3c3: {  	v12 =	vld.idx.msk [tilespmem:v12+s28+$0x0], $0xffff  }
0x3c4: {  	v17 =	vld [tilespmem:s5+$0x6B0]  }
0x3c5: {  	v9 =	vld [tilespmem:s25+$0x670];
	[tilespmem:s25+$0x86E0] =	vst v11  }
0x3c6: {  	v7 =	vld.idx.msk [tilespmem:v7+s28+$0x0], $0xffff  }
0x3c7: {  	v10 =	vld [tilespmem:s25+$0xA00];
	[tilespmem:s5+$0x86A0] =	vst v14  }
0x3c8: {  	v14 =	vld [tilespmem:s5+$0x6C0];
	[tilespmem:s5+$0x8600] =	vst v12  }
0x3c9: {  	v16 =	vld.idx.msk [tilespmem:v16+s28+$0x0], $0xffff  }
0x3ca: {  	v5 =	vld [tilespmem:s25+$0xA30]  }
0x3cb: {  	v11 =	vld [tilespmem:s5+$0x630];
	[tilespmem:s25+$0x86F0] =	vst v7  }
0x3cc: {  	v7 =	vld.idx.msk [tilespmem:v18+s28+$0x0], $0xffff  }
0x3cd: {  	v12 =	vld [tilespmem:s5+$0x650]  }
0x3ce: {  	[tilespmem:s5+$0x8610] =	vst v16;
	v16 =	vld.idx.msk [tilespmem:v17+s28+$0x0], $0xffff  }
0x3cf: {  	v17 =	vld [tilespmem:s25+$0xAB0]  }
0x3d0: {  	[tilespmem:s25+$0x8650] =	vst v6;
	v18 =	vld [tilespmem:s25+$0xAA0]  }
0x3d1: {  	[tilespmem:s25+$0x8A80] =	vst v7;
	v7 =	vld.idx.msk [tilespmem:v13+s28+$0x0], $0xffff  }
0x3d2: {  	v13 =	vld.idx.msk [tilespmem:v19+s28+$0x0], $0xffff  }
0x3d3: {  	[tilespmem:s5+$0x86B0] =	vst v16;
	v16 =	vld [tilespmem:s5+$0xA00]  }
0x3d4: {  	v14 =	vld.idx.msk [tilespmem:v14+s28+$0x0], $0xffff  }
0x3d5: {  	v19 =	vld [tilespmem:s5+$0x670]  }
0x3d6: {  	v6 =	vld.idx.msk [tilespmem:v20+s28+$0x0], $0xffff;
	[tilespmem:s25+$0x8660] =	vst v7  }
0x3d7: {  	[tilespmem:s5+$0x8620] =	vst v13;
	v7 =	vld.idx.msk [tilespmem:v9+s28+$0x0], $0xffff  }
0x3d8: {  	v9 =	vld.idx.msk [tilespmem:v11+s28+$0x0], $0xffff  }
0x3d9: {  	v11 =	vld [tilespmem:s5+$0x6D0]  }
0x3da: {  	v20 =	vld [tilespmem:s5+$0xA80];
	[tilespmem:s5+$0x86C0] =	vst v14  }
0x3db: {  	v14 =	vld [tilespmem:s5+$0xA20];
	[tilespmem:s25+$0x8A90] =	vst v6  }
0x3dc: {  	v6 =	vld.idx.msk [tilespmem:v18+s28+$0x0], $0xffff;
	[tilespmem:s25+$0x8670] =	vst v7  }
0x3dd: {  	[tilespmem:s5+$0x8630] =	vst v9;
	v7 =	vld.idx.msk [tilespmem:v10+s28+$0x0], $0xffff  }
0x3de: {  	v9 =	vld.idx.msk [tilespmem:v32+s28+$0x0], $0xffff  }
0x3df: {  	v18 =	vld [tilespmem:s5+$0xA10]  }
0x3e0: {  	v10 =	vld [tilespmem:s5+$0x6E0]  }
0x3e1: {  	[tilespmem:s25+$0x8AA0] =	vst v6;
	v11 =	vld.idx.msk [tilespmem:v11+s28+$0x0], $0xffff  }
0x3e2: {  	v6 =	vld [tilespmem:s5+$0xA30];
	[tilespmem:s25+$0x8A00] =	vst v7  }
0x3e3: {  	[tilespmem:s5+$0x8640] =	vst v9;
	v7 =	vld [tilespmem:s6+$0x680]  }
0x3e4: {  	s12 =	simm.s32 $0x300;
	s8 =	simm.s32 $0x600;
	v9 =	vld.idx.msk [tilespmem:v12+s28+$0x0], $0xffff  }
0x3e5: {  	s8 =	sand.u32 $0x3800, s8;
	s7 =	sand.u32 $0x300, s12;
	v12 =	vld [tilespmem:s6+$0x600]  }
0x3e6: {  	s7 =	sor.u32 s7, s8;
	[tilespmem:s5+$0x86D0] =	vst v11;
	v11 =	vld [tilespmem:s5+$0x6F0]  }
0x3e7: {  	v32 =	vld [tilespmem:s7+$0x690]  }
0x3e8: {  	v10 =	vld.idx.msk [tilespmem:v10+s28+$0x0], $0xffff  }
0x3e9: {  	v13 =	vld.idx.msk [tilespmem:v17+s28+$0x0], $0xffff  }
0x3ea: {  	v17 =	vld [tilespmem:s6+$0x610]  }
0x3eb: {  	v7 =	vld.idx.msk [tilespmem:v7+s28+$0x0], $0xffff  }
0x3ec: {  	v15 =	vld.idx.msk [tilespmem:v15+s28+$0x0], $0xffff  }
0x3ed: {  	[tilespmem:s5+$0x86E0] =	vst v10;
	v12 =	vld.idx.msk [tilespmem:v12+s28+$0x0], $0xffff  }
0x3ee: {  	v10 =	vld.idx.msk [tilespmem:v11+s28+$0x0], $0xffff  }
0x3ef: {  	[tilespmem:s25+$0x8AB0] =	vst v13;
	v13 =	vld [tilespmem:s7+$0xA20]  }
0x3f0: {  	[tilespmem:s6+$0x8680] =	vst v7;
	v7 =	vld [tilespmem:s6+$0x6A0]  }
0x3f1: {  	v11 =	vld [tilespmem:s6+$0x630]  }
0x3f2: {  	v21 =	vld.idx.msk [tilespmem:v34+s28+$0x0], $0xffff;
	[tilespmem:s6+$0x8600] =	vst v12  }
0x3f3: {  	[tilespmem:s5+$0x86F0] =	vst v10;
	v17 =	vld.idx.msk [tilespmem:v17+s28+$0x0], $0xffff  }
0x3f4: {  	v10 =	vld.idx.msk [tilespmem:v20+s28+$0x0], $0xffff  }
0x3f5: {  	v12 =	vld [tilespmem:s6+$0x650]  }
0x3f6: {  	[tilespmem:s5+$0x8650] =	vst v9;
	v34 =	vld [tilespmem:s6+$0xA90]  }
0x3f7: {  	v20 =	vld [tilespmem:s5+$0xAA0];
	[tilespmem:s6+$0x8690] =	vst v21  }
0x3f8: {  	[tilespmem:s6+$0x8610] =	vst v17;
	v7 =	vld.idx.msk [tilespmem:v7+s28+$0x0], $0xffff  }
0x3f9: {  	[tilespmem:s5+$0x8A80] =	vst v10;
	v10 =	vld.idx.msk [tilespmem:v33+s28+$0x0], $0xffff  }
0x3fa: {  	v17 =	vld.idx.msk [tilespmem:v35+s28+$0x0], $0xffff  }
0x3fb: {  	v33 =	vld [tilespmem:s7+$0x640]  }
0x3fc: {  	v35 =	vld [tilespmem:s7+$0x6A0]  }
0x3fd: {  	v9 =	vld.idx.msk [tilespmem:v36+s28+$0x0], $0xffff  }
0x3fe: {  	v36 =	vld [tilespmem:s6+$0xAA0]  }
0x3ff: {  	[tilespmem:s6+$0x86A0] =	vst v7;
	v7 =	vld [tilespmem:s6+$0x6C0]  }
0x400: {  	[tilespmem:s6+$0x8620] =	vst v17;
	v17 =	vld [tilespmem:s6+$0xA00]  }
0x401: {  	[tilespmem:s5+$0x8660] =	vst v10;
	v21 =	vld.idx.msk [tilespmem:v38+s28+$0x0], $0xffff  }
0x402: {  	v10 =	vld.idx.msk [tilespmem:v19+s28+$0x0], $0xffff  }
0x403: {  	[tilespmem:s5+$0x8A90] =	vst v9;
	v11 =	vld.idx.msk [tilespmem:v11+s28+$0x0], $0xffff  }
0x404: {  	v9 =	vld.idx.msk [tilespmem:v20+s28+$0x0], $0xffff  }
0x405: {  	v19 =	vld [tilespmem:s6+$0x6D0]  }
0x406: {  	v38 =	vld [tilespmem:s6+$0xAB0];
	[tilespmem:s6+$0x86B0] =	vst v21  }
0x407: {  	[tilespmem:s5+$0x8670] =	vst v10;
	v20 =	vld.idx.msk [tilespmem:v7+s28+$0x0], $0xffff  }
0x408: {  	v21 =	vld [tilespmem:s6+$0xA10];
	[tilespmem:s6+$0x8630] =	vst v11  }
0x409: {  	[tilespmem:s5+$0x8AA0] =	vst v9;
	v9 =	vld.idx.msk [tilespmem:v16+s28+$0x0], $0xffff  }
0x40a: {  	v10 =	vld.idx.msk [tilespmem:v37+s28+$0x0], $0xffff  }
0x40b: {  	v11 =	vld [tilespmem:s6+$0x6E0]  }
0x40c: {  	v37 =	vld [tilespmem:s7+$0x6B0];
	[tilespmem:s6+$0x86C0] =	vst v20  }
0x40d: {  	[tilespmem:s25+$0x8A10] =	vst v15;
	v15 =	vld.idx.msk [tilespmem:v19+s28+$0x0], $0xffff  }
0x40e: {  	v22 =	vld.idx.msk [tilespmem:v40+s28+$0x0], $0xffff;
	[tilespmem:s5+$0x8A00] =	vst v9  }
0x40f: {  	[tilespmem:s6+$0x8640] =	vst v10;
	v9 =	vld [tilespmem:s7+$0x680]  }
0x410: {  	v10 =	vld.idx.msk [tilespmem:v12+s28+$0x0], $0xffff  }
0x411: {  	v12 =	vld [tilespmem:s6+$0x6F0]  }
0x412: {  	[tilespmem:s6+$0x86D0] =	vst v15;
	v15 =	vld [tilespmem:s7+$0x600]  }
0x413: {  	v11 =	vld.idx.msk [tilespmem:v11+s28+$0x0], $0xffff  }
0x414: {  	v7 =	vld [tilespmem:s6+$0xA20]  }
0x415: {  	v16 =	vld.idx.msk [tilespmem:v18+s28+$0x0], $0xffff  }
0x416: {  	v18 =	vld [tilespmem:s7+$0x610]  }
0x417: {  	v20 =	vld [tilespmem:s7+$0x620]  }
0x418: {  	v9 =	vld.idx.msk [tilespmem:v9+s28+$0x0], $0xffff;
	[tilespmem:s6+$0x86E0] =	vst v11  }
0x419: {  	v11 =	vld.idx.msk [tilespmem:v12+s28+$0x0], $0xffff  }
0x41a: {  	v19 =	vld.idx.msk [tilespmem:v8+s28+$0x0], $0xffff  }
0x41b: {  	v15 =	vld.idx.msk [tilespmem:v15+s28+$0x0], $0xffff  }
0x41c: {  	v8 =	vld [tilespmem:s6+$0xA30];
	[tilespmem:s6+$0x8650] =	vst v10  }
0x41d: {  	v10 =	vld [tilespmem:s7+$0x670];
	[tilespmem:s7+$0x8680] =	vst v9  }
0x41e: {  	v25 =	vld.idx.msk [tilespmem:v32+s28+$0x0], $0xffff;
	[tilespmem:s6+$0x86F0] =	vst v11  }
0x41f: {  	[tilespmem:s5+$0x8A10] =	vst v16;
	v11 =	vld.idx.msk [tilespmem:v42+s28+$0x0], $0xffff  }
0x420: {  	v16 =	vld.idx.msk [tilespmem:v14+s28+$0x0], $0xffff;
	[tilespmem:s7+$0x8600] =	vst v15  }
0x421: {  	v18 =	vld.idx.msk [tilespmem:v18+s28+$0x0], $0xffff  }
0x422: {  	v14 =	vld [tilespmem:s7+$0xA30]  }
0x423: {  	v12 =	vld [tilespmem:s7+$0x630];
	[tilespmem:s7+$0x8690] =	vst v25  }
0x424: {  	v29 =	vld.idx.msk [tilespmem:v35+s28+$0x0], $0xffff;
	[tilespmem:s6+$0x8A80] =	vst v11  }
0x425: {  	v11 =	vld.idx.msk [tilespmem:v34+s28+$0x0], $0xffff  }
0x426: {  	[tilespmem:s7+$0x8610] =	vst v18;
	v18 =	vld.idx.msk [tilespmem:v39+s28+$0x0], $0xffff  }
0x427: {  	v20 =	vld.idx.msk [tilespmem:v20+s28+$0x0], $0xffff  }
0x428: {  	v39 =	vld [tilespmem:s7+$0x6C0]  }
0x429: {  	v9 =	vld [tilespmem:s7+$0x660];
	[tilespmem:s7+$0x86A0] =	vst v29  }
0x42a: {  	v25 =	vld.idx.msk [tilespmem:v37+s28+$0x0], $0xffff;
	[tilespmem:s6+$0x8A90] =	vst v11  }
0x42b: {  	[tilespmem:s6+$0x8660] =	vst v18;
	v18 =	vld.idx.msk [tilespmem:v36+s28+$0x0], $0xffff  }
0x42c: {  	[tilespmem:s7+$0x8620] =	vst v20;
	v20 =	vld.idx.msk [tilespmem:v41+s28+$0x0], $0xffff  }
0x42d: {  	v40 =	vld.idx.msk [tilespmem:v12+s28+$0x0], $0xffff  }
0x42e: {  	v15 =	vld [tilespmem:s7+$0x650]  }
0x42f: {  	[tilespmem:s7+$0x86B0] =	vst v25;
	v41 =	vld [tilespmem:s7+$0x6D0]  }
0x430: {  	v25 =	vld.idx.msk [tilespmem:v39+s28+$0x0], $0xffff;
	[tilespmem:s6+$0x8AA0] =	vst v18  }
0x431: {  	[tilespmem:s6+$0x8670] =	vst v20;
	v20 =	vld.idx.msk [tilespmem:v38+s28+$0x0], $0xffff  }
0x432: {  	[tilespmem:s7+$0x8630] =	vst v40;
	v17 =	vld.idx.msk [tilespmem:v17+s28+$0x0], $0xffff  }
0x433: {  	[tilespmem:s5+$0x8AB0] =	vst v22;
	v42 =	vld.idx.msk [tilespmem:v33+s28+$0x0], $0xffff  }
0x434: {  	[tilespmem:s25+$0x8A20] =	vst v19;
	v11 =	vld [tilespmem:s7+$0xA10]  }
0x435: {  	v18 =	vld [tilespmem:s7+$0x6E0];
	[tilespmem:s7+$0x86C0] =	vst v25  }
0x436: {  	v12 =	vld [tilespmem:s7+$0xA00];
	[tilespmem:s6+$0x8AB0] =	vst v20  }
0x437: {  	v19 =	vld.idx.msk [tilespmem:v41+s28+$0x0], $0xffff;
	[tilespmem:s6+$0x8A00] =	vst v17  }
0x438: {  	s10 =	simm.s32 $0x800;
	s9 =	simm.s32 $0x400;
	s8 =	simm.s32 $0x6;
	[tilespmem:s7+$0x8640] =	vst v42;
	v17 =	vld.idx.msk [tilespmem:v21+s28+$0x0], $0xffff  }
.LBB2_26:
0x439: {  	s11 =	sand.u32 $0x3800, s10;
	s12 =	sand.u32 $0x300, s9;
	s8 =	sadd.s32 $0x2, s8;
	v15 =	vld.idx.msk [tilespmem:v15+s28+$0x0], $0xffff  }
0x43a: {  	s11 =	sor.u32 s12, s11;
	p0 =	slt.u32 s8, $0x3E;
	[tilespmem:s5+$0x8A20] =	vst v16;
	v16 =	vld.idx.msk [tilespmem:v5+s28+$0x0], $0xffff;
	v5 =	vmov v6;
	v6 =	vmov v8  }
0x43b: {  	v20 =	vld [tilespmem:s11+$0x680]  }
0x43c: {  	[tilespmem:s7+$0x86D0] =	vst v19;
	v19 =	vld [tilespmem:s7+$0x6F0];
	v8 =	vmov v14  }
0x43d: {  	v14 =	vld.idx.msk [tilespmem:v18+s28+$0x0], $0xffff  }
0x43e: {  	v18 =	vld [tilespmem:s11+$0x600];
	[tilespmem:s6+$0x8A10] =	vst v17  }
0x43f: {  	v17 =	vld [tilespmem:s11+$0x610];
	[tilespmem:s7+$0x8650] =	vst v15  }
0x440: {  	v21 =	vld [tilespmem:s11+$0x620];
	[tilespmem:s25+$0x8A30] =	vst v16;
	s25 =	smov.u32 s5;
	s5 =	smov.u32 s6;
	s6 =	smov.u32 s7  }
0x441: {  	s7 =	smov.u32 s11;
	v15 =	vld [tilespmem:s6+$0xA80]  }
0x442: {  	v16 =	vld [tilespmem:s7+$0x690]  }
0x443: {  	v20 =	vld.idx.msk [tilespmem:v20+s28+$0x0], $0xffff;
	[tilespmem:s6+$0x86E0] =	vst v14  }
0x444: {  	v14 =	vld.idx.msk [tilespmem:v19+s28+$0x0], $0xffff  }
0x445: {  	v19 =	vld [tilespmem:s7+$0x630]  }
0x446: {  	v18 =	vld.idx.msk [tilespmem:v18+s28+$0x0], $0xffff  }
0x447: {  	v22 =	vld [tilespmem:s7+$0x640]  }
0x448: {  	v23 =	vld [tilespmem:s6+$0xA90]  }
0x449: {  	[tilespmem:s7+$0x8680] =	vst v20;
	v20 =	vld [tilespmem:s7+$0x6A0]  }
0x44a: {  	v16 =	vld.idx.msk [tilespmem:v16+s28+$0x0], $0xffff;
	[tilespmem:s6+$0x86F0] =	vst v14  }
0x44b: {  	v14 =	vld.idx.msk [tilespmem:v15+s28+$0x0], $0xffff  }
0x44c: {  	[tilespmem:s7+$0x8600] =	vst v18;
	v15 =	vld [tilespmem:s7+$0x650]  }
0x44d: {  	v17 =	vld.idx.msk [tilespmem:v17+s28+$0x0], $0xffff  }
0x44e: {  	v18 =	vld [tilespmem:s7+$0x660]  }
0x44f: {  	v24 =	vld [tilespmem:s6+$0xAA0]  }
0x450: {  	[tilespmem:s7+$0x8690] =	vst v16;
	v16 =	vld [tilespmem:s7+$0x6B0]  }
0x451: {  	v20 =	vld.idx.msk [tilespmem:v20+s28+$0x0], $0xffff;
	[tilespmem:s6+$0x8A80] =	vst v14  }
0x452: {  	v14 =	vld.idx.msk [tilespmem:v23+s28+$0x0], $0xffff  }
0x453: {  	[tilespmem:s7+$0x8610] =	vst v17;
	v17 =	vld.idx.msk [tilespmem:v9+s28+$0x0], $0xffff;
	v9 =	vmov v18  }
0x454: {  	v18 =	vld.idx.msk [tilespmem:v21+s28+$0x0], $0xffff  }
0x455: {  	v21 =	vld [tilespmem:s7+$0x670]  }
0x456: {  	v23 =	vld [tilespmem:s6+$0xAB0]  }
0x457: {  	[tilespmem:s7+$0x86A0] =	vst v20;
	v20 =	vld [tilespmem:s7+$0x6C0]  }
0x458: {  	v16 =	vld.idx.msk [tilespmem:v16+s28+$0x0], $0xffff;
	[tilespmem:s6+$0x8A90] =	vst v14  }
0x459: {  	[tilespmem:s6+$0x8660] =	vst v17;
	v14 =	vld.idx.msk [tilespmem:v24+s28+$0x0], $0xffff  }
0x45a: {  	[tilespmem:s7+$0x8620] =	vst v18;
	v17 =	vld.idx.msk [tilespmem:v10+s28+$0x0], $0xffff;
	v10 =	vmov v21  }
0x45b: {  	v18 =	vld.idx.msk [tilespmem:v19+s28+$0x0], $0xffff  }
0x45c: {  	v19 =	vld [tilespmem:s7+$0xA00]  }
0x45d: {  	v21 =	vld [tilespmem:s7+$0xA10]  }
0x45e: {  	[tilespmem:s7+$0x86B0] =	vst v16;
	v24 =	vld [tilespmem:s7+$0x6D0]  }
0x45f: {  	v20 =	vld.idx.msk [tilespmem:v20+s28+$0x0], $0xffff;
	[tilespmem:s6+$0x8AA0] =	vst v14  }
0x460: {  	[tilespmem:s6+$0x8670] =	vst v17;
	v14 =	vld.idx.msk [tilespmem:v23+s28+$0x0], $0xffff  }
0x461: {  	[tilespmem:s7+$0x8630] =	vst v18;
	v17 =	vld.idx.msk [tilespmem:v12+s28+$0x0], $0xffff;
	v12 =	vmov v19  }
0x462: {  	v22 =	vld.idx.msk [tilespmem:v22+s28+$0x0], $0xffff  }
0x463: {  	v23 =	vld [tilespmem:s7+$0xA20]  }
.Ltmp12:
0x464: {  	v16 =	vld.idx.msk [tilespmem:v7+s28+$0x0], $0xffff;
	v7 =	vmov v13;
	(pc) =	sbr.rel @p0 .LBB2_26-.Ltmp12, $4  }
0x465: {  	[tilespmem:s7+$0x86C0] =	vst v20;
	v18 =	vld [tilespmem:s7+$0x6E0]  }
0x466: {  	v19 =	vld.idx.msk [tilespmem:v24+s28+$0x0], $0xffff;
	[tilespmem:s6+$0x8AB0] =	vst v14  }
0x467: {  	v14 =	vld [tilespmem:s7+$0xA30];
	[tilespmem:s6+$0x8A00] =	vst v17  }
0x468: {  	s9 =	sadd.s32 $0x100, s9;
	s10 =	sadd.s32 $0x200, s10;
	[tilespmem:s7+$0x8640] =	vst v22;
	v17 =	vld.idx.msk [tilespmem:v11+s28+$0x0], $0xffff;
	v11 =	vmov v21;
	v13 =	vmov v23  }
0x469: {  	_ =	sdelay $0x3  }
0x46a: {  	v15 =	vld.idx.msk [tilespmem:v15+s28+$0x0], $0xffff;
	_ =	sdelay $0x1  }
0x46b: {  	v40 =	vld [tilespmem:s7+$0x6F0]  }
0x46c: {  	[tilespmem:s7+$0x86D0] =	vst v19  }
0x46d: {  	v18 =	vld.idx.msk [tilespmem:v18+s28+$0x0], $0xffff  }
0x46e: {  	[tilespmem:s7+$0x8650] =	vst v15  }
0x46f: {  	v9 =	vld.idx.msk [tilespmem:v9+s28+$0x0], $0xffff;
	_ =	sdelay $0x1  }
0x470: {  	v41 =	vld [tilespmem:s7+$0xA80]  }
0x471: {  	[tilespmem:s7+$0x86E0] =	vst v18  }
0x472: {  	v18 =	vld.idx.msk [tilespmem:v40+s28+$0x0], $0xffff  }
0x473: {  	[tilespmem:s7+$0x8660] =	vst v9  }
0x474: {  	v9 =	vld.idx.msk [tilespmem:v10+s28+$0x0], $0xffff;
	_ =	sdelay $0x1  }
0x475: {  	v10 =	vld [tilespmem:s7+$0xA90]  }
0x476: {  	[tilespmem:s7+$0x86F0] =	vst v18  }
0x477: {  	v15 =	vld.idx.msk [tilespmem:v41+s28+$0x0], $0xffff  }
0x478: {  	[tilespmem:s7+$0x8670] =	vst v9  }
0x479: {  	v9 =	vld.idx.msk [tilespmem:v12+s28+$0x0], $0xffff;
	_ =	sdelay $0x1  }
0x47a: {  	v42 =	vld [tilespmem:s7+$0xAA0]  }
0x47b: {  	[tilespmem:s7+$0x8A80] =	vst v15  }
0x47c: {  	v10 =	vld.idx.msk [tilespmem:v10+s28+$0x0], $0xffff  }
0x47d: {  	[tilespmem:s7+$0x8A00] =	vst v9  }
0x47e: {  	v9 =	vld.idx.msk [tilespmem:v11+s28+$0x0], $0xffff;
	_ =	sdelay $0x1  }
0x47f: {  	v11 =	vld [tilespmem:s7+$0xAB0]  }
0x480: {  	[tilespmem:s7+$0x8A90] =	vst v10  }
0x481: {  	[tilespmem:s6+$0x8A10] =	vst v17;
	v10 =	vld.idx.msk [tilespmem:v42+s28+$0x0], $0xffff  }
0x482: {  	v7 =	vld.idx.msk [tilespmem:v7+s28+$0x0], $0xffff;
	[tilespmem:s7+$0x8A10] =	vst v9  }
0x483: {  	v9 =	vld.idx.msk [tilespmem:v13+s28+$0x0], $0xffff;
	_ =	sdelay $0x1  }
0x484: {  	v5 =	vld.idx.msk [tilespmem:v5+s28+$0x0], $0xffff;
	[tilespmem:s5+$0x8A20] =	vst v16  }
0x485: {  	v6 =	vld.idx.msk [tilespmem:v6+s28+$0x0], $0xffff;
	[tilespmem:s7+$0x8AA0] =	vst v10  }
0x486: {  	[tilespmem:s6+$0x8A20] =	vst v7;
	v10 =	vld.idx.msk [tilespmem:v11+s28+$0x0], $0xffff  }
0x487: {  	v7 =	vld.idx.msk [tilespmem:v8+s28+$0x0], $0xffff;
	v8 =	vmov s2;
	[tilespmem:s7+$0x8A20] =	vst v9  }
0x488: {  	p3 =	por $0x1, $0x1;
	v8 =	vshrl.u32 v8, $0x3;
	v9 =	vld.idx.msk [tilespmem:v14+s28+$0x0], $0xffff  }
.Ltmp13:
0x489: {  	[tilespmem:s25+$0x8A30] =	vst v5;
	v5 =	vshll.u32 v8, $0xB;
	(pc) =	sbr.rel @!p3 .LBB2_28-.Ltmp13, $4  }
0x48a: {  	[tilespmem:s5+$0x8A30] =	vst v6;
	v5 =	vor.u32 $0x400, v5  }
0x48b: {  	[tilespmem:s7+$0x8AB0] =	vst v10;
	v10 =	vbroadcast v5, $0x0  }
0x48c: {  	p0 =	por $0x0, $0x0;
	[tilespmem:s6+$0x8A30] =	vst v7  }
0x48d: {  	p1 =	por $0x0, $0x0;
	p2 =	por $0x0, $0x0;
	s2 =	simm.s32 $0x8;
	v6 =	vor.u32 v60, v10;
	v8 =	vor.u32 v62, v10;
	v5 =	vor.u32 v61, v10;
	[tilespmem:s7+$0x8A30] =	vst v9  }
0x48e: {  	_ = 	snop  }
0x48f: {  	v7 =	vmov s2  }
0x490: {  	v11 =	vor.u32 v63, v10;
	p3 =	por $0x1, $0x1;
	v7 =	vshrl.u32 v7, $0x3  }
.Ltmp14:
0x491: {  	v7 =	vshll.u32 v7, $0xB;
	(pc) =	sbr.rel @!p3 .LBB2_30-.Ltmp14, $4  }
0x492: {  	v14 =	vld.idx.msk [tilespmem:v6+s22+$0x0], $0xffff;
	v7 =	vor.u32 $0x400, v7  }
0x493: {  	v15 =	vld.idx.msk [tilespmem:v5+s22+$0x0], $0xffff;
	v10 =	vbroadcast v7, $0x0  }
0x494: {  	v19 =	vld.idx.msk [tilespmem:v8+s22+$0x0], $0xffff  }
0x495: {  	s2 =	simm.s32 $0x10;
	p0 =	por $0x1, $0x1;
	v16 =	vld.idx.msk [tilespmem:v11+s22+$0x0], $0xffff;
	v25 =	vor.u32 v60, v10;
	v13 =	vor.u32 v62, v10;
	v24 =	vor.u32 v61, v10  }
0x496: {  	v17 =	vor.u32 v63, v10;
	_ =	sdelay $0x3  }
0x497: {  	v18 =	vld.idx.msk [tilespmem:v25+s22+$0x0], $0xffff  }
0x498: {  	v7 =	vmov s2;
	v22 =	vld.idx.msk [tilespmem:v17+s22+$0x0], $0xffff  }
0x499: {  	v20 =	vld.idx.msk [tilespmem:v24+s22+$0x0], $0xffff;
	p3 =	por $0x1, $0x1;
	v7 =	vshrl.u32 v7, $0x3  }
.Ltmp15:
0x49a: {  	v7 =	vshll.u32 v7, $0xB;
	(pc) =	sbr.rel @!p3 .LBB2_32-.Ltmp15, $4  }
0x49b: {  	v7 =	vor.u32 $0x400, v7  }
0x49c: {  	v10 =	vbroadcast v7, $0x0  }
0x49d: {  	v32 =	vld.idx.msk [tilespmem:v13+s22+$0x0], $0xffff  }
0x49e: {  	s2 =	simm.s32 $0x18;
	p1 =	por $0x1, $0x1;
	v19 =	vld.idx.msk [tilespmem:v19+s28+$0x0], $0xffff;
	v7 =	vor.u32 v60, v10;
	v27 =	vor.u32 v62, v10;
	v9 =	vor.u32 v61, v10  }
0x49f: {  	_ =	sdelay $0x3  }
0x4a0: {  	v23 =	vld.idx.msk [tilespmem:v14+s28+$0x0], $0xffff;
	_ =	sdelay $0x2  }
0x4a1: {  	v12 =	vmov s2;
	v30 =	vor.u32 v63, v10;
	v28 =	vld.idx.msk [tilespmem:v16+s28+$0x0], $0xffff  }
0x4a2: {  	v21 =	vld.idx.msk [tilespmem:v15+s28+$0x0], $0xffff;
	p3 =	por $0x1, $0x1;
	v12 =	vshrl.u32 v12, $0x3  }
.Ltmp16:
0x4a3: {  	v33 =	vld.idx.msk [tilespmem:v7+s22+$0x0], $0xffff;
	v10 =	vshll.u32 v12, $0xB;
	[tilespmem:v6+s29+$0x0] =	vst.idx.msk $0xffff, v23;
	v23 =	vmov v5;
	(pc) =	sbr.rel @!p3 .LBB2_34-.Ltmp16, $4  }
0x4a4: {  	v34 =	vld.idx.msk [tilespmem:v9+s22+$0x0], $0xffff;
	v10 =	vor.u32 $0x400, v10  }
0x4a5: {  	v35 =	vld.idx.msk [tilespmem:v27+s22+$0x0], $0xffff;
	v10 =	vbroadcast v10, $0x0;
	[tilespmem:v8+s29+$0x0] =	vst.idx.msk $0xffff, v19  }
0x4a6: {  	v39 =	vld.idx.msk [tilespmem:v30+s22+$0x0], $0xffff;
	[tilespmem:v11+s29+$0x0] =	vst.idx.msk $0xffff, v28  }
0x4a7: {  	s2 =	simm.s32 $0xC;
	s5 =	simm.s32 $0x20;
	p2 =	por $0x1, $0x1;
	v26 =	vld.idx.msk [tilespmem:v32+s28+$0x0], $0xffff;
	v41 =	vor.u32 v60, v10;
	v12 =	vor.u32 v62, v10;
	v42 =	vor.u32 v61, v10  }
.LBB2_35:
0x4a8: {  	v28 =	vmov s5;
	s2 =	sadd.s32 $0x4, s2;
	v29 =	vld.idx.msk [tilespmem:v18+s28+$0x0], $0xffff;
	[tilespmem:v23+s29+$0x0] =	vst.idx.msk $0xffff, v21;
	v18 =	vmovc v33;
	v31 =	vmovc v25;
	v25 =	vmov v7;
	v7 =	vmov v41  }
0x4a9: {  	v23 =	vmovc v24;
	v24 =	vmovc v9;
	v9 =	vmov v42;
	v21 =	vshrl.u32 v28, $0x3;
	p3 =	slt.u32 s2, $0x1C;
	v28 =	vor.u32 v63, v10;
	v32 =	vld.idx.msk [tilespmem:v22+s28+$0x0], $0xffff  }
0x4aa: {  	v10 =	vshll.u32 v21, $0xB;
	v21 =	vld.idx.msk [tilespmem:v20+s28+$0x0], $0xffff;
	v20 =	vmov v34;
	v36 =	vmov v35  }
.Ltmp17:
0x4ab: {  	v10 =	vor.u32 $0x400, v10;
	v33 =	vld.idx.msk [tilespmem:v41+s22+$0x0], $0xffff;
	v22 =	vmov v39;
	(pc) =	sbr.rel @p3 .LBB2_35-.Ltmp17, $4  }
0x4ac: {  	v10 =	vbroadcast v10, $0x0;
	v34 =	vld.idx.msk [tilespmem:v42+s22+$0x0], $0xffff  }
0x4ad: {  	v35 =	vld.idx.msk [tilespmem:v12+s22+$0x0], $0xffff;
	[tilespmem:v13+s29+$0x0] =	vst.idx.msk $0xffff, v26;
	v13 =	vmov v27;
	v27 =	vmov v12  }
0x4ae: {  	v41 =	vor.u32 v60, v10;
	v12 =	vor.u32 v62, v10;
	v39 =	vld.idx.msk [tilespmem:v28+s22+$0x0], $0xffff;
	[tilespmem:v31+s29+$0x0] =	vst.idx.msk $0xffff, v29  }
0x4af: {  	s5 =	sadd.s32 $0x8, s5;
	v42 =	vor.u32 v61, v10;
	v26 =	vld.idx.msk [tilespmem:v36+s28+$0x0], $0xffff;
	[tilespmem:v17+s29+$0x0] =	vst.idx.msk $0xffff, v32;
	v17 =	vmov v30;
	v30 =	vmov v28  }
0x4b0: {  	v31 =	vmov v18;
	v28 =	vmov v7  }
0x4b1: {  	v37 =	vmovc v22;
	v29 =	vmovc v9;
	v40 =	vmov v20;
	v38 =	vmov v13;
	v36 =	vmov v17  }
0x4b2: {  	v18 =	vmovc v33;
	v33 =	vmovc v25;
	v7 =	vmov v41;
	v25 =	vmov v24;
	v9 =	vmov v42  }
0x4b3: {  	v13 =	vmovc v27;
	v17 =	vmovc v30;
	v20 =	vmov v34;
	v32 =	vmov v35;
	v22 =	vmov v39  }
.LBB2_37:
0x4b4: {  	_ =	sdelay $0x3  }
0x4b5: {  	v24 =	vld.idx.msk @p1 [tilespmem:v31+s28+$0x0], $0xffff  }
0x4b6: {  	v10 =	vor.u32 v63, v10;
	v27 =	vld.idx.msk @p1 [tilespmem:v37+s28+$0x0], $0xffff  }
0x4b7: {  	v30 =	vld.idx.msk @p1 [tilespmem:v40+s28+$0x0], $0xffff;
	v31 =	vmov @p0 v32  }
0x4b8: {  	v40 =	vld.idx.msk [tilespmem:v7+s22+$0x0], $0xffff;
	v14 =	vpsel p0, v18, v14;
	v18 =	vmov @p0 v20  }
0x4b9: {  	v20 =	vld.idx.msk [tilespmem:v12+s22+$0x0], $0xffff;
	v16 =	vpsel p0, v22, v16  }
0x4ba: {  	v22 =	vmov @p1 v33;
	v41 =	vld.idx.msk [tilespmem:v9+s22+$0x0], $0xffff;
	v15 =	vpsel p0, v18, v15  }
0x4bb: {  	v18 =	vmov @p1 v25;
	v42 =	vld.idx.msk [tilespmem:v10+s22+$0x0], $0xffff  }
0x4bc: {  	[tilespmem:v23+s29+$0x0] =	vst.idx.msk @p2 $0xffff, v21;
	v21 =	vmov @p0 v28;
	v18 =	vpsel p1, v18, v0;
	v23 =	vld.idx.msk @p0 [tilespmem:v31+s28+$0x0], $0xffff  }
0x4bd: {  	v8 =	vpsel p0, v13, v8;
	v6 =	vpsel p0, v21, v6;
	v13 =	vld.idx.msk @p0 [tilespmem:v14+s28+$0x0], $0xffff  }
0x4be: {  	v28 =	vmov @p0 v29;
	[tilespmem:v38+s29+$0x0] =	vst.idx.msk @p1 $0xffff, v26;
	v14 =	vmov @p0 v17;
	v16 =	vld.idx.msk @p0 [tilespmem:v16+s28+$0x0], $0xffff  }
0x4bf: {  	v5 =	vpsel p0, v28, v5;
	[tilespmem:v22+s29+$0x0] =	vst.idx.msk @p1 $0xffff, v24;
	v11 =	vpsel p0, v14, v11;
	v14 =	vld.idx.msk @p0 [tilespmem:v15+s28+$0x0], $0xffff  }
0x4c0: {  	v5 =	vpsel p0, v5, v0;
	[tilespmem:v36+s29+$0x0] =	vst.idx.msk @p1 $0xffff, v27;
	v15 =	vpsel p1, v30, v0  }
0x4c1: {  	[tilespmem:v18+s29+$0x0] =	vst.idx.msk @p1 $0xffff, v15;
	v15 =	vld.idx.msk [tilespmem:v20+s28+$0x0], $0xffff  }
0x4c2: {  	v17 =	vpsel p0, v23, v19;
	[tilespmem:v6+s29+$0x0] =	vst.idx.msk @p0 $0xffff, v13;
	v13 =	vld.idx.msk [tilespmem:v41+s28+$0x0], $0xffff  }
0x4c3: {  	[tilespmem:v8+s29+$0x0] =	vst.idx.msk @p0 $0xffff, v17;
	v8 =	vld.idx.msk [tilespmem:v40+s28+$0x0], $0xffff  }
0x4c4: {  	[tilespmem:v11+s29+$0x0] =	vst.idx.msk @p0 $0xffff, v16;
	v11 =	vpsel p0, v14, v0;
	v6 =	vld.idx.msk [tilespmem:v42+s28+$0x0], $0xffff  }
0x4c5: {  	[tilespmem:v5+s29+$0x0] =	vst.idx.msk @p0 $0xffff, v11  }
0x4c6: {  	[tilespmem:v12+s29+$0x0] =	vst.idx.msk $0xffff, v15  }
0x4c7: {  	[tilespmem:v9+s29+$0x0] =	vst.idx.msk $0xffff, v13  }
0x4c8: {  	[tilespmem:v7+s29+$0x0] =	vst.idx.msk $0xffff, v8  }
0x4c9: {  	[tilespmem:v10+s29+$0x0] =	vst.idx.msk $0xffff, v6  }
0x4ca: {  	s2 =	simm.s32 $0x0;
	s5 =	rddreg [dreg:$0xa]  }
0x4cb: {  	[tilespmem:s22], [sflag:$0x1] =	stream.linear.gather [hbm4b:s5+s2], $0x4000, $0x38;
	[tilespmem:$0x10600] =	vst v63  }
0x4cc: {  	s7 =	rddreg [dreg:$0xb]  }
0x4cd: {  	[hbm4b:s7+s2] =	stream.linear.scatter [tilespmem:s29], [sflag:$0x3], $0x4000, $0x38;
	[tilespmem:$0x10600] =	vst v63  }
0x4ce: {  	_ =	swait.ge [sflag:s30], $0x4000  }
0x4cf: {  	[sflag:s30] =	ssyncset.done $0x0  }
0x4d0: {  	[sflag:s30] =	ssyncadd.s32 $0xFFFFC000  }
0x4d1: {  	_ =	swait.ge [sflag:s4], $0x4000  }
0x4d2: {  	s8 =	sand.u32 $0x3800, s2;
	s6 =	sand.u32 $0x300, s2;
	[sflag:s4] =	ssyncset.done $0x0  }
0x4d3: {  	s25 =	sor.u32 s6, s8;
	[sflag:s4] =	ssyncadd.s32 $0xFFFFC000  }
0x4d4: {  	v5 =	vld [tilespmem:s25+$0x4680]  }
0x4d5: {  	v6 =	vld [tilespmem:s25+$0x4600]  }
0x4d6: {  	v7 =	vld [tilespmem:s25+$0x4690]  }
0x4d7: {  	v8 =	vld [tilespmem:s25+$0x4610]  }
0x4d8: {  	v9 =	vld [tilespmem:s25+$0x4620]  }
0x4d9: {  	v10 =	vld [tilespmem:s25+$0x4630]  }
0x4da: {  	v11 =	vld [tilespmem:s25+$0x4640]  }
0x4db: {  	v12 =	vld [tilespmem:s25+$0x4650]  }
0x4dc: {  	s9 =	simm.s32 $0x100;
	s10 =	simm.s32 $0x200;
	v13 =	vld [tilespmem:s25+$0x4660]  }
0x4dd: {  	s6 =	sand.u32 $0x3800, s10;
	s5 =	sand.u32 $0x300, s9;
	v15 =	vld [tilespmem:s25+$0x4A10]  }
0x4de: {  	s5 =	sor.u32 s5, s6;
	v5 =	vld.idx.msk [tilespmem:v5+s28+$0x0], $0xffff  }
0x4df: {  	v14 =	vld [tilespmem:s5+$0x4680]  }
0x4e0: {  	v16 =	vld [tilespmem:s5+$0x4610]  }
0x4e1: {  	v6 =	vld.idx.msk [tilespmem:v6+s28+$0x0], $0xffff  }
0x4e2: {  	v17 =	vld [tilespmem:s5+$0x4690]  }
0x4e3: {  	[tilespmem:s25+$0xC680] =	vst v5;
	v5 =	vld [tilespmem:s25+$0x46A0]  }
0x4e4: {  	v7 =	vld.idx.msk [tilespmem:v7+s28+$0x0], $0xffff  }
0x4e5: {  	v18 =	vld [tilespmem:s25+$0x4A80]  }
0x4e6: {  	v19 =	vld [tilespmem:s5+$0x4620];
	[tilespmem:s25+$0xC600] =	vst v6  }
0x4e7: {  	v6 =	vld.idx.msk [tilespmem:v8+s28+$0x0], $0xffff  }
0x4e8: {  	v20 =	vld [tilespmem:s25+$0x4A90]  }
0x4e9: {  	[tilespmem:s25+$0xC690] =	vst v7;
	v7 =	vld [tilespmem:s25+$0x46B0]  }
0x4ea: {  	v32 =	vld [tilespmem:s5+$0x4640]  }
0x4eb: {  	s11 =	simm.s32 $0x200;
	s7 =	simm.s32 $0x400;
	v5 =	vld.idx.msk [tilespmem:v5+s28+$0x0], $0xffff  }
0x4ec: {  	s6 =	sand.u32 $0x300, s11;
	s7 =	sand.u32 $0x3800, s7;
	v33 =	vld [tilespmem:s5+$0x4660];
	[tilespmem:s25+$0xC610] =	vst v6  }
0x4ed: {  	s6 =	sor.u32 s6, s7;
	v6 =	vld.idx.msk [tilespmem:v9+s28+$0x0], $0xffff  }
0x4ee: {  	v34 =	vld [tilespmem:s6+$0x4690]  }
0x4ef: {  	v35 =	vld [tilespmem:s6+$0x4620]  }
0x4f0: {  	[tilespmem:s25+$0xC6A0] =	vst v5;
	v5 =	vld [tilespmem:s25+$0x46C0]  }
0x4f1: {  	v7 =	vld.idx.msk [tilespmem:v7+s28+$0x0], $0xffff  }
0x4f2: {  	v36 =	vld [tilespmem:s5+$0x4A90];
	[tilespmem:s25+$0xC620] =	vst v6  }
0x4f3: {  	v6 =	vld.idx.msk [tilespmem:v10+s28+$0x0], $0xffff  }
0x4f4: {  	v37 =	vld [tilespmem:s6+$0x4640]  }
0x4f5: {  	v38 =	vld [tilespmem:s6+$0x46B0]  }
0x4f6: {  	[tilespmem:s25+$0xC6B0] =	vst v7;
	v7 =	vld [tilespmem:s25+$0x46D0]  }
0x4f7: {  	v14 =	vld.idx.msk [tilespmem:v14+s28+$0x0], $0xffff  }
0x4f8: {  	[tilespmem:s25+$0xC630] =	vst v6;
	v5 =	vld.idx.msk [tilespmem:v5+s28+$0x0], $0xffff  }
0x4f9: {  	v6 =	vld.idx.msk [tilespmem:v11+s28+$0x0], $0xffff  }
0x4fa: {  	v39 =	vld [tilespmem:s6+$0x4660]  }
0x4fb: {  	v40 =	vld [tilespmem:s5+$0x4AB0]  }
0x4fc: {  	[tilespmem:s5+$0xC680] =	vst v14;
	v14 =	vld [tilespmem:s5+$0x46A0]  }
0x4fd: {  	v11 =	vld [tilespmem:s25+$0x46E0];
	[tilespmem:s25+$0xC6C0] =	vst v5  }
0x4fe: {  	[tilespmem:s25+$0xC640] =	vst v6;
	v7 =	vld.idx.msk [tilespmem:v7+s28+$0x0], $0xffff  }
0x4ff: {  	v6 =	vld.idx.msk [tilespmem:v12+s28+$0x0], $0xffff  }
0x500: {  	v12 =	vld [tilespmem:s5+$0x4600]  }
0x501: {  	v17 =	vld.idx.msk [tilespmem:v17+s28+$0x0], $0xffff  }
0x502: {  	v41 =	vld [tilespmem:s6+$0x4670]  }
0x503: {  	[tilespmem:s25+$0xC6D0] =	vst v7;
	v7 =	vld [tilespmem:s25+$0x46F0]  }
0x504: {  	v42 =	vld [tilespmem:s6+$0x4A80]  }
0x505: {  	v11 =	vld.idx.msk [tilespmem:v11+s28+$0x0], $0xffff  }
0x506: {  	v8 =	vld [tilespmem:s25+$0x4A20];
	[tilespmem:s5+$0xC690] =	vst v17  }
0x507: {  	v14 =	vld.idx.msk [tilespmem:v14+s28+$0x0], $0xffff  }
0x508: {  	v12 =	vld.idx.msk [tilespmem:v12+s28+$0x0], $0xffff  }
0x509: {  	v17 =	vld [tilespmem:s5+$0x46B0]  }
0x50a: {  	v9 =	vld [tilespmem:s25+$0x4670];
	[tilespmem:s25+$0xC6E0] =	vst v11  }
0x50b: {  	v7 =	vld.idx.msk [tilespmem:v7+s28+$0x0], $0xffff  }
0x50c: {  	v10 =	vld [tilespmem:s25+$0x4A00];
	[tilespmem:s5+$0xC6A0] =	vst v14  }
0x50d: {  	v14 =	vld [tilespmem:s5+$0x46C0];
	[tilespmem:s5+$0xC600] =	vst v12  }
0x50e: {  	v16 =	vld.idx.msk [tilespmem:v16+s28+$0x0], $0xffff  }
0x50f: {  	v5 =	vld [tilespmem:s25+$0x4A30]  }
0x510: {  	v11 =	vld [tilespmem:s5+$0x4630];
	[tilespmem:s25+$0xC6F0] =	vst v7  }
0x511: {  	v7 =	vld.idx.msk [tilespmem:v18+s28+$0x0], $0xffff  }
0x512: {  	v12 =	vld [tilespmem:s5+$0x4650]  }
0x513: {  	[tilespmem:s5+$0xC610] =	vst v16;
	v16 =	vld.idx.msk [tilespmem:v17+s28+$0x0], $0xffff  }
0x514: {  	v17 =	vld [tilespmem:s25+$0x4AB0]  }
0x515: {  	[tilespmem:s25+$0xC650] =	vst v6;
	v18 =	vld [tilespmem:s25+$0x4AA0]  }
0x516: {  	[tilespmem:s25+$0xCA80] =	vst v7;
	v7 =	vld.idx.msk [tilespmem:v13+s28+$0x0], $0xffff  }
0x517: {  	v13 =	vld.idx.msk [tilespmem:v19+s28+$0x0], $0xffff  }
0x518: {  	[tilespmem:s5+$0xC6B0] =	vst v16;
	v16 =	vld [tilespmem:s5+$0x4A00]  }
0x519: {  	v14 =	vld.idx.msk [tilespmem:v14+s28+$0x0], $0xffff  }
0x51a: {  	v19 =	vld [tilespmem:s5+$0x4670]  }
0x51b: {  	v6 =	vld.idx.msk [tilespmem:v20+s28+$0x0], $0xffff;
	[tilespmem:s25+$0xC660] =	vst v7  }
0x51c: {  	[tilespmem:s5+$0xC620] =	vst v13;
	v7 =	vld.idx.msk [tilespmem:v9+s28+$0x0], $0xffff  }
0x51d: {  	v9 =	vld.idx.msk [tilespmem:v11+s28+$0x0], $0xffff  }
0x51e: {  	v11 =	vld [tilespmem:s5+$0x46D0]  }
0x51f: {  	v20 =	vld [tilespmem:s5+$0x4A80];
	[tilespmem:s5+$0xC6C0] =	vst v14  }
0x520: {  	v14 =	vld [tilespmem:s5+$0x4A20];
	[tilespmem:s25+$0xCA90] =	vst v6  }
0x521: {  	v6 =	vld.idx.msk [tilespmem:v18+s28+$0x0], $0xffff;
	[tilespmem:s25+$0xC670] =	vst v7  }
0x522: {  	[tilespmem:s5+$0xC630] =	vst v9;
	v7 =	vld.idx.msk [tilespmem:v10+s28+$0x0], $0xffff  }
0x523: {  	v9 =	vld.idx.msk [tilespmem:v32+s28+$0x0], $0xffff  }
0x524: {  	v18 =	vld [tilespmem:s5+$0x4A10]  }
0x525: {  	v10 =	vld [tilespmem:s5+$0x46E0]  }
0x526: {  	[tilespmem:s25+$0xCAA0] =	vst v6;
	v11 =	vld.idx.msk [tilespmem:v11+s28+$0x0], $0xffff  }
0x527: {  	v6 =	vld [tilespmem:s5+$0x4A30];
	[tilespmem:s25+$0xCA00] =	vst v7  }
0x528: {  	[tilespmem:s5+$0xC640] =	vst v9;
	v7 =	vld [tilespmem:s6+$0x4680]  }
0x529: {  	s12 =	simm.s32 $0x300;
	s8 =	simm.s32 $0x600;
	v9 =	vld.idx.msk [tilespmem:v12+s28+$0x0], $0xffff  }
0x52a: {  	s8 =	sand.u32 $0x3800, s8;
	s7 =	sand.u32 $0x300, s12;
	v12 =	vld [tilespmem:s6+$0x4600]  }
0x52b: {  	s7 =	sor.u32 s7, s8;
	[tilespmem:s5+$0xC6D0] =	vst v11;
	v11 =	vld [tilespmem:s5+$0x46F0]  }
0x52c: {  	v32 =	vld [tilespmem:s7+$0x4690]  }
0x52d: {  	v10 =	vld.idx.msk [tilespmem:v10+s28+$0x0], $0xffff  }
0x52e: {  	v13 =	vld.idx.msk [tilespmem:v17+s28+$0x0], $0xffff  }
0x52f: {  	v17 =	vld [tilespmem:s6+$0x4610]  }
0x530: {  	v7 =	vld.idx.msk [tilespmem:v7+s28+$0x0], $0xffff  }
0x531: {  	v15 =	vld.idx.msk [tilespmem:v15+s28+$0x0], $0xffff  }
0x532: {  	[tilespmem:s5+$0xC6E0] =	vst v10;
	v12 =	vld.idx.msk [tilespmem:v12+s28+$0x0], $0xffff  }
0x533: {  	v10 =	vld.idx.msk [tilespmem:v11+s28+$0x0], $0xffff  }
0x534: {  	[tilespmem:s25+$0xCAB0] =	vst v13;
	v13 =	vld [tilespmem:s7+$0x4A20]  }
0x535: {  	[tilespmem:s6+$0xC680] =	vst v7;
	v7 =	vld [tilespmem:s6+$0x46A0]  }
0x536: {  	v11 =	vld [tilespmem:s6+$0x4630]  }
0x537: {  	v21 =	vld.idx.msk [tilespmem:v34+s28+$0x0], $0xffff;
	[tilespmem:s6+$0xC600] =	vst v12  }
0x538: {  	[tilespmem:s5+$0xC6F0] =	vst v10;
	v17 =	vld.idx.msk [tilespmem:v17+s28+$0x0], $0xffff  }
0x539: {  	v10 =	vld.idx.msk [tilespmem:v20+s28+$0x0], $0xffff  }
0x53a: {  	v12 =	vld [tilespmem:s6+$0x4650]  }
0x53b: {  	[tilespmem:s5+$0xC650] =	vst v9;
	v34 =	vld [tilespmem:s6+$0x4A90]  }
0x53c: {  	v20 =	vld [tilespmem:s5+$0x4AA0];
	[tilespmem:s6+$0xC690] =	vst v21  }
0x53d: {  	[tilespmem:s6+$0xC610] =	vst v17;
	v7 =	vld.idx.msk [tilespmem:v7+s28+$0x0], $0xffff  }
0x53e: {  	[tilespmem:s5+$0xCA80] =	vst v10;
	v10 =	vld.idx.msk [tilespmem:v33+s28+$0x0], $0xffff  }
0x53f: {  	v17 =	vld.idx.msk [tilespmem:v35+s28+$0x0], $0xffff  }
0x540: {  	v33 =	vld [tilespmem:s7+$0x4640]  }
0x541: {  	v35 =	vld [tilespmem:s7+$0x46A0]  }
0x542: {  	v9 =	vld.idx.msk [tilespmem:v36+s28+$0x0], $0xffff  }
0x543: {  	v36 =	vld [tilespmem:s6+$0x4AA0]  }
0x544: {  	[tilespmem:s6+$0xC6A0] =	vst v7;
	v7 =	vld [tilespmem:s6+$0x46C0]  }
0x545: {  	[tilespmem:s6+$0xC620] =	vst v17;
	v17 =	vld [tilespmem:s6+$0x4A00]  }
0x546: {  	[tilespmem:s5+$0xC660] =	vst v10;
	v21 =	vld.idx.msk [tilespmem:v38+s28+$0x0], $0xffff  }
0x547: {  	v10 =	vld.idx.msk [tilespmem:v19+s28+$0x0], $0xffff  }
0x548: {  	[tilespmem:s5+$0xCA90] =	vst v9;
	v11 =	vld.idx.msk [tilespmem:v11+s28+$0x0], $0xffff  }
0x549: {  	v9 =	vld.idx.msk [tilespmem:v20+s28+$0x0], $0xffff  }
0x54a: {  	v19 =	vld [tilespmem:s6+$0x46D0]  }
0x54b: {  	v38 =	vld [tilespmem:s6+$0x4AB0];
	[tilespmem:s6+$0xC6B0] =	vst v21  }
0x54c: {  	[tilespmem:s5+$0xC670] =	vst v10;
	v20 =	vld.idx.msk [tilespmem:v7+s28+$0x0], $0xffff  }
0x54d: {  	v21 =	vld [tilespmem:s6+$0x4A10];
	[tilespmem:s6+$0xC630] =	vst v11  }
0x54e: {  	[tilespmem:s5+$0xCAA0] =	vst v9;
	v9 =	vld.idx.msk [tilespmem:v16+s28+$0x0], $0xffff  }
0x54f: {  	v10 =	vld.idx.msk [tilespmem:v37+s28+$0x0], $0xffff  }
0x550: {  	v11 =	vld [tilespmem:s6+$0x46E0]  }
0x551: {  	v37 =	vld [tilespmem:s7+$0x46B0];
	[tilespmem:s6+$0xC6C0] =	vst v20  }
0x552: {  	[tilespmem:s25+$0xCA10] =	vst v15;
	v15 =	vld.idx.msk [tilespmem:v19+s28+$0x0], $0xffff  }
0x553: {  	v22 =	vld.idx.msk [tilespmem:v40+s28+$0x0], $0xffff;
	[tilespmem:s5+$0xCA00] =	vst v9  }
0x554: {  	[tilespmem:s6+$0xC640] =	vst v10;
	v9 =	vld [tilespmem:s7+$0x4680]  }
0x555: {  	v10 =	vld.idx.msk [tilespmem:v12+s28+$0x0], $0xffff  }
0x556: {  	v12 =	vld [tilespmem:s6+$0x46F0]  }
0x557: {  	[tilespmem:s6+$0xC6D0] =	vst v15;
	v15 =	vld [tilespmem:s7+$0x4600]  }
0x558: {  	v11 =	vld.idx.msk [tilespmem:v11+s28+$0x0], $0xffff  }
0x559: {  	v7 =	vld [tilespmem:s6+$0x4A20]  }
0x55a: {  	v16 =	vld.idx.msk [tilespmem:v18+s28+$0x0], $0xffff  }
0x55b: {  	v18 =	vld [tilespmem:s7+$0x4610]  }
0x55c: {  	v20 =	vld [tilespmem:s7+$0x4620]  }
0x55d: {  	v9 =	vld.idx.msk [tilespmem:v9+s28+$0x0], $0xffff;
	[tilespmem:s6+$0xC6E0] =	vst v11  }
0x55e: {  	v11 =	vld.idx.msk [tilespmem:v12+s28+$0x0], $0xffff  }
0x55f: {  	v19 =	vld.idx.msk [tilespmem:v8+s28+$0x0], $0xffff  }
0x560: {  	v15 =	vld.idx.msk [tilespmem:v15+s28+$0x0], $0xffff  }
0x561: {  	v8 =	vld [tilespmem:s6+$0x4A30];
	[tilespmem:s6+$0xC650] =	vst v10  }
0x562: {  	v10 =	vld [tilespmem:s7+$0x4670];
	[tilespmem:s7+$0xC680] =	vst v9  }
0x563: {  	v25 =	vld.idx.msk [tilespmem:v32+s28+$0x0], $0xffff;
	[tilespmem:s6+$0xC6F0] =	vst v11  }
0x564: {  	[tilespmem:s5+$0xCA10] =	vst v16;
	v11 =	vld.idx.msk [tilespmem:v42+s28+$0x0], $0xffff  }
0x565: {  	v16 =	vld.idx.msk [tilespmem:v14+s28+$0x0], $0xffff;
	[tilespmem:s7+$0xC600] =	vst v15  }
0x566: {  	v18 =	vld.idx.msk [tilespmem:v18+s28+$0x0], $0xffff  }
0x567: {  	v14 =	vld [tilespmem:s7+$0x4A30]  }
0x568: {  	v12 =	vld [tilespmem:s7+$0x4630];
	[tilespmem:s7+$0xC690] =	vst v25  }
0x569: {  	v29 =	vld.idx.msk [tilespmem:v35+s28+$0x0], $0xffff;
	[tilespmem:s6+$0xCA80] =	vst v11  }
0x56a: {  	v11 =	vld.idx.msk [tilespmem:v34+s28+$0x0], $0xffff  }
0x56b: {  	[tilespmem:s7+$0xC610] =	vst v18;
	v18 =	vld.idx.msk [tilespmem:v39+s28+$0x0], $0xffff  }
0x56c: {  	v20 =	vld.idx.msk [tilespmem:v20+s28+$0x0], $0xffff  }
0x56d: {  	v39 =	vld [tilespmem:s7+$0x46C0]  }
0x56e: {  	v9 =	vld [tilespmem:s7+$0x4660];
	[tilespmem:s7+$0xC6A0] =	vst v29  }
0x56f: {  	v25 =	vld.idx.msk [tilespmem:v37+s28+$0x0], $0xffff;
	[tilespmem:s6+$0xCA90] =	vst v11  }
0x570: {  	[tilespmem:s6+$0xC660] =	vst v18;
	v18 =	vld.idx.msk [tilespmem:v36+s28+$0x0], $0xffff  }
0x571: {  	[tilespmem:s7+$0xC620] =	vst v20;
	v20 =	vld.idx.msk [tilespmem:v41+s28+$0x0], $0xffff  }
0x572: {  	v40 =	vld.idx.msk [tilespmem:v12+s28+$0x0], $0xffff  }
0x573: {  	v15 =	vld [tilespmem:s7+$0x4650]  }
0x574: {  	[tilespmem:s7+$0xC6B0] =	vst v25;
	v41 =	vld [tilespmem:s7+$0x46D0]  }
0x575: {  	v25 =	vld.idx.msk [tilespmem:v39+s28+$0x0], $0xffff;
	[tilespmem:s6+$0xCAA0] =	vst v18  }
0x576: {  	[tilespmem:s6+$0xC670] =	vst v20;
	v20 =	vld.idx.msk [tilespmem:v38+s28+$0x0], $0xffff  }
0x577: {  	[tilespmem:s7+$0xC630] =	vst v40;
	v17 =	vld.idx.msk [tilespmem:v17+s28+$0x0], $0xffff  }
0x578: {  	[tilespmem:s5+$0xCAB0] =	vst v22;
	v42 =	vld.idx.msk [tilespmem:v33+s28+$0x0], $0xffff  }
0x579: {  	[tilespmem:s25+$0xCA20] =	vst v19;
	v11 =	vld [tilespmem:s7+$0x4A10]  }
0x57a: {  	v18 =	vld [tilespmem:s7+$0x46E0];
	[tilespmem:s7+$0xC6C0] =	vst v25  }
0x57b: {  	v12 =	vld [tilespmem:s7+$0x4A00];
	[tilespmem:s6+$0xCAB0] =	vst v20  }
0x57c: {  	v19 =	vld.idx.msk [tilespmem:v41+s28+$0x0], $0xffff;
	[tilespmem:s6+$0xCA00] =	vst v17  }
0x57d: {  	s10 =	simm.s32 $0x800;
	s9 =	simm.s32 $0x400;
	s8 =	simm.s32 $0x6;
	[tilespmem:s7+$0xC640] =	vst v42;
	v17 =	vld.idx.msk [tilespmem:v21+s28+$0x0], $0xffff  }
.LBB2_38:
0x57e: {  	s11 =	sand.u32 $0x3800, s10;
	s12 =	sand.u32 $0x300, s9;
	s8 =	sadd.s32 $0x2, s8;
	v15 =	vld.idx.msk [tilespmem:v15+s28+$0x0], $0xffff  }
0x57f: {  	s11 =	sor.u32 s12, s11;
	p0 =	slt.u32 s8, $0x3E;
	[tilespmem:s5+$0xCA20] =	vst v16;
	v16 =	vld.idx.msk [tilespmem:v5+s28+$0x0], $0xffff;
	v5 =	vmov v6;
	v6 =	vmov v8  }
0x580: {  	v20 =	vld [tilespmem:s11+$0x4680]  }
0x581: {  	[tilespmem:s7+$0xC6D0] =	vst v19;
	v19 =	vld [tilespmem:s7+$0x46F0];
	v8 =	vmov v14  }
0x582: {  	v14 =	vld.idx.msk [tilespmem:v18+s28+$0x0], $0xffff  }
0x583: {  	v18 =	vld [tilespmem:s11+$0x4600];
	[tilespmem:s6+$0xCA10] =	vst v17  }
0x584: {  	v17 =	vld [tilespmem:s11+$0x4610];
	[tilespmem:s7+$0xC650] =	vst v15  }
0x585: {  	v21 =	vld [tilespmem:s11+$0x4620];
	[tilespmem:s25+$0xCA30] =	vst v16;
	s25 =	smov.u32 s5;
	s5 =	smov.u32 s6;
	s6 =	smov.u32 s7  }
0x586: {  	s7 =	smov.u32 s11;
	v15 =	vld [tilespmem:s6+$0x4A80]  }
0x587: {  	v16 =	vld [tilespmem:s7+$0x4690]  }
0x588: {  	v20 =	vld.idx.msk [tilespmem:v20+s28+$0x0], $0xffff;
	[tilespmem:s6+$0xC6E0] =	vst v14  }
0x589: {  	v14 =	vld.idx.msk [tilespmem:v19+s28+$0x0], $0xffff  }
0x58a: {  	v19 =	vld [tilespmem:s7+$0x4630]  }
0x58b: {  	v18 =	vld.idx.msk [tilespmem:v18+s28+$0x0], $0xffff  }
0x58c: {  	v22 =	vld [tilespmem:s7+$0x4640]  }
0x58d: {  	v23 =	vld [tilespmem:s6+$0x4A90]  }
0x58e: {  	[tilespmem:s7+$0xC680] =	vst v20;
	v20 =	vld [tilespmem:s7+$0x46A0]  }
0x58f: {  	v16 =	vld.idx.msk [tilespmem:v16+s28+$0x0], $0xffff;
	[tilespmem:s6+$0xC6F0] =	vst v14  }
0x590: {  	v14 =	vld.idx.msk [tilespmem:v15+s28+$0x0], $0xffff  }
0x591: {  	[tilespmem:s7+$0xC600] =	vst v18;
	v15 =	vld [tilespmem:s7+$0x4650]  }
0x592: {  	v17 =	vld.idx.msk [tilespmem:v17+s28+$0x0], $0xffff  }
0x593: {  	v18 =	vld [tilespmem:s7+$0x4660]  }
0x594: {  	v24 =	vld [tilespmem:s6+$0x4AA0]  }
0x595: {  	[tilespmem:s7+$0xC690] =	vst v16;
	v16 =	vld [tilespmem:s7+$0x46B0]  }
0x596: {  	v20 =	vld.idx.msk [tilespmem:v20+s28+$0x0], $0xffff;
	[tilespmem:s6+$0xCA80] =	vst v14  }
0x597: {  	v14 =	vld.idx.msk [tilespmem:v23+s28+$0x0], $0xffff  }
0x598: {  	[tilespmem:s7+$0xC610] =	vst v17;
	v17 =	vld.idx.msk [tilespmem:v9+s28+$0x0], $0xffff;
	v9 =	vmov v18  }
0x599: {  	v18 =	vld.idx.msk [tilespmem:v21+s28+$0x0], $0xffff  }
0x59a: {  	v21 =	vld [tilespmem:s7+$0x4670]  }
0x59b: {  	v23 =	vld [tilespmem:s6+$0x4AB0]  }
0x59c: {  	[tilespmem:s7+$0xC6A0] =	vst v20;
	v20 =	vld [tilespmem:s7+$0x46C0]  }
0x59d: {  	v16 =	vld.idx.msk [tilespmem:v16+s28+$0x0], $0xffff;
	[tilespmem:s6+$0xCA90] =	vst v14  }
0x59e: {  	[tilespmem:s6+$0xC660] =	vst v17;
	v14 =	vld.idx.msk [tilespmem:v24+s28+$0x0], $0xffff  }
0x59f: {  	[tilespmem:s7+$0xC620] =	vst v18;
	v17 =	vld.idx.msk [tilespmem:v10+s28+$0x0], $0xffff;
	v10 =	vmov v21  }
0x5a0: {  	v18 =	vld.idx.msk [tilespmem:v19+s28+$0x0], $0xffff  }
0x5a1: {  	v19 =	vld [tilespmem:s7+$0x4A00]  }
0x5a2: {  	v21 =	vld [tilespmem:s7+$0x4A10]  }
0x5a3: {  	[tilespmem:s7+$0xC6B0] =	vst v16;
	v24 =	vld [tilespmem:s7+$0x46D0]  }
0x5a4: {  	v20 =	vld.idx.msk [tilespmem:v20+s28+$0x0], $0xffff;
	[tilespmem:s6+$0xCAA0] =	vst v14  }
0x5a5: {  	[tilespmem:s6+$0xC670] =	vst v17;
	v14 =	vld.idx.msk [tilespmem:v23+s28+$0x0], $0xffff  }
0x5a6: {  	[tilespmem:s7+$0xC630] =	vst v18;
	v17 =	vld.idx.msk [tilespmem:v12+s28+$0x0], $0xffff;
	v12 =	vmov v19  }
0x5a7: {  	v22 =	vld.idx.msk [tilespmem:v22+s28+$0x0], $0xffff  }
0x5a8: {  	v23 =	vld [tilespmem:s7+$0x4A20]  }
.Ltmp18:
0x5a9: {  	v16 =	vld.idx.msk [tilespmem:v7+s28+$0x0], $0xffff;
	v7 =	vmov v13;
	(pc) =	sbr.rel @p0 .LBB2_38-.Ltmp18, $4  }
0x5aa: {  	[tilespmem:s7+$0xC6C0] =	vst v20;
	v18 =	vld [tilespmem:s7+$0x46E0]  }
0x5ab: {  	v19 =	vld.idx.msk [tilespmem:v24+s28+$0x0], $0xffff;
	[tilespmem:s6+$0xCAB0] =	vst v14  }
0x5ac: {  	v14 =	vld [tilespmem:s7+$0x4A30];
	[tilespmem:s6+$0xCA00] =	vst v17  }
0x5ad: {  	s9 =	sadd.s32 $0x100, s9;
	s10 =	sadd.s32 $0x200, s10;
	[tilespmem:s7+$0xC640] =	vst v22;
	v17 =	vld.idx.msk [tilespmem:v11+s28+$0x0], $0xffff;
	v11 =	vmov v21;
	v13 =	vmov v23  }
0x5ae: {  	_ =	sdelay $0x3  }
0x5af: {  	v15 =	vld.idx.msk [tilespmem:v15+s28+$0x0], $0xffff;
	_ =	sdelay $0x1  }
0x5b0: {  	v40 =	vld [tilespmem:s7+$0x46F0]  }
0x5b1: {  	[tilespmem:s7+$0xC6D0] =	vst v19  }
0x5b2: {  	v18 =	vld.idx.msk [tilespmem:v18+s28+$0x0], $0xffff  }
0x5b3: {  	[tilespmem:s7+$0xC650] =	vst v15  }
0x5b4: {  	v9 =	vld.idx.msk [tilespmem:v9+s28+$0x0], $0xffff;
	_ =	sdelay $0x1  }
0x5b5: {  	v41 =	vld [tilespmem:s7+$0x4A80]  }
0x5b6: {  	[tilespmem:s7+$0xC6E0] =	vst v18  }
0x5b7: {  	v18 =	vld.idx.msk [tilespmem:v40+s28+$0x0], $0xffff  }
0x5b8: {  	[tilespmem:s7+$0xC660] =	vst v9  }
0x5b9: {  	v9 =	vld.idx.msk [tilespmem:v10+s28+$0x0], $0xffff;
	_ =	sdelay $0x1  }
0x5ba: {  	v10 =	vld [tilespmem:s7+$0x4A90]  }
0x5bb: {  	[tilespmem:s7+$0xC6F0] =	vst v18  }
0x5bc: {  	v15 =	vld.idx.msk [tilespmem:v41+s28+$0x0], $0xffff  }
0x5bd: {  	[tilespmem:s7+$0xC670] =	vst v9  }
0x5be: {  	v9 =	vld.idx.msk [tilespmem:v12+s28+$0x0], $0xffff;
	_ =	sdelay $0x1  }
0x5bf: {  	v42 =	vld [tilespmem:s7+$0x4AA0]  }
0x5c0: {  	[tilespmem:s7+$0xCA80] =	vst v15  }
0x5c1: {  	v10 =	vld.idx.msk [tilespmem:v10+s28+$0x0], $0xffff  }
0x5c2: {  	[tilespmem:s7+$0xCA00] =	vst v9  }
0x5c3: {  	v9 =	vld.idx.msk [tilespmem:v11+s28+$0x0], $0xffff;
	_ =	sdelay $0x1  }
0x5c4: {  	v11 =	vld [tilespmem:s7+$0x4AB0]  }
0x5c5: {  	[tilespmem:s7+$0xCA90] =	vst v10  }
0x5c6: {  	[tilespmem:s6+$0xCA10] =	vst v17;
	v10 =	vld.idx.msk [tilespmem:v42+s28+$0x0], $0xffff  }
0x5c7: {  	v7 =	vld.idx.msk [tilespmem:v7+s28+$0x0], $0xffff;
	[tilespmem:s7+$0xCA10] =	vst v9  }
0x5c8: {  	v9 =	vld.idx.msk [tilespmem:v13+s28+$0x0], $0xffff;
	_ =	sdelay $0x1  }
0x5c9: {  	v5 =	vld.idx.msk [tilespmem:v5+s28+$0x0], $0xffff;
	[tilespmem:s5+$0xCA20] =	vst v16  }
0x5ca: {  	v6 =	vld.idx.msk [tilespmem:v6+s28+$0x0], $0xffff;
	[tilespmem:s7+$0xCAA0] =	vst v10  }
0x5cb: {  	[tilespmem:s6+$0xCA20] =	vst v7;
	v10 =	vld.idx.msk [tilespmem:v11+s28+$0x0], $0xffff  }
0x5cc: {  	v7 =	vld.idx.msk [tilespmem:v8+s28+$0x0], $0xffff;
	v8 =	vmov s2;
	[tilespmem:s7+$0xCA20] =	vst v9  }
0x5cd: {  	p3 =	por $0x1, $0x1;
	v8 =	vshrl.u32 v8, $0x3;
	v9 =	vld.idx.msk [tilespmem:v14+s28+$0x0], $0xffff  }
.Ltmp19:
0x5ce: {  	[tilespmem:s25+$0xCA30] =	vst v5;
	v5 =	vshll.u32 v8, $0xB;
	(pc) =	sbr.rel @!p3 .LBB2_40-.Ltmp19, $4  }
0x5cf: {  	[tilespmem:s5+$0xCA30] =	vst v6;
	v5 =	vor.u32 $0x400, v5  }
0x5d0: {  	[tilespmem:s7+$0xCAB0] =	vst v10;
	v10 =	vbroadcast v5, $0x0  }
0x5d1: {  	p0 =	por $0x0, $0x0;
	[tilespmem:s6+$0xCA30] =	vst v7  }
0x5d2: {  	p1 =	por $0x0, $0x0;
	p2 =	por $0x0, $0x0;
	s2 =	simm.s32 $0x8;
	v6 =	vor.u32 v60, v10;
	v8 =	vor.u32 v62, v10;
	v5 =	vor.u32 v61, v10;
	[tilespmem:s7+$0xCA30] =	vst v9  }
0x5d3: {  	_ = 	snop  }
0x5d4: {  	v7 =	vmov s2  }
0x5d5: {  	v11 =	vor.u32 v63, v10;
	p3 =	por $0x1, $0x1;
	v7 =	vshrl.u32 v7, $0x3  }
.Ltmp20:
0x5d6: {  	v7 =	vshll.u32 v7, $0xB;
	(pc) =	sbr.rel @!p3 .LBB2_42-.Ltmp20, $4  }
0x5d7: {  	v14 =	vld.idx.msk [tilespmem:v6+s23+$0x0], $0xffff;
	v7 =	vor.u32 $0x400, v7  }
0x5d8: {  	v15 =	vld.idx.msk [tilespmem:v5+s23+$0x0], $0xffff;
	v10 =	vbroadcast v7, $0x0  }
0x5d9: {  	v19 =	vld.idx.msk [tilespmem:v8+s23+$0x0], $0xffff  }
0x5da: {  	s2 =	simm.s32 $0x10;
	p0 =	por $0x1, $0x1;
	v16 =	vld.idx.msk [tilespmem:v11+s23+$0x0], $0xffff;
	v25 =	vor.u32 v60, v10;
	v13 =	vor.u32 v62, v10;
	v24 =	vor.u32 v61, v10  }
0x5db: {  	v17 =	vor.u32 v63, v10;
	_ =	sdelay $0x3  }
0x5dc: {  	v18 =	vld.idx.msk [tilespmem:v25+s23+$0x0], $0xffff  }
0x5dd: {  	v7 =	vmov s2;
	v22 =	vld.idx.msk [tilespmem:v17+s23+$0x0], $0xffff  }
0x5de: {  	v20 =	vld.idx.msk [tilespmem:v24+s23+$0x0], $0xffff;
	p3 =	por $0x1, $0x1;
	v7 =	vshrl.u32 v7, $0x3  }
.Ltmp21:
0x5df: {  	v7 =	vshll.u32 v7, $0xB;
	(pc) =	sbr.rel @!p3 .LBB2_44-.Ltmp21, $4  }
0x5e0: {  	v7 =	vor.u32 $0x400, v7  }
0x5e1: {  	v10 =	vbroadcast v7, $0x0  }
0x5e2: {  	v32 =	vld.idx.msk [tilespmem:v13+s23+$0x0], $0xffff  }
0x5e3: {  	s2 =	simm.s32 $0x18;
	p1 =	por $0x1, $0x1;
	v19 =	vld.idx.msk [tilespmem:v19+s28+$0x0], $0xffff;
	v7 =	vor.u32 v60, v10;
	v27 =	vor.u32 v62, v10;
	v9 =	vor.u32 v61, v10  }
0x5e4: {  	_ =	sdelay $0x3  }
0x5e5: {  	v23 =	vld.idx.msk [tilespmem:v14+s28+$0x0], $0xffff;
	_ =	sdelay $0x2  }
0x5e6: {  	v12 =	vmov s2;
	v30 =	vor.u32 v63, v10;
	v28 =	vld.idx.msk [tilespmem:v16+s28+$0x0], $0xffff  }
0x5e7: {  	v21 =	vld.idx.msk [tilespmem:v15+s28+$0x0], $0xffff;
	p3 =	por $0x1, $0x1;
	v12 =	vshrl.u32 v12, $0x3  }
.Ltmp22:
0x5e8: {  	v33 =	vld.idx.msk [tilespmem:v7+s23+$0x0], $0xffff;
	v10 =	vshll.u32 v12, $0xB;
	[tilespmem:v6+s31+$0x0] =	vst.idx.msk $0xffff, v23;
	v23 =	vmov v5;
	(pc) =	sbr.rel @!p3 .LBB2_46-.Ltmp22, $4  }
0x5e9: {  	v34 =	vld.idx.msk [tilespmem:v9+s23+$0x0], $0xffff;
	v10 =	vor.u32 $0x400, v10  }
0x5ea: {  	v35 =	vld.idx.msk [tilespmem:v27+s23+$0x0], $0xffff;
	v10 =	vbroadcast v10, $0x0;
	[tilespmem:v8+s31+$0x0] =	vst.idx.msk $0xffff, v19  }
0x5eb: {  	v39 =	vld.idx.msk [tilespmem:v30+s23+$0x0], $0xffff;
	[tilespmem:v11+s31+$0x0] =	vst.idx.msk $0xffff, v28  }
0x5ec: {  	s2 =	simm.s32 $0xC;
	s5 =	simm.s32 $0x20;
	p2 =	por $0x1, $0x1;
	v26 =	vld.idx.msk [tilespmem:v32+s28+$0x0], $0xffff;
	v41 =	vor.u32 v60, v10;
	v12 =	vor.u32 v62, v10;
	v42 =	vor.u32 v61, v10  }
.LBB2_47:
0x5ed: {  	v28 =	vmov s5;
	s2 =	sadd.s32 $0x4, s2;
	v29 =	vld.idx.msk [tilespmem:v18+s28+$0x0], $0xffff;
	[tilespmem:v23+s31+$0x0] =	vst.idx.msk $0xffff, v21;
	v18 =	vmovc v33;
	v31 =	vmovc v25;
	v25 =	vmov v7;
	v7 =	vmov v41  }
0x5ee: {  	v23 =	vmovc v24;
	v24 =	vmovc v9;
	v9 =	vmov v42;
	v21 =	vshrl.u32 v28, $0x3;
	p3 =	slt.u32 s2, $0x1C;
	v28 =	vor.u32 v63, v10;
	v32 =	vld.idx.msk [tilespmem:v22+s28+$0x0], $0xffff  }
0x5ef: {  	v10 =	vshll.u32 v21, $0xB;
	v21 =	vld.idx.msk [tilespmem:v20+s28+$0x0], $0xffff;
	v20 =	vmov v34;
	v36 =	vmov v35  }
.Ltmp23:
0x5f0: {  	v10 =	vor.u32 $0x400, v10;
	v33 =	vld.idx.msk [tilespmem:v41+s23+$0x0], $0xffff;
	v22 =	vmov v39;
	(pc) =	sbr.rel @p3 .LBB2_47-.Ltmp23, $4  }
0x5f1: {  	v10 =	vbroadcast v10, $0x0;
	v34 =	vld.idx.msk [tilespmem:v42+s23+$0x0], $0xffff  }
0x5f2: {  	v35 =	vld.idx.msk [tilespmem:v12+s23+$0x0], $0xffff;
	[tilespmem:v13+s31+$0x0] =	vst.idx.msk $0xffff, v26;
	v13 =	vmov v27;
	v27 =	vmov v12  }
0x5f3: {  	v41 =	vor.u32 v60, v10;
	v12 =	vor.u32 v62, v10;
	v39 =	vld.idx.msk [tilespmem:v28+s23+$0x0], $0xffff;
	[tilespmem:v31+s31+$0x0] =	vst.idx.msk $0xffff, v29  }
0x5f4: {  	s5 =	sadd.s32 $0x8, s5;
	v42 =	vor.u32 v61, v10;
	v26 =	vld.idx.msk [tilespmem:v36+s28+$0x0], $0xffff;
	[tilespmem:v17+s31+$0x0] =	vst.idx.msk $0xffff, v32;
	v17 =	vmov v30;
	v30 =	vmov v28  }
0x5f5: {  	v31 =	vmov v18;
	v28 =	vmov v7  }
0x5f6: {  	v37 =	vmovc v22;
	v29 =	vmovc v9;
	v40 =	vmov v20;
	v38 =	vmov v13;
	v36 =	vmov v17  }
0x5f7: {  	v18 =	vmovc v33;
	v33 =	vmovc v25;
	v7 =	vmov v41;
	v25 =	vmov v24;
	v9 =	vmov v42  }
0x5f8: {  	v13 =	vmovc v27;
	v17 =	vmovc v30;
	v20 =	vmov v34;
	v32 =	vmov v35;
	v22 =	vmov v39  }
.LBB2_49:
0x5f9: {  	_ =	sdelay $0x3  }
0x5fa: {  	v24 =	vld.idx.msk @p1 [tilespmem:v31+s28+$0x0], $0xffff  }
0x5fb: {  	v10 =	vor.u32 v63, v10;
	v27 =	vld.idx.msk @p1 [tilespmem:v37+s28+$0x0], $0xffff  }
0x5fc: {  	v30 =	vld.idx.msk @p1 [tilespmem:v40+s28+$0x0], $0xffff;
	v31 =	vmov @p0 v32  }
0x5fd: {  	v40 =	vld.idx.msk [tilespmem:v7+s23+$0x0], $0xffff;
	v14 =	vpsel p0, v18, v14;
	v18 =	vmov @p0 v20  }
0x5fe: {  	v20 =	vld.idx.msk [tilespmem:v12+s23+$0x0], $0xffff;
	v16 =	vpsel p0, v22, v16  }
0x5ff: {  	v22 =	vmov @p1 v33;
	v41 =	vld.idx.msk [tilespmem:v9+s23+$0x0], $0xffff;
	v15 =	vpsel p0, v18, v15  }
0x600: {  	v18 =	vmov @p1 v25;
	v42 =	vld.idx.msk [tilespmem:v10+s23+$0x0], $0xffff  }
0x601: {  	[tilespmem:v23+s31+$0x0] =	vst.idx.msk @p2 $0xffff, v21;
	v21 =	vmov @p0 v28;
	v18 =	vpsel p1, v18, v0;
	v23 =	vld.idx.msk @p0 [tilespmem:v31+s28+$0x0], $0xffff  }
0x602: {  	v8 =	vpsel p0, v13, v8;
	v6 =	vpsel p0, v21, v6;
	v13 =	vld.idx.msk @p0 [tilespmem:v14+s28+$0x0], $0xffff  }
0x603: {  	v28 =	vmov @p0 v29;
	[tilespmem:v38+s31+$0x0] =	vst.idx.msk @p1 $0xffff, v26;
	v14 =	vmov @p0 v17;
	v16 =	vld.idx.msk @p0 [tilespmem:v16+s28+$0x0], $0xffff  }
0x604: {  	v5 =	vpsel p0, v28, v5;
	[tilespmem:v22+s31+$0x0] =	vst.idx.msk @p1 $0xffff, v24;
	v11 =	vpsel p0, v14, v11;
	v14 =	vld.idx.msk @p0 [tilespmem:v15+s28+$0x0], $0xffff  }
0x605: {  	v5 =	vpsel p0, v5, v0;
	[tilespmem:v36+s31+$0x0] =	vst.idx.msk @p1 $0xffff, v27;
	v15 =	vpsel p1, v30, v0  }
0x606: {  	[tilespmem:v18+s31+$0x0] =	vst.idx.msk @p1 $0xffff, v15;
	v15 =	vld.idx.msk [tilespmem:v20+s28+$0x0], $0xffff  }
0x607: {  	v17 =	vpsel p0, v23, v19;
	[tilespmem:v6+s31+$0x0] =	vst.idx.msk @p0 $0xffff, v13;
	v13 =	vld.idx.msk [tilespmem:v41+s28+$0x0], $0xffff  }
0x608: {  	[tilespmem:v8+s31+$0x0] =	vst.idx.msk @p0 $0xffff, v17;
	v8 =	vld.idx.msk [tilespmem:v40+s28+$0x0], $0xffff  }
0x609: {  	[tilespmem:v11+s31+$0x0] =	vst.idx.msk @p0 $0xffff, v16;
	v11 =	vpsel p0, v14, v0;
	v6 =	vld.idx.msk [tilespmem:v42+s28+$0x0], $0xffff  }
0x60a: {  	[tilespmem:v5+s31+$0x0] =	vst.idx.msk @p0 $0xffff, v11  }
0x60b: {  	[tilespmem:v12+s31+$0x0] =	vst.idx.msk $0xffff, v15  }
0x60c: {  	[tilespmem:v9+s31+$0x0] =	vst.idx.msk $0xffff, v13  }
0x60d: {  	[tilespmem:v7+s31+$0x0] =	vst.idx.msk $0xffff, v8  }
0x60e: {  	s2 =	simm.s32 $0x0;
	[tilespmem:v10+s31+$0x0] =	vst.idx.msk $0xffff, v6  }
0x60f: {  	[tilespmem:s23], [sflag:$0x2] =	stream.linear.gather [hbm4b:s13+s2], $0x4000, $0x38;
	[tilespmem:$0x10600] =	vst v63  }
0x610: {  	_ = 	snop  }
0x611: {  	[hbm4b:s14+s2] =	stream.linear.scatter [tilespmem:s31], [sflag:$0x4], $0x4000, $0x38;
	[tilespmem:$0x10600] =	vst v63  }
0x612: {  	_ =	swait.ge [sflag:s26], $0x4000  }
0x613: {  	[sflag:s26] =	ssyncset.done $0x0  }
0x614: {  	[sflag:s26] =	ssyncadd.s32 $0xFFFFC000  }
0x615: {  	_ =	swait.ge [sflag:s1], $0x4000  }
0x616: {  	s5 =	sand.u32 $0x3800, s2;
	s6 =	sand.u32 $0x300, s2;
	[sflag:s1] =	ssyncset.done $0x0  }
0x617: {  	s25 =	sor.u32 s6, s5;
	[sflag:s1] =	ssyncadd.s32 $0xFFFFC000  }
0x618: {  	v5 =	vld [tilespmem:s25+$0x680]  }
0x619: {  	v6 =	vld [tilespmem:s25+$0x600]  }
0x61a: {  	v7 =	vld [tilespmem:s25+$0x690]  }
0x61b: {  	v8 =	vld [tilespmem:s25+$0x610]  }
0x61c: {  	v9 =	vld [tilespmem:s25+$0x620]  }
0x61d: {  	v10 =	vld [tilespmem:s25+$0x630]  }
0x61e: {  	v11 =	vld [tilespmem:s25+$0x640]  }
0x61f: {  	v12 =	vld [tilespmem:s25+$0x650]  }
0x620: {  	s9 =	simm.s32 $0x100;
	s10 =	simm.s32 $0x200;
	v13 =	vld [tilespmem:s25+$0x660]  }
0x621: {  	s6 =	sand.u32 $0x3800, s10;
	s5 =	sand.u32 $0x300, s9;
	v15 =	vld [tilespmem:s25+$0xA10]  }
0x622: {  	s5 =	sor.u32 s5, s6;
	v5 =	vld.idx.msk [tilespmem:v5+s28+$0x0], $0xffff  }
0x623: {  	v14 =	vld [tilespmem:s5+$0x680]  }
0x624: {  	v16 =	vld [tilespmem:s5+$0x610]  }
0x625: {  	v6 =	vld.idx.msk [tilespmem:v6+s28+$0x0], $0xffff  }
0x626: {  	v17 =	vld [tilespmem:s5+$0x690]  }
0x627: {  	[tilespmem:s25+$0x8680] =	vst v5;
	v5 =	vld [tilespmem:s25+$0x6A0]  }
0x628: {  	v7 =	vld.idx.msk [tilespmem:v7+s28+$0x0], $0xffff  }
0x629: {  	v18 =	vld [tilespmem:s25+$0xA80]  }
0x62a: {  	v19 =	vld [tilespmem:s5+$0x620];
	[tilespmem:s25+$0x8600] =	vst v6  }
0x62b: {  	v6 =	vld.idx.msk [tilespmem:v8+s28+$0x0], $0xffff  }
0x62c: {  	v20 =	vld [tilespmem:s25+$0xA90]  }
0x62d: {  	[tilespmem:s25+$0x8690] =	vst v7;
	v7 =	vld [tilespmem:s25+$0x6B0]  }
0x62e: {  	v32 =	vld [tilespmem:s5+$0x640]  }
0x62f: {  	s11 =	simm.s32 $0x200;
	s7 =	simm.s32 $0x400;
	v5 =	vld.idx.msk [tilespmem:v5+s28+$0x0], $0xffff  }
0x630: {  	s7 =	sand.u32 $0x3800, s7;
	s6 =	sand.u32 $0x300, s11;
	v33 =	vld [tilespmem:s5+$0x660];
	[tilespmem:s25+$0x8610] =	vst v6  }
0x631: {  	s6 =	sor.u32 s6, s7;
	v6 =	vld.idx.msk [tilespmem:v9+s28+$0x0], $0xffff  }
0x632: {  	v34 =	vld [tilespmem:s6+$0x690]  }
0x633: {  	v35 =	vld [tilespmem:s6+$0x620]  }
0x634: {  	[tilespmem:s25+$0x86A0] =	vst v5;
	v5 =	vld [tilespmem:s25+$0x6C0]  }
0x635: {  	v7 =	vld.idx.msk [tilespmem:v7+s28+$0x0], $0xffff  }
0x636: {  	v36 =	vld [tilespmem:s5+$0xA90];
	[tilespmem:s25+$0x8620] =	vst v6  }
0x637: {  	v6 =	vld.idx.msk [tilespmem:v10+s28+$0x0], $0xffff  }
0x638: {  	v37 =	vld [tilespmem:s6+$0x640]  }
0x639: {  	v38 =	vld [tilespmem:s6+$0x6B0]  }
0x63a: {  	[tilespmem:s25+$0x86B0] =	vst v7;
	v7 =	vld [tilespmem:s25+$0x6D0]  }
0x63b: {  	v14 =	vld.idx.msk [tilespmem:v14+s28+$0x0], $0xffff  }
0x63c: {  	[tilespmem:s25+$0x8630] =	vst v6;
	v5 =	vld.idx.msk [tilespmem:v5+s28+$0x0], $0xffff  }
0x63d: {  	v6 =	vld.idx.msk [tilespmem:v11+s28+$0x0], $0xffff  }
0x63e: {  	v39 =	vld [tilespmem:s6+$0x660]  }
0x63f: {  	v40 =	vld [tilespmem:s5+$0xAB0]  }
0x640: {  	[tilespmem:s5+$0x8680] =	vst v14;
	v14 =	vld [tilespmem:s5+$0x6A0]  }
0x641: {  	v11 =	vld [tilespmem:s25+$0x6E0];
	[tilespmem:s25+$0x86C0] =	vst v5  }
0x642: {  	[tilespmem:s25+$0x8640] =	vst v6;
	v7 =	vld.idx.msk [tilespmem:v7+s28+$0x0], $0xffff  }
0x643: {  	v6 =	vld.idx.msk [tilespmem:v12+s28+$0x0], $0xffff  }
0x644: {  	v12 =	vld [tilespmem:s5+$0x600]  }
0x645: {  	v17 =	vld.idx.msk [tilespmem:v17+s28+$0x0], $0xffff  }
0x646: {  	v41 =	vld [tilespmem:s6+$0x670]  }
0x647: {  	[tilespmem:s25+$0x86D0] =	vst v7;
	v7 =	vld [tilespmem:s25+$0x6F0]  }
0x648: {  	v42 =	vld [tilespmem:s6+$0xA80]  }
0x649: {  	v11 =	vld.idx.msk [tilespmem:v11+s28+$0x0], $0xffff  }
0x64a: {  	v8 =	vld [tilespmem:s25+$0xA20];
	[tilespmem:s5+$0x8690] =	vst v17  }
0x64b: {  	v14 =	vld.idx.msk [tilespmem:v14+s28+$0x0], $0xffff  }
0x64c: {  	v12 =	vld.idx.msk [tilespmem:v12+s28+$0x0], $0xffff  }
0x64d: {  	v17 =	vld [tilespmem:s5+$0x6B0]  }
0x64e: {  	v9 =	vld [tilespmem:s25+$0x670];
	[tilespmem:s25+$0x86E0] =	vst v11  }
0x64f: {  	v7 =	vld.idx.msk [tilespmem:v7+s28+$0x0], $0xffff  }
0x650: {  	v10 =	vld [tilespmem:s25+$0xA00];
	[tilespmem:s5+$0x86A0] =	vst v14  }
0x651: {  	v14 =	vld [tilespmem:s5+$0x6C0];
	[tilespmem:s5+$0x8600] =	vst v12  }
0x652: {  	v16 =	vld.idx.msk [tilespmem:v16+s28+$0x0], $0xffff  }
0x653: {  	v5 =	vld [tilespmem:s25+$0xA30]  }
0x654: {  	v11 =	vld [tilespmem:s5+$0x630];
	[tilespmem:s25+$0x86F0] =	vst v7  }
0x655: {  	v7 =	vld.idx.msk [tilespmem:v18+s28+$0x0], $0xffff  }
0x656: {  	v12 =	vld [tilespmem:s5+$0x650]  }
0x657: {  	[tilespmem:s5+$0x8610] =	vst v16;
	v16 =	vld.idx.msk [tilespmem:v17+s28+$0x0], $0xffff  }
0x658: {  	v17 =	vld [tilespmem:s25+$0xAB0]  }
0x659: {  	[tilespmem:s25+$0x8650] =	vst v6;
	v18 =	vld [tilespmem:s25+$0xAA0]  }
0x65a: {  	[tilespmem:s25+$0x8A80] =	vst v7;
	v7 =	vld.idx.msk [tilespmem:v13+s28+$0x0], $0xffff  }
0x65b: {  	v13 =	vld.idx.msk [tilespmem:v19+s28+$0x0], $0xffff  }
0x65c: {  	[tilespmem:s5+$0x86B0] =	vst v16;
	v16 =	vld [tilespmem:s5+$0xA00]  }
0x65d: {  	v14 =	vld.idx.msk [tilespmem:v14+s28+$0x0], $0xffff  }
0x65e: {  	v19 =	vld [tilespmem:s5+$0x670]  }
0x65f: {  	v6 =	vld.idx.msk [tilespmem:v20+s28+$0x0], $0xffff;
	[tilespmem:s25+$0x8660] =	vst v7  }
0x660: {  	[tilespmem:s5+$0x8620] =	vst v13;
	v7 =	vld.idx.msk [tilespmem:v9+s28+$0x0], $0xffff  }
0x661: {  	v9 =	vld.idx.msk [tilespmem:v11+s28+$0x0], $0xffff  }
0x662: {  	v11 =	vld [tilespmem:s5+$0x6D0]  }
0x663: {  	v20 =	vld [tilespmem:s5+$0xA80];
	[tilespmem:s5+$0x86C0] =	vst v14  }
0x664: {  	v14 =	vld [tilespmem:s5+$0xA20];
	[tilespmem:s25+$0x8A90] =	vst v6  }
0x665: {  	v6 =	vld.idx.msk [tilespmem:v18+s28+$0x0], $0xffff;
	[tilespmem:s25+$0x8670] =	vst v7  }
0x666: {  	[tilespmem:s5+$0x8630] =	vst v9;
	v7 =	vld.idx.msk [tilespmem:v10+s28+$0x0], $0xffff  }
0x667: {  	v9 =	vld.idx.msk [tilespmem:v32+s28+$0x0], $0xffff  }
0x668: {  	v18 =	vld [tilespmem:s5+$0xA10]  }
0x669: {  	v10 =	vld [tilespmem:s5+$0x6E0]  }
0x66a: {  	[tilespmem:s25+$0x8AA0] =	vst v6;
	v11 =	vld.idx.msk [tilespmem:v11+s28+$0x0], $0xffff  }
0x66b: {  	v6 =	vld [tilespmem:s5+$0xA30];
	[tilespmem:s25+$0x8A00] =	vst v7  }
0x66c: {  	[tilespmem:s5+$0x8640] =	vst v9;
	v7 =	vld [tilespmem:s6+$0x680]  }
0x66d: {  	s12 =	simm.s32 $0x300;
	s8 =	simm.s32 $0x600;
	v9 =	vld.idx.msk [tilespmem:v12+s28+$0x0], $0xffff  }
0x66e: {  	s8 =	sand.u32 $0x3800, s8;
	s7 =	sand.u32 $0x300, s12;
	v12 =	vld [tilespmem:s6+$0x600]  }
0x66f: {  	s7 =	sor.u32 s7, s8;
	[tilespmem:s5+$0x86D0] =	vst v11;
	v11 =	vld [tilespmem:s5+$0x6F0]  }
0x670: {  	v32 =	vld [tilespmem:s7+$0x690]  }
0x671: {  	v10 =	vld.idx.msk [tilespmem:v10+s28+$0x0], $0xffff  }
0x672: {  	v13 =	vld.idx.msk [tilespmem:v17+s28+$0x0], $0xffff  }
0x673: {  	v17 =	vld [tilespmem:s6+$0x610]  }
0x674: {  	v7 =	vld.idx.msk [tilespmem:v7+s28+$0x0], $0xffff  }
0x675: {  	v15 =	vld.idx.msk [tilespmem:v15+s28+$0x0], $0xffff  }
0x676: {  	[tilespmem:s5+$0x86E0] =	vst v10;
	v12 =	vld.idx.msk [tilespmem:v12+s28+$0x0], $0xffff  }
0x677: {  	v10 =	vld.idx.msk [tilespmem:v11+s28+$0x0], $0xffff  }
0x678: {  	[tilespmem:s25+$0x8AB0] =	vst v13;
	v13 =	vld [tilespmem:s7+$0xA20]  }
0x679: {  	[tilespmem:s6+$0x8680] =	vst v7;
	v7 =	vld [tilespmem:s6+$0x6A0]  }
0x67a: {  	v11 =	vld [tilespmem:s6+$0x630]  }
0x67b: {  	v21 =	vld.idx.msk [tilespmem:v34+s28+$0x0], $0xffff;
	[tilespmem:s6+$0x8600] =	vst v12  }
0x67c: {  	[tilespmem:s5+$0x86F0] =	vst v10;
	v17 =	vld.idx.msk [tilespmem:v17+s28+$0x0], $0xffff  }
0x67d: {  	v10 =	vld.idx.msk [tilespmem:v20+s28+$0x0], $0xffff  }
0x67e: {  	v12 =	vld [tilespmem:s6+$0x650]  }
0x67f: {  	[tilespmem:s5+$0x8650] =	vst v9;
	v34 =	vld [tilespmem:s6+$0xA90]  }
0x680: {  	v20 =	vld [tilespmem:s5+$0xAA0];
	[tilespmem:s6+$0x8690] =	vst v21  }
0x681: {  	[tilespmem:s6+$0x8610] =	vst v17;
	v7 =	vld.idx.msk [tilespmem:v7+s28+$0x0], $0xffff  }
0x682: {  	[tilespmem:s5+$0x8A80] =	vst v10;
	v10 =	vld.idx.msk [tilespmem:v33+s28+$0x0], $0xffff  }
0x683: {  	v17 =	vld.idx.msk [tilespmem:v35+s28+$0x0], $0xffff  }
0x684: {  	v33 =	vld [tilespmem:s7+$0x640]  }
0x685: {  	v35 =	vld [tilespmem:s7+$0x6A0]  }
0x686: {  	v9 =	vld.idx.msk [tilespmem:v36+s28+$0x0], $0xffff  }
0x687: {  	v36 =	vld [tilespmem:s6+$0xAA0]  }
0x688: {  	[tilespmem:s6+$0x86A0] =	vst v7;
	v7 =	vld [tilespmem:s6+$0x6C0]  }
0x689: {  	[tilespmem:s6+$0x8620] =	vst v17;
	v17 =	vld [tilespmem:s6+$0xA00]  }
0x68a: {  	[tilespmem:s5+$0x8660] =	vst v10;
	v21 =	vld.idx.msk [tilespmem:v38+s28+$0x0], $0xffff  }
0x68b: {  	v10 =	vld.idx.msk [tilespmem:v19+s28+$0x0], $0xffff  }
0x68c: {  	[tilespmem:s5+$0x8A90] =	vst v9;
	v11 =	vld.idx.msk [tilespmem:v11+s28+$0x0], $0xffff  }
0x68d: {  	v9 =	vld.idx.msk [tilespmem:v20+s28+$0x0], $0xffff  }
0x68e: {  	v19 =	vld [tilespmem:s6+$0x6D0]  }
0x68f: {  	v38 =	vld [tilespmem:s6+$0xAB0];
	[tilespmem:s6+$0x86B0] =	vst v21  }
0x690: {  	[tilespmem:s5+$0x8670] =	vst v10;
	v20 =	vld.idx.msk [tilespmem:v7+s28+$0x0], $0xffff  }
0x691: {  	v21 =	vld [tilespmem:s6+$0xA10];
	[tilespmem:s6+$0x8630] =	vst v11  }
0x692: {  	[tilespmem:s5+$0x8AA0] =	vst v9;
	v9 =	vld.idx.msk [tilespmem:v16+s28+$0x0], $0xffff  }
0x693: {  	v10 =	vld.idx.msk [tilespmem:v37+s28+$0x0], $0xffff  }
0x694: {  	v11 =	vld [tilespmem:s6+$0x6E0]  }
0x695: {  	v37 =	vld [tilespmem:s7+$0x6B0];
	[tilespmem:s6+$0x86C0] =	vst v20  }
0x696: {  	[tilespmem:s25+$0x8A10] =	vst v15;
	v15 =	vld.idx.msk [tilespmem:v19+s28+$0x0], $0xffff  }
0x697: {  	v22 =	vld.idx.msk [tilespmem:v40+s28+$0x0], $0xffff;
	[tilespmem:s5+$0x8A00] =	vst v9  }
0x698: {  	[tilespmem:s6+$0x8640] =	vst v10;
	v9 =	vld [tilespmem:s7+$0x680]  }
0x699: {  	v10 =	vld.idx.msk [tilespmem:v12+s28+$0x0], $0xffff  }
0x69a: {  	v12 =	vld [tilespmem:s6+$0x6F0]  }
0x69b: {  	[tilespmem:s6+$0x86D0] =	vst v15;
	v15 =	vld [tilespmem:s7+$0x600]  }
0x69c: {  	v11 =	vld.idx.msk [tilespmem:v11+s28+$0x0], $0xffff  }
0x69d: {  	v7 =	vld [tilespmem:s6+$0xA20]  }
0x69e: {  	v16 =	vld.idx.msk [tilespmem:v18+s28+$0x0], $0xffff  }
0x69f: {  	v18 =	vld [tilespmem:s7+$0x610]  }
0x6a0: {  	v20 =	vld [tilespmem:s7+$0x620]  }
0x6a1: {  	v9 =	vld.idx.msk [tilespmem:v9+s28+$0x0], $0xffff;
	[tilespmem:s6+$0x86E0] =	vst v11  }
0x6a2: {  	v11 =	vld.idx.msk [tilespmem:v12+s28+$0x0], $0xffff  }
0x6a3: {  	v19 =	vld.idx.msk [tilespmem:v8+s28+$0x0], $0xffff  }
0x6a4: {  	v15 =	vld.idx.msk [tilespmem:v15+s28+$0x0], $0xffff  }
0x6a5: {  	v8 =	vld [tilespmem:s6+$0xA30];
	[tilespmem:s6+$0x8650] =	vst v10  }
0x6a6: {  	v10 =	vld [tilespmem:s7+$0x670];
	[tilespmem:s7+$0x8680] =	vst v9  }
0x6a7: {  	v25 =	vld.idx.msk [tilespmem:v32+s28+$0x0], $0xffff;
	[tilespmem:s6+$0x86F0] =	vst v11  }
0x6a8: {  	[tilespmem:s5+$0x8A10] =	vst v16;
	v11 =	vld.idx.msk [tilespmem:v42+s28+$0x0], $0xffff  }
0x6a9: {  	v16 =	vld.idx.msk [tilespmem:v14+s28+$0x0], $0xffff;
	[tilespmem:s7+$0x8600] =	vst v15  }
0x6aa: {  	v18 =	vld.idx.msk [tilespmem:v18+s28+$0x0], $0xffff  }
0x6ab: {  	v14 =	vld [tilespmem:s7+$0xA30]  }
0x6ac: {  	v12 =	vld [tilespmem:s7+$0x630];
	[tilespmem:s7+$0x8690] =	vst v25  }
0x6ad: {  	v29 =	vld.idx.msk [tilespmem:v35+s28+$0x0], $0xffff;
	[tilespmem:s6+$0x8A80] =	vst v11  }
0x6ae: {  	v11 =	vld.idx.msk [tilespmem:v34+s28+$0x0], $0xffff  }
0x6af: {  	[tilespmem:s7+$0x8610] =	vst v18;
	v18 =	vld.idx.msk [tilespmem:v39+s28+$0x0], $0xffff  }
0x6b0: {  	v20 =	vld.idx.msk [tilespmem:v20+s28+$0x0], $0xffff  }
0x6b1: {  	v39 =	vld [tilespmem:s7+$0x6C0]  }
0x6b2: {  	v9 =	vld [tilespmem:s7+$0x660];
	[tilespmem:s7+$0x86A0] =	vst v29  }
0x6b3: {  	v25 =	vld.idx.msk [tilespmem:v37+s28+$0x0], $0xffff;
	[tilespmem:s6+$0x8A90] =	vst v11  }
0x6b4: {  	[tilespmem:s6+$0x8660] =	vst v18;
	v18 =	vld.idx.msk [tilespmem:v36+s28+$0x0], $0xffff  }
0x6b5: {  	[tilespmem:s7+$0x8620] =	vst v20;
	v20 =	vld.idx.msk [tilespmem:v41+s28+$0x0], $0xffff  }
0x6b6: {  	v40 =	vld.idx.msk [tilespmem:v12+s28+$0x0], $0xffff  }
0x6b7: {  	v15 =	vld [tilespmem:s7+$0x650]  }
0x6b8: {  	[tilespmem:s7+$0x86B0] =	vst v25;
	v41 =	vld [tilespmem:s7+$0x6D0]  }
0x6b9: {  	v25 =	vld.idx.msk [tilespmem:v39+s28+$0x0], $0xffff;
	[tilespmem:s6+$0x8AA0] =	vst v18  }
0x6ba: {  	[tilespmem:s6+$0x8670] =	vst v20;
	v20 =	vld.idx.msk [tilespmem:v38+s28+$0x0], $0xffff  }
0x6bb: {  	[tilespmem:s7+$0x8630] =	vst v40;
	v17 =	vld.idx.msk [tilespmem:v17+s28+$0x0], $0xffff  }
0x6bc: {  	[tilespmem:s5+$0x8AB0] =	vst v22;
	v42 =	vld.idx.msk [tilespmem:v33+s28+$0x0], $0xffff  }
0x6bd: {  	[tilespmem:s25+$0x8A20] =	vst v19;
	v11 =	vld [tilespmem:s7+$0xA10]  }
0x6be: {  	v18 =	vld [tilespmem:s7+$0x6E0];
	[tilespmem:s7+$0x86C0] =	vst v25  }
0x6bf: {  	v12 =	vld [tilespmem:s7+$0xA00];
	[tilespmem:s6+$0x8AB0] =	vst v20  }
0x6c0: {  	v19 =	vld.idx.msk [tilespmem:v41+s28+$0x0], $0xffff;
	[tilespmem:s6+$0x8A00] =	vst v17  }
0x6c1: {  	s9 =	simm.s32 $0x400;
	s10 =	simm.s32 $0x800;
	s8 =	simm.s32 $0x6;
	[tilespmem:s7+$0x8640] =	vst v42;
	v17 =	vld.idx.msk [tilespmem:v21+s28+$0x0], $0xffff  }
.LBB2_50:
0x6c2: {  	s11 =	sand.u32 $0x3800, s10;
	s12 =	sand.u32 $0x300, s9;
	s8 =	sadd.s32 $0x2, s8;
	v15 =	vld.idx.msk [tilespmem:v15+s28+$0x0], $0xffff  }
0x6c3: {  	s11 =	sor.u32 s12, s11;
	p0 =	slt.u32 s8, $0x3E;
	[tilespmem:s5+$0x8A20] =	vst v16;
	v16 =	vld.idx.msk [tilespmem:v5+s28+$0x0], $0xffff;
	v5 =	vmov v6;
	v6 =	vmov v8  }
0x6c4: {  	v20 =	vld [tilespmem:s11+$0x680]  }
0x6c5: {  	[tilespmem:s7+$0x86D0] =	vst v19;
	v19 =	vld [tilespmem:s7+$0x6F0];
	v8 =	vmov v14  }
0x6c6: {  	v14 =	vld.idx.msk [tilespmem:v18+s28+$0x0], $0xffff  }
0x6c7: {  	v18 =	vld [tilespmem:s11+$0x600];
	[tilespmem:s6+$0x8A10] =	vst v17  }
0x6c8: {  	v17 =	vld [tilespmem:s11+$0x610];
	[tilespmem:s7+$0x8650] =	vst v15  }
0x6c9: {  	v21 =	vld [tilespmem:s11+$0x620];
	[tilespmem:s25+$0x8A30] =	vst v16;
	s25 =	smov.u32 s5;
	s5 =	smov.u32 s6;
	s6 =	smov.u32 s7  }
0x6ca: {  	s7 =	smov.u32 s11;
	v15 =	vld [tilespmem:s6+$0xA80]  }
0x6cb: {  	v16 =	vld [tilespmem:s7+$0x690]  }
0x6cc: {  	v20 =	vld.idx.msk [tilespmem:v20+s28+$0x0], $0xffff;
	[tilespmem:s6+$0x86E0] =	vst v14  }
0x6cd: {  	v14 =	vld.idx.msk [tilespmem:v19+s28+$0x0], $0xffff  }
0x6ce: {  	v19 =	vld [tilespmem:s7+$0x630]  }
0x6cf: {  	v18 =	vld.idx.msk [tilespmem:v18+s28+$0x0], $0xffff  }
0x6d0: {  	v22 =	vld [tilespmem:s7+$0x640]  }
0x6d1: {  	v23 =	vld [tilespmem:s6+$0xA90]  }
0x6d2: {  	[tilespmem:s7+$0x8680] =	vst v20;
	v20 =	vld [tilespmem:s7+$0x6A0]  }
0x6d3: {  	v16 =	vld.idx.msk [tilespmem:v16+s28+$0x0], $0xffff;
	[tilespmem:s6+$0x86F0] =	vst v14  }
0x6d4: {  	v14 =	vld.idx.msk [tilespmem:v15+s28+$0x0], $0xffff  }
0x6d5: {  	[tilespmem:s7+$0x8600] =	vst v18;
	v15 =	vld [tilespmem:s7+$0x650]  }
0x6d6: {  	v17 =	vld.idx.msk [tilespmem:v17+s28+$0x0], $0xffff  }
0x6d7: {  	v18 =	vld [tilespmem:s7+$0x660]  }
0x6d8: {  	v24 =	vld [tilespmem:s6+$0xAA0]  }
0x6d9: {  	[tilespmem:s7+$0x8690] =	vst v16;
	v16 =	vld [tilespmem:s7+$0x6B0]  }
0x6da: {  	v20 =	vld.idx.msk [tilespmem:v20+s28+$0x0], $0xffff;
	[tilespmem:s6+$0x8A80] =	vst v14  }
0x6db: {  	v14 =	vld.idx.msk [tilespmem:v23+s28+$0x0], $0xffff  }
0x6dc: {  	[tilespmem:s7+$0x8610] =	vst v17;
	v17 =	vld.idx.msk [tilespmem:v9+s28+$0x0], $0xffff;
	v9 =	vmov v18  }
0x6dd: {  	v18 =	vld.idx.msk [tilespmem:v21+s28+$0x0], $0xffff  }
0x6de: {  	v21 =	vld [tilespmem:s7+$0x670]  }
0x6df: {  	v23 =	vld [tilespmem:s6+$0xAB0]  }
0x6e0: {  	[tilespmem:s7+$0x86A0] =	vst v20;
	v20 =	vld [tilespmem:s7+$0x6C0]  }
0x6e1: {  	v16 =	vld.idx.msk [tilespmem:v16+s28+$0x0], $0xffff;
	[tilespmem:s6+$0x8A90] =	vst v14  }
0x6e2: {  	[tilespmem:s6+$0x8660] =	vst v17;
	v14 =	vld.idx.msk [tilespmem:v24+s28+$0x0], $0xffff  }
0x6e3: {  	[tilespmem:s7+$0x8620] =	vst v18;
	v17 =	vld.idx.msk [tilespmem:v10+s28+$0x0], $0xffff;
	v10 =	vmov v21  }
0x6e4: {  	v18 =	vld.idx.msk [tilespmem:v19+s28+$0x0], $0xffff  }
0x6e5: {  	v19 =	vld [tilespmem:s7+$0xA00]  }
0x6e6: {  	v21 =	vld [tilespmem:s7+$0xA10]  }
0x6e7: {  	[tilespmem:s7+$0x86B0] =	vst v16;
	v24 =	vld [tilespmem:s7+$0x6D0]  }
0x6e8: {  	v20 =	vld.idx.msk [tilespmem:v20+s28+$0x0], $0xffff;
	[tilespmem:s6+$0x8AA0] =	vst v14  }
0x6e9: {  	[tilespmem:s6+$0x8670] =	vst v17;
	v14 =	vld.idx.msk [tilespmem:v23+s28+$0x0], $0xffff  }
0x6ea: {  	[tilespmem:s7+$0x8630] =	vst v18;
	v17 =	vld.idx.msk [tilespmem:v12+s28+$0x0], $0xffff;
	v12 =	vmov v19  }
0x6eb: {  	v22 =	vld.idx.msk [tilespmem:v22+s28+$0x0], $0xffff  }
0x6ec: {  	v23 =	vld [tilespmem:s7+$0xA20]  }
.Ltmp24:
0x6ed: {  	v16 =	vld.idx.msk [tilespmem:v7+s28+$0x0], $0xffff;
	v7 =	vmov v13;
	(pc) =	sbr.rel @p0 .LBB2_50-.Ltmp24, $4  }
0x6ee: {  	[tilespmem:s7+$0x86C0] =	vst v20;
	v18 =	vld [tilespmem:s7+$0x6E0]  }
0x6ef: {  	v19 =	vld.idx.msk [tilespmem:v24+s28+$0x0], $0xffff;
	[tilespmem:s6+$0x8AB0] =	vst v14  }
0x6f0: {  	v14 =	vld [tilespmem:s7+$0xA30];
	[tilespmem:s6+$0x8A00] =	vst v17  }
0x6f1: {  	s9 =	sadd.s32 $0x100, s9;
	s10 =	sadd.s32 $0x200, s10;
	[tilespmem:s7+$0x8640] =	vst v22;
	v17 =	vld.idx.msk [tilespmem:v11+s28+$0x0], $0xffff;
	v11 =	vmov v21;
	v13 =	vmov v23  }
0x6f2: {  	_ =	sdelay $0x3  }
0x6f3: {  	v15 =	vld.idx.msk [tilespmem:v15+s28+$0x0], $0xffff;
	_ =	sdelay $0x1  }
0x6f4: {  	v40 =	vld [tilespmem:s7+$0x6F0]  }
0x6f5: {  	[tilespmem:s7+$0x86D0] =	vst v19  }
0x6f6: {  	v18 =	vld.idx.msk [tilespmem:v18+s28+$0x0], $0xffff  }
0x6f7: {  	[tilespmem:s7+$0x8650] =	vst v15  }
0x6f8: {  	v9 =	vld.idx.msk [tilespmem:v9+s28+$0x0], $0xffff;
	_ =	sdelay $0x1  }
0x6f9: {  	v41 =	vld [tilespmem:s7+$0xA80]  }
0x6fa: {  	[tilespmem:s7+$0x86E0] =	vst v18  }
0x6fb: {  	v18 =	vld.idx.msk [tilespmem:v40+s28+$0x0], $0xffff  }
0x6fc: {  	[tilespmem:s7+$0x8660] =	vst v9  }
0x6fd: {  	v9 =	vld.idx.msk [tilespmem:v10+s28+$0x0], $0xffff;
	_ =	sdelay $0x1  }
0x6fe: {  	v10 =	vld [tilespmem:s7+$0xA90]  }
0x6ff: {  	[tilespmem:s7+$0x86F0] =	vst v18  }
0x700: {  	v15 =	vld.idx.msk [tilespmem:v41+s28+$0x0], $0xffff  }
0x701: {  	[tilespmem:s7+$0x8670] =	vst v9  }
0x702: {  	v9 =	vld.idx.msk [tilespmem:v12+s28+$0x0], $0xffff;
	_ =	sdelay $0x1  }
0x703: {  	v42 =	vld [tilespmem:s7+$0xAA0]  }
0x704: {  	[tilespmem:s7+$0x8A80] =	vst v15  }
0x705: {  	v10 =	vld.idx.msk [tilespmem:v10+s28+$0x0], $0xffff  }
0x706: {  	[tilespmem:s7+$0x8A00] =	vst v9  }
0x707: {  	v9 =	vld.idx.msk [tilespmem:v11+s28+$0x0], $0xffff;
	_ =	sdelay $0x1  }
0x708: {  	v11 =	vld [tilespmem:s7+$0xAB0]  }
0x709: {  	[tilespmem:s7+$0x8A90] =	vst v10  }
0x70a: {  	[tilespmem:s6+$0x8A10] =	vst v17;
	v10 =	vld.idx.msk [tilespmem:v42+s28+$0x0], $0xffff  }
0x70b: {  	v7 =	vld.idx.msk [tilespmem:v7+s28+$0x0], $0xffff;
	[tilespmem:s7+$0x8A10] =	vst v9  }
0x70c: {  	v9 =	vld.idx.msk [tilespmem:v13+s28+$0x0], $0xffff;
	_ =	sdelay $0x1  }
0x70d: {  	v5 =	vld.idx.msk [tilespmem:v5+s28+$0x0], $0xffff;
	[tilespmem:s5+$0x8A20] =	vst v16  }
0x70e: {  	v6 =	vld.idx.msk [tilespmem:v6+s28+$0x0], $0xffff;
	[tilespmem:s7+$0x8AA0] =	vst v10  }
0x70f: {  	[tilespmem:s6+$0x8A20] =	vst v7;
	v10 =	vld.idx.msk [tilespmem:v11+s28+$0x0], $0xffff  }
0x710: {  	v7 =	vld.idx.msk [tilespmem:v8+s28+$0x0], $0xffff;
	v8 =	vmov s2;
	[tilespmem:s7+$0x8A20] =	vst v9  }
0x711: {  	p3 =	por $0x1, $0x1;
	v8 =	vshrl.u32 v8, $0x3;
	v9 =	vld.idx.msk [tilespmem:v14+s28+$0x0], $0xffff  }
.Ltmp25:
0x712: {  	[tilespmem:s25+$0x8A30] =	vst v5;
	v5 =	vshll.u32 v8, $0xB;
	(pc) =	sbr.rel @!p3 .LBB2_52-.Ltmp25, $4  }
0x713: {  	[tilespmem:s5+$0x8A30] =	vst v6;
	v5 =	vor.u32 $0x400, v5  }
0x714: {  	[tilespmem:s7+$0x8AB0] =	vst v10;
	v10 =	vbroadcast v5, $0x0  }
0x715: {  	p0 =	por $0x0, $0x0;
	[tilespmem:s6+$0x8A30] =	vst v7  }
0x716: {  	p1 =	por $0x0, $0x0;
	p2 =	por $0x0, $0x0;
	s2 =	simm.s32 $0x8;
	v6 =	vor.u32 v60, v10;
	v8 =	vor.u32 v62, v10;
	v5 =	vor.u32 v61, v10;
	[tilespmem:s7+$0x8A30] =	vst v9  }
0x717: {  	_ = 	snop  }
0x718: {  	v7 =	vmov s2  }
0x719: {  	v11 =	vor.u32 v63, v10;
	p3 =	por $0x1, $0x1;
	v7 =	vshrl.u32 v7, $0x3  }
.Ltmp26:
0x71a: {  	v7 =	vshll.u32 v7, $0xB;
	(pc) =	sbr.rel @!p3 .LBB2_54-.Ltmp26, $4  }
0x71b: {  	v14 =	vld.idx.msk [tilespmem:v6+s22+$0x0], $0xffff;
	v7 =	vor.u32 $0x400, v7  }
0x71c: {  	v15 =	vld.idx.msk [tilespmem:v5+s22+$0x0], $0xffff;
	v10 =	vbroadcast v7, $0x0  }
0x71d: {  	v19 =	vld.idx.msk [tilespmem:v8+s22+$0x0], $0xffff  }
0x71e: {  	s2 =	simm.s32 $0x10;
	p0 =	por $0x1, $0x1;
	v16 =	vld.idx.msk [tilespmem:v11+s22+$0x0], $0xffff;
	v25 =	vor.u32 v60, v10;
	v13 =	vor.u32 v62, v10;
	v24 =	vor.u32 v61, v10  }
0x71f: {  	v17 =	vor.u32 v63, v10;
	_ =	sdelay $0x3  }
0x720: {  	v18 =	vld.idx.msk [tilespmem:v25+s22+$0x0], $0xffff  }
0x721: {  	v7 =	vmov s2;
	v22 =	vld.idx.msk [tilespmem:v17+s22+$0x0], $0xffff  }
0x722: {  	v20 =	vld.idx.msk [tilespmem:v24+s22+$0x0], $0xffff;
	p3 =	por $0x1, $0x1;
	v7 =	vshrl.u32 v7, $0x3  }
.Ltmp27:
0x723: {  	v7 =	vshll.u32 v7, $0xB;
	(pc) =	sbr.rel @!p3 .LBB2_56-.Ltmp27, $4  }
0x724: {  	v7 =	vor.u32 $0x400, v7  }
0x725: {  	v10 =	vbroadcast v7, $0x0  }
0x726: {  	v32 =	vld.idx.msk [tilespmem:v13+s22+$0x0], $0xffff  }
0x727: {  	s2 =	simm.s32 $0x18;
	p1 =	por $0x1, $0x1;
	v19 =	vld.idx.msk [tilespmem:v19+s28+$0x0], $0xffff;
	v7 =	vor.u32 v60, v10;
	v27 =	vor.u32 v62, v10;
	v9 =	vor.u32 v61, v10  }
0x728: {  	_ =	sdelay $0x3  }
0x729: {  	v23 =	vld.idx.msk [tilespmem:v14+s28+$0x0], $0xffff;
	_ =	sdelay $0x2  }
0x72a: {  	v12 =	vmov s2;
	v30 =	vor.u32 v63, v10;
	v28 =	vld.idx.msk [tilespmem:v16+s28+$0x0], $0xffff  }
0x72b: {  	v21 =	vld.idx.msk [tilespmem:v15+s28+$0x0], $0xffff;
	p3 =	por $0x1, $0x1;
	v12 =	vshrl.u32 v12, $0x3  }
.Ltmp28:
0x72c: {  	v33 =	vld.idx.msk [tilespmem:v7+s22+$0x0], $0xffff;
	v10 =	vshll.u32 v12, $0xB;
	[tilespmem:v6+s29+$0x0] =	vst.idx.msk $0xffff, v23;
	v23 =	vmov v5;
	(pc) =	sbr.rel @!p3 .LBB2_58-.Ltmp28, $4  }
0x72d: {  	v34 =	vld.idx.msk [tilespmem:v9+s22+$0x0], $0xffff;
	v10 =	vor.u32 $0x400, v10  }
0x72e: {  	v35 =	vld.idx.msk [tilespmem:v27+s22+$0x0], $0xffff;
	v10 =	vbroadcast v10, $0x0;
	[tilespmem:v8+s29+$0x0] =	vst.idx.msk $0xffff, v19  }
0x72f: {  	v39 =	vld.idx.msk [tilespmem:v30+s22+$0x0], $0xffff;
	[tilespmem:v11+s29+$0x0] =	vst.idx.msk $0xffff, v28  }
0x730: {  	s2 =	simm.s32 $0xC;
	s5 =	simm.s32 $0x20;
	p2 =	por $0x1, $0x1;
	v26 =	vld.idx.msk [tilespmem:v32+s28+$0x0], $0xffff;
	v41 =	vor.u32 v60, v10;
	v12 =	vor.u32 v62, v10;
	v42 =	vor.u32 v61, v10  }
.LBB2_59:
0x731: {  	v28 =	vmov s5;
	s2 =	sadd.s32 $0x4, s2;
	v29 =	vld.idx.msk [tilespmem:v18+s28+$0x0], $0xffff;
	[tilespmem:v23+s29+$0x0] =	vst.idx.msk $0xffff, v21;
	v18 =	vmovc v33;
	v31 =	vmovc v25;
	v25 =	vmov v7;
	v7 =	vmov v41  }
0x732: {  	v23 =	vmovc v24;
	v24 =	vmovc v9;
	v9 =	vmov v42;
	v21 =	vshrl.u32 v28, $0x3;
	p3 =	slt.u32 s2, $0x1C;
	v28 =	vor.u32 v63, v10;
	v32 =	vld.idx.msk [tilespmem:v22+s28+$0x0], $0xffff  }
0x733: {  	v10 =	vshll.u32 v21, $0xB;
	v21 =	vld.idx.msk [tilespmem:v20+s28+$0x0], $0xffff;
	v20 =	vmov v34;
	v36 =	vmov v35  }
.Ltmp29:
0x734: {  	v10 =	vor.u32 $0x400, v10;
	v33 =	vld.idx.msk [tilespmem:v41+s22+$0x0], $0xffff;
	v22 =	vmov v39;
	(pc) =	sbr.rel @p3 .LBB2_59-.Ltmp29, $4  }
0x735: {  	v10 =	vbroadcast v10, $0x0;
	v34 =	vld.idx.msk [tilespmem:v42+s22+$0x0], $0xffff  }
0x736: {  	v35 =	vld.idx.msk [tilespmem:v12+s22+$0x0], $0xffff;
	[tilespmem:v13+s29+$0x0] =	vst.idx.msk $0xffff, v26;
	v13 =	vmov v27;
	v27 =	vmov v12  }
0x737: {  	v41 =	vor.u32 v60, v10;
	v12 =	vor.u32 v62, v10;
	v39 =	vld.idx.msk [tilespmem:v28+s22+$0x0], $0xffff;
	[tilespmem:v31+s29+$0x0] =	vst.idx.msk $0xffff, v29  }
0x738: {  	s5 =	sadd.s32 $0x8, s5;
	v42 =	vor.u32 v61, v10;
	v26 =	vld.idx.msk [tilespmem:v36+s28+$0x0], $0xffff;
	[tilespmem:v17+s29+$0x0] =	vst.idx.msk $0xffff, v32;
	v17 =	vmov v30;
	v30 =	vmov v28  }
0x739: {  	v31 =	vmov v18;
	v28 =	vmov v7  }
0x73a: {  	v37 =	vmovc v22;
	v29 =	vmovc v9;
	v40 =	vmov v20;
	v38 =	vmov v13;
	v36 =	vmov v17  }
0x73b: {  	v18 =	vmovc v33;
	v33 =	vmovc v25;
	v7 =	vmov v41;
	v25 =	vmov v24;
	v9 =	vmov v42  }
0x73c: {  	v13 =	vmovc v27;
	v17 =	vmovc v30;
	v20 =	vmov v34;
	v32 =	vmov v35;
	v22 =	vmov v39  }
.LBB2_61:
0x73d: {  	_ =	sdelay $0x3  }
0x73e: {  	v24 =	vld.idx.msk @p1 [tilespmem:v31+s28+$0x0], $0xffff  }
0x73f: {  	v10 =	vor.u32 v63, v10;
	v27 =	vld.idx.msk @p1 [tilespmem:v37+s28+$0x0], $0xffff  }
0x740: {  	v30 =	vld.idx.msk @p1 [tilespmem:v40+s28+$0x0], $0xffff;
	v31 =	vmov @p0 v32  }
0x741: {  	v40 =	vld.idx.msk [tilespmem:v7+s22+$0x0], $0xffff;
	v14 =	vpsel p0, v18, v14;
	v18 =	vmov @p0 v20  }
0x742: {  	v20 =	vld.idx.msk [tilespmem:v12+s22+$0x0], $0xffff;
	v16 =	vpsel p0, v22, v16  }
0x743: {  	v22 =	vmov @p1 v33;
	v41 =	vld.idx.msk [tilespmem:v9+s22+$0x0], $0xffff;
	v15 =	vpsel p0, v18, v15  }
0x744: {  	v18 =	vmov @p1 v25;
	v42 =	vld.idx.msk [tilespmem:v10+s22+$0x0], $0xffff  }
0x745: {  	[tilespmem:v23+s29+$0x0] =	vst.idx.msk @p2 $0xffff, v21;
	v21 =	vmov @p0 v28;
	v18 =	vpsel p1, v18, v0;
	v23 =	vld.idx.msk @p0 [tilespmem:v31+s28+$0x0], $0xffff  }
0x746: {  	v8 =	vpsel p0, v13, v8;
	v6 =	vpsel p0, v21, v6;
	v13 =	vld.idx.msk @p0 [tilespmem:v14+s28+$0x0], $0xffff  }
0x747: {  	v28 =	vmov @p0 v29;
	[tilespmem:v38+s29+$0x0] =	vst.idx.msk @p1 $0xffff, v26;
	v14 =	vmov @p0 v17;
	v16 =	vld.idx.msk @p0 [tilespmem:v16+s28+$0x0], $0xffff  }
0x748: {  	v5 =	vpsel p0, v28, v5;
	[tilespmem:v22+s29+$0x0] =	vst.idx.msk @p1 $0xffff, v24;
	v11 =	vpsel p0, v14, v11;
	v14 =	vld.idx.msk @p0 [tilespmem:v15+s28+$0x0], $0xffff  }
0x749: {  	v5 =	vpsel p0, v5, v0;
	[tilespmem:v36+s29+$0x0] =	vst.idx.msk @p1 $0xffff, v27;
	v15 =	vpsel p1, v30, v0  }
0x74a: {  	[tilespmem:v18+s29+$0x0] =	vst.idx.msk @p1 $0xffff, v15;
	v15 =	vld.idx.msk [tilespmem:v20+s28+$0x0], $0xffff  }
0x74b: {  	v17 =	vpsel p0, v23, v19;
	[tilespmem:v6+s29+$0x0] =	vst.idx.msk @p0 $0xffff, v13;
	v13 =	vld.idx.msk [tilespmem:v41+s28+$0x0], $0xffff  }
0x74c: {  	[tilespmem:v8+s29+$0x0] =	vst.idx.msk @p0 $0xffff, v17;
	v8 =	vld.idx.msk [tilespmem:v40+s28+$0x0], $0xffff  }
0x74d: {  	[tilespmem:v11+s29+$0x0] =	vst.idx.msk @p0 $0xffff, v16;
	v11 =	vpsel p0, v14, v0;
	v6 =	vld.idx.msk [tilespmem:v42+s28+$0x0], $0xffff  }
0x74e: {  	[tilespmem:v5+s29+$0x0] =	vst.idx.msk @p0 $0xffff, v11  }
0x74f: {  	[tilespmem:v12+s29+$0x0] =	vst.idx.msk $0xffff, v15  }
0x750: {  	[tilespmem:v9+s29+$0x0] =	vst.idx.msk $0xffff, v13  }
0x751: {  	[tilespmem:v7+s29+$0x0] =	vst.idx.msk $0xffff, v8  }
0x752: {  	s2 =	simm.s32 $0x0;
	[tilespmem:v10+s29+$0x0] =	vst.idx.msk $0xffff, v6  }
0x753: {  	[tilespmem:s22], [sflag:$0x1] =	stream.linear.gather [hbm4b:s15+s2], $0x4000, $0x38;
	[tilespmem:$0x10600] =	vst v63  }
0x754: {  	_ = 	snop  }
0x755: {  	[hbm4b:s16+s2] =	stream.linear.scatter [tilespmem:s29], [sflag:$0x3], $0x4000, $0x38;
	[tilespmem:$0x10600] =	vst v63  }
0x756: {  	_ =	swait.ge [sflag:s30], $0x4000  }
0x757: {  	[sflag:s30] =	ssyncset.done $0x0  }
0x758: {  	[sflag:s30] =	ssyncadd.s32 $0xFFFFC000  }
0x759: {  	_ =	swait.ge [sflag:s4], $0x4000  }
0x75a: {  	s5 =	sand.u32 $0x3800, s2;
	s6 =	sand.u32 $0x300, s2;
	[sflag:s4] =	ssyncset.done $0x0  }
0x75b: {  	s25 =	sor.u32 s6, s5;
	[sflag:s4] =	ssyncadd.s32 $0xFFFFC000  }
0x75c: {  	v5 =	vld [tilespmem:s25+$0x4680]  }
0x75d: {  	v6 =	vld [tilespmem:s25+$0x4600]  }
0x75e: {  	v7 =	vld [tilespmem:s25+$0x4690]  }
0x75f: {  	v8 =	vld [tilespmem:s25+$0x4610]  }
0x760: {  	v9 =	vld [tilespmem:s25+$0x4620]  }
0x761: {  	v10 =	vld [tilespmem:s25+$0x4630]  }
0x762: {  	v11 =	vld [tilespmem:s25+$0x4640]  }
0x763: {  	v12 =	vld [tilespmem:s25+$0x4650]  }
0x764: {  	s9 =	simm.s32 $0x100;
	s10 =	simm.s32 $0x200;
	v13 =	vld [tilespmem:s25+$0x4660]  }
0x765: {  	s6 =	sand.u32 $0x3800, s10;
	s5 =	sand.u32 $0x300, s9;
	v15 =	vld [tilespmem:s25+$0x4A10]  }
0x766: {  	s5 =	sor.u32 s5, s6;
	v5 =	vld.idx.msk [tilespmem:v5+s28+$0x0], $0xffff  }
0x767: {  	v14 =	vld [tilespmem:s5+$0x4680]  }
0x768: {  	v16 =	vld [tilespmem:s5+$0x4610]  }
0x769: {  	v6 =	vld.idx.msk [tilespmem:v6+s28+$0x0], $0xffff  }
0x76a: {  	v17 =	vld [tilespmem:s5+$0x4690]  }
0x76b: {  	[tilespmem:s25+$0xC680] =	vst v5;
	v5 =	vld [tilespmem:s25+$0x46A0]  }
0x76c: {  	v7 =	vld.idx.msk [tilespmem:v7+s28+$0x0], $0xffff  }
0x76d: {  	v18 =	vld [tilespmem:s25+$0x4A80]  }
0x76e: {  	v19 =	vld [tilespmem:s5+$0x4620];
	[tilespmem:s25+$0xC600] =	vst v6  }
0x76f: {  	v6 =	vld.idx.msk [tilespmem:v8+s28+$0x0], $0xffff  }
0x770: {  	v20 =	vld [tilespmem:s25+$0x4A90]  }
0x771: {  	[tilespmem:s25+$0xC690] =	vst v7;
	v7 =	vld [tilespmem:s25+$0x46B0]  }
0x772: {  	v32 =	vld [tilespmem:s5+$0x4640]  }
0x773: {  	s11 =	simm.s32 $0x200;
	s7 =	simm.s32 $0x400;
	v5 =	vld.idx.msk [tilespmem:v5+s28+$0x0], $0xffff  }
0x774: {  	s7 =	sand.u32 $0x3800, s7;
	s6 =	sand.u32 $0x300, s11;
	v33 =	vld [tilespmem:s5+$0x4660];
	[tilespmem:s25+$0xC610] =	vst v6  }
0x775: {  	s6 =	sor.u32 s6, s7;
	v6 =	vld.idx.msk [tilespmem:v9+s28+$0x0], $0xffff  }
0x776: {  	v34 =	vld [tilespmem:s6+$0x4690]  }
0x777: {  	v35 =	vld [tilespmem:s6+$0x4620]  }
0x778: {  	[tilespmem:s25+$0xC6A0] =	vst v5;
	v5 =	vld [tilespmem:s25+$0x46C0]  }
0x779: {  	v7 =	vld.idx.msk [tilespmem:v7+s28+$0x0], $0xffff  }
0x77a: {  	v36 =	vld [tilespmem:s5+$0x4A90];
	[tilespmem:s25+$0xC620] =	vst v6  }
0x77b: {  	v6 =	vld.idx.msk [tilespmem:v10+s28+$0x0], $0xffff  }
0x77c: {  	v37 =	vld [tilespmem:s6+$0x4640]  }
0x77d: {  	v38 =	vld [tilespmem:s6+$0x46B0]  }
0x77e: {  	[tilespmem:s25+$0xC6B0] =	vst v7;
	v7 =	vld [tilespmem:s25+$0x46D0]  }
0x77f: {  	v14 =	vld.idx.msk [tilespmem:v14+s28+$0x0], $0xffff  }
0x780: {  	[tilespmem:s25+$0xC630] =	vst v6;
	v5 =	vld.idx.msk [tilespmem:v5+s28+$0x0], $0xffff  }
0x781: {  	v6 =	vld.idx.msk [tilespmem:v11+s28+$0x0], $0xffff  }
0x782: {  	v39 =	vld [tilespmem:s6+$0x4660]  }
0x783: {  	v40 =	vld [tilespmem:s5+$0x4AB0]  }
0x784: {  	[tilespmem:s5+$0xC680] =	vst v14;
	v14 =	vld [tilespmem:s5+$0x46A0]  }
0x785: {  	v11 =	vld [tilespmem:s25+$0x46E0];
	[tilespmem:s25+$0xC6C0] =	vst v5  }
0x786: {  	[tilespmem:s25+$0xC640] =	vst v6;
	v7 =	vld.idx.msk [tilespmem:v7+s28+$0x0], $0xffff  }
0x787: {  	v6 =	vld.idx.msk [tilespmem:v12+s28+$0x0], $0xffff  }
0x788: {  	v12 =	vld [tilespmem:s5+$0x4600]  }
0x789: {  	v17 =	vld.idx.msk [tilespmem:v17+s28+$0x0], $0xffff  }
0x78a: {  	v41 =	vld [tilespmem:s6+$0x4670]  }
0x78b: {  	[tilespmem:s25+$0xC6D0] =	vst v7;
	v7 =	vld [tilespmem:s25+$0x46F0]  }
0x78c: {  	v42 =	vld [tilespmem:s6+$0x4A80]  }
0x78d: {  	v11 =	vld.idx.msk [tilespmem:v11+s28+$0x0], $0xffff  }
0x78e: {  	v8 =	vld [tilespmem:s25+$0x4A20];
	[tilespmem:s5+$0xC690] =	vst v17  }
0x78f: {  	v14 =	vld.idx.msk [tilespmem:v14+s28+$0x0], $0xffff  }
0x790: {  	v12 =	vld.idx.msk [tilespmem:v12+s28+$0x0], $0xffff  }
0x791: {  	v17 =	vld [tilespmem:s5+$0x46B0]  }
0x792: {  	v9 =	vld [tilespmem:s25+$0x4670];
	[tilespmem:s25+$0xC6E0] =	vst v11  }
0x793: {  	v7 =	vld.idx.msk [tilespmem:v7+s28+$0x0], $0xffff  }
0x794: {  	v10 =	vld [tilespmem:s25+$0x4A00];
	[tilespmem:s5+$0xC6A0] =	vst v14  }
0x795: {  	v14 =	vld [tilespmem:s5+$0x46C0];
	[tilespmem:s5+$0xC600] =	vst v12  }
0x796: {  	v16 =	vld.idx.msk [tilespmem:v16+s28+$0x0], $0xffff  }
0x797: {  	v5 =	vld [tilespmem:s25+$0x4A30]  }
0x798: {  	v11 =	vld [tilespmem:s5+$0x4630];
	[tilespmem:s25+$0xC6F0] =	vst v7  }
0x799: {  	v7 =	vld.idx.msk [tilespmem:v18+s28+$0x0], $0xffff  }
0x79a: {  	v12 =	vld [tilespmem:s5+$0x4650]  }
0x79b: {  	[tilespmem:s5+$0xC610] =	vst v16;
	v16 =	vld.idx.msk [tilespmem:v17+s28+$0x0], $0xffff  }
0x79c: {  	v17 =	vld [tilespmem:s25+$0x4AB0]  }
0x79d: {  	[tilespmem:s25+$0xC650] =	vst v6;
	v18 =	vld [tilespmem:s25+$0x4AA0]  }
0x79e: {  	[tilespmem:s25+$0xCA80] =	vst v7;
	v7 =	vld.idx.msk [tilespmem:v13+s28+$0x0], $0xffff  }
0x79f: {  	v13 =	vld.idx.msk [tilespmem:v19+s28+$0x0], $0xffff  }
0x7a0: {  	[tilespmem:s5+$0xC6B0] =	vst v16;
	v16 =	vld [tilespmem:s5+$0x4A00]  }
0x7a1: {  	v14 =	vld.idx.msk [tilespmem:v14+s28+$0x0], $0xffff  }
0x7a2: {  	v19 =	vld [tilespmem:s5+$0x4670]  }
0x7a3: {  	v6 =	vld.idx.msk [tilespmem:v20+s28+$0x0], $0xffff;
	[tilespmem:s25+$0xC660] =	vst v7  }
0x7a4: {  	[tilespmem:s5+$0xC620] =	vst v13;
	v7 =	vld.idx.msk [tilespmem:v9+s28+$0x0], $0xffff  }
0x7a5: {  	v9 =	vld.idx.msk [tilespmem:v11+s28+$0x0], $0xffff  }
0x7a6: {  	v11 =	vld [tilespmem:s5+$0x46D0]  }
0x7a7: {  	v20 =	vld [tilespmem:s5+$0x4A80];
	[tilespmem:s5+$0xC6C0] =	vst v14  }
0x7a8: {  	v14 =	vld [tilespmem:s5+$0x4A20];
	[tilespmem:s25+$0xCA90] =	vst v6  }
0x7a9: {  	v6 =	vld.idx.msk [tilespmem:v18+s28+$0x0], $0xffff;
	[tilespmem:s25+$0xC670] =	vst v7  }
0x7aa: {  	[tilespmem:s5+$0xC630] =	vst v9;
	v7 =	vld.idx.msk [tilespmem:v10+s28+$0x0], $0xffff  }
0x7ab: {  	v9 =	vld.idx.msk [tilespmem:v32+s28+$0x0], $0xffff  }
0x7ac: {  	v18 =	vld [tilespmem:s5+$0x4A10]  }
0x7ad: {  	v10 =	vld [tilespmem:s5+$0x46E0]  }
0x7ae: {  	[tilespmem:s25+$0xCAA0] =	vst v6;
	v11 =	vld.idx.msk [tilespmem:v11+s28+$0x0], $0xffff  }
0x7af: {  	v6 =	vld [tilespmem:s5+$0x4A30];
	[tilespmem:s25+$0xCA00] =	vst v7  }
0x7b0: {  	[tilespmem:s5+$0xC640] =	vst v9;
	v7 =	vld [tilespmem:s6+$0x4680]  }
0x7b1: {  	s12 =	simm.s32 $0x300;
	s8 =	simm.s32 $0x600;
	v9 =	vld.idx.msk [tilespmem:v12+s28+$0x0], $0xffff  }
0x7b2: {  	s8 =	sand.u32 $0x3800, s8;
	s7 =	sand.u32 $0x300, s12;
	v12 =	vld [tilespmem:s6+$0x4600]  }
0x7b3: {  	s7 =	sor.u32 s7, s8;
	[tilespmem:s5+$0xC6D0] =	vst v11;
	v11 =	vld [tilespmem:s5+$0x46F0]  }
0x7b4: {  	v32 =	vld [tilespmem:s7+$0x4690]  }
0x7b5: {  	v10 =	vld.idx.msk [tilespmem:v10+s28+$0x0], $0xffff  }
0x7b6: {  	v13 =	vld.idx.msk [tilespmem:v17+s28+$0x0], $0xffff  }
0x7b7: {  	v17 =	vld [tilespmem:s6+$0x4610]  }
0x7b8: {  	v7 =	vld.idx.msk [tilespmem:v7+s28+$0x0], $0xffff  }
0x7b9: {  	v15 =	vld.idx.msk [tilespmem:v15+s28+$0x0], $0xffff  }
0x7ba: {  	[tilespmem:s5+$0xC6E0] =	vst v10;
	v12 =	vld.idx.msk [tilespmem:v12+s28+$0x0], $0xffff  }
0x7bb: {  	v10 =	vld.idx.msk [tilespmem:v11+s28+$0x0], $0xffff  }
0x7bc: {  	[tilespmem:s25+$0xCAB0] =	vst v13;
	v13 =	vld [tilespmem:s7+$0x4A20]  }
0x7bd: {  	[tilespmem:s6+$0xC680] =	vst v7;
	v7 =	vld [tilespmem:s6+$0x46A0]  }
0x7be: {  	v11 =	vld [tilespmem:s6+$0x4630]  }
0x7bf: {  	v21 =	vld.idx.msk [tilespmem:v34+s28+$0x0], $0xffff;
	[tilespmem:s6+$0xC600] =	vst v12  }
0x7c0: {  	[tilespmem:s5+$0xC6F0] =	vst v10;
	v17 =	vld.idx.msk [tilespmem:v17+s28+$0x0], $0xffff  }
0x7c1: {  	v10 =	vld.idx.msk [tilespmem:v20+s28+$0x0], $0xffff  }
0x7c2: {  	v12 =	vld [tilespmem:s6+$0x4650]  }
0x7c3: {  	[tilespmem:s5+$0xC650] =	vst v9;
	v34 =	vld [tilespmem:s6+$0x4A90]  }
0x7c4: {  	v20 =	vld [tilespmem:s5+$0x4AA0];
	[tilespmem:s6+$0xC690] =	vst v21  }
0x7c5: {  	[tilespmem:s6+$0xC610] =	vst v17;
	v7 =	vld.idx.msk [tilespmem:v7+s28+$0x0], $0xffff  }
0x7c6: {  	[tilespmem:s5+$0xCA80] =	vst v10;
	v10 =	vld.idx.msk [tilespmem:v33+s28+$0x0], $0xffff  }
0x7c7: {  	v17 =	vld.idx.msk [tilespmem:v35+s28+$0x0], $0xffff  }
0x7c8: {  	v33 =	vld [tilespmem:s7+$0x4640]  }
0x7c9: {  	v35 =	vld [tilespmem:s7+$0x46A0]  }
0x7ca: {  	v9 =	vld.idx.msk [tilespmem:v36+s28+$0x0], $0xffff  }
0x7cb: {  	v36 =	vld [tilespmem:s6+$0x4AA0]  }
0x7cc: {  	[tilespmem:s6+$0xC6A0] =	vst v7;
	v7 =	vld [tilespmem:s6+$0x46C0]  }
0x7cd: {  	[tilespmem:s6+$0xC620] =	vst v17;
	v17 =	vld [tilespmem:s6+$0x4A00]  }
0x7ce: {  	[tilespmem:s5+$0xC660] =	vst v10;
	v21 =	vld.idx.msk [tilespmem:v38+s28+$0x0], $0xffff  }
0x7cf: {  	v10 =	vld.idx.msk [tilespmem:v19+s28+$0x0], $0xffff  }
0x7d0: {  	[tilespmem:s5+$0xCA90] =	vst v9;
	v11 =	vld.idx.msk [tilespmem:v11+s28+$0x0], $0xffff  }
0x7d1: {  	v9 =	vld.idx.msk [tilespmem:v20+s28+$0x0], $0xffff  }
0x7d2: {  	v19 =	vld [tilespmem:s6+$0x46D0]  }
0x7d3: {  	v38 =	vld [tilespmem:s6+$0x4AB0];
	[tilespmem:s6+$0xC6B0] =	vst v21  }
0x7d4: {  	[tilespmem:s5+$0xC670] =	vst v10;
	v20 =	vld.idx.msk [tilespmem:v7+s28+$0x0], $0xffff  }
0x7d5: {  	v21 =	vld [tilespmem:s6+$0x4A10];
	[tilespmem:s6+$0xC630] =	vst v11  }
0x7d6: {  	[tilespmem:s5+$0xCAA0] =	vst v9;
	v9 =	vld.idx.msk [tilespmem:v16+s28+$0x0], $0xffff  }
0x7d7: {  	v10 =	vld.idx.msk [tilespmem:v37+s28+$0x0], $0xffff  }
0x7d8: {  	v11 =	vld [tilespmem:s6+$0x46E0]  }
0x7d9: {  	v37 =	vld [tilespmem:s7+$0x46B0];
	[tilespmem:s6+$0xC6C0] =	vst v20  }
0x7da: {  	[tilespmem:s25+$0xCA10] =	vst v15;
	v15 =	vld.idx.msk [tilespmem:v19+s28+$0x0], $0xffff  }
0x7db: {  	v22 =	vld.idx.msk [tilespmem:v40+s28+$0x0], $0xffff;
	[tilespmem:s5+$0xCA00] =	vst v9  }
0x7dc: {  	[tilespmem:s6+$0xC640] =	vst v10;
	v9 =	vld [tilespmem:s7+$0x4680]  }
0x7dd: {  	v10 =	vld.idx.msk [tilespmem:v12+s28+$0x0], $0xffff  }
0x7de: {  	v12 =	vld [tilespmem:s6+$0x46F0]  }
0x7df: {  	[tilespmem:s6+$0xC6D0] =	vst v15;
	v15 =	vld [tilespmem:s7+$0x4600]  }
0x7e0: {  	v11 =	vld.idx.msk [tilespmem:v11+s28+$0x0], $0xffff  }
0x7e1: {  	v7 =	vld [tilespmem:s6+$0x4A20]  }
0x7e2: {  	v16 =	vld.idx.msk [tilespmem:v18+s28+$0x0], $0xffff  }
0x7e3: {  	v18 =	vld [tilespmem:s7+$0x4610]  }
0x7e4: {  	v20 =	vld [tilespmem:s7+$0x4620]  }
0x7e5: {  	v9 =	vld.idx.msk [tilespmem:v9+s28+$0x0], $0xffff;
	[tilespmem:s6+$0xC6E0] =	vst v11  }
0x7e6: {  	v11 =	vld.idx.msk [tilespmem:v12+s28+$0x0], $0xffff  }
0x7e7: {  	v19 =	vld.idx.msk [tilespmem:v8+s28+$0x0], $0xffff  }
0x7e8: {  	v15 =	vld.idx.msk [tilespmem:v15+s28+$0x0], $0xffff  }
0x7e9: {  	v8 =	vld [tilespmem:s6+$0x4A30];
	[tilespmem:s6+$0xC650] =	vst v10  }
0x7ea: {  	v10 =	vld [tilespmem:s7+$0x4670];
	[tilespmem:s7+$0xC680] =	vst v9  }
0x7eb: {  	v25 =	vld.idx.msk [tilespmem:v32+s28+$0x0], $0xffff;
	[tilespmem:s6+$0xC6F0] =	vst v11  }
0x7ec: {  	[tilespmem:s5+$0xCA10] =	vst v16;
	v11 =	vld.idx.msk [tilespmem:v42+s28+$0x0], $0xffff  }
0x7ed: {  	v16 =	vld.idx.msk [tilespmem:v14+s28+$0x0], $0xffff;
	[tilespmem:s7+$0xC600] =	vst v15  }
0x7ee: {  	v18 =	vld.idx.msk [tilespmem:v18+s28+$0x0], $0xffff  }
0x7ef: {  	v14 =	vld [tilespmem:s7+$0x4A30]  }
0x7f0: {  	v12 =	vld [tilespmem:s7+$0x4630];
	[tilespmem:s7+$0xC690] =	vst v25  }
0x7f1: {  	v29 =	vld.idx.msk [tilespmem:v35+s28+$0x0], $0xffff;
	[tilespmem:s6+$0xCA80] =	vst v11  }
0x7f2: {  	v11 =	vld.idx.msk [tilespmem:v34+s28+$0x0], $0xffff  }
0x7f3: {  	[tilespmem:s7+$0xC610] =	vst v18;
	v18 =	vld.idx.msk [tilespmem:v39+s28+$0x0], $0xffff  }
0x7f4: {  	v20 =	vld.idx.msk [tilespmem:v20+s28+$0x0], $0xffff  }
0x7f5: {  	v39 =	vld [tilespmem:s7+$0x46C0]  }
0x7f6: {  	v9 =	vld [tilespmem:s7+$0x4660];
	[tilespmem:s7+$0xC6A0] =	vst v29  }
0x7f7: {  	v25 =	vld.idx.msk [tilespmem:v37+s28+$0x0], $0xffff;
	[tilespmem:s6+$0xCA90] =	vst v11  }
0x7f8: {  	[tilespmem:s6+$0xC660] =	vst v18;
	v18 =	vld.idx.msk [tilespmem:v36+s28+$0x0], $0xffff  }
0x7f9: {  	[tilespmem:s7+$0xC620] =	vst v20;
	v20 =	vld.idx.msk [tilespmem:v41+s28+$0x0], $0xffff  }
0x7fa: {  	v40 =	vld.idx.msk [tilespmem:v12+s28+$0x0], $0xffff  }
0x7fb: {  	v15 =	vld [tilespmem:s7+$0x4650]  }
0x7fc: {  	[tilespmem:s7+$0xC6B0] =	vst v25;
	v41 =	vld [tilespmem:s7+$0x46D0]  }
0x7fd: {  	v25 =	vld.idx.msk [tilespmem:v39+s28+$0x0], $0xffff;
	[tilespmem:s6+$0xCAA0] =	vst v18  }
0x7fe: {  	[tilespmem:s6+$0xC670] =	vst v20;
	v20 =	vld.idx.msk [tilespmem:v38+s28+$0x0], $0xffff  }
0x7ff: {  	[tilespmem:s7+$0xC630] =	vst v40;
	v17 =	vld.idx.msk [tilespmem:v17+s28+$0x0], $0xffff  }
0x800: {  	[tilespmem:s5+$0xCAB0] =	vst v22;
	v42 =	vld.idx.msk [tilespmem:v33+s28+$0x0], $0xffff  }
0x801: {  	[tilespmem:s25+$0xCA20] =	vst v19;
	v11 =	vld [tilespmem:s7+$0x4A10]  }
0x802: {  	v18 =	vld [tilespmem:s7+$0x46E0];
	[tilespmem:s7+$0xC6C0] =	vst v25  }
0x803: {  	v12 =	vld [tilespmem:s7+$0x4A00];
	[tilespmem:s6+$0xCAB0] =	vst v20  }
0x804: {  	v19 =	vld.idx.msk [tilespmem:v41+s28+$0x0], $0xffff;
	[tilespmem:s6+$0xCA00] =	vst v17  }
0x805: {  	s9 =	simm.s32 $0x400;
	s10 =	simm.s32 $0x800;
	s8 =	simm.s32 $0x6;
	[tilespmem:s7+$0xC640] =	vst v42;
	v17 =	vld.idx.msk [tilespmem:v21+s28+$0x0], $0xffff  }
.LBB2_62:
0x806: {  	s11 =	sand.u32 $0x3800, s10;
	s12 =	sand.u32 $0x300, s9;
	s8 =	sadd.s32 $0x2, s8;
	v15 =	vld.idx.msk [tilespmem:v15+s28+$0x0], $0xffff  }
0x807: {  	s11 =	sor.u32 s12, s11;
	p0 =	slt.u32 s8, $0x3E;
	[tilespmem:s5+$0xCA20] =	vst v16;
	v16 =	vld.idx.msk [tilespmem:v5+s28+$0x0], $0xffff;
	v5 =	vmov v6;
	v6 =	vmov v8  }
0x808: {  	v20 =	vld [tilespmem:s11+$0x4680]  }
0x809: {  	[tilespmem:s7+$0xC6D0] =	vst v19;
	v19 =	vld [tilespmem:s7+$0x46F0];
	v8 =	vmov v14  }
0x80a: {  	v14 =	vld.idx.msk [tilespmem:v18+s28+$0x0], $0xffff  }
0x80b: {  	v18 =	vld [tilespmem:s11+$0x4600];
	[tilespmem:s6+$0xCA10] =	vst v17  }
0x80c: {  	v17 =	vld [tilespmem:s11+$0x4610];
	[tilespmem:s7+$0xC650] =	vst v15  }
0x80d: {  	v21 =	vld [tilespmem:s11+$0x4620];
	[tilespmem:s25+$0xCA30] =	vst v16;
	s25 =	smov.u32 s5;
	s5 =	smov.u32 s6;
	s6 =	smov.u32 s7  }
0x80e: {  	s7 =	smov.u32 s11;
	v15 =	vld [tilespmem:s6+$0x4A80]  }
0x80f: {  	v16 =	vld [tilespmem:s7+$0x4690]  }
0x810: {  	v20 =	vld.idx.msk [tilespmem:v20+s28+$0x0], $0xffff;
	[tilespmem:s6+$0xC6E0] =	vst v14  }
0x811: {  	v14 =	vld.idx.msk [tilespmem:v19+s28+$0x0], $0xffff  }
0x812: {  	v19 =	vld [tilespmem:s7+$0x4630]  }
0x813: {  	v18 =	vld.idx.msk [tilespmem:v18+s28+$0x0], $0xffff  }
0x814: {  	v22 =	vld [tilespmem:s7+$0x4640]  }
0x815: {  	v23 =	vld [tilespmem:s6+$0x4A90]  }
0x816: {  	[tilespmem:s7+$0xC680] =	vst v20;
	v20 =	vld [tilespmem:s7+$0x46A0]  }
0x817: {  	v16 =	vld.idx.msk [tilespmem:v16+s28+$0x0], $0xffff;
	[tilespmem:s6+$0xC6F0] =	vst v14  }
0x818: {  	v14 =	vld.idx.msk [tilespmem:v15+s28+$0x0], $0xffff  }
0x819: {  	[tilespmem:s7+$0xC600] =	vst v18;
	v15 =	vld [tilespmem:s7+$0x4650]  }
0x81a: {  	v17 =	vld.idx.msk [tilespmem:v17+s28+$0x0], $0xffff  }
0x81b: {  	v18 =	vld [tilespmem:s7+$0x4660]  }
0x81c: {  	v24 =	vld [tilespmem:s6+$0x4AA0]  }
0x81d: {  	[tilespmem:s7+$0xC690] =	vst v16;
	v16 =	vld [tilespmem:s7+$0x46B0]  }
0x81e: {  	v20 =	vld.idx.msk [tilespmem:v20+s28+$0x0], $0xffff;
	[tilespmem:s6+$0xCA80] =	vst v14  }
0x81f: {  	v14 =	vld.idx.msk [tilespmem:v23+s28+$0x0], $0xffff  }
0x820: {  	[tilespmem:s7+$0xC610] =	vst v17;
	v17 =	vld.idx.msk [tilespmem:v9+s28+$0x0], $0xffff;
	v9 =	vmov v18  }
0x821: {  	v18 =	vld.idx.msk [tilespmem:v21+s28+$0x0], $0xffff  }
0x822: {  	v21 =	vld [tilespmem:s7+$0x4670]  }
0x823: {  	v23 =	vld [tilespmem:s6+$0x4AB0]  }
0x824: {  	[tilespmem:s7+$0xC6A0] =	vst v20;
	v20 =	vld [tilespmem:s7+$0x46C0]  }
0x825: {  	v16 =	vld.idx.msk [tilespmem:v16+s28+$0x0], $0xffff;
	[tilespmem:s6+$0xCA90] =	vst v14  }
0x826: {  	[tilespmem:s6+$0xC660] =	vst v17;
	v14 =	vld.idx.msk [tilespmem:v24+s28+$0x0], $0xffff  }
0x827: {  	[tilespmem:s7+$0xC620] =	vst v18;
	v17 =	vld.idx.msk [tilespmem:v10+s28+$0x0], $0xffff;
	v10 =	vmov v21  }
0x828: {  	v18 =	vld.idx.msk [tilespmem:v19+s28+$0x0], $0xffff  }
0x829: {  	v19 =	vld [tilespmem:s7+$0x4A00]  }
0x82a: {  	v21 =	vld [tilespmem:s7+$0x4A10]  }
0x82b: {  	[tilespmem:s7+$0xC6B0] =	vst v16;
	v24 =	vld [tilespmem:s7+$0x46D0]  }
0x82c: {  	v20 =	vld.idx.msk [tilespmem:v20+s28+$0x0], $0xffff;
	[tilespmem:s6+$0xCAA0] =	vst v14  }
0x82d: {  	[tilespmem:s6+$0xC670] =	vst v17;
	v14 =	vld.idx.msk [tilespmem:v23+s28+$0x0], $0xffff  }
0x82e: {  	[tilespmem:s7+$0xC630] =	vst v18;
	v17 =	vld.idx.msk [tilespmem:v12+s28+$0x0], $0xffff;
	v12 =	vmov v19  }
0x82f: {  	v22 =	vld.idx.msk [tilespmem:v22+s28+$0x0], $0xffff  }
0x830: {  	v23 =	vld [tilespmem:s7+$0x4A20]  }
.Ltmp30:
0x831: {  	v16 =	vld.idx.msk [tilespmem:v7+s28+$0x0], $0xffff;
	v7 =	vmov v13;
	(pc) =	sbr.rel @p0 .LBB2_62-.Ltmp30, $4  }
0x832: {  	[tilespmem:s7+$0xC6C0] =	vst v20;
	v18 =	vld [tilespmem:s7+$0x46E0]  }
0x833: {  	v19 =	vld.idx.msk [tilespmem:v24+s28+$0x0], $0xffff;
	[tilespmem:s6+$0xCAB0] =	vst v14  }
0x834: {  	v14 =	vld [tilespmem:s7+$0x4A30];
	[tilespmem:s6+$0xCA00] =	vst v17  }
0x835: {  	s9 =	sadd.s32 $0x100, s9;
	s10 =	sadd.s32 $0x200, s10;
	[tilespmem:s7+$0xC640] =	vst v22;
	v17 =	vld.idx.msk [tilespmem:v11+s28+$0x0], $0xffff;
	v11 =	vmov v21;
	v13 =	vmov v23  }
0x836: {  	_ =	sdelay $0x3  }
0x837: {  	v15 =	vld.idx.msk [tilespmem:v15+s28+$0x0], $0xffff;
	_ =	sdelay $0x1  }
0x838: {  	v40 =	vld [tilespmem:s7+$0x46F0]  }
0x839: {  	[tilespmem:s7+$0xC6D0] =	vst v19  }
0x83a: {  	v18 =	vld.idx.msk [tilespmem:v18+s28+$0x0], $0xffff  }
0x83b: {  	[tilespmem:s7+$0xC650] =	vst v15  }
0x83c: {  	v9 =	vld.idx.msk [tilespmem:v9+s28+$0x0], $0xffff;
	_ =	sdelay $0x1  }
0x83d: {  	v41 =	vld [tilespmem:s7+$0x4A80]  }
0x83e: {  	[tilespmem:s7+$0xC6E0] =	vst v18  }
0x83f: {  	v18 =	vld.idx.msk [tilespmem:v40+s28+$0x0], $0xffff  }
0x840: {  	[tilespmem:s7+$0xC660] =	vst v9  }
0x841: {  	v9 =	vld.idx.msk [tilespmem:v10+s28+$0x0], $0xffff;
	_ =	sdelay $0x1  }
0x842: {  	v10 =	vld [tilespmem:s7+$0x4A90]  }
0x843: {  	[tilespmem:s7+$0xC6F0] =	vst v18  }
0x844: {  	v15 =	vld.idx.msk [tilespmem:v41+s28+$0x0], $0xffff  }
0x845: {  	[tilespmem:s7+$0xC670] =	vst v9  }
0x846: {  	v9 =	vld.idx.msk [tilespmem:v12+s28+$0x0], $0xffff;
	_ =	sdelay $0x1  }
0x847: {  	v42 =	vld [tilespmem:s7+$0x4AA0]  }
0x848: {  	[tilespmem:s7+$0xCA80] =	vst v15  }
0x849: {  	v10 =	vld.idx.msk [tilespmem:v10+s28+$0x0], $0xffff  }
0x84a: {  	[tilespmem:s7+$0xCA00] =	vst v9  }
0x84b: {  	v9 =	vld.idx.msk [tilespmem:v11+s28+$0x0], $0xffff;
	_ =	sdelay $0x1  }
0x84c: {  	v11 =	vld [tilespmem:s7+$0x4AB0]  }
0x84d: {  	[tilespmem:s7+$0xCA90] =	vst v10  }
0x84e: {  	[tilespmem:s6+$0xCA10] =	vst v17;
	v10 =	vld.idx.msk [tilespmem:v42+s28+$0x0], $0xffff  }
0x84f: {  	v7 =	vld.idx.msk [tilespmem:v7+s28+$0x0], $0xffff;
	[tilespmem:s7+$0xCA10] =	vst v9  }
0x850: {  	v9 =	vld.idx.msk [tilespmem:v13+s28+$0x0], $0xffff;
	_ =	sdelay $0x1  }
0x851: {  	v5 =	vld.idx.msk [tilespmem:v5+s28+$0x0], $0xffff;
	[tilespmem:s5+$0xCA20] =	vst v16  }
0x852: {  	v6 =	vld.idx.msk [tilespmem:v6+s28+$0x0], $0xffff;
	[tilespmem:s7+$0xCAA0] =	vst v10  }
0x853: {  	[tilespmem:s6+$0xCA20] =	vst v7;
	v10 =	vld.idx.msk [tilespmem:v11+s28+$0x0], $0xffff  }
0x854: {  	v7 =	vld.idx.msk [tilespmem:v8+s28+$0x0], $0xffff;
	v8 =	vmov s2;
	[tilespmem:s7+$0xCA20] =	vst v9  }
0x855: {  	p3 =	por $0x1, $0x1;
	v8 =	vshrl.u32 v8, $0x3;
	v9 =	vld.idx.msk [tilespmem:v14+s28+$0x0], $0xffff  }
.Ltmp31:
0x856: {  	[tilespmem:s25+$0xCA30] =	vst v5;
	v5 =	vshll.u32 v8, $0xB;
	(pc) =	sbr.rel @!p3 .LBB2_64-.Ltmp31, $4  }
0x857: {  	[tilespmem:s5+$0xCA30] =	vst v6;
	v5 =	vor.u32 $0x400, v5  }
0x858: {  	[tilespmem:s7+$0xCAB0] =	vst v10;
	v10 =	vbroadcast v5, $0x0  }
0x859: {  	p0 =	por $0x0, $0x0;
	[tilespmem:s6+$0xCA30] =	vst v7  }
0x85a: {  	p1 =	por $0x0, $0x0;
	p2 =	por $0x0, $0x0;
	s2 =	simm.s32 $0x8;
	v6 =	vor.u32 v60, v10;
	v8 =	vor.u32 v62, v10;
	v5 =	vor.u32 v61, v10;
	[tilespmem:s7+$0xCA30] =	vst v9  }
0x85b: {  	_ = 	snop  }
0x85c: {  	v7 =	vmov s2  }
0x85d: {  	v11 =	vor.u32 v63, v10;
	p3 =	por $0x1, $0x1;
	v7 =	vshrl.u32 v7, $0x3  }
.Ltmp32:
0x85e: {  	v7 =	vshll.u32 v7, $0xB;
	(pc) =	sbr.rel @!p3 .LBB2_66-.Ltmp32, $4  }
0x85f: {  	v14 =	vld.idx.msk [tilespmem:v6+s23+$0x0], $0xffff;
	v7 =	vor.u32 $0x400, v7  }
0x860: {  	v15 =	vld.idx.msk [tilespmem:v5+s23+$0x0], $0xffff;
	v10 =	vbroadcast v7, $0x0  }
0x861: {  	v19 =	vld.idx.msk [tilespmem:v8+s23+$0x0], $0xffff  }
0x862: {  	s2 =	simm.s32 $0x10;
	p0 =	por $0x1, $0x1;
	v16 =	vld.idx.msk [tilespmem:v11+s23+$0x0], $0xffff;
	v25 =	vor.u32 v60, v10;
	v13 =	vor.u32 v62, v10;
	v24 =	vor.u32 v61, v10  }
0x863: {  	v17 =	vor.u32 v63, v10;
	_ =	sdelay $0x3  }
0x864: {  	v18 =	vld.idx.msk [tilespmem:v25+s23+$0x0], $0xffff  }
0x865: {  	v7 =	vmov s2;
	v22 =	vld.idx.msk [tilespmem:v17+s23+$0x0], $0xffff  }
0x866: {  	v20 =	vld.idx.msk [tilespmem:v24+s23+$0x0], $0xffff;
	p3 =	por $0x1, $0x1;
	v7 =	vshrl.u32 v7, $0x3  }
.Ltmp33:
0x867: {  	v7 =	vshll.u32 v7, $0xB;
	(pc) =	sbr.rel @!p3 .LBB2_68-.Ltmp33, $4  }
0x868: {  	v7 =	vor.u32 $0x400, v7  }
0x869: {  	v10 =	vbroadcast v7, $0x0  }
0x86a: {  	v32 =	vld.idx.msk [tilespmem:v13+s23+$0x0], $0xffff  }
0x86b: {  	s2 =	simm.s32 $0x18;
	p1 =	por $0x1, $0x1;
	v19 =	vld.idx.msk [tilespmem:v19+s28+$0x0], $0xffff;
	v7 =	vor.u32 v60, v10;
	v27 =	vor.u32 v62, v10;
	v9 =	vor.u32 v61, v10  }
0x86c: {  	_ =	sdelay $0x3  }
0x86d: {  	v23 =	vld.idx.msk [tilespmem:v14+s28+$0x0], $0xffff;
	_ =	sdelay $0x2  }
0x86e: {  	v12 =	vmov s2;
	v30 =	vor.u32 v63, v10;
	v28 =	vld.idx.msk [tilespmem:v16+s28+$0x0], $0xffff  }
0x86f: {  	v21 =	vld.idx.msk [tilespmem:v15+s28+$0x0], $0xffff;
	p3 =	por $0x1, $0x1;
	v12 =	vshrl.u32 v12, $0x3  }
.Ltmp34:
0x870: {  	v33 =	vld.idx.msk [tilespmem:v7+s23+$0x0], $0xffff;
	v10 =	vshll.u32 v12, $0xB;
	[tilespmem:v6+s31+$0x0] =	vst.idx.msk $0xffff, v23;
	v23 =	vmov v5;
	(pc) =	sbr.rel @!p3 .LBB2_70-.Ltmp34, $4  }
0x871: {  	v34 =	vld.idx.msk [tilespmem:v9+s23+$0x0], $0xffff;
	v10 =	vor.u32 $0x400, v10  }
0x872: {  	v35 =	vld.idx.msk [tilespmem:v27+s23+$0x0], $0xffff;
	v10 =	vbroadcast v10, $0x0;
	[tilespmem:v8+s31+$0x0] =	vst.idx.msk $0xffff, v19  }
0x873: {  	v39 =	vld.idx.msk [tilespmem:v30+s23+$0x0], $0xffff;
	[tilespmem:v11+s31+$0x0] =	vst.idx.msk $0xffff, v28  }
0x874: {  	s2 =	simm.s32 $0xC;
	s5 =	simm.s32 $0x20;
	p2 =	por $0x1, $0x1;
	v26 =	vld.idx.msk [tilespmem:v32+s28+$0x0], $0xffff;
	v41 =	vor.u32 v60, v10;
	v12 =	vor.u32 v62, v10;
	v42 =	vor.u32 v61, v10  }
.LBB2_71:
0x875: {  	v28 =	vmov s5;
	s2 =	sadd.s32 $0x4, s2;
	v29 =	vld.idx.msk [tilespmem:v18+s28+$0x0], $0xffff;
	[tilespmem:v23+s31+$0x0] =	vst.idx.msk $0xffff, v21;
	v18 =	vmovc v33;
	v31 =	vmovc v25;
	v25 =	vmov v7;
	v7 =	vmov v41  }
0x876: {  	v23 =	vmovc v24;
	v24 =	vmovc v9;
	v9 =	vmov v42;
	v21 =	vshrl.u32 v28, $0x3;
	p3 =	slt.u32 s2, $0x1C;
	v28 =	vor.u32 v63, v10;
	v32 =	vld.idx.msk [tilespmem:v22+s28+$0x0], $0xffff  }
0x877: {  	v10 =	vshll.u32 v21, $0xB;
	v21 =	vld.idx.msk [tilespmem:v20+s28+$0x0], $0xffff;
	v20 =	vmov v34;
	v36 =	vmov v35  }
.Ltmp35:
0x878: {  	v10 =	vor.u32 $0x400, v10;
	v33 =	vld.idx.msk [tilespmem:v41+s23+$0x0], $0xffff;
	v22 =	vmov v39;
	(pc) =	sbr.rel @p3 .LBB2_71-.Ltmp35, $4  }
0x879: {  	v10 =	vbroadcast v10, $0x0;
	v34 =	vld.idx.msk [tilespmem:v42+s23+$0x0], $0xffff  }
0x87a: {  	v35 =	vld.idx.msk [tilespmem:v12+s23+$0x0], $0xffff;
	[tilespmem:v13+s31+$0x0] =	vst.idx.msk $0xffff, v26;
	v13 =	vmov v27;
	v27 =	vmov v12  }
0x87b: {  	v41 =	vor.u32 v60, v10;
	v12 =	vor.u32 v62, v10;
	v39 =	vld.idx.msk [tilespmem:v28+s23+$0x0], $0xffff;
	[tilespmem:v31+s31+$0x0] =	vst.idx.msk $0xffff, v29  }
0x87c: {  	s5 =	sadd.s32 $0x8, s5;
	v42 =	vor.u32 v61, v10;
	v26 =	vld.idx.msk [tilespmem:v36+s28+$0x0], $0xffff;
	[tilespmem:v17+s31+$0x0] =	vst.idx.msk $0xffff, v32;
	v17 =	vmov v30;
	v30 =	vmov v28  }
0x87d: {  	v31 =	vmov v18;
	v28 =	vmov v7  }
0x87e: {  	v37 =	vmovc v22;
	v29 =	vmovc v9;
	v40 =	vmov v20;
	v38 =	vmov v13;
	v36 =	vmov v17  }
0x87f: {  	v18 =	vmovc v33;
	v33 =	vmovc v25;
	v7 =	vmov v41;
	v25 =	vmov v24;
	v9 =	vmov v42  }
0x880: {  	v13 =	vmovc v27;
	v17 =	vmovc v30;
	v20 =	vmov v34;
	v32 =	vmov v35;
	v22 =	vmov v39  }
.LBB2_73:
0x881: {  	_ =	sdelay $0x3  }
0x882: {  	v24 =	vld.idx.msk @p1 [tilespmem:v31+s28+$0x0], $0xffff  }
0x883: {  	v10 =	vor.u32 v63, v10;
	v27 =	vld.idx.msk @p1 [tilespmem:v37+s28+$0x0], $0xffff  }
0x884: {  	v30 =	vld.idx.msk @p1 [tilespmem:v40+s28+$0x0], $0xffff;
	v31 =	vmov @p0 v32  }
0x885: {  	v40 =	vld.idx.msk [tilespmem:v7+s23+$0x0], $0xffff;
	v14 =	vpsel p0, v18, v14;
	v18 =	vmov @p0 v20  }
0x886: {  	v20 =	vld.idx.msk [tilespmem:v12+s23+$0x0], $0xffff;
	v16 =	vpsel p0, v22, v16  }
0x887: {  	v22 =	vmov @p1 v33;
	v41 =	vld.idx.msk [tilespmem:v9+s23+$0x0], $0xffff;
	v15 =	vpsel p0, v18, v15  }
0x888: {  	v18 =	vmov @p1 v25;
	v42 =	vld.idx.msk [tilespmem:v10+s23+$0x0], $0xffff  }
0x889: {  	[tilespmem:v23+s31+$0x0] =	vst.idx.msk @p2 $0xffff, v21;
	v21 =	vmov @p0 v28;
	v18 =	vpsel p1, v18, v0;
	v23 =	vld.idx.msk @p0 [tilespmem:v31+s28+$0x0], $0xffff  }
0x88a: {  	v8 =	vpsel p0, v13, v8;
	v6 =	vpsel p0, v21, v6;
	v13 =	vld.idx.msk @p0 [tilespmem:v14+s28+$0x0], $0xffff  }
0x88b: {  	v28 =	vmov @p0 v29;
	[tilespmem:v38+s31+$0x0] =	vst.idx.msk @p1 $0xffff, v26;
	v14 =	vmov @p0 v17;
	v16 =	vld.idx.msk @p0 [tilespmem:v16+s28+$0x0], $0xffff  }
0x88c: {  	v5 =	vpsel p0, v28, v5;
	[tilespmem:v22+s31+$0x0] =	vst.idx.msk @p1 $0xffff, v24;
	v11 =	vpsel p0, v14, v11;
	v14 =	vld.idx.msk @p0 [tilespmem:v15+s28+$0x0], $0xffff  }
0x88d: {  	v5 =	vpsel p0, v5, v0;
	[tilespmem:v36+s31+$0x0] =	vst.idx.msk @p1 $0xffff, v27;
	v15 =	vpsel p1, v30, v0  }
0x88e: {  	[tilespmem:v18+s31+$0x0] =	vst.idx.msk @p1 $0xffff, v15;
	v15 =	vld.idx.msk [tilespmem:v20+s28+$0x0], $0xffff  }
0x88f: {  	v17 =	vpsel p0, v23, v19;
	[tilespmem:v6+s31+$0x0] =	vst.idx.msk @p0 $0xffff, v13;
	v13 =	vld.idx.msk [tilespmem:v41+s28+$0x0], $0xffff  }
0x890: {  	[tilespmem:v8+s31+$0x0] =	vst.idx.msk @p0 $0xffff, v17;
	v8 =	vld.idx.msk [tilespmem:v40+s28+$0x0], $0xffff  }
0x891: {  	[tilespmem:v11+s31+$0x0] =	vst.idx.msk @p0 $0xffff, v16;
	v11 =	vpsel p0, v14, v0;
	v6 =	vld.idx.msk [tilespmem:v42+s28+$0x0], $0xffff  }
0x892: {  	[tilespmem:v5+s31+$0x0] =	vst.idx.msk @p0 $0xffff, v11  }
0x893: {  	[tilespmem:v12+s31+$0x0] =	vst.idx.msk $0xffff, v15  }
0x894: {  	[tilespmem:v9+s31+$0x0] =	vst.idx.msk $0xffff, v13  }
0x895: {  	[tilespmem:v7+s31+$0x0] =	vst.idx.msk $0xffff, v8  }
0x896: {  	s2 =	simm.s32 $0x0;
	[tilespmem:v10+s31+$0x0] =	vst.idx.msk $0xffff, v6  }
0x897: {  	[tilespmem:s23], [sflag:$0x2] =	stream.linear.gather [hbm4b:s17+s2], $0x4000, $0x38;
	[tilespmem:$0x10600] =	vst v63  }
0x898: {  	_ = 	snop  }
0x899: {  	[hbm4b:s18+s2] =	stream.linear.scatter [tilespmem:s31], [sflag:$0x4], $0x4000, $0x38;
	[tilespmem:$0x10600] =	vst v63  }
0x89a: {  	_ =	swait.ge [sflag:s26], $0x4000  }
0x89b: {  	[sflag:s26] =	ssyncset.done $0x0  }
0x89c: {  	[sflag:s26] =	ssyncadd.s32 $0xFFFFC000  }
0x89d: {  	_ =	swait.ge [sflag:s1], $0x4000  }
0x89e: {  	s5 =	sand.u32 $0x3800, s2;
	s6 =	sand.u32 $0x300, s2;
	[sflag:s1] =	ssyncset.done $0x0  }
0x89f: {  	s25 =	sor.u32 s6, s5;
	[sflag:s1] =	ssyncadd.s32 $0xFFFFC000  }
0x8a0: {  	v5 =	vld [tilespmem:s25+$0x680]  }
0x8a1: {  	v6 =	vld [tilespmem:s25+$0x600]  }
0x8a2: {  	v7 =	vld [tilespmem:s25+$0x690]  }
0x8a3: {  	v8 =	vld [tilespmem:s25+$0x610]  }
0x8a4: {  	v9 =	vld [tilespmem:s25+$0x620]  }
0x8a5: {  	v10 =	vld [tilespmem:s25+$0x630]  }
0x8a6: {  	v11 =	vld [tilespmem:s25+$0x640]  }
0x8a7: {  	v12 =	vld [tilespmem:s25+$0x650]  }
0x8a8: {  	s9 =	simm.s32 $0x100;
	s10 =	simm.s32 $0x200;
	v13 =	vld [tilespmem:s25+$0x660]  }
0x8a9: {  	s6 =	sand.u32 $0x3800, s10;
	s5 =	sand.u32 $0x300, s9;
	v15 =	vld [tilespmem:s25+$0xA10]  }
0x8aa: {  	s5 =	sor.u32 s5, s6;
	v5 =	vld.idx.msk [tilespmem:v5+s28+$0x0], $0xffff  }
0x8ab: {  	v14 =	vld [tilespmem:s5+$0x680]  }
0x8ac: {  	v16 =	vld [tilespmem:s5+$0x610]  }
0x8ad: {  	v6 =	vld.idx.msk [tilespmem:v6+s28+$0x0], $0xffff  }
0x8ae: {  	v17 =	vld [tilespmem:s5+$0x690]  }
0x8af: {  	[tilespmem:s25+$0x8680] =	vst v5;
	v5 =	vld [tilespmem:s25+$0x6A0]  }
0x8b0: {  	v7 =	vld.idx.msk [tilespmem:v7+s28+$0x0], $0xffff  }
0x8b1: {  	v18 =	vld [tilespmem:s25+$0xA80]  }
0x8b2: {  	v19 =	vld [tilespmem:s5+$0x620];
	[tilespmem:s25+$0x8600] =	vst v6  }
0x8b3: {  	v6 =	vld.idx.msk [tilespmem:v8+s28+$0x0], $0xffff  }
0x8b4: {  	v20 =	vld [tilespmem:s25+$0xA90]  }
0x8b5: {  	[tilespmem:s25+$0x8690] =	vst v7;
	v7 =	vld [tilespmem:s25+$0x6B0]  }
0x8b6: {  	v32 =	vld [tilespmem:s5+$0x640]  }
0x8b7: {  	s11 =	simm.s32 $0x200;
	s7 =	simm.s32 $0x400;
	v5 =	vld.idx.msk [tilespmem:v5+s28+$0x0], $0xffff  }
0x8b8: {  	s7 =	sand.u32 $0x3800, s7;
	s6 =	sand.u32 $0x300, s11;
	v33 =	vld [tilespmem:s5+$0x660];
	[tilespmem:s25+$0x8610] =	vst v6  }
0x8b9: {  	s6 =	sor.u32 s6, s7;
	v6 =	vld.idx.msk [tilespmem:v9+s28+$0x0], $0xffff  }
0x8ba: {  	v34 =	vld [tilespmem:s6+$0x690]  }
0x8bb: {  	v35 =	vld [tilespmem:s6+$0x620]  }
0x8bc: {  	[tilespmem:s25+$0x86A0] =	vst v5;
	v5 =	vld [tilespmem:s25+$0x6C0]  }
0x8bd: {  	v7 =	vld.idx.msk [tilespmem:v7+s28+$0x0], $0xffff  }
0x8be: {  	v36 =	vld [tilespmem:s5+$0xA90];
	[tilespmem:s25+$0x8620] =	vst v6  }
0x8bf: {  	v6 =	vld.idx.msk [tilespmem:v10+s28+$0x0], $0xffff  }
0x8c0: {  	v37 =	vld [tilespmem:s6+$0x640]  }
0x8c1: {  	v38 =	vld [tilespmem:s6+$0x6B0]  }
0x8c2: {  	[tilespmem:s25+$0x86B0] =	vst v7;
	v7 =	vld [tilespmem:s25+$0x6D0]  }
0x8c3: {  	v14 =	vld.idx.msk [tilespmem:v14+s28+$0x0], $0xffff  }
0x8c4: {  	[tilespmem:s25+$0x8630] =	vst v6;
	v5 =	vld.idx.msk [tilespmem:v5+s28+$0x0], $0xffff  }
0x8c5: {  	v6 =	vld.idx.msk [tilespmem:v11+s28+$0x0], $0xffff  }
0x8c6: {  	v39 =	vld [tilespmem:s6+$0x660]  }
0x8c7: {  	v40 =	vld [tilespmem:s5+$0xAB0]  }
0x8c8: {  	[tilespmem:s5+$0x8680] =	vst v14;
	v14 =	vld [tilespmem:s5+$0x6A0]  }
0x8c9: {  	v11 =	vld [tilespmem:s25+$0x6E0];
	[tilespmem:s25+$0x86C0] =	vst v5  }
0x8ca: {  	[tilespmem:s25+$0x8640] =	vst v6;
	v7 =	vld.idx.msk [tilespmem:v7+s28+$0x0], $0xffff  }
0x8cb: {  	v6 =	vld.idx.msk [tilespmem:v12+s28+$0x0], $0xffff  }
0x8cc: {  	v12 =	vld [tilespmem:s5+$0x600]  }
0x8cd: {  	v17 =	vld.idx.msk [tilespmem:v17+s28+$0x0], $0xffff  }
0x8ce: {  	v41 =	vld [tilespmem:s6+$0x670]  }
0x8cf: {  	[tilespmem:s25+$0x86D0] =	vst v7;
	v7 =	vld [tilespmem:s25+$0x6F0]  }
0x8d0: {  	v42 =	vld [tilespmem:s6+$0xA80]  }
0x8d1: {  	v11 =	vld.idx.msk [tilespmem:v11+s28+$0x0], $0xffff  }
0x8d2: {  	v8 =	vld [tilespmem:s25+$0xA20];
	[tilespmem:s5+$0x8690] =	vst v17  }
0x8d3: {  	v14 =	vld.idx.msk [tilespmem:v14+s28+$0x0], $0xffff  }
0x8d4: {  	v12 =	vld.idx.msk [tilespmem:v12+s28+$0x0], $0xffff  }
0x8d5: {  	v17 =	vld [tilespmem:s5+$0x6B0]  }
0x8d6: {  	v9 =	vld [tilespmem:s25+$0x670];
	[tilespmem:s25+$0x86E0] =	vst v11  }
0x8d7: {  	v7 =	vld.idx.msk [tilespmem:v7+s28+$0x0], $0xffff  }
0x8d8: {  	v10 =	vld [tilespmem:s25+$0xA00];
	[tilespmem:s5+$0x86A0] =	vst v14  }
0x8d9: {  	v14 =	vld [tilespmem:s5+$0x6C0];
	[tilespmem:s5+$0x8600] =	vst v12  }
0x8da: {  	v16 =	vld.idx.msk [tilespmem:v16+s28+$0x0], $0xffff  }
0x8db: {  	v5 =	vld [tilespmem:s25+$0xA30]  }
0x8dc: {  	v11 =	vld [tilespmem:s5+$0x630];
	[tilespmem:s25+$0x86F0] =	vst v7  }
0x8dd: {  	v7 =	vld.idx.msk [tilespmem:v18+s28+$0x0], $0xffff  }
0x8de: {  	v12 =	vld [tilespmem:s5+$0x650]  }
0x8df: {  	[tilespmem:s5+$0x8610] =	vst v16;
	v16 =	vld.idx.msk [tilespmem:v17+s28+$0x0], $0xffff  }
0x8e0: {  	v17 =	vld [tilespmem:s25+$0xAB0]  }
0x8e1: {  	[tilespmem:s25+$0x8650] =	vst v6;
	v18 =	vld [tilespmem:s25+$0xAA0]  }
0x8e2: {  	[tilespmem:s25+$0x8A80] =	vst v7;
	v7 =	vld.idx.msk [tilespmem:v13+s28+$0x0], $0xffff  }
0x8e3: {  	v13 =	vld.idx.msk [tilespmem:v19+s28+$0x0], $0xffff  }
0x8e4: {  	[tilespmem:s5+$0x86B0] =	vst v16;
	v16 =	vld [tilespmem:s5+$0xA00]  }
0x8e5: {  	v14 =	vld.idx.msk [tilespmem:v14+s28+$0x0], $0xffff  }
0x8e6: {  	v19 =	vld [tilespmem:s5+$0x670]  }
0x8e7: {  	v6 =	vld.idx.msk [tilespmem:v20+s28+$0x0], $0xffff;
	[tilespmem:s25+$0x8660] =	vst v7  }
0x8e8: {  	[tilespmem:s5+$0x8620] =	vst v13;
	v7 =	vld.idx.msk [tilespmem:v9+s28+$0x0], $0xffff  }
0x8e9: {  	v9 =	vld.idx.msk [tilespmem:v11+s28+$0x0], $0xffff  }
0x8ea: {  	v11 =	vld [tilespmem:s5+$0x6D0]  }
0x8eb: {  	v20 =	vld [tilespmem:s5+$0xA80];
	[tilespmem:s5+$0x86C0] =	vst v14  }
0x8ec: {  	v14 =	vld [tilespmem:s5+$0xA20];
	[tilespmem:s25+$0x8A90] =	vst v6  }
0x8ed: {  	v6 =	vld.idx.msk [tilespmem:v18+s28+$0x0], $0xffff;
	[tilespmem:s25+$0x8670] =	vst v7  }
0x8ee: {  	[tilespmem:s5+$0x8630] =	vst v9;
	v7 =	vld.idx.msk [tilespmem:v10+s28+$0x0], $0xffff  }
0x8ef: {  	v9 =	vld.idx.msk [tilespmem:v32+s28+$0x0], $0xffff  }
0x8f0: {  	v18 =	vld [tilespmem:s5+$0xA10]  }
0x8f1: {  	v10 =	vld [tilespmem:s5+$0x6E0]  }
0x8f2: {  	[tilespmem:s25+$0x8AA0] =	vst v6;
	v11 =	vld.idx.msk [tilespmem:v11+s28+$0x0], $0xffff  }
0x8f3: {  	v6 =	vld [tilespmem:s5+$0xA30];
	[tilespmem:s25+$0x8A00] =	vst v7  }
0x8f4: {  	[tilespmem:s5+$0x8640] =	vst v9;
	v7 =	vld [tilespmem:s6+$0x680]  }
0x8f5: {  	s12 =	simm.s32 $0x300;
	s8 =	simm.s32 $0x600;
	v9 =	vld.idx.msk [tilespmem:v12+s28+$0x0], $0xffff  }
0x8f6: {  	s8 =	sand.u32 $0x3800, s8;
	s7 =	sand.u32 $0x300, s12;
	v12 =	vld [tilespmem:s6+$0x600]  }
0x8f7: {  	s7 =	sor.u32 s7, s8;
	[tilespmem:s5+$0x86D0] =	vst v11;
	v11 =	vld [tilespmem:s5+$0x6F0]  }
0x8f8: {  	v32 =	vld [tilespmem:s7+$0x690]  }
0x8f9: {  	v10 =	vld.idx.msk [tilespmem:v10+s28+$0x0], $0xffff  }
0x8fa: {  	v13 =	vld.idx.msk [tilespmem:v17+s28+$0x0], $0xffff  }
0x8fb: {  	v17 =	vld [tilespmem:s6+$0x610]  }
0x8fc: {  	v7 =	vld.idx.msk [tilespmem:v7+s28+$0x0], $0xffff  }
0x8fd: {  	v15 =	vld.idx.msk [tilespmem:v15+s28+$0x0], $0xffff  }
0x8fe: {  	[tilespmem:s5+$0x86E0] =	vst v10;
	v12 =	vld.idx.msk [tilespmem:v12+s28+$0x0], $0xffff  }
0x8ff: {  	v10 =	vld.idx.msk [tilespmem:v11+s28+$0x0], $0xffff  }
0x900: {  	[tilespmem:s25+$0x8AB0] =	vst v13;
	v13 =	vld [tilespmem:s7+$0xA20]  }
0x901: {  	[tilespmem:s6+$0x8680] =	vst v7;
	v7 =	vld [tilespmem:s6+$0x6A0]  }
0x902: {  	v11 =	vld [tilespmem:s6+$0x630]  }
0x903: {  	v21 =	vld.idx.msk [tilespmem:v34+s28+$0x0], $0xffff;
	[tilespmem:s6+$0x8600] =	vst v12  }
0x904: {  	[tilespmem:s5+$0x86F0] =	vst v10;
	v17 =	vld.idx.msk [tilespmem:v17+s28+$0x0], $0xffff  }
0x905: {  	v10 =	vld.idx.msk [tilespmem:v20+s28+$0x0], $0xffff  }
0x906: {  	v12 =	vld [tilespmem:s6+$0x650]  }
0x907: {  	[tilespmem:s5+$0x8650] =	vst v9;
	v34 =	vld [tilespmem:s6+$0xA90]  }
0x908: {  	v20 =	vld [tilespmem:s5+$0xAA0];
	[tilespmem:s6+$0x8690] =	vst v21  }
0x909: {  	[tilespmem:s6+$0x8610] =	vst v17;
	v7 =	vld.idx.msk [tilespmem:v7+s28+$0x0], $0xffff  }
0x90a: {  	[tilespmem:s5+$0x8A80] =	vst v10;
	v10 =	vld.idx.msk [tilespmem:v33+s28+$0x0], $0xffff  }
0x90b: {  	v17 =	vld.idx.msk [tilespmem:v35+s28+$0x0], $0xffff  }
0x90c: {  	v33 =	vld [tilespmem:s7+$0x640]  }
0x90d: {  	v35 =	vld [tilespmem:s7+$0x6A0]  }
0x90e: {  	v9 =	vld.idx.msk [tilespmem:v36+s28+$0x0], $0xffff  }
0x90f: {  	v36 =	vld [tilespmem:s6+$0xAA0]  }
0x910: {  	[tilespmem:s6+$0x86A0] =	vst v7;
	v7 =	vld [tilespmem:s6+$0x6C0]  }
0x911: {  	[tilespmem:s6+$0x8620] =	vst v17;
	v17 =	vld [tilespmem:s6+$0xA00]  }
0x912: {  	[tilespmem:s5+$0x8660] =	vst v10;
	v21 =	vld.idx.msk [tilespmem:v38+s28+$0x0], $0xffff  }
0x913: {  	v10 =	vld.idx.msk [tilespmem:v19+s28+$0x0], $0xffff  }
0x914: {  	[tilespmem:s5+$0x8A90] =	vst v9;
	v11 =	vld.idx.msk [tilespmem:v11+s28+$0x0], $0xffff  }
0x915: {  	v9 =	vld.idx.msk [tilespmem:v20+s28+$0x0], $0xffff  }
0x916: {  	v19 =	vld [tilespmem:s6+$0x6D0]  }
0x917: {  	v38 =	vld [tilespmem:s6+$0xAB0];
	[tilespmem:s6+$0x86B0] =	vst v21  }
0x918: {  	[tilespmem:s5+$0x8670] =	vst v10;
	v20 =	vld.idx.msk [tilespmem:v7+s28+$0x0], $0xffff  }
0x919: {  	v21 =	vld [tilespmem:s6+$0xA10];
	[tilespmem:s6+$0x8630] =	vst v11  }
0x91a: {  	[tilespmem:s5+$0x8AA0] =	vst v9;
	v9 =	vld.idx.msk [tilespmem:v16+s28+$0x0], $0xffff  }
0x91b: {  	v10 =	vld.idx.msk [tilespmem:v37+s28+$0x0], $0xffff  }
0x91c: {  	v11 =	vld [tilespmem:s6+$0x6E0]  }
0x91d: {  	v37 =	vld [tilespmem:s7+$0x6B0];
	[tilespmem:s6+$0x86C0] =	vst v20  }
0x91e: {  	[tilespmem:s25+$0x8A10] =	vst v15;
	v15 =	vld.idx.msk [tilespmem:v19+s28+$0x0], $0xffff  }
0x91f: {  	v22 =	vld.idx.msk [tilespmem:v40+s28+$0x0], $0xffff;
	[tilespmem:s5+$0x8A00] =	vst v9  }
0x920: {  	[tilespmem:s6+$0x8640] =	vst v10;
	v9 =	vld [tilespmem:s7+$0x680]  }
0x921: {  	v10 =	vld.idx.msk [tilespmem:v12+s28+$0x0], $0xffff  }
0x922: {  	v12 =	vld [tilespmem:s6+$0x6F0]  }
0x923: {  	[tilespmem:s6+$0x86D0] =	vst v15;
	v15 =	vld [tilespmem:s7+$0x600]  }
0x924: {  	v11 =	vld.idx.msk [tilespmem:v11+s28+$0x0], $0xffff  }
0x925: {  	v7 =	vld [tilespmem:s6+$0xA20]  }
0x926: {  	v16 =	vld.idx.msk [tilespmem:v18+s28+$0x0], $0xffff  }
0x927: {  	v18 =	vld [tilespmem:s7+$0x610]  }
0x928: {  	v20 =	vld [tilespmem:s7+$0x620]  }
0x929: {  	v9 =	vld.idx.msk [tilespmem:v9+s28+$0x0], $0xffff;
	[tilespmem:s6+$0x86E0] =	vst v11  }
0x92a: {  	v11 =	vld.idx.msk [tilespmem:v12+s28+$0x0], $0xffff  }
0x92b: {  	v19 =	vld.idx.msk [tilespmem:v8+s28+$0x0], $0xffff  }
0x92c: {  	v15 =	vld.idx.msk [tilespmem:v15+s28+$0x0], $0xffff  }
0x92d: {  	v8 =	vld [tilespmem:s6+$0xA30];
	[tilespmem:s6+$0x8650] =	vst v10  }
0x92e: {  	v10 =	vld [tilespmem:s7+$0x670];
	[tilespmem:s7+$0x8680] =	vst v9  }
0x92f: {  	v25 =	vld.idx.msk [tilespmem:v32+s28+$0x0], $0xffff;
	[tilespmem:s6+$0x86F0] =	vst v11  }
0x930: {  	[tilespmem:s5+$0x8A10] =	vst v16;
	v11 =	vld.idx.msk [tilespmem:v42+s28+$0x0], $0xffff  }
0x931: {  	v16 =	vld.idx.msk [tilespmem:v14+s28+$0x0], $0xffff;
	[tilespmem:s7+$0x8600] =	vst v15  }
0x932: {  	v18 =	vld.idx.msk [tilespmem:v18+s28+$0x0], $0xffff  }
0x933: {  	v14 =	vld [tilespmem:s7+$0xA30]  }
0x934: {  	v12 =	vld [tilespmem:s7+$0x630];
	[tilespmem:s7+$0x8690] =	vst v25  }
0x935: {  	v29 =	vld.idx.msk [tilespmem:v35+s28+$0x0], $0xffff;
	[tilespmem:s6+$0x8A80] =	vst v11  }
0x936: {  	v11 =	vld.idx.msk [tilespmem:v34+s28+$0x0], $0xffff  }
0x937: {  	[tilespmem:s7+$0x8610] =	vst v18;
	v18 =	vld.idx.msk [tilespmem:v39+s28+$0x0], $0xffff  }
0x938: {  	v20 =	vld.idx.msk [tilespmem:v20+s28+$0x0], $0xffff  }
0x939: {  	v39 =	vld [tilespmem:s7+$0x6C0]  }
0x93a: {  	v9 =	vld [tilespmem:s7+$0x660];
	[tilespmem:s7+$0x86A0] =	vst v29  }
0x93b: {  	v25 =	vld.idx.msk [tilespmem:v37+s28+$0x0], $0xffff;
	[tilespmem:s6+$0x8A90] =	vst v11  }
0x93c: {  	[tilespmem:s6+$0x8660] =	vst v18;
	v18 =	vld.idx.msk [tilespmem:v36+s28+$0x0], $0xffff  }
0x93d: {  	[tilespmem:s7+$0x8620] =	vst v20;
	v20 =	vld.idx.msk [tilespmem:v41+s28+$0x0], $0xffff  }
0x93e: {  	v40 =	vld.idx.msk [tilespmem:v12+s28+$0x0], $0xffff  }
0x93f: {  	v15 =	vld [tilespmem:s7+$0x650]  }
0x940: {  	[tilespmem:s7+$0x86B0] =	vst v25;
	v41 =	vld [tilespmem:s7+$0x6D0]  }
0x941: {  	v25 =	vld.idx.msk [tilespmem:v39+s28+$0x0], $0xffff;
	[tilespmem:s6+$0x8AA0] =	vst v18  }
0x942: {  	[tilespmem:s6+$0x8670] =	vst v20;
	v20 =	vld.idx.msk [tilespmem:v38+s28+$0x0], $0xffff  }
0x943: {  	[tilespmem:s7+$0x8630] =	vst v40;
	v17 =	vld.idx.msk [tilespmem:v17+s28+$0x0], $0xffff  }
0x944: {  	[tilespmem:s5+$0x8AB0] =	vst v22;
	v42 =	vld.idx.msk [tilespmem:v33+s28+$0x0], $0xffff  }
0x945: {  	[tilespmem:s25+$0x8A20] =	vst v19;
	v11 =	vld [tilespmem:s7+$0xA10]  }
0x946: {  	v18 =	vld [tilespmem:s7+$0x6E0];
	[tilespmem:s7+$0x86C0] =	vst v25  }
0x947: {  	v12 =	vld [tilespmem:s7+$0xA00];
	[tilespmem:s6+$0x8AB0] =	vst v20  }
0x948: {  	v19 =	vld.idx.msk [tilespmem:v41+s28+$0x0], $0xffff;
	[tilespmem:s6+$0x8A00] =	vst v17  }
0x949: {  	s9 =	simm.s32 $0x400;
	s10 =	simm.s32 $0x800;
	s8 =	simm.s32 $0x6;
	[tilespmem:s7+$0x8640] =	vst v42;
	v17 =	vld.idx.msk [tilespmem:v21+s28+$0x0], $0xffff  }
.LBB2_74:
0x94a: {  	s11 =	sand.u32 $0x3800, s10;
	s12 =	sand.u32 $0x300, s9;
	s8 =	sadd.s32 $0x2, s8;
	v15 =	vld.idx.msk [tilespmem:v15+s28+$0x0], $0xffff  }
0x94b: {  	s11 =	sor.u32 s12, s11;
	p0 =	slt.u32 s8, $0x3E;
	[tilespmem:s5+$0x8A20] =	vst v16;
	v16 =	vld.idx.msk [tilespmem:v5+s28+$0x0], $0xffff;
	v5 =	vmov v6;
	v6 =	vmov v8  }
0x94c: {  	v20 =	vld [tilespmem:s11+$0x680]  }
0x94d: {  	[tilespmem:s7+$0x86D0] =	vst v19;
	v19 =	vld [tilespmem:s7+$0x6F0];
	v8 =	vmov v14  }
0x94e: {  	v14 =	vld.idx.msk [tilespmem:v18+s28+$0x0], $0xffff  }
0x94f: {  	v18 =	vld [tilespmem:s11+$0x600];
	[tilespmem:s6+$0x8A10] =	vst v17  }
0x950: {  	v17 =	vld [tilespmem:s11+$0x610];
	[tilespmem:s7+$0x8650] =	vst v15  }
0x951: {  	v21 =	vld [tilespmem:s11+$0x620];
	[tilespmem:s25+$0x8A30] =	vst v16;
	s25 =	smov.u32 s5;
	s5 =	smov.u32 s6;
	s6 =	smov.u32 s7  }
0x952: {  	s7 =	smov.u32 s11;
	v15 =	vld [tilespmem:s6+$0xA80]  }
0x953: {  	v16 =	vld [tilespmem:s7+$0x690]  }
0x954: {  	v20 =	vld.idx.msk [tilespmem:v20+s28+$0x0], $0xffff;
	[tilespmem:s6+$0x86E0] =	vst v14  }
0x955: {  	v14 =	vld.idx.msk [tilespmem:v19+s28+$0x0], $0xffff  }
0x956: {  	v19 =	vld [tilespmem:s7+$0x630]  }
0x957: {  	v18 =	vld.idx.msk [tilespmem:v18+s28+$0x0], $0xffff  }
0x958: {  	v22 =	vld [tilespmem:s7+$0x640]  }
0x959: {  	v23 =	vld [tilespmem:s6+$0xA90]  }
0x95a: {  	[tilespmem:s7+$0x8680] =	vst v20;
	v20 =	vld [tilespmem:s7+$0x6A0]  }
0x95b: {  	v16 =	vld.idx.msk [tilespmem:v16+s28+$0x0], $0xffff;
	[tilespmem:s6+$0x86F0] =	vst v14  }
0x95c: {  	v14 =	vld.idx.msk [tilespmem:v15+s28+$0x0], $0xffff  }
0x95d: {  	[tilespmem:s7+$0x8600] =	vst v18;
	v15 =	vld [tilespmem:s7+$0x650]  }
0x95e: {  	v17 =	vld.idx.msk [tilespmem:v17+s28+$0x0], $0xffff  }
0x95f: {  	v18 =	vld [tilespmem:s7+$0x660]  }
0x960: {  	v24 =	vld [tilespmem:s6+$0xAA0]  }
0x961: {  	[tilespmem:s7+$0x8690] =	vst v16;
	v16 =	vld [tilespmem:s7+$0x6B0]  }
0x962: {  	v20 =	vld.idx.msk [tilespmem:v20+s28+$0x0], $0xffff;
	[tilespmem:s6+$0x8A80] =	vst v14  }
0x963: {  	v14 =	vld.idx.msk [tilespmem:v23+s28+$0x0], $0xffff  }
0x964: {  	[tilespmem:s7+$0x8610] =	vst v17;
	v17 =	vld.idx.msk [tilespmem:v9+s28+$0x0], $0xffff;
	v9 =	vmov v18  }
0x965: {  	v18 =	vld.idx.msk [tilespmem:v21+s28+$0x0], $0xffff  }
0x966: {  	v21 =	vld [tilespmem:s7+$0x670]  }
0x967: {  	v23 =	vld [tilespmem:s6+$0xAB0]  }
0x968: {  	[tilespmem:s7+$0x86A0] =	vst v20;
	v20 =	vld [tilespmem:s7+$0x6C0]  }
0x969: {  	v16 =	vld.idx.msk [tilespmem:v16+s28+$0x0], $0xffff;
	[tilespmem:s6+$0x8A90] =	vst v14  }
0x96a: {  	[tilespmem:s6+$0x8660] =	vst v17;
	v14 =	vld.idx.msk [tilespmem:v24+s28+$0x0], $0xffff  }
0x96b: {  	[tilespmem:s7+$0x8620] =	vst v18;
	v17 =	vld.idx.msk [tilespmem:v10+s28+$0x0], $0xffff;
	v10 =	vmov v21  }
0x96c: {  	v18 =	vld.idx.msk [tilespmem:v19+s28+$0x0], $0xffff  }
0x96d: {  	v19 =	vld [tilespmem:s7+$0xA00]  }
0x96e: {  	v21 =	vld [tilespmem:s7+$0xA10]  }
0x96f: {  	[tilespmem:s7+$0x86B0] =	vst v16;
	v24 =	vld [tilespmem:s7+$0x6D0]  }
0x970: {  	v20 =	vld.idx.msk [tilespmem:v20+s28+$0x0], $0xffff;
	[tilespmem:s6+$0x8AA0] =	vst v14  }
0x971: {  	[tilespmem:s6+$0x8670] =	vst v17;
	v14 =	vld.idx.msk [tilespmem:v23+s28+$0x0], $0xffff  }
0x972: {  	[tilespmem:s7+$0x8630] =	vst v18;
	v17 =	vld.idx.msk [tilespmem:v12+s28+$0x0], $0xffff;
	v12 =	vmov v19  }
0x973: {  	v22 =	vld.idx.msk [tilespmem:v22+s28+$0x0], $0xffff  }
0x974: {  	v23 =	vld [tilespmem:s7+$0xA20]  }
.Ltmp36:
0x975: {  	v16 =	vld.idx.msk [tilespmem:v7+s28+$0x0], $0xffff;
	v7 =	vmov v13;
	(pc) =	sbr.rel @p0 .LBB2_74-.Ltmp36, $4  }
0x976: {  	[tilespmem:s7+$0x86C0] =	vst v20;
	v18 =	vld [tilespmem:s7+$0x6E0]  }
0x977: {  	v19 =	vld.idx.msk [tilespmem:v24+s28+$0x0], $0xffff;
	[tilespmem:s6+$0x8AB0] =	vst v14  }
0x978: {  	v14 =	vld [tilespmem:s7+$0xA30];
	[tilespmem:s6+$0x8A00] =	vst v17  }
0x979: {  	s9 =	sadd.s32 $0x100, s9;
	s10 =	sadd.s32 $0x200, s10;
	[tilespmem:s7+$0x8640] =	vst v22;
	v17 =	vld.idx.msk [tilespmem:v11+s28+$0x0], $0xffff;
	v11 =	vmov v21;
	v13 =	vmov v23  }
0x97a: {  	_ =	sdelay $0x3  }
0x97b: {  	v15 =	vld.idx.msk [tilespmem:v15+s28+$0x0], $0xffff;
	_ =	sdelay $0x1  }
0x97c: {  	v40 =	vld [tilespmem:s7+$0x6F0]  }
0x97d: {  	[tilespmem:s7+$0x86D0] =	vst v19  }
0x97e: {  	v18 =	vld.idx.msk [tilespmem:v18+s28+$0x0], $0xffff  }
0x97f: {  	[tilespmem:s7+$0x8650] =	vst v15  }
0x980: {  	v9 =	vld.idx.msk [tilespmem:v9+s28+$0x0], $0xffff;
	_ =	sdelay $0x1  }
0x981: {  	v41 =	vld [tilespmem:s7+$0xA80]  }
0x982: {  	[tilespmem:s7+$0x86E0] =	vst v18  }
0x983: {  	v18 =	vld.idx.msk [tilespmem:v40+s28+$0x0], $0xffff  }
0x984: {  	[tilespmem:s7+$0x8660] =	vst v9  }
0x985: {  	v9 =	vld.idx.msk [tilespmem:v10+s28+$0x0], $0xffff;
	_ =	sdelay $0x1  }
0x986: {  	v10 =	vld [tilespmem:s7+$0xA90]  }
0x987: {  	[tilespmem:s7+$0x86F0] =	vst v18  }
0x988: {  	v15 =	vld.idx.msk [tilespmem:v41+s28+$0x0], $0xffff  }
0x989: {  	[tilespmem:s7+$0x8670] =	vst v9  }
0x98a: {  	v9 =	vld.idx.msk [tilespmem:v12+s28+$0x0], $0xffff;
	_ =	sdelay $0x1  }
0x98b: {  	v42 =	vld [tilespmem:s7+$0xAA0]  }
0x98c: {  	[tilespmem:s7+$0x8A80] =	vst v15  }
0x98d: {  	v10 =	vld.idx.msk [tilespmem:v10+s28+$0x0], $0xffff  }
0x98e: {  	[tilespmem:s7+$0x8A00] =	vst v9  }
0x98f: {  	v9 =	vld.idx.msk [tilespmem:v11+s28+$0x0], $0xffff;
	_ =	sdelay $0x1  }
0x990: {  	v11 =	vld [tilespmem:s7+$0xAB0]  }
0x991: {  	[tilespmem:s7+$0x8A90] =	vst v10  }
0x992: {  	[tilespmem:s6+$0x8A10] =	vst v17;
	v10 =	vld.idx.msk [tilespmem:v42+s28+$0x0], $0xffff  }
0x993: {  	v7 =	vld.idx.msk [tilespmem:v7+s28+$0x0], $0xffff;
	[tilespmem:s7+$0x8A10] =	vst v9  }
0x994: {  	v9 =	vld.idx.msk [tilespmem:v13+s28+$0x0], $0xffff;
	_ =	sdelay $0x1  }
0x995: {  	v5 =	vld.idx.msk [tilespmem:v5+s28+$0x0], $0xffff;
	[tilespmem:s5+$0x8A20] =	vst v16  }
0x996: {  	v6 =	vld.idx.msk [tilespmem:v6+s28+$0x0], $0xffff;
	[tilespmem:s7+$0x8AA0] =	vst v10  }
0x997: {  	[tilespmem:s6+$0x8A20] =	vst v7;
	v10 =	vld.idx.msk [tilespmem:v11+s28+$0x0], $0xffff  }
0x998: {  	v7 =	vld.idx.msk [tilespmem:v8+s28+$0x0], $0xffff;
	v8 =	vmov s2;
	[tilespmem:s7+$0x8A20] =	vst v9  }
0x999: {  	p3 =	por $0x1, $0x1;
	v8 =	vshrl.u32 v8, $0x3;
	v9 =	vld.idx.msk [tilespmem:v14+s28+$0x0], $0xffff  }
.Ltmp37:
0x99a: {  	[tilespmem:s25+$0x8A30] =	vst v5;
	v5 =	vshll.u32 v8, $0xB;
	(pc) =	sbr.rel @!p3 .LBB2_76-.Ltmp37, $4  }
0x99b: {  	[tilespmem:s5+$0x8A30] =	vst v6;
	v5 =	vor.u32 $0x400, v5  }
0x99c: {  	[tilespmem:s7+$0x8AB0] =	vst v10;
	v10 =	vbroadcast v5, $0x0  }
0x99d: {  	p0 =	por $0x0, $0x0;
	[tilespmem:s6+$0x8A30] =	vst v7  }
0x99e: {  	p1 =	por $0x0, $0x0;
	p2 =	por $0x0, $0x0;
	s2 =	simm.s32 $0x8;
	v6 =	vor.u32 v60, v10;
	v8 =	vor.u32 v62, v10;
	v5 =	vor.u32 v61, v10;
	[tilespmem:s7+$0x8A30] =	vst v9  }
0x99f: {  	_ = 	snop  }
0x9a0: {  	v7 =	vmov s2  }
0x9a1: {  	v11 =	vor.u32 v63, v10;
	p3 =	por $0x1, $0x1;
	v7 =	vshrl.u32 v7, $0x3  }
.Ltmp38:
0x9a2: {  	v7 =	vshll.u32 v7, $0xB;
	(pc) =	sbr.rel @!p3 .LBB2_78-.Ltmp38, $4  }
0x9a3: {  	v14 =	vld.idx.msk [tilespmem:v6+s22+$0x0], $0xffff;
	v7 =	vor.u32 $0x400, v7  }
0x9a4: {  	v15 =	vld.idx.msk [tilespmem:v5+s22+$0x0], $0xffff;
	v10 =	vbroadcast v7, $0x0  }
0x9a5: {  	v19 =	vld.idx.msk [tilespmem:v8+s22+$0x0], $0xffff  }
0x9a6: {  	s2 =	simm.s32 $0x10;
	p0 =	por $0x1, $0x1;
	v16 =	vld.idx.msk [tilespmem:v11+s22+$0x0], $0xffff;
	v25 =	vor.u32 v60, v10;
	v13 =	vor.u32 v62, v10;
	v24 =	vor.u32 v61, v10  }
0x9a7: {  	v17 =	vor.u32 v63, v10;
	_ =	sdelay $0x3  }
0x9a8: {  	v18 =	vld.idx.msk [tilespmem:v25+s22+$0x0], $0xffff  }
0x9a9: {  	v7 =	vmov s2;
	v22 =	vld.idx.msk [tilespmem:v17+s22+$0x0], $0xffff  }
0x9aa: {  	v20 =	vld.idx.msk [tilespmem:v24+s22+$0x0], $0xffff;
	p3 =	por $0x1, $0x1;
	v7 =	vshrl.u32 v7, $0x3  }
.Ltmp39:
0x9ab: {  	v7 =	vshll.u32 v7, $0xB;
	(pc) =	sbr.rel @!p3 .LBB2_80-.Ltmp39, $4  }
0x9ac: {  	v7 =	vor.u32 $0x400, v7  }
0x9ad: {  	v10 =	vbroadcast v7, $0x0  }
0x9ae: {  	v32 =	vld.idx.msk [tilespmem:v13+s22+$0x0], $0xffff  }
0x9af: {  	s2 =	simm.s32 $0x18;
	p1 =	por $0x1, $0x1;
	v19 =	vld.idx.msk [tilespmem:v19+s28+$0x0], $0xffff;
	v7 =	vor.u32 v60, v10;
	v27 =	vor.u32 v62, v10;
	v9 =	vor.u32 v61, v10  }
0x9b0: {  	_ =	sdelay $0x3  }
0x9b1: {  	v23 =	vld.idx.msk [tilespmem:v14+s28+$0x0], $0xffff;
	_ =	sdelay $0x2  }
0x9b2: {  	v12 =	vmov s2;
	v30 =	vor.u32 v63, v10;
	v28 =	vld.idx.msk [tilespmem:v16+s28+$0x0], $0xffff  }
0x9b3: {  	v21 =	vld.idx.msk [tilespmem:v15+s28+$0x0], $0xffff;
	p3 =	por $0x1, $0x1;
	v12 =	vshrl.u32 v12, $0x3  }
.Ltmp40:
0x9b4: {  	v33 =	vld.idx.msk [tilespmem:v7+s22+$0x0], $0xffff;
	v10 =	vshll.u32 v12, $0xB;
	[tilespmem:v6+s29+$0x0] =	vst.idx.msk $0xffff, v23;
	v23 =	vmov v5;
	(pc) =	sbr.rel @!p3 .LBB2_82-.Ltmp40, $4  }
0x9b5: {  	v34 =	vld.idx.msk [tilespmem:v9+s22+$0x0], $0xffff;
	v10 =	vor.u32 $0x400, v10  }
0x9b6: {  	v35 =	vld.idx.msk [tilespmem:v27+s22+$0x0], $0xffff;
	v10 =	vbroadcast v10, $0x0;
	[tilespmem:v8+s29+$0x0] =	vst.idx.msk $0xffff, v19  }
0x9b7: {  	v39 =	vld.idx.msk [tilespmem:v30+s22+$0x0], $0xffff;
	[tilespmem:v11+s29+$0x0] =	vst.idx.msk $0xffff, v28  }
0x9b8: {  	s2 =	simm.s32 $0xC;
	s5 =	simm.s32 $0x20;
	p2 =	por $0x1, $0x1;
	v26 =	vld.idx.msk [tilespmem:v32+s28+$0x0], $0xffff;
	v41 =	vor.u32 v60, v10;
	v12 =	vor.u32 v62, v10;
	v42 =	vor.u32 v61, v10  }
.LBB2_83:
0x9b9: {  	v28 =	vmov s5;
	s2 =	sadd.s32 $0x4, s2;
	v29 =	vld.idx.msk [tilespmem:v18+s28+$0x0], $0xffff;
	[tilespmem:v23+s29+$0x0] =	vst.idx.msk $0xffff, v21;
	v18 =	vmovc v33;
	v31 =	vmovc v25;
	v25 =	vmov v7;
	v7 =	vmov v41  }
0x9ba: {  	v23 =	vmovc v24;
	v24 =	vmovc v9;
	v9 =	vmov v42;
	v21 =	vshrl.u32 v28, $0x3;
	p3 =	slt.u32 s2, $0x1C;
	v28 =	vor.u32 v63, v10;
	v32 =	vld.idx.msk [tilespmem:v22+s28+$0x0], $0xffff  }
0x9bb: {  	v10 =	vshll.u32 v21, $0xB;
	v21 =	vld.idx.msk [tilespmem:v20+s28+$0x0], $0xffff;
	v20 =	vmov v34;
	v36 =	vmov v35  }
.Ltmp41:
0x9bc: {  	v10 =	vor.u32 $0x400, v10;
	v33 =	vld.idx.msk [tilespmem:v41+s22+$0x0], $0xffff;
	v22 =	vmov v39;
	(pc) =	sbr.rel @p3 .LBB2_83-.Ltmp41, $4  }
0x9bd: {  	v10 =	vbroadcast v10, $0x0;
	v34 =	vld.idx.msk [tilespmem:v42+s22+$0x0], $0xffff  }
0x9be: {  	v35 =	vld.idx.msk [tilespmem:v12+s22+$0x0], $0xffff;
	[tilespmem:v13+s29+$0x0] =	vst.idx.msk $0xffff, v26;
	v13 =	vmov v27;
	v27 =	vmov v12  }
0x9bf: {  	v41 =	vor.u32 v60, v10;
	v12 =	vor.u32 v62, v10;
	v39 =	vld.idx.msk [tilespmem:v28+s22+$0x0], $0xffff;
	[tilespmem:v31+s29+$0x0] =	vst.idx.msk $0xffff, v29  }
0x9c0: {  	s5 =	sadd.s32 $0x8, s5;
	v42 =	vor.u32 v61, v10;
	v26 =	vld.idx.msk [tilespmem:v36+s28+$0x0], $0xffff;
	[tilespmem:v17+s29+$0x0] =	vst.idx.msk $0xffff, v32;
	v17 =	vmov v30;
	v30 =	vmov v28  }
0x9c1: {  	v31 =	vmov v18;
	v28 =	vmov v7  }
0x9c2: {  	v37 =	vmovc v22;
	v29 =	vmovc v9;
	v40 =	vmov v20;
	v38 =	vmov v13;
	v36 =	vmov v17  }
0x9c3: {  	v18 =	vmovc v33;
	v33 =	vmovc v25;
	v7 =	vmov v41;
	v25 =	vmov v24;
	v9 =	vmov v42  }
0x9c4: {  	v13 =	vmovc v27;
	v17 =	vmovc v30;
	v20 =	vmov v34;
	v32 =	vmov v35;
	v22 =	vmov v39  }
.LBB2_85:
0x9c5: {  	_ =	sdelay $0x3  }
0x9c6: {  	v24 =	vld.idx.msk @p1 [tilespmem:v31+s28+$0x0], $0xffff  }
0x9c7: {  	v10 =	vor.u32 v63, v10;
	v27 =	vld.idx.msk @p1 [tilespmem:v37+s28+$0x0], $0xffff  }
0x9c8: {  	v30 =	vld.idx.msk @p1 [tilespmem:v40+s28+$0x0], $0xffff;
	v31 =	vmov @p0 v32  }
0x9c9: {  	v40 =	vld.idx.msk [tilespmem:v7+s22+$0x0], $0xffff;
	v14 =	vpsel p0, v18, v14;
	v18 =	vmov @p0 v20  }
0x9ca: {  	v20 =	vld.idx.msk [tilespmem:v12+s22+$0x0], $0xffff;
	v16 =	vpsel p0, v22, v16  }
0x9cb: {  	v22 =	vmov @p1 v33;
	v41 =	vld.idx.msk [tilespmem:v9+s22+$0x0], $0xffff;
	v15 =	vpsel p0, v18, v15  }
0x9cc: {  	v18 =	vmov @p1 v25;
	v42 =	vld.idx.msk [tilespmem:v10+s22+$0x0], $0xffff  }
0x9cd: {  	[tilespmem:v23+s29+$0x0] =	vst.idx.msk @p2 $0xffff, v21;
	v21 =	vmov @p0 v28;
	v18 =	vpsel p1, v18, v0;
	v23 =	vld.idx.msk @p0 [tilespmem:v31+s28+$0x0], $0xffff  }
0x9ce: {  	v8 =	vpsel p0, v13, v8;
	v6 =	vpsel p0, v21, v6;
	v13 =	vld.idx.msk @p0 [tilespmem:v14+s28+$0x0], $0xffff  }
0x9cf: {  	v28 =	vmov @p0 v29;
	[tilespmem:v38+s29+$0x0] =	vst.idx.msk @p1 $0xffff, v26;
	v14 =	vmov @p0 v17;
	v16 =	vld.idx.msk @p0 [tilespmem:v16+s28+$0x0], $0xffff  }
0x9d0: {  	v5 =	vpsel p0, v28, v5;
	[tilespmem:v22+s29+$0x0] =	vst.idx.msk @p1 $0xffff, v24;
	v11 =	vpsel p0, v14, v11;
	v14 =	vld.idx.msk @p0 [tilespmem:v15+s28+$0x0], $0xffff  }
0x9d1: {  	v5 =	vpsel p0, v5, v0;
	[tilespmem:v36+s29+$0x0] =	vst.idx.msk @p1 $0xffff, v27;
	v15 =	vpsel p1, v30, v0  }
0x9d2: {  	[tilespmem:v18+s29+$0x0] =	vst.idx.msk @p1 $0xffff, v15;
	v15 =	vld.idx.msk [tilespmem:v20+s28+$0x0], $0xffff  }
0x9d3: {  	v17 =	vpsel p0, v23, v19;
	[tilespmem:v6+s29+$0x0] =	vst.idx.msk @p0 $0xffff, v13;
	v13 =	vld.idx.msk [tilespmem:v41+s28+$0x0], $0xffff  }
0x9d4: {  	[tilespmem:v8+s29+$0x0] =	vst.idx.msk @p0 $0xffff, v17;
	v8 =	vld.idx.msk [tilespmem:v40+s28+$0x0], $0xffff  }
0x9d5: {  	[tilespmem:v11+s29+$0x0] =	vst.idx.msk @p0 $0xffff, v16;
	v11 =	vpsel p0, v14, v0;
	v6 =	vld.idx.msk [tilespmem:v42+s28+$0x0], $0xffff  }
0x9d6: {  	[tilespmem:v5+s29+$0x0] =	vst.idx.msk @p0 $0xffff, v11  }
0x9d7: {  	[tilespmem:v12+s29+$0x0] =	vst.idx.msk $0xffff, v15  }
0x9d8: {  	[tilespmem:v9+s29+$0x0] =	vst.idx.msk $0xffff, v13  }
0x9d9: {  	[tilespmem:v7+s29+$0x0] =	vst.idx.msk $0xffff, v8  }
0x9da: {  	s2 =	simm.s32 $0x0;
	[tilespmem:v10+s29+$0x0] =	vst.idx.msk $0xffff, v6  }
0x9db: {  	[hbm4b:s19+s2] =	stream.linear.scatter [tilespmem:s29], [sflag:$0x3], $0x4000, $0x38;
	[tilespmem:$0x10600] =	vst v63  }
0x9dc: {  	_ =	swait.ge [sflag:s30], $0x4000  }
0x9dd: {  	[sflag:s30] =	ssyncset.done $0x0  }
0x9de: {  	[sflag:s30] =	ssyncadd.s32 $0xFFFFC000  }
0x9df: {  	_ =	swait.ge [sflag:s4], $0x4000  }
0x9e0: {  	s5 =	sand.u32 $0x3800, s2;
	s6 =	sand.u32 $0x300, s2;
	[sflag:s4] =	ssyncset.done $0x0  }
0x9e1: {  	s25 =	sor.u32 s6, s5;
	[sflag:s4] =	ssyncadd.s32 $0xFFFFC000  }
0x9e2: {  	v5 =	vld [tilespmem:s25+$0x4680]  }
0x9e3: {  	v6 =	vld [tilespmem:s25+$0x4600]  }
0x9e4: {  	v7 =	vld [tilespmem:s25+$0x4690]  }
0x9e5: {  	v8 =	vld [tilespmem:s25+$0x4610]  }
0x9e6: {  	v9 =	vld [tilespmem:s25+$0x4620]  }
0x9e7: {  	v10 =	vld [tilespmem:s25+$0x4630]  }
0x9e8: {  	v11 =	vld [tilespmem:s25+$0x4640]  }
0x9e9: {  	v12 =	vld [tilespmem:s25+$0x4650]  }
0x9ea: {  	s9 =	simm.s32 $0x100;
	s10 =	simm.s32 $0x200;
	v13 =	vld [tilespmem:s25+$0x4660]  }
0x9eb: {  	s6 =	sand.u32 $0x3800, s10;
	s5 =	sand.u32 $0x300, s9;
	v15 =	vld [tilespmem:s25+$0x4A10]  }
0x9ec: {  	s5 =	sor.u32 s5, s6;
	v5 =	vld.idx.msk [tilespmem:v5+s28+$0x0], $0xffff  }
0x9ed: {  	v14 =	vld [tilespmem:s5+$0x4680]  }
0x9ee: {  	v16 =	vld [tilespmem:s5+$0x4610]  }
0x9ef: {  	v6 =	vld.idx.msk [tilespmem:v6+s28+$0x0], $0xffff  }
0x9f0: {  	v17 =	vld [tilespmem:s5+$0x4690]  }
0x9f1: {  	[tilespmem:s25+$0xC680] =	vst v5;
	v5 =	vld [tilespmem:s25+$0x46A0]  }
0x9f2: {  	v7 =	vld.idx.msk [tilespmem:v7+s28+$0x0], $0xffff  }
0x9f3: {  	v18 =	vld [tilespmem:s25+$0x4A80]  }
0x9f4: {  	v19 =	vld [tilespmem:s5+$0x4620];
	[tilespmem:s25+$0xC600] =	vst v6  }
0x9f5: {  	v6 =	vld.idx.msk [tilespmem:v8+s28+$0x0], $0xffff  }
0x9f6: {  	v20 =	vld [tilespmem:s25+$0x4A90]  }
0x9f7: {  	[tilespmem:s25+$0xC690] =	vst v7;
	v7 =	vld [tilespmem:s25+$0x46B0]  }
0x9f8: {  	v32 =	vld [tilespmem:s5+$0x4640]  }
0x9f9: {  	s11 =	simm.s32 $0x200;
	s7 =	simm.s32 $0x400;
	v5 =	vld.idx.msk [tilespmem:v5+s28+$0x0], $0xffff  }
0x9fa: {  	s7 =	sand.u32 $0x3800, s7;
	s6 =	sand.u32 $0x300, s11;
	v33 =	vld [tilespmem:s5+$0x4660];
	[tilespmem:s25+$0xC610] =	vst v6  }
0x9fb: {  	s6 =	sor.u32 s6, s7;
	v6 =	vld.idx.msk [tilespmem:v9+s28+$0x0], $0xffff  }
0x9fc: {  	v34 =	vld [tilespmem:s6+$0x4690]  }
0x9fd: {  	v35 =	vld [tilespmem:s6+$0x4620]  }
0x9fe: {  	[tilespmem:s25+$0xC6A0] =	vst v5;
	v5 =	vld [tilespmem:s25+$0x46C0]  }
0x9ff: {  	v7 =	vld.idx.msk [tilespmem:v7+s28+$0x0], $0xffff  }
0xa00: {  	v36 =	vld [tilespmem:s5+$0x4A90];
	[tilespmem:s25+$0xC620] =	vst v6  }
0xa01: {  	v6 =	vld.idx.msk [tilespmem:v10+s28+$0x0], $0xffff  }
0xa02: {  	v37 =	vld [tilespmem:s6+$0x4640]  }
0xa03: {  	v38 =	vld [tilespmem:s6+$0x46B0]  }
0xa04: {  	[tilespmem:s25+$0xC6B0] =	vst v7;
	v7 =	vld [tilespmem:s25+$0x46D0]  }
0xa05: {  	v14 =	vld.idx.msk [tilespmem:v14+s28+$0x0], $0xffff  }
0xa06: {  	[tilespmem:s25+$0xC630] =	vst v6;
	v5 =	vld.idx.msk [tilespmem:v5+s28+$0x0], $0xffff  }
0xa07: {  	v6 =	vld.idx.msk [tilespmem:v11+s28+$0x0], $0xffff  }
0xa08: {  	v39 =	vld [tilespmem:s6+$0x4660]  }
0xa09: {  	v40 =	vld [tilespmem:s5+$0x4AB0]  }
0xa0a: {  	[tilespmem:s5+$0xC680] =	vst v14;
	v14 =	vld [tilespmem:s5+$0x46A0]  }
0xa0b: {  	v11 =	vld [tilespmem:s25+$0x46E0];
	[tilespmem:s25+$0xC6C0] =	vst v5  }
0xa0c: {  	[tilespmem:s25+$0xC640] =	vst v6;
	v7 =	vld.idx.msk [tilespmem:v7+s28+$0x0], $0xffff  }
0xa0d: {  	v6 =	vld.idx.msk [tilespmem:v12+s28+$0x0], $0xffff  }
0xa0e: {  	v12 =	vld [tilespmem:s5+$0x4600]  }
0xa0f: {  	v17 =	vld.idx.msk [tilespmem:v17+s28+$0x0], $0xffff  }
0xa10: {  	v41 =	vld [tilespmem:s6+$0x4670]  }
0xa11: {  	[tilespmem:s25+$0xC6D0] =	vst v7;
	v7 =	vld [tilespmem:s25+$0x46F0]  }
0xa12: {  	v42 =	vld [tilespmem:s6+$0x4A80]  }
0xa13: {  	v11 =	vld.idx.msk [tilespmem:v11+s28+$0x0], $0xffff  }
0xa14: {  	v8 =	vld [tilespmem:s25+$0x4A20];
	[tilespmem:s5+$0xC690] =	vst v17  }
0xa15: {  	v14 =	vld.idx.msk [tilespmem:v14+s28+$0x0], $0xffff  }
0xa16: {  	v12 =	vld.idx.msk [tilespmem:v12+s28+$0x0], $0xffff  }
0xa17: {  	v17 =	vld [tilespmem:s5+$0x46B0]  }
0xa18: {  	v9 =	vld [tilespmem:s25+$0x4670];
	[tilespmem:s25+$0xC6E0] =	vst v11  }
0xa19: {  	v7 =	vld.idx.msk [tilespmem:v7+s28+$0x0], $0xffff  }
0xa1a: {  	v10 =	vld [tilespmem:s25+$0x4A00];
	[tilespmem:s5+$0xC6A0] =	vst v14  }
0xa1b: {  	v14 =	vld [tilespmem:s5+$0x46C0];
	[tilespmem:s5+$0xC600] =	vst v12  }
0xa1c: {  	v16 =	vld.idx.msk [tilespmem:v16+s28+$0x0], $0xffff  }
0xa1d: {  	v5 =	vld [tilespmem:s25+$0x4A30]  }
0xa1e: {  	v11 =	vld [tilespmem:s5+$0x4630];
	[tilespmem:s25+$0xC6F0] =	vst v7  }
0xa1f: {  	v7 =	vld.idx.msk [tilespmem:v18+s28+$0x0], $0xffff  }
0xa20: {  	v12 =	vld [tilespmem:s5+$0x4650]  }
0xa21: {  	[tilespmem:s5+$0xC610] =	vst v16;
	v16 =	vld.idx.msk [tilespmem:v17+s28+$0x0], $0xffff  }
0xa22: {  	v17 =	vld [tilespmem:s25+$0x4AB0]  }
0xa23: {  	[tilespmem:s25+$0xC650] =	vst v6;
	v18 =	vld [tilespmem:s25+$0x4AA0]  }
0xa24: {  	[tilespmem:s25+$0xCA80] =	vst v7;
	v7 =	vld.idx.msk [tilespmem:v13+s28+$0x0], $0xffff  }
0xa25: {  	v13 =	vld.idx.msk [tilespmem:v19+s28+$0x0], $0xffff  }
0xa26: {  	[tilespmem:s5+$0xC6B0] =	vst v16;
	v16 =	vld [tilespmem:s5+$0x4A00]  }
0xa27: {  	v14 =	vld.idx.msk [tilespmem:v14+s28+$0x0], $0xffff  }
0xa28: {  	v19 =	vld [tilespmem:s5+$0x4670]  }
0xa29: {  	v6 =	vld.idx.msk [tilespmem:v20+s28+$0x0], $0xffff;
	[tilespmem:s25+$0xC660] =	vst v7  }
0xa2a: {  	[tilespmem:s5+$0xC620] =	vst v13;
	v7 =	vld.idx.msk [tilespmem:v9+s28+$0x0], $0xffff  }
0xa2b: {  	v9 =	vld.idx.msk [tilespmem:v11+s28+$0x0], $0xffff  }
0xa2c: {  	v11 =	vld [tilespmem:s5+$0x46D0]  }
0xa2d: {  	v20 =	vld [tilespmem:s5+$0x4A80];
	[tilespmem:s5+$0xC6C0] =	vst v14  }
0xa2e: {  	v14 =	vld [tilespmem:s5+$0x4A20];
	[tilespmem:s25+$0xCA90] =	vst v6  }
0xa2f: {  	v6 =	vld.idx.msk [tilespmem:v18+s28+$0x0], $0xffff;
	[tilespmem:s25+$0xC670] =	vst v7  }
0xa30: {  	[tilespmem:s5+$0xC630] =	vst v9;
	v7 =	vld.idx.msk [tilespmem:v10+s28+$0x0], $0xffff  }
0xa31: {  	v9 =	vld.idx.msk [tilespmem:v32+s28+$0x0], $0xffff  }
0xa32: {  	v18 =	vld [tilespmem:s5+$0x4A10]  }
0xa33: {  	v10 =	vld [tilespmem:s5+$0x46E0]  }
0xa34: {  	[tilespmem:s25+$0xCAA0] =	vst v6;
	v11 =	vld.idx.msk [tilespmem:v11+s28+$0x0], $0xffff  }
0xa35: {  	v6 =	vld [tilespmem:s5+$0x4A30];
	[tilespmem:s25+$0xCA00] =	vst v7  }
0xa36: {  	[tilespmem:s5+$0xC640] =	vst v9;
	v7 =	vld [tilespmem:s6+$0x4680]  }
0xa37: {  	s12 =	simm.s32 $0x300;
	s8 =	simm.s32 $0x600;
	v9 =	vld.idx.msk [tilespmem:v12+s28+$0x0], $0xffff  }
0xa38: {  	s8 =	sand.u32 $0x3800, s8;
	s7 =	sand.u32 $0x300, s12;
	v12 =	vld [tilespmem:s6+$0x4600]  }
0xa39: {  	s7 =	sor.u32 s7, s8;
	[tilespmem:s5+$0xC6D0] =	vst v11;
	v11 =	vld [tilespmem:s5+$0x46F0]  }
0xa3a: {  	v32 =	vld [tilespmem:s7+$0x4690]  }
0xa3b: {  	v10 =	vld.idx.msk [tilespmem:v10+s28+$0x0], $0xffff  }
0xa3c: {  	v13 =	vld.idx.msk [tilespmem:v17+s28+$0x0], $0xffff  }
0xa3d: {  	v17 =	vld [tilespmem:s6+$0x4610]  }
0xa3e: {  	v7 =	vld.idx.msk [tilespmem:v7+s28+$0x0], $0xffff  }
0xa3f: {  	v15 =	vld.idx.msk [tilespmem:v15+s28+$0x0], $0xffff  }
0xa40: {  	[tilespmem:s5+$0xC6E0] =	vst v10;
	v12 =	vld.idx.msk [tilespmem:v12+s28+$0x0], $0xffff  }
0xa41: {  	v10 =	vld.idx.msk [tilespmem:v11+s28+$0x0], $0xffff  }
0xa42: {  	[tilespmem:s25+$0xCAB0] =	vst v13;
	v13 =	vld [tilespmem:s7+$0x4A20]  }
0xa43: {  	[tilespmem:s6+$0xC680] =	vst v7;
	v7 =	vld [tilespmem:s6+$0x46A0]  }
0xa44: {  	v11 =	vld [tilespmem:s6+$0x4630]  }
0xa45: {  	v21 =	vld.idx.msk [tilespmem:v34+s28+$0x0], $0xffff;
	[tilespmem:s6+$0xC600] =	vst v12  }
0xa46: {  	[tilespmem:s5+$0xC6F0] =	vst v10;
	v17 =	vld.idx.msk [tilespmem:v17+s28+$0x0], $0xffff  }
0xa47: {  	v10 =	vld.idx.msk [tilespmem:v20+s28+$0x0], $0xffff  }
0xa48: {  	v12 =	vld [tilespmem:s6+$0x4650]  }
0xa49: {  	[tilespmem:s5+$0xC650] =	vst v9;
	v34 =	vld [tilespmem:s6+$0x4A90]  }
0xa4a: {  	v20 =	vld [tilespmem:s5+$0x4AA0];
	[tilespmem:s6+$0xC690] =	vst v21  }
0xa4b: {  	[tilespmem:s6+$0xC610] =	vst v17;
	v7 =	vld.idx.msk [tilespmem:v7+s28+$0x0], $0xffff  }
0xa4c: {  	[tilespmem:s5+$0xCA80] =	vst v10;
	v10 =	vld.idx.msk [tilespmem:v33+s28+$0x0], $0xffff  }
0xa4d: {  	v17 =	vld.idx.msk [tilespmem:v35+s28+$0x0], $0xffff  }
0xa4e: {  	v33 =	vld [tilespmem:s7+$0x4640]  }
0xa4f: {  	v35 =	vld [tilespmem:s7+$0x46A0]  }
0xa50: {  	v9 =	vld.idx.msk [tilespmem:v36+s28+$0x0], $0xffff  }
0xa51: {  	v36 =	vld [tilespmem:s6+$0x4AA0]  }
0xa52: {  	[tilespmem:s6+$0xC6A0] =	vst v7;
	v7 =	vld [tilespmem:s6+$0x46C0]  }
0xa53: {  	[tilespmem:s6+$0xC620] =	vst v17;
	v17 =	vld [tilespmem:s6+$0x4A00]  }
0xa54: {  	[tilespmem:s5+$0xC660] =	vst v10;
	v21 =	vld.idx.msk [tilespmem:v38+s28+$0x0], $0xffff  }
0xa55: {  	v10 =	vld.idx.msk [tilespmem:v19+s28+$0x0], $0xffff  }
0xa56: {  	[tilespmem:s5+$0xCA90] =	vst v9;
	v11 =	vld.idx.msk [tilespmem:v11+s28+$0x0], $0xffff  }
0xa57: {  	v9 =	vld.idx.msk [tilespmem:v20+s28+$0x0], $0xffff  }
0xa58: {  	v19 =	vld [tilespmem:s6+$0x46D0]  }
0xa59: {  	v38 =	vld [tilespmem:s6+$0x4AB0];
	[tilespmem:s6+$0xC6B0] =	vst v21  }
0xa5a: {  	[tilespmem:s5+$0xC670] =	vst v10;
	v20 =	vld.idx.msk [tilespmem:v7+s28+$0x0], $0xffff  }
0xa5b: {  	v21 =	vld [tilespmem:s6+$0x4A10];
	[tilespmem:s6+$0xC630] =	vst v11  }
0xa5c: {  	[tilespmem:s5+$0xCAA0] =	vst v9;
	v9 =	vld.idx.msk [tilespmem:v16+s28+$0x0], $0xffff  }
0xa5d: {  	v10 =	vld.idx.msk [tilespmem:v37+s28+$0x0], $0xffff  }
0xa5e: {  	v11 =	vld [tilespmem:s6+$0x46E0]  }
0xa5f: {  	v37 =	vld [tilespmem:s7+$0x46B0];
	[tilespmem:s6+$0xC6C0] =	vst v20  }
0xa60: {  	[tilespmem:s25+$0xCA10] =	vst v15;
	v15 =	vld.idx.msk [tilespmem:v19+s28+$0x0], $0xffff  }
0xa61: {  	v22 =	vld.idx.msk [tilespmem:v40+s28+$0x0], $0xffff;
	[tilespmem:s5+$0xCA00] =	vst v9  }
0xa62: {  	[tilespmem:s6+$0xC640] =	vst v10;
	v9 =	vld [tilespmem:s7+$0x4680]  }
0xa63: {  	v10 =	vld.idx.msk [tilespmem:v12+s28+$0x0], $0xffff  }
0xa64: {  	v12 =	vld [tilespmem:s6+$0x46F0]  }
0xa65: {  	[tilespmem:s6+$0xC6D0] =	vst v15;
	v15 =	vld [tilespmem:s7+$0x4600]  }
0xa66: {  	v11 =	vld.idx.msk [tilespmem:v11+s28+$0x0], $0xffff  }
0xa67: {  	v7 =	vld [tilespmem:s6+$0x4A20]  }
0xa68: {  	v16 =	vld.idx.msk [tilespmem:v18+s28+$0x0], $0xffff  }
0xa69: {  	v18 =	vld [tilespmem:s7+$0x4610]  }
0xa6a: {  	v20 =	vld [tilespmem:s7+$0x4620]  }
0xa6b: {  	v9 =	vld.idx.msk [tilespmem:v9+s28+$0x0], $0xffff;
	[tilespmem:s6+$0xC6E0] =	vst v11  }
0xa6c: {  	v11 =	vld.idx.msk [tilespmem:v12+s28+$0x0], $0xffff  }
0xa6d: {  	v19 =	vld.idx.msk [tilespmem:v8+s28+$0x0], $0xffff  }
0xa6e: {  	v15 =	vld.idx.msk [tilespmem:v15+s28+$0x0], $0xffff  }
0xa6f: {  	v8 =	vld [tilespmem:s6+$0x4A30];
	[tilespmem:s6+$0xC650] =	vst v10  }
0xa70: {  	v10 =	vld [tilespmem:s7+$0x4670];
	[tilespmem:s7+$0xC680] =	vst v9  }
0xa71: {  	v25 =	vld.idx.msk [tilespmem:v32+s28+$0x0], $0xffff;
	[tilespmem:s6+$0xC6F0] =	vst v11  }
0xa72: {  	[tilespmem:s5+$0xCA10] =	vst v16;
	v11 =	vld.idx.msk [tilespmem:v42+s28+$0x0], $0xffff  }
0xa73: {  	v16 =	vld.idx.msk [tilespmem:v14+s28+$0x0], $0xffff;
	[tilespmem:s7+$0xC600] =	vst v15  }
0xa74: {  	v18 =	vld.idx.msk [tilespmem:v18+s28+$0x0], $0xffff  }
0xa75: {  	v14 =	vld [tilespmem:s7+$0x4A30]  }
0xa76: {  	v12 =	vld [tilespmem:s7+$0x4630];
	[tilespmem:s7+$0xC690] =	vst v25  }
0xa77: {  	v29 =	vld.idx.msk [tilespmem:v35+s28+$0x0], $0xffff;
	[tilespmem:s6+$0xCA80] =	vst v11  }
0xa78: {  	v11 =	vld.idx.msk [tilespmem:v34+s28+$0x0], $0xffff  }
0xa79: {  	[tilespmem:s7+$0xC610] =	vst v18;
	v18 =	vld.idx.msk [tilespmem:v39+s28+$0x0], $0xffff  }
0xa7a: {  	v20 =	vld.idx.msk [tilespmem:v20+s28+$0x0], $0xffff  }
0xa7b: {  	v39 =	vld [tilespmem:s7+$0x46C0]  }
0xa7c: {  	v9 =	vld [tilespmem:s7+$0x4660];
	[tilespmem:s7+$0xC6A0] =	vst v29  }
0xa7d: {  	v25 =	vld.idx.msk [tilespmem:v37+s28+$0x0], $0xffff;
	[tilespmem:s6+$0xCA90] =	vst v11  }
0xa7e: {  	[tilespmem:s6+$0xC660] =	vst v18;
	v18 =	vld.idx.msk [tilespmem:v36+s28+$0x0], $0xffff  }
0xa7f: {  	[tilespmem:s7+$0xC620] =	vst v20;
	v20 =	vld.idx.msk [tilespmem:v41+s28+$0x0], $0xffff  }
0xa80: {  	v40 =	vld.idx.msk [tilespmem:v12+s28+$0x0], $0xffff  }
0xa81: {  	v15 =	vld [tilespmem:s7+$0x4650]  }
0xa82: {  	[tilespmem:s7+$0xC6B0] =	vst v25;
	v41 =	vld [tilespmem:s7+$0x46D0]  }
0xa83: {  	v25 =	vld.idx.msk [tilespmem:v39+s28+$0x0], $0xffff;
	[tilespmem:s6+$0xCAA0] =	vst v18  }
0xa84: {  	[tilespmem:s6+$0xC670] =	vst v20;
	v20 =	vld.idx.msk [tilespmem:v38+s28+$0x0], $0xffff  }
0xa85: {  	[tilespmem:s7+$0xC630] =	vst v40;
	v17 =	vld.idx.msk [tilespmem:v17+s28+$0x0], $0xffff  }
0xa86: {  	[tilespmem:s5+$0xCAB0] =	vst v22;
	v42 =	vld.idx.msk [tilespmem:v33+s28+$0x0], $0xffff  }
0xa87: {  	[tilespmem:s25+$0xCA20] =	vst v19;
	v11 =	vld [tilespmem:s7+$0x4A10]  }
0xa88: {  	v18 =	vld [tilespmem:s7+$0x46E0];
	[tilespmem:s7+$0xC6C0] =	vst v25  }
0xa89: {  	v12 =	vld [tilespmem:s7+$0x4A00];
	[tilespmem:s6+$0xCAB0] =	vst v20  }
0xa8a: {  	v19 =	vld.idx.msk [tilespmem:v41+s28+$0x0], $0xffff;
	[tilespmem:s6+$0xCA00] =	vst v17  }
0xa8b: {  	s9 =	simm.s32 $0x400;
	s10 =	simm.s32 $0x800;
	s8 =	simm.s32 $0x6;
	[tilespmem:s7+$0xC640] =	vst v42;
	v17 =	vld.idx.msk [tilespmem:v21+s28+$0x0], $0xffff  }
.LBB2_86:
0xa8c: {  	s11 =	sand.u32 $0x3800, s10;
	s12 =	sand.u32 $0x300, s9;
	s8 =	sadd.s32 $0x2, s8;
	v15 =	vld.idx.msk [tilespmem:v15+s28+$0x0], $0xffff  }
0xa8d: {  	s11 =	sor.u32 s12, s11;
	p0 =	slt.u32 s8, $0x3E;
	[tilespmem:s5+$0xCA20] =	vst v16;
	v16 =	vld.idx.msk [tilespmem:v5+s28+$0x0], $0xffff;
	v5 =	vmov v6;
	v6 =	vmov v8  }
0xa8e: {  	v20 =	vld [tilespmem:s11+$0x4680]  }
0xa8f: {  	[tilespmem:s7+$0xC6D0] =	vst v19;
	v19 =	vld [tilespmem:s7+$0x46F0];
	v8 =	vmov v14  }
0xa90: {  	v14 =	vld.idx.msk [tilespmem:v18+s28+$0x0], $0xffff  }
0xa91: {  	v18 =	vld [tilespmem:s11+$0x4600];
	[tilespmem:s6+$0xCA10] =	vst v17  }
0xa92: {  	v17 =	vld [tilespmem:s11+$0x4610];
	[tilespmem:s7+$0xC650] =	vst v15  }
0xa93: {  	v21 =	vld [tilespmem:s11+$0x4620];
	[tilespmem:s25+$0xCA30] =	vst v16;
	s25 =	smov.u32 s5;
	s5 =	smov.u32 s6;
	s6 =	smov.u32 s7  }
0xa94: {  	s7 =	smov.u32 s11;
	v15 =	vld [tilespmem:s6+$0x4A80]  }
0xa95: {  	v16 =	vld [tilespmem:s7+$0x4690]  }
0xa96: {  	v20 =	vld.idx.msk [tilespmem:v20+s28+$0x0], $0xffff;
	[tilespmem:s6+$0xC6E0] =	vst v14  }
0xa97: {  	v14 =	vld.idx.msk [tilespmem:v19+s28+$0x0], $0xffff  }
0xa98: {  	v19 =	vld [tilespmem:s7+$0x4630]  }
0xa99: {  	v18 =	vld.idx.msk [tilespmem:v18+s28+$0x0], $0xffff  }
0xa9a: {  	v22 =	vld [tilespmem:s7+$0x4640]  }
0xa9b: {  	v23 =	vld [tilespmem:s6+$0x4A90]  }
0xa9c: {  	[tilespmem:s7+$0xC680] =	vst v20;
	v20 =	vld [tilespmem:s7+$0x46A0]  }
0xa9d: {  	v16 =	vld.idx.msk [tilespmem:v16+s28+$0x0], $0xffff;
	[tilespmem:s6+$0xC6F0] =	vst v14  }
0xa9e: {  	v14 =	vld.idx.msk [tilespmem:v15+s28+$0x0], $0xffff  }
0xa9f: {  	[tilespmem:s7+$0xC600] =	vst v18;
	v15 =	vld [tilespmem:s7+$0x4650]  }
0xaa0: {  	v17 =	vld.idx.msk [tilespmem:v17+s28+$0x0], $0xffff  }
0xaa1: {  	v18 =	vld [tilespmem:s7+$0x4660]  }
0xaa2: {  	v24 =	vld [tilespmem:s6+$0x4AA0]  }
0xaa3: {  	[tilespmem:s7+$0xC690] =	vst v16;
	v16 =	vld [tilespmem:s7+$0x46B0]  }
0xaa4: {  	v20 =	vld.idx.msk [tilespmem:v20+s28+$0x0], $0xffff;
	[tilespmem:s6+$0xCA80] =	vst v14  }
0xaa5: {  	v14 =	vld.idx.msk [tilespmem:v23+s28+$0x0], $0xffff  }
0xaa6: {  	[tilespmem:s7+$0xC610] =	vst v17;
	v17 =	vld.idx.msk [tilespmem:v9+s28+$0x0], $0xffff;
	v9 =	vmov v18  }
0xaa7: {  	v18 =	vld.idx.msk [tilespmem:v21+s28+$0x0], $0xffff  }
0xaa8: {  	v21 =	vld [tilespmem:s7+$0x4670]  }
0xaa9: {  	v23 =	vld [tilespmem:s6+$0x4AB0]  }
0xaaa: {  	[tilespmem:s7+$0xC6A0] =	vst v20;
	v20 =	vld [tilespmem:s7+$0x46C0]  }
0xaab: {  	v16 =	vld.idx.msk [tilespmem:v16+s28+$0x0], $0xffff;
	[tilespmem:s6+$0xCA90] =	vst v14  }
0xaac: {  	[tilespmem:s6+$0xC660] =	vst v17;
	v14 =	vld.idx.msk [tilespmem:v24+s28+$0x0], $0xffff  }
0xaad: {  	[tilespmem:s7+$0xC620] =	vst v18;
	v17 =	vld.idx.msk [tilespmem:v10+s28+$0x0], $0xffff;
	v10 =	vmov v21  }
0xaae: {  	v18 =	vld.idx.msk [tilespmem:v19+s28+$0x0], $0xffff  }
0xaaf: {  	v19 =	vld [tilespmem:s7+$0x4A00]  }
0xab0: {  	v21 =	vld [tilespmem:s7+$0x4A10]  }
0xab1: {  	[tilespmem:s7+$0xC6B0] =	vst v16;
	v24 =	vld [tilespmem:s7+$0x46D0]  }
0xab2: {  	v20 =	vld.idx.msk [tilespmem:v20+s28+$0x0], $0xffff;
	[tilespmem:s6+$0xCAA0] =	vst v14  }
0xab3: {  	[tilespmem:s6+$0xC670] =	vst v17;
	v14 =	vld.idx.msk [tilespmem:v23+s28+$0x0], $0xffff  }
0xab4: {  	[tilespmem:s7+$0xC630] =	vst v18;
	v17 =	vld.idx.msk [tilespmem:v12+s28+$0x0], $0xffff;
	v12 =	vmov v19  }
0xab5: {  	v22 =	vld.idx.msk [tilespmem:v22+s28+$0x0], $0xffff  }
0xab6: {  	v23 =	vld [tilespmem:s7+$0x4A20]  }
.Ltmp42:
0xab7: {  	v16 =	vld.idx.msk [tilespmem:v7+s28+$0x0], $0xffff;
	v7 =	vmov v13;
	(pc) =	sbr.rel @p0 .LBB2_86-.Ltmp42, $4  }
0xab8: {  	[tilespmem:s7+$0xC6C0] =	vst v20;
	v18 =	vld [tilespmem:s7+$0x46E0]  }
0xab9: {  	v19 =	vld.idx.msk [tilespmem:v24+s28+$0x0], $0xffff;
	[tilespmem:s6+$0xCAB0] =	vst v14  }
0xaba: {  	v14 =	vld [tilespmem:s7+$0x4A30];
	[tilespmem:s6+$0xCA00] =	vst v17  }
0xabb: {  	s9 =	sadd.s32 $0x100, s9;
	s10 =	sadd.s32 $0x200, s10;
	[tilespmem:s7+$0xC640] =	vst v22;
	v17 =	vld.idx.msk [tilespmem:v11+s28+$0x0], $0xffff;
	v11 =	vmov v21;
	v13 =	vmov v23  }
0xabc: {  	_ =	sdelay $0x3  }
0xabd: {  	v15 =	vld.idx.msk [tilespmem:v15+s28+$0x0], $0xffff;
	_ =	sdelay $0x1  }
0xabe: {  	v40 =	vld [tilespmem:s7+$0x46F0]  }
0xabf: {  	[tilespmem:s7+$0xC6D0] =	vst v19  }
0xac0: {  	v18 =	vld.idx.msk [tilespmem:v18+s28+$0x0], $0xffff  }
0xac1: {  	[tilespmem:s7+$0xC650] =	vst v15  }
0xac2: {  	v9 =	vld.idx.msk [tilespmem:v9+s28+$0x0], $0xffff;
	_ =	sdelay $0x1  }
0xac3: {  	v41 =	vld [tilespmem:s7+$0x4A80]  }
0xac4: {  	[tilespmem:s7+$0xC6E0] =	vst v18  }
0xac5: {  	v18 =	vld.idx.msk [tilespmem:v40+s28+$0x0], $0xffff  }
0xac6: {  	[tilespmem:s7+$0xC660] =	vst v9  }
0xac7: {  	v9 =	vld.idx.msk [tilespmem:v10+s28+$0x0], $0xffff;
	_ =	sdelay $0x1  }
0xac8: {  	v10 =	vld [tilespmem:s7+$0x4A90]  }
0xac9: {  	[tilespmem:s7+$0xC6F0] =	vst v18  }
0xaca: {  	v15 =	vld.idx.msk [tilespmem:v41+s28+$0x0], $0xffff  }
0xacb: {  	[tilespmem:s7+$0xC670] =	vst v9  }
0xacc: {  	v9 =	vld.idx.msk [tilespmem:v12+s28+$0x0], $0xffff;
	_ =	sdelay $0x1  }
0xacd: {  	v42 =	vld [tilespmem:s7+$0x4AA0]  }
0xace: {  	[tilespmem:s7+$0xCA80] =	vst v15  }
0xacf: {  	v10 =	vld.idx.msk [tilespmem:v10+s28+$0x0], $0xffff  }
0xad0: {  	[tilespmem:s7+$0xCA00] =	vst v9  }
0xad1: {  	v9 =	vld.idx.msk [tilespmem:v11+s28+$0x0], $0xffff;
	_ =	sdelay $0x1  }
0xad2: {  	v11 =	vld [tilespmem:s7+$0x4AB0]  }
0xad3: {  	[tilespmem:s7+$0xCA90] =	vst v10  }
0xad4: {  	[tilespmem:s6+$0xCA10] =	vst v17;
	v10 =	vld.idx.msk [tilespmem:v42+s28+$0x0], $0xffff  }
0xad5: {  	v7 =	vld.idx.msk [tilespmem:v7+s28+$0x0], $0xffff;
	[tilespmem:s7+$0xCA10] =	vst v9  }
0xad6: {  	v9 =	vld.idx.msk [tilespmem:v13+s28+$0x0], $0xffff;
	_ =	sdelay $0x1  }
0xad7: {  	v5 =	vld.idx.msk [tilespmem:v5+s28+$0x0], $0xffff;
	[tilespmem:s5+$0xCA20] =	vst v16  }
0xad8: {  	v6 =	vld.idx.msk [tilespmem:v6+s28+$0x0], $0xffff;
	[tilespmem:s7+$0xCAA0] =	vst v10  }
0xad9: {  	[tilespmem:s6+$0xCA20] =	vst v7;
	v10 =	vld.idx.msk [tilespmem:v11+s28+$0x0], $0xffff  }
0xada: {  	v7 =	vld.idx.msk [tilespmem:v8+s28+$0x0], $0xffff;
	v8 =	vmov s2;
	[tilespmem:s7+$0xCA20] =	vst v9  }
0xadb: {  	p3 =	por $0x1, $0x1;
	v8 =	vshrl.u32 v8, $0x3;
	v9 =	vld.idx.msk [tilespmem:v14+s28+$0x0], $0xffff  }
.Ltmp43:
0xadc: {  	[tilespmem:s25+$0xCA30] =	vst v5;
	v5 =	vshll.u32 v8, $0xB;
	(pc) =	sbr.rel @!p3 .LBB2_88-.Ltmp43, $4  }
0xadd: {  	[tilespmem:s5+$0xCA30] =	vst v6;
	v5 =	vor.u32 $0x400, v5  }
0xade: {  	[tilespmem:s7+$0xCAB0] =	vst v10;
	v10 =	vbroadcast v5, $0x0  }
0xadf: {  	p0 =	por $0x0, $0x0;
	[tilespmem:s6+$0xCA30] =	vst v7  }
0xae0: {  	p1 =	por $0x0, $0x0;
	p2 =	por $0x0, $0x0;
	s2 =	simm.s32 $0x8;
	v6 =	vor.u32 v60, v10;
	v8 =	vor.u32 v62, v10;
	v5 =	vor.u32 v61, v10;
	[tilespmem:s7+$0xCA30] =	vst v9  }
0xae1: {  	_ = 	snop  }
0xae2: {  	v7 =	vmov s2  }
0xae3: {  	v11 =	vor.u32 v63, v10;
	p3 =	por $0x1, $0x1;
	v7 =	vshrl.u32 v7, $0x3  }
.Ltmp44:
0xae4: {  	v7 =	vshll.u32 v7, $0xB;
	(pc) =	sbr.rel @!p3 .LBB2_90-.Ltmp44, $4  }
0xae5: {  	v14 =	vld.idx.msk [tilespmem:v6+s23+$0x0], $0xffff;
	v7 =	vor.u32 $0x400, v7  }
0xae6: {  	v15 =	vld.idx.msk [tilespmem:v5+s23+$0x0], $0xffff;
	v10 =	vbroadcast v7, $0x0  }
0xae7: {  	v19 =	vld.idx.msk [tilespmem:v8+s23+$0x0], $0xffff  }
0xae8: {  	s2 =	simm.s32 $0x10;
	p0 =	por $0x1, $0x1;
	v16 =	vld.idx.msk [tilespmem:v11+s23+$0x0], $0xffff;
	v25 =	vor.u32 v60, v10;
	v13 =	vor.u32 v62, v10;
	v24 =	vor.u32 v61, v10  }
0xae9: {  	v17 =	vor.u32 v63, v10;
	_ =	sdelay $0x3  }
0xaea: {  	v18 =	vld.idx.msk [tilespmem:v25+s23+$0x0], $0xffff  }
0xaeb: {  	v7 =	vmov s2;
	v22 =	vld.idx.msk [tilespmem:v17+s23+$0x0], $0xffff  }
0xaec: {  	v20 =	vld.idx.msk [tilespmem:v24+s23+$0x0], $0xffff;
	p3 =	por $0x1, $0x1;
	v7 =	vshrl.u32 v7, $0x3  }
.Ltmp45:
0xaed: {  	v7 =	vshll.u32 v7, $0xB;
	(pc) =	sbr.rel @!p3 .LBB2_92-.Ltmp45, $4  }
0xaee: {  	v7 =	vor.u32 $0x400, v7  }
0xaef: {  	v10 =	vbroadcast v7, $0x0  }
0xaf0: {  	v32 =	vld.idx.msk [tilespmem:v13+s23+$0x0], $0xffff  }
0xaf1: {  	s2 =	simm.s32 $0x18;
	p1 =	por $0x1, $0x1;
	v19 =	vld.idx.msk [tilespmem:v19+s28+$0x0], $0xffff;
	v7 =	vor.u32 v60, v10;
	v27 =	vor.u32 v62, v10;
	v9 =	vor.u32 v61, v10  }
0xaf2: {  	_ =	sdelay $0x3  }
0xaf3: {  	v23 =	vld.idx.msk [tilespmem:v14+s28+$0x0], $0xffff;
	_ =	sdelay $0x2  }
0xaf4: {  	v12 =	vmov s2;
	v30 =	vor.u32 v63, v10;
	v28 =	vld.idx.msk [tilespmem:v16+s28+$0x0], $0xffff  }
0xaf5: {  	v21 =	vld.idx.msk [tilespmem:v15+s28+$0x0], $0xffff;
	p3 =	por $0x1, $0x1;
	v12 =	vshrl.u32 v12, $0x3  }
.Ltmp46:
0xaf6: {  	v33 =	vld.idx.msk [tilespmem:v7+s23+$0x0], $0xffff;
	v10 =	vshll.u32 v12, $0xB;
	[tilespmem:v6+s31+$0x0] =	vst.idx.msk $0xffff, v23;
	v23 =	vmov v5;
	(pc) =	sbr.rel @!p3 .LBB2_94-.Ltmp46, $4  }
0xaf7: {  	v34 =	vld.idx.msk [tilespmem:v9+s23+$0x0], $0xffff;
	v10 =	vor.u32 $0x400, v10  }
0xaf8: {  	v35 =	vld.idx.msk [tilespmem:v27+s23+$0x0], $0xffff;
	v10 =	vbroadcast v10, $0x0;
	[tilespmem:v8+s31+$0x0] =	vst.idx.msk $0xffff, v19  }
0xaf9: {  	v39 =	vld.idx.msk [tilespmem:v30+s23+$0x0], $0xffff;
	[tilespmem:v11+s31+$0x0] =	vst.idx.msk $0xffff, v28  }
0xafa: {  	s2 =	simm.s32 $0xC;
	s5 =	simm.s32 $0x20;
	p2 =	por $0x1, $0x1;
	v26 =	vld.idx.msk [tilespmem:v32+s28+$0x0], $0xffff;
	v41 =	vor.u32 v60, v10;
	v12 =	vor.u32 v62, v10;
	v42 =	vor.u32 v61, v10  }
.LBB2_95:
0xafb: {  	v28 =	vmov s5;
	s2 =	sadd.s32 $0x4, s2;
	v29 =	vld.idx.msk [tilespmem:v18+s28+$0x0], $0xffff;
	[tilespmem:v23+s31+$0x0] =	vst.idx.msk $0xffff, v21;
	v18 =	vmovc v33;
	v31 =	vmovc v25;
	v25 =	vmov v7;
	v7 =	vmov v41  }
0xafc: {  	v23 =	vmovc v24;
	v24 =	vmovc v9;
	v9 =	vmov v42;
	v21 =	vshrl.u32 v28, $0x3;
	p3 =	slt.u32 s2, $0x1C;
	v28 =	vor.u32 v63, v10;
	v32 =	vld.idx.msk [tilespmem:v22+s28+$0x0], $0xffff  }
0xafd: {  	v10 =	vshll.u32 v21, $0xB;
	v21 =	vld.idx.msk [tilespmem:v20+s28+$0x0], $0xffff;
	v20 =	vmov v34;
	v36 =	vmov v35  }
.Ltmp47:
0xafe: {  	v10 =	vor.u32 $0x400, v10;
	v33 =	vld.idx.msk [tilespmem:v41+s23+$0x0], $0xffff;
	v22 =	vmov v39;
	(pc) =	sbr.rel @p3 .LBB2_95-.Ltmp47, $4  }
0xaff: {  	v10 =	vbroadcast v10, $0x0;
	v34 =	vld.idx.msk [tilespmem:v42+s23+$0x0], $0xffff  }
0xb00: {  	v35 =	vld.idx.msk [tilespmem:v12+s23+$0x0], $0xffff;
	[tilespmem:v13+s31+$0x0] =	vst.idx.msk $0xffff, v26;
	v13 =	vmov v27;
	v27 =	vmov v12  }
0xb01: {  	v41 =	vor.u32 v60, v10;
	v12 =	vor.u32 v62, v10;
	v39 =	vld.idx.msk [tilespmem:v28+s23+$0x0], $0xffff;
	[tilespmem:v31+s31+$0x0] =	vst.idx.msk $0xffff, v29  }
0xb02: {  	s5 =	sadd.s32 $0x8, s5;
	v42 =	vor.u32 v61, v10;
	v26 =	vld.idx.msk [tilespmem:v36+s28+$0x0], $0xffff;
	[tilespmem:v17+s31+$0x0] =	vst.idx.msk $0xffff, v32;
	v17 =	vmov v30;
	v30 =	vmov v28  }
0xb03: {  	v31 =	vmov v18;
	v28 =	vmov v7  }
0xb04: {  	v37 =	vmovc v22;
	v29 =	vmovc v9;
	v40 =	vmov v20;
	v38 =	vmov v13;
	v36 =	vmov v17  }
0xb05: {  	v18 =	vmovc v33;
	v33 =	vmovc v25;
	v7 =	vmov v41;
	v25 =	vmov v24;
	v9 =	vmov v42  }
0xb06: {  	v13 =	vmovc v27;
	v17 =	vmovc v30;
	v20 =	vmov v34;
	v32 =	vmov v35;
	v22 =	vmov v39  }
.LBB2_97:
0xb07: {  	_ =	sdelay $0x3  }
0xb08: {  	v24 =	vld.idx.msk @p1 [tilespmem:v31+s28+$0x0], $0xffff  }
0xb09: {  	v10 =	vor.u32 v63, v10;
	v27 =	vld.idx.msk @p1 [tilespmem:v37+s28+$0x0], $0xffff  }
0xb0a: {  	v30 =	vld.idx.msk @p1 [tilespmem:v40+s28+$0x0], $0xffff;
	v31 =	vmov @p0 v32  }
0xb0b: {  	v41 =	vld.idx.msk [tilespmem:v7+s23+$0x0], $0xffff;
	v14 =	vpsel p0, v18, v14;
	v18 =	vmov @p0 v20  }
0xb0c: {  	v42 =	vld.idx.msk [tilespmem:v12+s23+$0x0], $0xffff;
	v16 =	vpsel p0, v22, v16  }
0xb0d: {  	v22 =	vmov @p1 v33;
	v37 =	vld.idx.msk [tilespmem:v9+s23+$0x0], $0xffff;
	v15 =	vpsel p0, v18, v15  }
0xb0e: {  	v18 =	vmov @p1 v25;
	v39 =	vld.idx.msk [tilespmem:v10+s23+$0x0], $0xffff  }
0xb0f: {  	[tilespmem:v23+s31+$0x0] =	vst.idx.msk @p2 $0xffff, v21;
	v21 =	vmov @p0 v28;
	v18 =	vpsel p1, v18, v0;
	v23 =	vld.idx.msk @p0 [tilespmem:v31+s28+$0x0], $0xffff  }
0xb10: {  	v8 =	vpsel p0, v13, v8;
	v6 =	vpsel p0, v21, v6;
	v13 =	vld.idx.msk @p0 [tilespmem:v14+s28+$0x0], $0xffff  }
0xb11: {  	v28 =	vmov @p0 v29;
	[tilespmem:v38+s31+$0x0] =	vst.idx.msk @p1 $0xffff, v26;
	v14 =	vmov @p0 v17;
	v16 =	vld.idx.msk @p0 [tilespmem:v16+s28+$0x0], $0xffff  }
0xb12: {  	v5 =	vpsel p0, v28, v5;
	[tilespmem:v22+s31+$0x0] =	vst.idx.msk @p1 $0xffff, v24;
	v11 =	vpsel p0, v14, v11;
	v14 =	vld.idx.msk @p0 [tilespmem:v15+s28+$0x0], $0xffff  }
0xb13: {  	v5 =	vpsel p0, v5, v0;
	[tilespmem:v36+s31+$0x0] =	vst.idx.msk @p1 $0xffff, v27;
	v15 =	vpsel p1, v30, v0  }
0xb14: {  	v40 =	vld.idx.msk [tilespmem:v42+s28+$0x0], $0xffff;
	[tilespmem:v18+s31+$0x0] =	vst.idx.msk @p1 $0xffff, v15  }
0xb15: {  	v41 =	vld.idx.msk [tilespmem:v41+s28+$0x0], $0xffff;
	v17 =	vpsel p0, v23, v19;
	[tilespmem:v6+s31+$0x0] =	vst.idx.msk @p0 $0xffff, v13  }
0xb16: {  	v42 =	vld.idx.msk [tilespmem:v37+s28+$0x0], $0xffff;
	[tilespmem:v8+s31+$0x0] =	vst.idx.msk @p0 $0xffff, v17  }
0xb17: {  	[tilespmem:v11+s31+$0x0] =	vst.idx.msk @p0 $0xffff, v16;
	v11 =	vpsel p0, v14, v0;
	v6 =	vld.idx.msk [tilespmem:v39+s28+$0x0], $0xffff  }
0xb18: {  	[tilespmem:v5+s31+$0x0] =	vst.idx.msk @p0 $0xffff, v11  }
0xb19: {  	[tilespmem:v12+s31+$0x0] =	vst.idx.msk $0xffff, v40  }
0xb1a: {  	[tilespmem:v7+s31+$0x0] =	vst.idx.msk $0xffff, v41  }
0xb1b: {  	[tilespmem:v9+s31+$0x0] =	vst.idx.msk $0xffff, v42  }
0xb1c: {  	s0 =	sadd.s32 $0x1, s0;
	[tilespmem:v10+s31+$0x0] =	vst.idx.msk $0xffff, v6  }
0xb1d: {  	[hbm4b:s20+s3] =	stream.linear.scatter [tilespmem:s31], [sflag:$0x4], $0x4000, $0x38;
	[tilespmem:$0x10600] =	vst v63  }
0xb1e: {  	p0 =	sne.s32 s0, s21;
	_ =	swait.ge [sflag:s1], $0x4000  }
.Ltmp48:
0xb1f: {  	[sflag:s1] =	ssyncset.done $0x0;
	(pc) =	sbr.rel @p0 .LBB2_1-.Ltmp48, $4  }
.Ltmp49:
0xb20: {  	[sflag:s1] =	ssyncadd.s32 $0xFFFFC000;
	(pc) =	sbr.rel @!p0 .LBB2_98-.Ltmp49, $4  }
0xb21: {  	_ =	swait.ge [sflag:s4], $0x4000  }
0xb22: {  	[sflag:s4] =	ssyncset.done $0x0  }
0xb23: {  	[sflag:s4] =	ssyncadd.s32 $0xFFFFC000  }
0xb24: {  	_ = 	snop  }
.LBB2_4:
.Ltmp50:
0xb25: {  	(pc) =	sbr.rel .LBB2_13-.Ltmp50, $2  }
0xb26: {  	_ =	sdelay $0x2  }
0xb27: {  	v33 =	vmov v28;
	v29 =	vmov v24;
	v8 =	vmov v38  }
.LBB2_16:
.Ltmp51:
0xb28: {  	(pc) =	sbr.rel .LBB2_25-.Ltmp51, $2  }
0xb29: {  	_ =	sdelay $0x2  }
0xb2a: {  	v7 =	vmov v6;
	v9 =	vmov v5;
	v12 =	vmov v8  }
.LBB2_28:
.Ltmp52:
0xb2b: {  	(pc) =	sbr.rel .LBB2_37-.Ltmp52, $2  }
0xb2c: {  	_ =	sdelay $0x2  }
0xb2d: {  	v7 =	vmov v6;
	v9 =	vmov v5;
	v12 =	vmov v8  }
.LBB2_40:
.Ltmp53:
0xb2e: {  	(pc) =	sbr.rel .LBB2_49-.Ltmp53, $2  }
0xb2f: {  	_ =	sdelay $0x2  }
0xb30: {  	v7 =	vmov v6;
	v9 =	vmov v5;
	v12 =	vmov v8  }
.LBB2_52:
.Ltmp54:
0xb31: {  	(pc) =	sbr.rel .LBB2_61-.Ltmp54, $2  }
0xb32: {  	_ =	sdelay $0x2  }
0xb33: {  	v7 =	vmov v6;
	v9 =	vmov v5;
	v12 =	vmov v8  }
.LBB2_64:
.Ltmp55:
0xb34: {  	(pc) =	sbr.rel .LBB2_73-.Ltmp55, $2  }
0xb35: {  	_ =	sdelay $0x2  }
0xb36: {  	v7 =	vmov v6;
	v9 =	vmov v5;
	v12 =	vmov v8  }
.LBB2_76:
.Ltmp56:
0xb37: {  	(pc) =	sbr.rel .LBB2_85-.Ltmp56, $2  }
0xb38: {  	_ =	sdelay $0x2  }
0xb39: {  	v7 =	vmov v6;
	v9 =	vmov v5;
	v12 =	vmov v8  }
.LBB2_88:
.Ltmp57:
0xb3a: {  	(pc) =	sbr.rel .LBB2_97-.Ltmp57, $2  }
0xb3b: {  	_ =	sdelay $0x2  }
0xb3c: {  	v7 =	vmov v6;
	v9 =	vmov v5;
	v12 =	vmov v8  }
.LBB2_6:
.Ltmp58:
0xb3d: {  	_ = 	snop;
	(pc) =	sbr.rel .LBB2_13-.Ltmp58, $4  }
0xb3e: {  	_ = 	snop  }
0xb3f: {  	v8 =	vmov v12  }
0xb40: {  	v41 =	vmovc v28;
	v42 =	vmovc v24;
	v12 =	vmov v38;
	v17 =	vmov v36;
	v33 =	vmov v7  }
0xb41: {  	v29 =	vmovc v5;
	v14 =	vmovc v31;
	v20 =	vmov v40;
	v35 =	vmov v6;
	v22 =	vmov v39  }
.LBB2_18:
.Ltmp59:
0xb42: {  	_ = 	snop;
	(pc) =	sbr.rel .LBB2_25-.Ltmp59, $4  }
0xb43: {  	_ = 	snop  }
0xb44: {  	v12 =	vmov v13  }
0xb45: {  	v28 =	vmovc v6;
	v29 =	vmovc v5;
	v13 =	vmov v8;
	v17 =	vmov v11;
	v7 =	vmov v25  }
0xb46: {  	v9 =	vmovc v24;
	v18 =	vmovc v14;
	v20 =	vmov v15;
	v32 =	vmov v19;
	v22 =	vmov v16  }
.LBB2_30:
.Ltmp60:
0xb47: {  	_ = 	snop;
	(pc) =	sbr.rel .LBB2_37-.Ltmp60, $4  }
0xb48: {  	_ = 	snop  }
0xb49: {  	v12 =	vmov v13  }
0xb4a: {  	v28 =	vmovc v6;
	v29 =	vmovc v5;
	v13 =	vmov v8;
	v17 =	vmov v11;
	v7 =	vmov v25  }
0xb4b: {  	v9 =	vmovc v24;
	v18 =	vmovc v14;
	v20 =	vmov v15;
	v32 =	vmov v19;
	v22 =	vmov v16  }
.LBB2_42:
.Ltmp61:
0xb4c: {  	_ = 	snop;
	(pc) =	sbr.rel .LBB2_49-.Ltmp61, $4  }
0xb4d: {  	_ = 	snop  }
0xb4e: {  	v12 =	vmov v13  }
0xb4f: {  	v28 =	vmovc v6;
	v29 =	vmovc v5;
	v13 =	vmov v8;
	v17 =	vmov v11;
	v7 =	vmov v25  }
0xb50: {  	v9 =	vmovc v24;
	v18 =	vmovc v14;
	v20 =	vmov v15;
	v32 =	vmov v19;
	v22 =	vmov v16  }
.LBB2_54:
.Ltmp62:
0xb51: {  	_ = 	snop;
	(pc) =	sbr.rel .LBB2_61-.Ltmp62, $4  }
0xb52: {  	_ = 	snop  }
0xb53: {  	v12 =	vmov v13  }
0xb54: {  	v28 =	vmovc v6;
	v29 =	vmovc v5;
	v13 =	vmov v8;
	v17 =	vmov v11;
	v7 =	vmov v25  }
0xb55: {  	v9 =	vmovc v24;
	v18 =	vmovc v14;
	v20 =	vmov v15;
	v32 =	vmov v19;
	v22 =	vmov v16  }
.LBB2_66:
.Ltmp63:
0xb56: {  	_ = 	snop;
	(pc) =	sbr.rel .LBB2_73-.Ltmp63, $4  }
0xb57: {  	_ = 	snop  }
0xb58: {  	v12 =	vmov v13  }
0xb59: {  	v28 =	vmovc v6;
	v29 =	vmovc v5;
	v13 =	vmov v8;
	v17 =	vmov v11;
	v7 =	vmov v25  }
0xb5a: {  	v9 =	vmovc v24;
	v18 =	vmovc v14;
	v20 =	vmov v15;
	v32 =	vmov v19;
	v22 =	vmov v16  }
.LBB2_78:
.Ltmp64:
0xb5b: {  	_ = 	snop;
	(pc) =	sbr.rel .LBB2_85-.Ltmp64, $4  }
0xb5c: {  	_ = 	snop  }
0xb5d: {  	v12 =	vmov v13  }
0xb5e: {  	v28 =	vmovc v6;
	v29 =	vmovc v5;
	v13 =	vmov v8;
	v17 =	vmov v11;
	v7 =	vmov v25  }
0xb5f: {  	v9 =	vmovc v24;
	v18 =	vmovc v14;
	v20 =	vmov v15;
	v32 =	vmov v19;
	v22 =	vmov v16  }
.LBB2_90:
.Ltmp65:
0xb60: {  	_ = 	snop;
	(pc) =	sbr.rel .LBB2_97-.Ltmp65, $4  }
0xb61: {  	_ = 	snop  }
0xb62: {  	v12 =	vmov v13  }
0xb63: {  	v28 =	vmovc v6;
	v29 =	vmovc v5;
	v13 =	vmov v8;
	v17 =	vmov v11;
	v7 =	vmov v25  }
0xb64: {  	v9 =	vmovc v24;
	v18 =	vmovc v14;
	v20 =	vmov v15;
	v32 =	vmov v19;
	v22 =	vmov v16  }
.LBB2_8:
.Ltmp66:
0xb65: {  	_ = 	snop;
	(pc) =	sbr.rel .LBB2_13-.Ltmp66, $4  }
0xb66: {  	_ = 	snop  }
0xb67: {  	v18 =	vmov v31  }
0xb68: {  	v25 =	vmovc v28;
	v41 =	vmovc v7;
	v37 =	vmov v39;
	v7 =	vmov v24;
	v42 =	vmov v5  }
0xb69: {  	v34 =	vmovc v40;
	v8 =	vmovc v13;
	v27 =	vmov v38;
	v30 =	vmov v36;
	v19 =	vmov v26  }
.LBB2_20:
.Ltmp67:
0xb6a: {  	_ = 	snop;
	(pc) =	sbr.rel .LBB2_25-.Ltmp67, $4  }
0xb6b: {  	_ = 	snop  }
0xb6c: {  	v31 =	vmov v14  }
0xb6d: {  	v33 =	vmovc v6;
	v28 =	vmovc v25;
	v37 =	vmov v16;
	v25 =	vmov v5;
	v29 =	vmov v24  }
0xb6e: {  	v40 =	vmovc v15;
	v12 =	vmovc v27;
	v38 =	vmov v8;
	v36 =	vmov v11;
	v26 =	vmov v19  }
.LBB2_32:
.Ltmp68:
0xb6f: {  	_ = 	snop;
	(pc) =	sbr.rel .LBB2_37-.Ltmp68, $4  }
0xb70: {  	_ = 	snop  }
0xb71: {  	v31 =	vmov v14  }
0xb72: {  	v33 =	vmovc v6;
	v28 =	vmovc v25;
	v37 =	vmov v16;
	v25 =	vmov v5;
	v29 =	vmov v24  }
0xb73: {  	v40 =	vmovc v15;
	v12 =	vmovc v27;
	v38 =	vmov v8;
	v36 =	vmov v11;
	v26 =	vmov v19  }
.LBB2_44:
.Ltmp69:
0xb74: {  	_ = 	snop;
	(pc) =	sbr.rel .LBB2_49-.Ltmp69, $4  }
0xb75: {  	_ = 	snop  }
0xb76: {  	v31 =	vmov v14  }
0xb77: {  	v33 =	vmovc v6;
	v28 =	vmovc v25;
	v37 =	vmov v16;
	v25 =	vmov v5;
	v29 =	vmov v24  }
0xb78: {  	v40 =	vmovc v15;
	v12 =	vmovc v27;
	v38 =	vmov v8;
	v36 =	vmov v11;
	v26 =	vmov v19  }
.LBB2_56:
.Ltmp70:
0xb79: {  	_ = 	snop;
	(pc) =	sbr.rel .LBB2_61-.Ltmp70, $4  }
0xb7a: {  	_ = 	snop  }
0xb7b: {  	v31 =	vmov v14  }
0xb7c: {  	v33 =	vmovc v6;
	v28 =	vmovc v25;
	v37 =	vmov v16;
	v25 =	vmov v5;
	v29 =	vmov v24  }
0xb7d: {  	v40 =	vmovc v15;
	v12 =	vmovc v27;
	v38 =	vmov v8;
	v36 =	vmov v11;
	v26 =	vmov v19  }
.LBB2_68:
.Ltmp71:
0xb7e: {  	_ = 	snop;
	(pc) =	sbr.rel .LBB2_73-.Ltmp71, $4  }
0xb7f: {  	_ = 	snop  }
0xb80: {  	v31 =	vmov v14  }
0xb81: {  	v33 =	vmovc v6;
	v28 =	vmovc v25;
	v37 =	vmov v16;
	v25 =	vmov v5;
	v29 =	vmov v24  }
0xb82: {  	v40 =	vmovc v15;
	v12 =	vmovc v27;
	v38 =	vmov v8;
	v36 =	vmov v11;
	v26 =	vmov v19  }
.LBB2_80:
.Ltmp72:
0xb83: {  	_ = 	snop;
	(pc) =	sbr.rel .LBB2_85-.Ltmp72, $4  }
0xb84: {  	_ = 	snop  }
0xb85: {  	v31 =	vmov v14  }
0xb86: {  	v33 =	vmovc v6;
	v28 =	vmovc v25;
	v37 =	vmov v16;
	v25 =	vmov v5;
	v29 =	vmov v24  }
0xb87: {  	v40 =	vmovc v15;
	v12 =	vmovc v27;
	v38 =	vmov v8;
	v36 =	vmov v11;
	v26 =	vmov v19  }
.LBB2_92:
.Ltmp73:
0xb88: {  	_ = 	snop;
	(pc) =	sbr.rel .LBB2_97-.Ltmp73, $4  }
0xb89: {  	_ = 	snop  }
0xb8a: {  	v31 =	vmov v14  }
0xb8b: {  	v33 =	vmovc v6;
	v28 =	vmovc v25;
	v37 =	vmov v16;
	v25 =	vmov v5;
	v29 =	vmov v24  }
0xb8c: {  	v40 =	vmovc v15;
	v12 =	vmovc v27;
	v38 =	vmov v8;
	v36 =	vmov v11;
	v26 =	vmov v19  }
.LBB2_10:
.Ltmp74:
0xb8d: {  	(pc) =	sbr.rel .LBB2_13-.Ltmp74, $4  }
0xb8e: {  	v18 =	vmov v14;
	v41 =	vmov v33;
	v37 =	vmov v22  }
0xb8f: {  	v42 =	vmovc v29;
	v34 =	vmovc v20;
	v27 =	vmov v12;
	v30 =	vmov v17;
	v9 =	vmov v24  }
0xb90: {  	v14 =	vmovc v25;
	v25 =	vmovc v7;
	v33 =	vmov v6;
	v7 =	vmov v5;
	v29 =	vmov v23  }
0xb91: {  	v12 =	vmovc v13;
	v17 =	vmovc v11;
	v20 =	vmov v15;
	v35 =	vmov v32;
	v22 =	vmov v16  }
.LBB2_22:
.Ltmp75:
0xb92: {  	(pc) =	sbr.rel .LBB2_25-.Ltmp75, $4  }
0xb93: {  	v31 =	vmov v18;
	v28 =	vmov v7;
	v37 =	vmov v22  }
0xb94: {  	v29 =	vmovc v9;
	v40 =	vmovc v20;
	v38 =	vmov v13;
	v36 =	vmov v17;
	v23 =	vmov v5  }
0xb95: {  	v18 =	vmovc v33;
	v33 =	vmovc v25;
	v7 =	vmov v41;
	v25 =	vmov v24;
	v9 =	vmov v42  }
0xb96: {  	v13 =	vmovc v27;
	v17 =	vmovc v30;
	v20 =	vmov v34;
	v32 =	vmov v35;
	v22 =	vmov v39  }
.LBB2_34:
.Ltmp76:
0xb97: {  	(pc) =	sbr.rel .LBB2_37-.Ltmp76, $4  }
0xb98: {  	v31 =	vmov v18;
	v28 =	vmov v7;
	v37 =	vmov v22  }
0xb99: {  	v29 =	vmovc v9;
	v40 =	vmovc v20;
	v38 =	vmov v13;
	v36 =	vmov v17;
	v23 =	vmov v5  }
0xb9a: {  	v18 =	vmovc v33;
	v33 =	vmovc v25;
	v7 =	vmov v41;
	v25 =	vmov v24;
	v9 =	vmov v42  }
0xb9b: {  	v13 =	vmovc v27;
	v17 =	vmovc v30;
	v20 =	vmov v34;
	v32 =	vmov v35;
	v22 =	vmov v39  }
.LBB2_46:
.Ltmp77:
0xb9c: {  	(pc) =	sbr.rel .LBB2_49-.Ltmp77, $4  }
0xb9d: {  	v31 =	vmov v18;
	v28 =	vmov v7;
	v37 =	vmov v22  }
0xb9e: {  	v29 =	vmovc v9;
	v40 =	vmovc v20;
	v38 =	vmov v13;
	v36 =	vmov v17;
	v23 =	vmov v5  }
0xb9f: {  	v18 =	vmovc v33;
	v33 =	vmovc v25;
	v7 =	vmov v41;
	v25 =	vmov v24;
	v9 =	vmov v42  }
0xba0: {  	v13 =	vmovc v27;
	v17 =	vmovc v30;
	v20 =	vmov v34;
	v32 =	vmov v35;
	v22 =	vmov v39  }
.LBB2_58:
.Ltmp78:
0xba1: {  	(pc) =	sbr.rel .LBB2_61-.Ltmp78, $4  }
0xba2: {  	v31 =	vmov v18;
	v28 =	vmov v7;
	v37 =	vmov v22  }
0xba3: {  	v29 =	vmovc v9;
	v40 =	vmovc v20;
	v38 =	vmov v13;
	v36 =	vmov v17;
	v23 =	vmov v5  }
0xba4: {  	v18 =	vmovc v33;
	v33 =	vmovc v25;
	v7 =	vmov v41;
	v25 =	vmov v24;
	v9 =	vmov v42  }
0xba5: {  	v13 =	vmovc v27;
	v17 =	vmovc v30;
	v20 =	vmov v34;
	v32 =	vmov v35;
	v22 =	vmov v39  }
.LBB2_70:
.Ltmp79:
0xba6: {  	(pc) =	sbr.rel .LBB2_73-.Ltmp79, $4  }
0xba7: {  	v31 =	vmov v18;
	v28 =	vmov v7;
	v37 =	vmov v22  }
0xba8: {  	v29 =	vmovc v9;
	v40 =	vmovc v20;
	v38 =	vmov v13;
	v36 =	vmov v17;
	v23 =	vmov v5  }
0xba9: {  	v18 =	vmovc v33;
	v33 =	vmovc v25;
	v7 =	vmov v41;
	v25 =	vmov v24;
	v9 =	vmov v42  }
0xbaa: {  	v13 =	vmovc v27;
	v17 =	vmovc v30;
	v20 =	vmov v34;
	v32 =	vmov v35;
	v22 =	vmov v39  }
.LBB2_82:
.Ltmp80:
0xbab: {  	(pc) =	sbr.rel .LBB2_85-.Ltmp80, $4  }
0xbac: {  	v31 =	vmov v18;
	v28 =	vmov v7;
	v37 =	vmov v22  }
0xbad: {  	v29 =	vmovc v9;
	v40 =	vmovc v20;
	v38 =	vmov v13;
	v36 =	vmov v17;
	v23 =	vmov v5  }
0xbae: {  	v18 =	vmovc v33;
	v33 =	vmovc v25;
	v7 =	vmov v41;
	v25 =	vmov v24;
	v9 =	vmov v42  }
0xbaf: {  	v13 =	vmovc v27;
	v17 =	vmovc v30;
	v20 =	vmov v34;
	v32 =	vmov v35;
	v22 =	vmov v39  }
.LBB2_94:
.Ltmp81:
0xbb0: {  	(pc) =	sbr.rel .LBB2_97-.Ltmp81, $4  }
0xbb1: {  	v31 =	vmov v18;
	v28 =	vmov v7;
	v37 =	vmov v22  }
0xbb2: {  	v29 =	vmovc v9;
	v40 =	vmovc v20;
	v38 =	vmov v13;
	v36 =	vmov v17;
	v23 =	vmov v5  }
0xbb3: {  	v18 =	vmovc v33;
	v33 =	vmovc v25;
	v7 =	vmov v41;
	v25 =	vmov v24;
	v9 =	vmov v42  }
0xbb4: {  	v13 =	vmovc v27;
	v17 =	vmovc v30;
	v20 =	vmov v34;
	v32 =	vmov v35;
	v22 =	vmov v39  }
.LBB2_98:
0xbb5: {  	_ =	sfence.sel $0x180000  }
0xbb6: {  	[bflag:$0x0] =	sbarrier.arrive $0xFFFF  }
0xbb7: {  	_ =	strace $0x90000047  }
0xbb8: {  	s0 =	stileid.u32;
	[bflag:$0x2] =	sbarrier.arrive $0xFFFF  }
0xbb9: {  	p0 =	sne.s32 s0, $0x0;
	s0 =	rddreg [dreg:$0x3]  }
0xbba: {  	s0 =	sadd.s32 @!p0 $0x100000, s0  }
0xbbb: {  	[sflag:s0] =	ssyncadd.tile.s32 @!p0 $0x1;
	_ =	shalt  }
.Lfunc_end2:
_tile_overlayer_lowered:
.L_overlay_start_2:
0xbbc: {  	(tag) =	ssettag $0x2  }
0xbbd: {  	s0 =	rddreg [dreg:$0x0];
	s2 =	stileid.u32  }
0xbbe: {  	s1 =	rddreg [dreg:$0x1];
	p0 =	sne.s32 s2, $0x0  }
0xbbf: {  	s3 =	rddreg [dreg:$0x2];
	[bflag:$0x3] =	sbarrier.arrive $0xFFFF;
	s2 =	simm.s32 @!p0 $0x1C05  }
0xbc0: {  	[timem:s3], [sflag:s2] =	dma.local @!p0 [hbm:s0], s1  }
0xbc1: {  	s0 =	simm.s32 @!p0 $0x5  }
0xbc2: {  	_ =	swait.ge @!p0 [sflag:s0], s1  }
0xbc3: {  	s1 =	ssub.s32 @!p0 $0x0, s1;
	[sflag:s0] =	ssyncset.done @!p0 $0x0  }
0xbc4: {  	[sflag:s0] =	ssyncadd.s32 @!p0 s1  }
0xbc5: {  	[bflag:$0x3] =	sbarrier.arrive $0xFFFF  }
0xbc6: {  	_ =	shalt  }

</sc_bundles>
